<compile_context>
chip_gen: v7x
topology: tpu7x:2x2x1
jax: 0.10.2.dev20260603
libtpu: 0.0.44.dev20260713+nightly
codegen_flags: <defaults>
</compile_context>

<pallas_src>
import functools

import jax
import jax.numpy as jnp
from jax import lax
from jax.experimental import pallas as pl
from jax.experimental.pallas import tpu as pltpu
from jax.experimental.pallas import tpu_sc as plsc

N = 10000
E = 320000
F_IN = 128
F_HID = 256
F_OUT = 128
G = 128

NC = 2
NS = 16
EDGES_PER_W = E // (NC * NS)
BATCH_E = 80
NBATCH = EDGES_PER_W // BATCH_E
NP = 10240
ROWS_PER_S = NP // NS
ZCHUNK = 128
NZ = ROWS_PER_S // ZCHUNK

@functools.cache
def _sc_mesh():
    return plsc.VectorSubcoreMesh(core_axis_name="c", subcore_axis_name="s")


def _zero_vmem(ref, rows, width):
    zero = jnp.zeros((16,), jnp.float32)

    @pl.loop(0, rows)
    def _(i):
        @pl.loop(0, width, step=16)
        def _(j):
            ref[i, pl.ds(j, 16)] = zero


def _sc_degree(dst):

    @functools.partial(
        pl.kernel,
        mesh=_sc_mesh(),
        out_type=jax.ShapeDtypeStruct((NC * NP, F_OUT), jnp.float32),
        scratch_types=[
            pltpu.VMEM((NBATCH_P, BATCH_E), jnp.int32),
            pltpu.VMEM((BATCH_E, F_OUT), jnp.float32),
            pltpu.VMEM((ZCHUNK, F_OUT), jnp.float32),
            pltpu.VMEM_SHARED((NPP, F_OUT), jnp.float32),
            pltpu.SemaphoreType.DMA,
        ],
    )
    def k(dst_hbm, out_hbm, di_all, ones_v, z_v, acc, hsem):
        cid = lax.axis_index("c")
        sid = lax.axis_index("s")
        wid = cid * NS + sid
        one = jnp.full((16,), 1.0, jnp.float32)

        pltpu.sync_copy(dst_hbm.at[wid], di_all)

        @pl.loop(0, BATCH_E)
        def _(i):
            @pl.loop(0, F_OUT, step=16)
            def _(j):
                ones_v[i, pl.ds(j, 16)] = one

        _zero_vmem(z_v, ZCHUNK, F_OUT)

        @pl.loop(0, NZ)
        def _(kk):
            pltpu.sync_copy(z_v, acc.at[pl.ds(sid * ROWS_PER_S + kk * ZCHUNK, ZCHUNK)])

        plsc.subcore_barrier()

        @pl.loop(0, NBATCH_P, step=8)
        def _(b):
            hs = [pltpu.async_copy(ones_v, acc.at[di_all.at[b + j]], hsem, add=True)
                  for j in range(8)]
            for h in hs:
                h.wait()

        plsc.subcore_barrier()
        r0 = sid * ROWS_PER_S
        pltpu.sync_copy(acc.at[pl.ds(r0, ROWS_PER_S)],
                        out_hbm.at[pl.ds(cid * NP + r0, ROWS_PER_S)])

    return k(dst)


NBUF = 4
KG = 4 * NBUF
NBATCH_P = 128
NPP = NP + 80
NGRP = NBATCH_P // KG


def _sc_propagate(table, comb):

    @functools.partial(
        pl.kernel,
        mesh=_sc_mesh(),
        out_type=jax.ShapeDtypeStruct((NC * NP, F_OUT), jnp.float32),
        scratch_types=[
            pltpu.VMEM((2 * KG, BATCH_E), jnp.int32),
        ] + [pltpu.VMEM((BATCH_E, F_OUT), jnp.float32)] * NBUF + [
            pltpu.VMEM_SHARED((NPP, F_OUT), jnp.float32),
        ] + [pltpu.SemaphoreType.DMA] * (2 * NBUF + 1),
    )
    def k(tab_hbm, comb_hbm, out_hbm, idxall, *rest):
        bufs = rest[:NBUF]
        acc = rest[NBUF]
        isem = rest[NBUF + 1]
        gsems = rest[NBUF + 2:NBUF + 2 + NBUF]
        ssems = rest[NBUF + 2 + NBUF:]
        cid = lax.axis_index("c")
        sid = lax.axis_index("s")
        wid = cid * NS + sid

        _zero_vmem(bufs[0], BATCH_E, F_OUT)

        hz = [pltpu.async_copy(
                  bufs[0], acc.at[pl.ds(sid * ROWS_PER_S + kk * BATCH_E, BATCH_E)],
                  isem)
              for kk in range(ROWS_PER_S // BATCH_E)]
        for h in hz:
            h.wait()

        plsc.subcore_barrier()

        @pl.loop(0, NGRP)
        def _(g):
            row0 = (wid * NGRP + g) * 2 * KG
            pltpu.async_copy(comb_hbm.at[pl.ds(row0, 2 * KG)], idxall, isem).wait()
            rounds = KG // NBUF
            hg = [pltpu.async_copy(tab_hbm.at[idxall.at[j]], bufs[j], gsems[j])
                  for j in range(NBUF)]
            hs = []
            for r in range(rounds):
                hs = []
                for j in range(NBUF):
                    hg[j].wait()
                    hs.append(pltpu.async_copy(
                        bufs[j], acc.at[idxall.at[KG + r * NBUF + j]],
                        ssems[j], add=True))
                if r + 1 < rounds:
                    hg = []
                    for j in range(NBUF):
                        hs[j].wait()
                        hg.append(pltpu.async_copy(
                            tab_hbm.at[idxall.at[(r + 1) * NBUF + j]],
                            bufs[j], gsems[j]))
            for h in hs:
                h.wait()

        plsc.subcore_barrier()
        r0 = sid * ROWS_PER_S
        pltpu.sync_copy(acc.at[pl.ds(r0, ROWS_PER_S)],
                        out_hbm.at[pl.ds(cid * NP + r0, ROWS_PER_S)])

    return k(table, comb)


_HIGHEST = lax.Precision.HIGHEST


def _dot(a, b, dims):
    return lax.dot_general(a, b, (dims, ((), ())),
                           preferred_element_type=jnp.float32,
                           precision=_HIGHEST)


def _tc_stage_a(x, hist, root2d, W2b):

    def body(x_ref, h_ref, root_ref, w2b_ref, dinv_ref, xs_ref, rr_ref):
        indeg = h_ref[0:N, 0:1] + h_ref[NP:NP + N, 0:1]
        dinv = lax.rsqrt(indeg + 1.0)
        dinv_ref[...] = dinv
        xs_ref[...] = x_ref[...] * dinv
        r = root_ref[...]
        col = lax.broadcasted_iota(jnp.int32, (G, N), 1)
        oh = (r == col).astype(jnp.float32)
        rootx = _dot(oh, x_ref[...], ((1,), (0,)))
        rr_ref[...] = _dot(jnp.maximum(rootx, 0.0), w2b_ref[...], ((1,), (0,)))

    return pl.pallas_call(
        body,
        out_shape=(
            jax.ShapeDtypeStruct((N, 1), jnp.float32),
            jax.ShapeDtypeStruct((N, F_IN), jnp.float32),
            jax.ShapeDtypeStruct((G, F_OUT), jnp.float32),
        ),
    )(x, hist, root2d, W2b)


RB = 2000
NRB = N // RB


def _tc_stage_b(s1, x, dinv, batch2d, W1, b1, W2a, rr):

    def body(s1a_ref, s1b_ref, x_ref, dinv_ref, bat_ref, w1_ref, b1_ref,
             w2a_ref, rr_ref, h1_ref, v_ref, vs_ref):
        dinv = dinv_ref[...]
        s1 = s1a_ref[...] + s1b_ref[...]
        xa = dinv * s1 + dinv * dinv * x_ref[...]
        h1 = _dot(xa, w1_ref[...], ((1,), (0,))) + b1_ref[...]
        u = jnp.maximum(h1, 0.0)
        col = lax.broadcasted_iota(jnp.int32, (RB, G), 1)
        oh = (bat_ref[...] == col).astype(jnp.float32)
        rrb = _dot(oh, rr_ref[...], ((1,), (0,)))
        v = _dot(u, w2a_ref[...], ((1,), (0,))) + rrb
        h1_ref[...] = h1
        v_ref[...] = v
        vs_ref[...] = dinv * v

    row = lambda i: (i, 0)
    rep = lambda i: (0, 0)
    return pl.pallas_call(
        body,
        grid=(NRB,),
        in_specs=[
            pl.BlockSpec((RB, F_OUT), row),
            pl.BlockSpec((RB, F_OUT), row),
            pl.BlockSpec((RB, F_IN), row),
            pl.BlockSpec((RB, 1), row),
            pl.BlockSpec((RB, 1), row),
            pl.BlockSpec((F_IN, F_HID), rep),
            pl.BlockSpec((1, F_HID), rep),
            pl.BlockSpec((F_HID, F_OUT), rep),
            pl.BlockSpec((G, F_OUT), rep),
        ],
        out_specs=(
            pl.BlockSpec((RB, F_HID), row),
            pl.BlockSpec((RB, F_OUT), row),
            pl.BlockSpec((RB, F_OUT), row),
        ),
        out_shape=(
            jax.ShapeDtypeStruct((N, F_HID), jnp.float32),
            jax.ShapeDtypeStruct((N, F_OUT), jnp.float32),
            jax.ShapeDtypeStruct((N, F_OUT), jnp.float32),
        ),
    )(s1[0:N], s1[NP:NP + N], x, dinv, batch2d, W1, b1, W2a, rr)


def _tc_stage_c(s2, v, dinv, batch2d, h1, root2d, b2):

    def body(s2a_ref, s2b_ref, v_ref, dinv_ref, bat_ref, h1_ref, root_ref,
             b2_ref, out_ref, acc, cnt):
        i = pl.program_id(0)

        @pl.when(i == 0)
        def _():
            acc[...] = jnp.zeros_like(acc)
            cnt[...] = jnp.zeros_like(cnt)

        dinv = dinv_ref[...]
        h2 = dinv * (s2a_ref[...] + s2b_ref[...]) + dinv * dinv * v_ref[...]
        col = lax.broadcasted_iota(jnp.int32, (RB, G), 1)
        oh = (bat_ref[...] == col).astype(jnp.float32)
        acc[:, 0:F_OUT] += _dot(oh, h2, ((0,), (0,)))
        cnt[...] += jnp.sum(oh, axis=0)[:, None]
        rowid = lax.broadcasted_iota(jnp.int32, (G, RB), 1) + i * RB
        ohr = (root_ref[...] == rowid).astype(jnp.float32)
        acc[:, F_OUT:F_OUT + F_HID] += _dot(ohr, h1_ref[...], ((1,), (0,)))

        @pl.when(i == NRB - 1)
        def _():
            c = cnt[...]
            nonempty = c > 0.0
            pooled = acc[:, 0:F_OUT] / jnp.maximum(c, 1.0)
            pooled = pooled + jnp.where(nonempty, b2_ref[...], 0.0)
            out_ref[:, 0:F_OUT] = pooled
            out_ref[:, F_OUT:] = jnp.where(nonempty, acc[:, F_OUT:], 0.0)

    row = lambda i: (i, 0)
    rep = lambda i: (0, 0)
    return pl.pallas_call(
        body,
        grid=(NRB,),
        in_specs=[
            pl.BlockSpec((RB, F_OUT), row),
            pl.BlockSpec((RB, F_OUT), row),
            pl.BlockSpec((RB, F_OUT), row),
            pl.BlockSpec((RB, 1), row),
            pl.BlockSpec((RB, 1), row),
            pl.BlockSpec((RB, F_HID), row),
            pl.BlockSpec((G, 1), rep),
            pl.BlockSpec((1, F_OUT), rep),
        ],
        out_specs=pl.BlockSpec((G, F_OUT + F_HID), rep),
        out_shape=jax.ShapeDtypeStruct((G, F_OUT + F_HID), jnp.float32),
        scratch_shapes=[
            pltpu.VMEM((G, F_OUT + F_HID), jnp.float32),
            pltpu.VMEM((G, 1), jnp.float32),
        ],
    )(s2[0:N], s2[NP:NP + N], v, dinv, batch2d, h1, root2d, b2)


def kernel(x, edge_index, batch, rootindex, W1, b1, W2, b2):
    x = x.astype(jnp.float32)
    src = edge_index[0]
    dst = edge_index[1]
    W2a = W2[0:F_HID]
    W2b = W2[F_HID:]
    root2d = rootindex.reshape(G, 1)
    batch2d = batch.reshape(N, 1)
    b1r = b1.reshape(1, F_HID)
    b2r = b2.reshape(1, F_OUT)

    npad = NBATCH_P - NBATCH
    padsrc = jnp.broadcast_to(jnp.arange(BATCH_E, dtype=jnp.int32),
                              (NC * NS, npad, BATCH_E))
    src2d = jnp.concatenate([src.reshape(NC * NS, NBATCH, BATCH_E), padsrc],
                            axis=1).reshape(NC * NS * NBATCH_P, BATCH_E)
    trash = jnp.broadcast_to(NP + jnp.arange(BATCH_E, dtype=jnp.int32),
                             (NC * NS, npad, BATCH_E))
    dst2d = jnp.concatenate([dst.reshape(NC * NS, NBATCH, BATCH_E), trash],
                            axis=1).reshape(NC * NS * NBATCH_P, BATCH_E)
    s4 = src2d.reshape(NC * NS, NGRP, KG, BATCH_E)
    d4 = dst2d.reshape(NC * NS, NGRP, KG, BATCH_E)
    comb = jnp.concatenate([s4, d4], axis=2).reshape(-1, BATCH_E)

    hist = _sc_degree(dst2d.reshape(NC * NS, NBATCH_P, BATCH_E))
    dinv, xs, rr = _tc_stage_a(x, hist, root2d, W2b)
    s1 = _sc_propagate(xs, comb)
    h1, v, vs = _tc_stage_b(s1, x, dinv, batch2d, W1, b1r, W2a, rr)
    s2 = _sc_propagate(vs, comb)
    return _tc_stage_c(s2, v, dinv, batch2d, h1, root2d, b2r)

# --- scband reference (transcript-rebuilt; emitter-appended) ---
"""Pipeline reference for scband-tdgcn-67662914781633 (READ-ONLY COPY).

The authoritative reference and input builder live on the scoring server;
editing this copy changes nothing except your own understanding.
"""

import jax, jax.numpy as jnp
import numpy as np

N = 10000
E = 320000
IN_FEATS = 128
HID_FEATS = 256
OUT_FEATS = 128
G = 128  # number of graphs in batch


def setup_inputs(seed: int = 0) -> dict:
    key = jax.random.key(seed)
    ks = jax.random.split(key, 10)
    x = jax.random.normal(ks[0], (N, IN_FEATS), dtype=jnp.float32)
    edge_index = jax.random.randint(ks[1], (2, E), 0, N, dtype=jnp.int32)
    batch = jnp.sort(jax.random.randint(ks[2], (N,), 0, G, dtype=jnp.int32))
    rootindex = jax.random.randint(ks[3], (G,), 0, N, dtype=jnp.int32)
    # GCNConv parameters (PyG GCNConv: linear then normalized aggregation, plus bias)
    W1 = jax.random.normal(ks[4], (IN_FEATS, HID_FEATS), dtype=jnp.float32) * (1.0 / np.sqrt(IN_FEATS))
    b1 = jnp.zeros((HID_FEATS,), dtype=jnp.float32)
    W2 = jax.random.normal(ks[5], (HID_FEATS + IN_FEATS, OUT_FEATS), dtype=jnp.float32) * (1.0 / np.sqrt(HID_FEATS + IN_FEATS))
    b2 = jnp.zeros((OUT_FEATS,), dtype=jnp.float32)
    return {"x": x, "edge_index": edge_index, "batch": batch, "rootindex": rootindex,
            "W1": W1, "b1": b1, "W2": W2, "b2": b2}


def _gcn_conv(x, edge_index, W, b):
    # standard GCNConv: add self-loops, symmetric deg^-1/2 normalization, scatter-add
    src = edge_index[0]
    dst = edge_index[1]
    loop = jnp.arange(N, dtype=src.dtype)
    src2 = jnp.concatenate([src, loop])
    dst2 = jnp.concatenate([dst, loop])
    deg = jnp.zeros((N,), dtype=jnp.float32).at[dst2].add(1.0)
    dinv = jnp.where(deg > 0, jax.lax.rsqrt(jnp.maximum(deg, 1e-12)), 0.0)
    norm = dinv[src2] * dinv[dst2]
    h = x @ W
    msg = h[src2] * norm[:, None]
    out = jnp.zeros((N, W.shape[1]), dtype=jnp.float32).at[dst2].add(msg)
    return out + b


def reference(x, edge_index, batch, rootindex, W1, b1, W2, b2):
    x1 = x.astype(jnp.float32)
    h = _gcn_conv(x1, edge_index, W1, b1)
    x2 = h
    # root_extend: for each node, features of its graph's root node (from x1)
    root_extend = jnp.take(x1, jnp.take(rootindex, batch, axis=0), axis=0)
    h = jnp.concatenate([h, root_extend], axis=1)
    h = jax.nn.relu(h)
    # dropout is identity in eval mode
    h = _gcn_conv(h, edge_index, W2, b2)
    root_extend2 = jnp.take(x2, jnp.take(rootindex, batch, axis=0), axis=0)
    h = jnp.concatenate([h, root_extend2], axis=1)
    # scatter_mean over batch ids
    sums = jax.ops.segment_sum(h, batch, num_segments=G)
    cnt = jax.ops.segment_sum(jnp.ones((N,), dtype=jnp.float32), batch, num_segments=G)
    out = sums / jnp.maximum(cnt, 1.0)[:, None]
    return out

if __name__ == "__main__":
    import jax
    _d = setup_inputs()
    print(jax.jit(kernel)(*tuple(_d.values())))

</pallas_src>

<mosaic_0001>
#map = affine_map<(d0, d1) -> (0, 0)>
module attributes {stable_mosaic.version = 14 : i64} {
  func.func @k(%arg0: i32, %arg1: i32, %arg2: memref<10000x128xf32, #tpu.memory_space<hbm>>, %arg3: memref<8192x80xi32, #tpu.memory_space<hbm>>, %arg4: memref<20480x128xf32, #tpu.memory_space<hbm>>, %arg5: memref<32x80xi32, #tpu.memory_space<vmem>>, %arg6: memref<80x128xf32, #tpu.memory_space<vmem>>, %arg7: memref<80x128xf32, #tpu.memory_space<vmem>>, %arg8: memref<80x128xf32, #tpu.memory_space<vmem>>, %arg9: memref<80x128xf32, #tpu.memory_space<vmem>>, %arg10: memref<10320x128xf32, #tpu.memory_space<vmem_shared>>, %arg11: memref<!tpu.dma_semaphore, #tpu.memory_space<semaphore_mem>>, %arg12: memref<!tpu.dma_semaphore, #tpu.memory_space<semaphore_mem>>, %arg13: memref<!tpu.dma_semaphore, #tpu.memory_space<semaphore_mem>>, %arg14: memref<!tpu.dma_semaphore, #tpu.memory_space<semaphore_mem>>, %arg15: memref<!tpu.dma_semaphore, #tpu.memory_space<semaphore_mem>>, %arg16: memref<!tpu.dma_semaphore, #tpu.memory_space<semaphore_mem>>, %arg17: memref<!tpu.dma_semaphore, #tpu.memory_space<semaphore_mem>>, %arg18: memref<!tpu.dma_semaphore, #tpu.memory_space<semaphore_mem>>, %arg19: memref<!tpu.dma_semaphore, #tpu.memory_space<semaphore_mem>>) attributes {dimension_semantics = [#tpu.dimension_semantics<core_parallel>, #tpu.dimension_semantics<subcore_parallel>], iteration_bounds = array<i64: 2, 16>, scalar_prefetch = 0 : i64, scratch_operands = 15 : i64, tpu.core_type = #tpu.core_type<sc_vector_subcore>, window_params = [{transform_indices = #map}, {transform_indices = #map}, {transform_indices = #map}]} {
    %mul3A = arith.constant 16 : i32
    %mul3A_0 = arith.muli %arg0, %mul3A : i32
    %add3A = arith.addi %mul3A_0, %arg1 : i32
    %broadcast_in_dim3A = arith.constant 0.000000e+00 : f32
    %broadcast_in_dim3A_1 = vector.broadcast %broadcast_in_dim3A : f32 to vector<16xf32>
    %scan3A = arith.constant 0 : i32
    %scan3A_2 = arith.constant 80 : i32
    %scan3A_3 = arith.addi %scan3A, %scan3A_2 : i32
    %scan3A_4 = arith.constant 1 : i32
    scf.for %scan3A_111 = %scan3A to %scan3A_3 step %scan3A_4  : i32 {
      %mul3A_112 = arith.constant 1 : i32
      %mul3A_113 = arith.muli %scan3A_111, %mul3A_112 : i32
      %add3A_114 = arith.constant 0 : i32
      %add3A_115 = arith.addi %add3A_114, %mul3A_113 : i32
      %scan3A_116 = arith.constant 0 : i32
      %scan3A_117 = arith.constant 8 : i32
      %scan3A_118 = arith.addi %scan3A_116, %scan3A_117 : i32
      %scan3A_119 = arith.constant 1 : i32
      scf.for %scan3A_121 = %scan3A_116 to %scan3A_118 step %scan3A_119  : i32 {
        %mul3A_122 = arith.constant 16 : i32
        %mul3A_123 = arith.muli %scan3A_121, %mul3A_122 : i32
        %add3A_124 = arith.constant 0 : i32
        %add3A_125 = arith.addi %add3A_124, %mul3A_123 : i32
        %swap3A = arith.index_cast %add3A_115 : i32 to index
        %swap3A_126 = arith.index_cast %add3A_125 : i32 to index
        %swap3A_127 = tpu.vector_load %arg6[%swap3A, %swap3A_126] {strides = array<i32>} : memref<80x128xf32, #tpu.memory_space<vmem>>, vector<1x16xf32>,
        %swap3A_128 = vector.shape_cast %swap3A_127 : vector<1x16xf32> to vector<16xf32>
        %swap3A_129 = vector.shape_cast %broadcast_in_dim3A_1 : vector<16xf32> to vector<1x16xf32>
        tpu.vector_store %arg6[%swap3A, %swap3A_126], %swap3A_129 {strides = array<i32>} : memref<80x128xf32, #tpu.memory_space<vmem>>, vector<1x16xf32>,
      }
      %scan3A_120 = arith.constant 8 : i32
    }
    %scan3A_5 = arith.constant 80 : i32
    %mul3A_6 = arith.constant 640 : i32
    %mul3A_7 = arith.muli %arg1, %mul3A_6 : i32
    %add3A_8 = arith.constant 0 : i32
    %add3A_9 = arith.addi %mul3A_7, %add3A_8 : i32
    %dma_start3A = arith.constant 0 : i32
    %dma_start3A_10 = tpu.memref_slice %arg10[%add3A_9, %dma_start3A] : memref<10320x128xf32, #tpu.memory_space<vmem_shared>> -> memref<80x128xf32, #tpu.memory_space<vmem_shared>>
    %dma_start3A_11 = arith.constant 0 : i32
    %dma_start3A_12 = tpu.memref_slice %arg10[%add3A_9, %dma_start3A_11] : memref<10320x128xf32, #tpu.memory_space<vmem_shared>> -> memref<80x128xf32, #tpu.memory_space<vmem_shared>>
    tpu.enqueue_dma source(%arg6 : memref<80x128xf32, #tpu.memory_space<vmem>>) target(%dma_start3A_12 : memref<80x128xf32, #tpu.memory_space<vmem_shared>>) target_semaphore(%arg11 : memref<!tpu.dma_semaphore, #tpu.memory_space<semaphore_mem>>)
    %mul3A_13 = arith.constant 640 : i32
    %mul3A_14 = arith.muli %arg1, %mul3A_13 : i32
    %add3A_15 = arith.constant 80 : i32
    %add3A_16 = arith.addi %mul3A_14, %add3A_15 : i32
    %dma_start3A_17 = arith.constant 0 : i32
    %dma_start3A_18 = tpu.memref_slice %arg10[%add3A_16, %dma_start3A_17] : memref<10320x128xf32, #tpu.memory_space<vmem_shared>> -> memref<80x128xf32, #tpu.memory_space<vmem_shared>>
    %dma_start3A_19 = arith.constant 0 : i32
    %dma_start3A_20 = tpu.memref_slice %arg10[%add3A_16, %dma_start3A_19] : memref<10320x128xf32, #tpu.memory_space<vmem_shared>> -> memref<80x128xf32, #tpu.memory_space<vmem_shared>>
    tpu.enqueue_dma source(%arg6 : memref<80x128xf32, #tpu.memory_space<vmem>>) target(%dma_start3A_20 : memref<80x128xf32, #tpu.memory_space<vmem_shared>>) target_semaphore(%arg11 : memref<!tpu.dma_semaphore, #tpu.memory_space<semaphore_mem>>)
    %mul3A_21 = arith.constant 640 : i32
    %mul3A_22 = arith.muli %arg1, %mul3A_21 : i32
    %add3A_23 = arith.constant 160 : i32
    %add3A_24 = arith.addi %mul3A_22, %add3A_23 : i32
    %dma_start3A_25 = arith.constant 0 : i32
    %dma_start3A_26 = tpu.memref_slice %arg10[%add3A_24, %dma_start3A_25] : memref<10320x128xf32, #tpu.memory_space<vmem_shared>> -> memref<80x128xf32, #tpu.memory_space<vmem_shared>>
    %dma_start3A_27 = arith.constant 0 : i32
    %dma_start3A_28 = tpu.memref_slice %arg10[%add3A_24, %dma_start3A_27] : memref<10320x128xf32, #tpu.memory_space<vmem_shared>> -> memref<80x128xf32, #tpu.memory_space<vmem_shared>>
    tpu.enqueue_dma source(%arg6 : memref<80x128xf32, #tpu.memory_space<vmem>>) target(%dma_start3A_28 : memref<80x128xf32, #tpu.memory_space<vmem_shared>>) target_semaphore(%arg11 : memref<!tpu.dma_semaphore, #tpu.memory_space<semaphore_mem>>)
    %mul3A_29 = arith.constant 640 : i32
    %mul3A_30 = arith.muli %arg1, %mul3A_29 : i32
    %add3A_31 = arith.constant 240 : i32
    %add3A_32 = arith.addi %mul3A_30, %add3A_31 : i32
    %dma_start3A_33 = arith.constant 0 : i32
    %dma_start3A_34 = tpu.memref_slice %arg10[%add3A_32, %dma_start3A_33] : memref<10320x128xf32, #tpu.memory_space<vmem_shared>> -> memref<80x128xf32, #tpu.memory_space<vmem_shared>>
    %dma_start3A_35 = arith.constant 0 : i32
    %dma_start3A_36 = tpu.memref_slice %arg10[%add3A_32, %dma_start3A_35] : memref<10320x128xf32, #tpu.memory_space<vmem_shared>> -> memref<80x128xf32, #tpu.memory_space<vmem_shared>>
    tpu.enqueue_dma source(%arg6 : memref<80x128xf32, #tpu.memory_space<vmem>>) target(%dma_start3A_36 : memref<80x128xf32, #tpu.memory_space<vmem_shared>>) target_semaphore(%arg11 : memref<!tpu.dma_semaphore, #tpu.memory_space<semaphore_mem>>)
    %mul3A_37 = arith.constant 640 : i32
    %mul3A_38 = arith.muli %arg1, %mul3A_37 : i32
    %add3A_39 = arith.constant 320 : i32
    %add3A_40 = arith.addi %mul3A_38, %add3A_39 : i32
    %dma_start3A_41 = arith.constant 0 : i32
    %dma_start3A_42 = tpu.memref_slice %arg10[%add3A_40, %dma_start3A_41] : memref<10320x128xf32, #tpu.memory_space<vmem_shared>> -> memref<80x128xf32, #tpu.memory_space<vmem_shared>>
    %dma_start3A_43 = arith.constant 0 : i32
    %dma_start3A_44 = tpu.memref_slice %arg10[%add3A_40, %dma_start3A_43] : memref<10320x128xf32, #tpu.memory_space<vmem_shared>> -> memref<80x128xf32, #tpu.memory_space<vmem_shared>>
    tpu.enqueue_dma source(%arg6 : memref<80x128xf32, #tpu.memory_space<vmem>>) target(%dma_start3A_44 : memref<80x128xf32, #tpu.memory_space<vmem_shared>>) target_semaphore(%arg11 : memref<!tpu.dma_semaphore, #tpu.memory_space<semaphore_mem>>)
    %mul3A_45 = arith.constant 640 : i32
    %mul3A_46 = arith.muli %arg1, %mul3A_45 : i32
    %add3A_47 = arith.constant 400 : i32
    %add3A_48 = arith.addi %mul3A_46, %add3A_47 : i32
    %dma_start3A_49 = arith.constant 0 : i32
    %dma_start3A_50 = tpu.memref_slice %arg10[%add3A_48, %dma_start3A_49] : memref<10320x128xf32, #tpu.memory_space<vmem_shared>> -> memref<80x128xf32, #tpu.memory_space<vmem_shared>>
    %dma_start3A_51 = arith.constant 0 : i32
    %dma_start3A_52 = tpu.memref_slice %arg10[%add3A_48, %dma_start3A_51] : memref<10320x128xf32, #tpu.memory_space<vmem_shared>> -> memref<80x128xf32, #tpu.memory_space<vmem_shared>>
    tpu.enqueue_dma source(%arg6 : memref<80x128xf32, #tpu.memory_space<vmem>>) target(%dma_start3A_52 : memref<80x128xf32, #tpu.memory_space<vmem_shared>>) target_semaphore(%arg11 : memref<!tpu.dma_semaphore, #tpu.memory_space<semaphore_mem>>)
    %mul3A_53 = arith.constant 640 : i32
    %mul3A_54 = arith.muli %arg1, %mul3A_53 : i32
    %add3A_55 = arith.constant 480 : i32
    %add3A_56 = arith.addi %mul3A_54, %add3A_55 : i32
    %dma_start3A_57 = arith.constant 0 : i32
    %dma_start3A_58 = tpu.memref_slice %arg10[%add3A_56, %dma_start3A_57] : memref<10320x128xf32, #tpu.memory_space<vmem_shared>> -> memref<80x128xf32, #tpu.memory_space<vmem_shared>>
    %dma_start3A_59 = arith.constant 0 : i32
    %dma_start3A_60 = tpu.memref_slice %arg10[%add3A_56, %dma_start3A_59] : memref<10320x128xf32, #tpu.memory_space<vmem_shared>> -> memref<80x128xf32, #tpu.memory_space<vmem_shared>>
    tpu.enqueue_dma source(%arg6 : memref<80x128xf32, #tpu.memory_space<vmem>>) target(%dma_start3A_60 : memref<80x128xf32, #tpu.memory_space<vmem_shared>>) target_semaphore(%arg11 : memref<!tpu.dma_semaphore, #tpu.memory_space<semaphore_mem>>)
    %mul3A_61 = arith.constant 640 : i32
    %mul3A_62 = arith.muli %arg1, %mul3A_61 : i32
    %add3A_63 = arith.constant 560 : i32
    %add3A_64 = arith.addi %mul3A_62, %add3A_63 : i32
    %dma_start3A_65 = arith.constant 0 : i32
    %dma_start3A_66 = tpu.memref_slice %arg10[%add3A_64, %dma_start3A_65] : memref<10320x128xf32, #tpu.memory_space<vmem_shared>> -> memref<80x128xf32, #tpu.memory_space<vmem_shared>>
    %dma_start3A_67 = arith.constant 0 : i32
    %dma_start3A_68 = tpu.memref_slice %arg10[%add3A_64, %dma_start3A_67] : memref<10320x128xf32, #tpu.memory_space<vmem_shared>> -> memref<80x128xf32, #tpu.memory_space<vmem_shared>>
    tpu.enqueue_dma source(%arg6 : memref<80x128xf32, #tpu.memory_space<vmem>>) target(%dma_start3A_68 : memref<80x128xf32, #tpu.memory_space<vmem_shared>>) target_semaphore(%arg11 : memref<!tpu.dma_semaphore, #tpu.memory_space<semaphore_mem>>)
    %dma_wait3A = arith.constant 0 : i32
    %dma_wait3A_69 = tpu.memref_slice %arg10[%add3A_9, %dma_wait3A] : memref<10320x128xf32, #tpu.memory_space<vmem_shared>> -> memref<80x128xf32, #tpu.memory_space<vmem_shared>>
    %dma_wait3A_70 = arith.constant 0 : i32
    %dma_wait3A_71 = tpu.memref_slice %arg10[%add3A_9, %dma_wait3A_70] : memref<10320x128xf32, #tpu.memory_space<vmem_shared>> -> memref<80x128xf32, #tpu.memory_space<vmem_shared>>
    tpu.wait_dma2 semaphore(%arg11 : memref<!tpu.dma_semaphore, #tpu.memory_space<semaphore_mem>>) src(%arg6 : memref<80x128xf32, #tpu.memory_space<vmem>>) dst(%dma_wait3A_71 : memref<80x128xf32, #tpu.memory_space<vmem_shared>>)
    %dma_wait3A_72 = arith.constant 0 : i32
    %dma_wait3A_73 = tpu.memref_slice %arg10[%add3A_16, %dma_wait3A_72] : memref<10320x128xf32, #tpu.memory_space<vmem_shared>> -> memref<80x128xf32, #tpu.memory_space<vmem_shared>>
    %dma_wait3A_74 = arith.constant 0 : i32
    %dma_wait3A_75 = tpu.memref_slice %arg10[%add3A_16, %dma_wait3A_74] : memref<10320x128xf32, #tpu.memory_space<vmem_shared>> -> memref<80x128xf32, #tpu.memory_space<vmem_shared>>
    tpu.wait_dma2 semaphore(%arg11 : memref<!tpu.dma_semaphore, #tpu.memory_space<semaphore_mem>>) src(%arg6 : memref<80x128xf32, #tpu.memory_space<vmem>>) dst(%dma_wait3A_75 : memref<80x128xf32, #tpu.memory_space<vmem_shared>>)
    %dma_wait3A_76 = arith.constant 0 : i32
    %dma_wait3A_77 = tpu.memref_slice %arg10[%add3A_24, %dma_wait3A_76] : memref<10320x128xf32, #tpu.memory_space<vmem_shared>> -> memref<80x128xf32, #tpu.memory_space<vmem_shared>>
    %dma_wait3A_78 = arith.constant 0 : i32
    %dma_wait3A_79 = tpu.memref_slice %arg10[%add3A_24, %dma_wait3A_78] : memref<10320x128xf32, #tpu.memory_space<vmem_shared>> -> memref<80x128xf32, #tpu.memory_space<vmem_shared>>
    tpu.wait_dma2 semaphore(%arg11 : memref<!tpu.dma_semaphore, #tpu.memory_space<semaphore_mem>>) src(%arg6 : memref<80x128xf32, #tpu.memory_space<vmem>>) dst(%dma_wait3A_79 : memref<80x128xf32, #tpu.memory_space<vmem_shared>>)
    %dma_wait3A_80 = arith.constant 0 : i32
    %dma_wait3A_81 = tpu.memref_slice %arg10[%add3A_32, %dma_wait3A_80] : memref<10320x128xf32, #tpu.memory_space<vmem_shared>> -> memref<80x128xf32, #tpu.memory_space<vmem_shared>>
    %dma_wait3A_82 = arith.constant 0 : i32
    %dma_wait3A_83 = tpu.memref_slice %arg10[%add3A_32, %dma_wait3A_82] : memref<10320x128xf32, #tpu.memory_space<vmem_shared>> -> memref<80x128xf32, #tpu.memory_space<vmem_shared>>
    tpu.wait_dma2 semaphore(%arg11 : memref<!tpu.dma_semaphore, #tpu.memory_space<semaphore_mem>>) src(%arg6 : memref<80x128xf32, #tpu.memory_space<vmem>>) dst(%dma_wait3A_83 : memref<80x128xf32, #tpu.memory_space<vmem_shared>>)
    %dma_wait3A_84 = arith.constant 0 : i32
    %dma_wait3A_85 = tpu.memref_slice %arg10[%add3A_40, %dma_wait3A_84] : memref<10320x128xf32, #tpu.memory_space<vmem_shared>> -> memref<80x128xf32, #tpu.memory_space<vmem_shared>>
    %dma_wait3A_86 = arith.constant 0 : i32
    %dma_wait3A_87 = tpu.memref_slice %arg10[%add3A_40, %dma_wait3A_86] : memref<10320x128xf32, #tpu.memory_space<vmem_shared>> -> memref<80x128xf32, #tpu.memory_space<vmem_shared>>
    tpu.wait_dma2 semaphore(%arg11 : memref<!tpu.dma_semaphore, #tpu.memory_space<semaphore_mem>>) src(%arg6 : memref<80x128xf32, #tpu.memory_space<vmem>>) dst(%dma_wait3A_87 : memref<80x128xf32, #tpu.memory_space<vmem_shared>>)
    %dma_wait3A_88 = arith.constant 0 : i32
    %dma_wait3A_89 = tpu.memref_slice %arg10[%add3A_48, %dma_wait3A_88] : memref<10320x128xf32, #tpu.memory_space<vmem_shared>> -> memref<80x128xf32, #tpu.memory_space<vmem_shared>>
    %dma_wait3A_90 = arith.constant 0 : i32
    %dma_wait3A_91 = tpu.memref_slice %arg10[%add3A_48, %dma_wait3A_90] : memref<10320x128xf32, #tpu.memory_space<vmem_shared>> -> memref<80x128xf32, #tpu.memory_space<vmem_shared>>
    tpu.wait_dma2 semaphore(%arg11 : memref<!tpu.dma_semaphore, #tpu.memory_space<semaphore_mem>>) src(%arg6 : memref<80x128xf32, #tpu.memory_space<vmem>>) dst(%dma_wait3A_91 : memref<80x128xf32, #tpu.memory_space<vmem_shared>>)
    %dma_wait3A_92 = arith.constant 0 : i32
    %dma_wait3A_93 = tpu.memref_slice %arg10[%add3A_56, %dma_wait3A_92] : memref<10320x128xf32, #tpu.memory_space<vmem_shared>> -> memref<80x128xf32, #tpu.memory_space<vmem_shared>>
    %dma_wait3A_94 = arith.constant 0 : i32
    %dma_wait3A_95 = tpu.memref_slice %arg10[%add3A_56, %dma_wait3A_94] : memref<10320x128xf32, #tpu.memory_space<vmem_shared>> -> memref<80x128xf32, #tpu.memory_space<vmem_shared>>
    tpu.wait_dma2 semaphore(%arg11 : memref<!tpu.dma_semaphore, #tpu.memory_space<semaphore_mem>>) src(%arg6 : memref<80x128xf32, #tpu.memory_space<vmem>>) dst(%dma_wait3A_95 : memref<80x128xf32, #tpu.memory_space<vmem_shared>>)
    %dma_wait3A_96 = arith.constant 0 : i32
    %dma_wait3A_97 = tpu.memref_slice %arg10[%add3A_64, %dma_wait3A_96] : memref<10320x128xf32, #tpu.memory_space<vmem_shared>> -> memref<80x128xf32, #tpu.memory_space<vmem_shared>>
    %dma_wait3A_98 = arith.constant 0 : i32
    %dma_wait3A_99 = tpu.memref_slice %arg10[%add3A_64, %dma_wait3A_98] : memref<10320x128xf32, #tpu.memory_space<vmem_shared>> -> memref<80x128xf32, #tpu.memory_space<vmem_shared>>
    tpu.wait_dma2 semaphore(%arg11 : memref<!tpu.dma_semaphore, #tpu.memory_space<semaphore_mem>>) src(%arg6 : memref<80x128xf32, #tpu.memory_space<vmem>>) dst(%dma_wait3A_99 : memref<80x128xf32, #tpu.memory_space<vmem_shared>>)
    %barrier3A = arith.constant 0 : index
    tpu.barrier barrier_id(%barrier3A)
    %scan3A_100 = arith.constant 0 : i32
    %scan3A_101 = arith.constant 8 : i32
    %scan3A_102 = arith.addi %scan3A_100, %scan3A_101 : i32
    %scan3A_103 = arith.constant 1 : i32
    scf.for %scan3A_111 = %scan3A_100 to %scan3A_102 step %scan3A_103  : i32 {
      %mul3A_112 = arith.constant 1 : i32
      %mul3A_113 = arith.muli %scan3A_111, %mul3A_112 : i32
      %add3A_114 = arith.constant 0 : i32
      %add3A_115 = arith.addi %add3A_114, %mul3A_113 : i32
      %mul3A_116 = arith.constant 8 : i32
      %mul3A_117 = arith.muli %add3A, %mul3A_116 : i32
      %add3A_118 = arith.addi %mul3A_117, %add3A_115 : i32
      %mul3A_119 = arith.constant 2 : i32
      %mul3A_120 = arith.muli %add3A_118, %mul3A_119 : i32
      %mul3A_121 = arith.constant 16 : i32
      %mul3A_122 = arith.muli %mul3A_120, %mul3A_121 : i32
      %dma_start3A_123 = arith.constant 0 : i32
      %dma_start3A_124 = tpu.memref_slice %arg3[%mul3A_122, %dma_start3A_123] : memref<8192x80xi32, #tpu.memory_space<hbm>> -> memref<32x80xi32, #tpu.memory_space<hbm>>
      %dma_start3A_125 = arith.constant 0 : i32
      %dma_start3A_126 = tpu.memref_slice %arg3[%mul3A_122, %dma_start3A_125] : memref<8192x80xi32, #tpu.memory_space<hbm>> -> memref<32x80xi32, #tpu.memory_space<hbm>>
      tpu.enqueue_dma source(%dma_start3A_126 : memref<32x80xi32, #tpu.memory_space<hbm>>) target(%arg5 : memref<32x80xi32, #tpu.memory_space<vmem>>) target_semaphore(%arg11 : memref<!tpu.dma_semaphore, #tpu.memory_space<semaphore_mem>>)
      %dma_wait3A_127 = arith.constant 0 : i32
      %dma_wait3A_128 = tpu.memref_slice %arg3[%mul3A_122, %dma_wait3A_127] : memref<8192x80xi32, #tpu.memory_space<hbm>> -> memref<32x80xi32, #tpu.memory_space<hbm>>
      %dma_wait3A_129 = arith.constant 0 : i32
      %dma_wait3A_130 = tpu.memref_slice %arg3[%mul3A_122, %dma_wait3A_129] : memref<8192x80xi32, #tpu.memory_space<hbm>> -> memref<32x80xi32, #tpu.memory_space<hbm>>
      tpu.wait_dma2 semaphore(%arg11 : memref<!tpu.dma_semaphore, #tpu.memory_space<semaphore_mem>>) src(%dma_wait3A_130 : memref<32x80xi32, #tpu.memory_space<hbm>>) dst(%arg5 : memref<32x80xi32, #tpu.memory_space<vmem>>)
      %dma_start3A_131 = arith.constant 0 : i32
      %dma_start3A_132 = arith.constant 0 : i32
      %dma_start3A_133 = tpu.memref_slice %arg5[%dma_start3A_131, %dma_start3A_132] : memref<32x80xi32, #tpu.memory_space<vmem>> -> memref<1x80xi32, #tpu.memory_space<vmem>>
      %dma_start3A_134 = tpu.memref_squeeze %dma_start3A_133 : memref<1x80xi32, #tpu.memory_space<vmem>> -> memref<80xi32, #tpu.memory_space<vmem>>
      %dma_start3A_135 = arith.constant 0 : i32
      %dma_start3A_136 = arith.constant 0 : i32
      %dma_start3A_137 = tpu.memref_slice %arg2[%dma_start3A_135, %dma_start3A_136] : memref<10000x128xf32, #tpu.memory_space<hbm>> -> memref<10000x128xf32, #tpu.memory_space<hbm>>
      tpu.enqueue_indirect_dma source(%dma_start3A_137 : memref<10000x128xf32, #tpu.memory_space<hbm>>) target(%arg6 : memref<80x128xf32, #tpu.memory_space<vmem>>) offsets(%dma_start3A_134 : memref<80xi32, #tpu.memory_space<vmem>>) semaphore(%arg12 : memref<!tpu.dma_semaphore, #tpu.memory_space<semaphore_mem>>)
      %dma_start3A_138 = arith.constant 1 : i32
      %dma_start3A_139 = arith.constant 0 : i32
      %dma_start3A_140 = tpu.memref_slice %arg5[%dma_start3A_138, %dma_start3A_139] : memref<32x80xi32, #tpu.memory_space<vmem>> -> memref<1x80xi32, #tpu.memory_space<vmem>>
      %dma_start3A_141 = tpu.memref_squeeze %dma_start3A_140 : memref<1x80xi32, #tpu.memory_space<vmem>> -> memref<80xi32, #tpu.memory_space<vmem>>
      %dma_start3A_142 = arith.constant 0 : i32
      %dma_start3A_143 = arith.constant 0 : i32
      %dma_start3A_144 = tpu.memref_slice %arg2[%dma_start3A_142, %dma_start3A_143] : memref<10000x128xf32, #tpu.memory_space<hbm>> -> memref<10000x128xf32, #tpu.memory_space<hbm>>
      tpu.enqueue_indirect_dma source(%dma_start3A_144 : memref<10000x128xf32, #tpu.memory_space<hbm>>) target(%arg7 : memref<80x128xf32, #tpu.memory_space<vmem>>) offsets(%dma_start3A_141 : memref<80xi32, #tpu.memory_space<vmem>>) semaphore(%arg13 : memref<!tpu.dma_semaphore, #tpu.memory_space<semaphore_mem>>)
      %dma_start3A_145 = arith.constant 2 : i32
      %dma_start3A_146 = arith.constant 0 : i32
      %dma_start3A_147 = tpu.memref_slice %arg5[%dma_start3A_145, %dma_start3A_146] : memref<32x80xi32, #tpu.memory_space<vmem>> -> memref<1x80xi32, #tpu.memory_space<vmem>>
      %dma_start3A_148 = tpu.memref_squeeze %dma_start3A_147 : memref<1x80xi32, #tpu.memory_space<vmem>> -> memref<80xi32, #tpu.memory_space<vmem>>
      %dma_start3A_149 = arith.constant 0 : i32
      %dma_start3A_150 = arith.constant 0 : i32
      %dma_start3A_151 = tpu.memref_slice %arg2[%dma_start3A_149, %dma_start3A_150] : memref<10000x128xf32, #tpu.memory_space<hbm>> -> memref<10000x128xf32, #tpu.memory_space<hbm>>
      tpu.enqueue_indirect_dma source(%dma_start3A_151 : memref<10000x128xf32, #tpu.memory_space<hbm>>) target(%arg8 : memref<80x128xf32, #tpu.memory_space<vmem>>) offsets(%dma_start3A_148 : memref<80xi32, #tpu.memory_space<vmem>>) semaphore(%arg14 : memref<!tpu.dma_semaphore, #tpu.memory_space<semaphore_mem>>)
      %dma_start3A_152 = arith.constant 3 : i32
      %dma_start3A_153 = arith.constant 0 : i32
      %dma_start3A_154 = tpu.memref_slice %arg5[%dma_start3A_152, %dma_start3A_153] : memref<32x80xi32, #tpu.memory_space<vmem>> -> memref<1x80xi32, #tpu.memory_space<vmem>>
      %dma_start3A_155 = tpu.memref_squeeze %dma_start3A_154 : memref<1x80xi32, #tpu.memory_space<vmem>> -> memref<80xi32, #tpu.memory_space<vmem>>
      %dma_start3A_156 = arith.constant 0 : i32
      %dma_start3A_157 = arith.constant 0 : i32
      %dma_start3A_158 = tpu.memref_slice %arg2[%dma_start3A_156, %dma_start3A_157] : memref<10000x128xf32, #tpu.memory_space<hbm>> -> memref<10000x128xf32, #tpu.memory_space<hbm>>
      tpu.enqueue_indirect_dma source(%dma_start3A_158 : memref<10000x128xf32, #tpu.memory_space<hbm>>) target(%arg9 : memref<80x128xf32, #tpu.memory_space<vmem>>) offsets(%dma_start3A_155 : memref<80xi32, #tpu.memory_space<vmem>>) semaphore(%arg15 : memref<!tpu.dma_semaphore, #tpu.memory_space<semaphore_mem>>)
      %dma_wait3A_159 = arith.constant 0 : i32
      %dma_wait3A_160 = arith.constant 0 : i32
      %dma_wait3A_161 = tpu.memref_slice %arg5[%dma_wait3A_159, %dma_wait3A_160] : memref<32x80xi32, #tpu.memory_space<vmem>> -> memref<1x80xi32, #tpu.memory_space<vmem>>
      %dma_wait3A_162 = tpu.memref_squeeze %dma_wait3A_161 : memref<1x80xi32, #tpu.memory_space<vmem>> -> memref<80xi32, #tpu.memory_space<vmem>>
      %dma_wait3A_163 = arith.constant 0 : i32
      %dma_wait3A_164 = arith.constant 0 : i32
      %dma_wait3A_165 = tpu.memref_slice %arg2[%dma_wait3A_163, %dma_wait3A_164] : memref<10000x128xf32, #tpu.memory_space<hbm>> -> memref<10000x128xf32, #tpu.memory_space<hbm>>
      tpu.wait_indirect_dma semaphore(%arg12 : memref<!tpu.dma_semaphore, #tpu.memory_space<semaphore_mem>>) src(%dma_wait3A_165 : memref<10000x128xf32, #tpu.memory_space<hbm>>) dst(%arg6 : memref<80x128xf32, #tpu.memory_space<vmem>>)
      %dma_start3A_166 = arith.constant 16 : i32
      %dma_start3A_167 = arith.constant 0 : i32
      %dma_start3A_168 = tpu.memref_slice %arg5[%dma_start3A_166, %dma_start3A_167] : memref<32x80xi32, #tpu.memory_space<vmem>> -> memref<1x80xi32, #tpu.memory_space<vmem>>
      %dma_start3A_169 = tpu.memref_squeeze %dma_start3A_168 : memref<1x80xi32, #tpu.memory_space<vmem>> -> memref<80xi32, #tpu.memory_space<vmem>>
      %dma_start3A_170 = arith.constant 0 : i32
      %dma_start3A_171 = arith.constant 0 : i32
      %dma_start3A_172 = tpu.memref_slice %arg10[%dma_start3A_170, %dma_start3A_171] : memref<10320x128xf32, #tpu.memory_space<vmem_shared>> -> memref<10320x128xf32, #tpu.memory_space<vmem_shared>>
      tpu.enqueue_indirect_dma source(%arg6 : memref<80x128xf32, #tpu.memory_space<vmem>>) target(%dma_start3A_172 : memref<10320x128xf32, #tpu.memory_space<vmem_shared>>) offsets(%dma_start3A_169 : memref<80xi32, #tpu.memory_space<vmem>>) semaphore(%arg16 : memref<!tpu.dma_semaphore, #tpu.memory_space<semaphore_mem>>) {add = true}
      %dma_wait3A_173 = arith.constant 1 : i32
      %dma_wait3A_174 = arith.constant 0 : i32
      %dma_wait3A_175 = tpu.memref_slice %arg5[%dma_wait3A_173, %dma_wait3A_174] : memref<32x80xi32, #tpu.memory_space<vmem>> -> memref<1x80xi32, #tpu.memory_space<vmem>>
      %dma_wait3A_176 = tpu.memref_squeeze %dma_wait3A_175 : memref<1x80xi32, #tpu.memory_space<vmem>> -> memref<80xi32, #tpu.memory_space<vmem>>
      %dma_wait3A_177 = arith.constant 0 : i32
      %dma_wait3A_178 = arith.constant 0 : i32
      %dma_wait3A_179 = tpu.memref_slice %arg2[%dma_wait3A_177, %dma_wait3A_178] : memref<10000x128xf32, #tpu.memory_space<hbm>> -> memref<10000x128xf32, #tpu.memory_space<hbm>>
      tpu.wait_indirect_dma semaphore(%arg13 : memref<!tpu.dma_semaphore, #tpu.memory_space<semaphore_mem>>) src(%dma_wait3A_179 : memref<10000x128xf32, #tpu.memory_space<hbm>>) dst(%arg7 : memref<80x128xf32, #tpu.memory_space<vmem>>)
      %dma_start3A_180 = arith.constant 17 : i32
      %dma_start3A_181 = arith.constant 0 : i32
      %dma_start3A_182 = tpu.memref_slice %arg5[%dma_start3A_180, %dma_start3A_181] : memref<32x80xi32, #tpu.memory_space<vmem>> -> memref<1x80xi32, #tpu.memory_space<vmem>>
      %dma_start3A_183 = tpu.memref_squeeze %dma_start3A_182 : memref<1x80xi32, #tpu.memory_space<vmem>> -> memref<80xi32, #tpu.memory_space<vmem>>
      %dma_start3A_184 = arith.constant 0 : i32
      %dma_start3A_185 = arith.constant 0 : i32
      %dma_start3A_186 = tpu.memref_slice %arg10[%dma_start3A_184, %dma_start3A_185] : memref<10320x128xf32, #tpu.memory_space<vmem_shared>> -> memref<10320x128xf32, #tpu.memory_space<vmem_shared>>
      tpu.enqueue_indirect_dma source(%arg7 : memref<80x128xf32, #tpu.memory_space<vmem>>) target(%dma_start3A_186 : memref<10320x128xf32, #tpu.memory_space<vmem_shared>>) offsets(%dma_start3A_183 : memref<80xi32, #tpu.memory_space<vmem>>) semaphore(%arg17 : memref<!tpu.dma_semaphore, #tpu.memory_space<semaphore_mem>>) {add = true}
      %dma_wait3A_187 = arith.constant 2 : i32
      %dma_wait3A_188 = arith.constant 0 : i32
      %dma_wait3A_189 = tpu.memref_slice %arg5[%dma_wait3A_187, %dma_wait3A_188] : memref<32x80xi32, #tpu.memory_space<vmem>> -> memref<1x80xi32, #tpu.memory_space<vmem>>
      %dma_wait3A_190 = tpu.memref_squeeze %dma_wait3A_189 : memref<1x80xi32, #tpu.memory_space<vmem>> -> memref<80xi32, #tpu.memory_space<vmem>>
      %dma_wait3A_191 = arith.constant 0 : i32
      %dma_wait3A_192 = arith.constant 0 : i32
      %dma_wait3A_193 = tpu.memref_slice %arg2[%dma_wait3A_191, %dma_wait3A_192] : memref<10000x128xf32, #tpu.memory_space<hbm>> -> memref<10000x128xf32, #tpu.memory_space<hbm>>
      tpu.wait_indirect_dma semaphore(%arg14 : memref<!tpu.dma_semaphore, #tpu.memory_space<semaphore_mem>>) src(%dma_wait3A_193 : memref<10000x128xf32, #tpu.memory_space<hbm>>) dst(%arg8 : memref<80x128xf32, #tpu.memory_space<vmem>>)
      %dma_start3A_194 = arith.constant 18 : i32
      %dma_start3A_195 = arith.constant 0 : i32
      %dma_start3A_196 = tpu.memref_slice %arg5[%dma_start3A_194, %dma_start3A_195] : memref<32x80xi32, #tpu.memory_space<vmem>> -> memref<1x80xi32, #tpu.memory_space<vmem>>
      %dma_start3A_197 = tpu.memref_squeeze %dma_start3A_196 : memref<1x80xi32, #tpu.memory_space<vmem>> -> memref<80xi32, #tpu.memory_space<vmem>>
      %dma_start3A_198 = arith.constant 0 : i32
      %dma_start3A_199 = arith.constant 0 : i32
      %dma_start3A_200 = tpu.memref_slice %arg10[%dma_start3A_198, %dma_start3A_199] : memref<10320x128xf32, #tpu.memory_space<vmem_shared>> -> memref<10320x128xf32, #tpu.memory_space<vmem_shared>>
      tpu.enqueue_indirect_dma source(%arg8 : memref<80x128xf32, #tpu.memory_space<vmem>>) target(%dma_start3A_200 : memref<10320x128xf32, #tpu.memory_space<vmem_shared>>) offsets(%dma_start3A_197 : memref<80xi32, #tpu.memory_space<vmem>>) semaphore(%arg18 : memref<!tpu.dma_semaphore, #tpu.memory_space<semaphore_mem>>) {add = true}
      %dma_wait3A_201 = arith.constant 3 : i32
      %dma_wait3A_202 = arith.constant 0 : i32
      %dma_wait3A_203 = tpu.memref_slice %arg5[%dma_wait3A_201, %dma_wait3A_202] : memref<32x80xi32, #tpu.memory_space<vmem>> -> memref<1x80xi32, #tpu.memory_space<vmem>>
      %dma_wait3A_204 = tpu.memref_squeeze %dma_wait3A_203 : memref<1x80xi32, #tpu.memory_space<vmem>> -> memref<80xi32, #tpu.memory_space<vmem>>
      %dma_wait3A_205 = arith.constant 0 : i32
      %dma_wait3A_206 = arith.constant 0 : i32
      %dma_wait3A_207 = tpu.memref_slice %arg2[%dma_wait3A_205, %dma_wait3A_206] : memref<10000x128xf32, #tpu.memory_space<hbm>> -> memref<10000x128xf32, #tpu.memory_space<hbm>>
      tpu.wait_indirect_dma semaphore(%arg15 : memref<!tpu.dma_semaphore, #tpu.memory_space<semaphore_mem>>) src(%dma_wait3A_207 : memref<10000x128xf32, #tpu.memory_space<hbm>>) dst(%arg9 : memref<80x128xf32, #tpu.memory_space<vmem>>)
      %dma_start3A_208 = arith.constant 19 : i32
      %dma_start3A_209 = arith.constant 0 : i32
      %dma_start3A_210 = tpu.memref_slice %arg5[%dma_start3A_208, %dma_start3A_209] : memref<32x80xi32, #tpu.memory_space<vmem>> -> memref<1x80xi32, #tpu.memory_space<vmem>>
      %dma_start3A_211 = tpu.memref_squeeze %dma_start3A_210 : memref<1x80xi32, #tpu.memory_space<vmem>> -> memref<80xi32, #tpu.memory_space<vmem>>
      %dma_start3A_212 = arith.constant 0 : i32
      %dma_start3A_213 = arith.constant 0 : i32
      %dma_start3A_214 = tpu.memref_slice %arg10[%dma_start3A_212, %dma_start3A_213] : memref<10320x128xf32, #tpu.memory_space<vmem_shared>> -> memref<10320x128xf32, #tpu.memory_space<vmem_shared>>
      tpu.enqueue_indirect_dma source(%arg9 : memref<80x128xf32, #tpu.memory_space<vmem>>) target(%dma_start3A_214 : memref<10320x128xf32, #tpu.memory_space<vmem_shared>>) offsets(%dma_start3A_211 : memref<80xi32, #tpu.memory_space<vmem>>) semaphore(%arg19 : memref<!tpu.dma_semaphore, #tpu.memory_space<semaphore_mem>>) {add = true}
      %dma_wait3A_215 = arith.constant 16 : i32
      %dma_wait3A_216 = arith.constant 0 : i32
      %dma_wait3A_217 = tpu.memref_slice %arg5[%dma_wait3A_215, %dma_wait3A_216] : memref<32x80xi32, #tpu.memory_space<vmem>> -> memref<1x80xi32, #tpu.memory_space<vmem>>
      %dma_wait3A_218 = tpu.memref_squeeze %dma_wait3A_217 : memref<1x80xi32, #tpu.memory_space<vmem>> -> memref<80xi32, #tpu.memory_space<vmem>>
      %dma_wait3A_219 = arith.constant 0 : i32
      %dma_wait3A_220 = arith.constant 0 : i32
      %dma_wait3A_221 = tpu.memref_slice %arg10[%dma_wait3A_219, %dma_wait3A_220] : memref<10320x128xf32, #tpu.memory_space<vmem_shared>> -> memref<10320x128xf32, #tpu.memory_space<vmem_shared>>
      tpu.wait_indirect_dma semaphore(%arg16 : memref<!tpu.dma_semaphore, #tpu.memory_space<semaphore_mem>>) src(%arg6 : memref<80x128xf32, #tpu.memory_space<vmem>>) dst(%dma_wait3A_221 : memref<10320x128xf32, #tpu.memory_space<vmem_shared>>)
      %dma_start3A_222 = arith.constant 4 : i32
      %dma_start3A_223 = arith.constant 0 : i32
      %dma_start3A_224 = tpu.memref_slice %arg5[%dma_start3A_222, %dma_start3A_223] : memref<32x80xi32, #tpu.memory_space<vmem>> -> memref<1x80xi32, #tpu.memory_space<vmem>>
      %dma_start3A_225 = tpu.memref_squeeze %dma_start3A_224 : memref<1x80xi32, #tpu.memory_space<vmem>> -> memref<80xi32, #tpu.memory_space<vmem>>
      %dma_start3A_226 = arith.constant 0 : i32
      %dma_start3A_227 = arith.constant 0 : i32
      %dma_start3A_228 = tpu.memref_slice %arg2[%dma_start3A_226, %dma_start3A_227] : memref<10000x128xf32, #tpu.memory_space<hbm>> -> memref<10000x128xf32, #tpu.memory_space<hbm>>
      tpu.enqueue_indirect_dma source(%dma_start3A_228 : memref<10000x128xf32, #tpu.memory_space<hbm>>) target(%arg6 : memref<80x128xf32, #tpu.memory_space<vmem>>) offsets(%dma_start3A_225 : memref<80xi32, #tpu.memory_space<vmem>>) semaphore(%arg12 : memref<!tpu.dma_semaphore, #tpu.memory_space<semaphore_mem>>)
      %dma_wait3A_229 = arith.constant 17 : i32
      %dma_wait3A_230 = arith.constant 0 : i32
      %dma_wait3A_231 = tpu.memref_slice %arg5[%dma_wait3A_229, %dma_wait3A_230] : memref<32x80xi32, #tpu.memory_space<vmem>> -> memref<1x80xi32, #tpu.memory_space<vmem>>
      %dma_wait3A_232 = tpu.memref_squeeze %dma_wait3A_231 : memref<1x80xi32, #tpu.memory_space<vmem>> -> memref<80xi32, #tpu.memory_space<vmem>>
      %dma_wait3A_233 = arith.constant 0 : i32
      %dma_wait3A_234 = arith.constant 0 : i32
      %dma_wait3A_235 = tpu.memref_slice %arg10[%dma_wait3A_233, %dma_wait3A_234] : memref<10320x128xf32, #tpu.memory_space<vmem_shared>> -> memref<10320x128xf32, #tpu.memory_space<vmem_shared>>
      tpu.wait_indirect_dma semaphore(%arg17 : memref<!tpu.dma_semaphore, #tpu.memory_space<semaphore_mem>>) src(%arg7 : memref<80x128xf32, #tpu.memory_space<vmem>>) dst(%dma_wait3A_235 : memref<10320x128xf32, #tpu.memory_space<vmem_shared>>)
      %dma_start3A_236 = arith.constant 5 : i32
      %dma_start3A_237 = arith.constant 0 : i32
      %dma_start3A_238 = tpu.memref_slice %arg5[%dma_start3A_236, %dma_start3A_237] : memref<32x80xi32, #tpu.memory_space<vmem>> -> memref<1x80xi32, #tpu.memory_space<vmem>>
      %dma_start3A_239 = tpu.memref_squeeze %dma_start3A_238 : memref<1x80xi32, #tpu.memory_space<vmem>> -> memref<80xi32, #tpu.memory_space<vmem>>
      %dma_start3A_240 = arith.constant 0 : i32
      %dma_start3A_241 = arith.constant 0 : i32
      %dma_start3A_242 = tpu.memref_slice %arg2[%dma_start3A_240, %dma_start3A_241] : memref<10000x128xf32, #tpu.memory_space<hbm>> -> memref<10000x128xf32, #tpu.memory_space<hbm>>
      tpu.enqueue_indirect_dma source(%dma_start3A_242 : memref<10000x128xf32, #tpu.memory_space<hbm>>) target(%arg7 : memref<80x128xf32, #tpu.memory_space<vmem>>) offsets(%dma_start3A_239 : memref<80xi32, #tpu.memory_space<vmem>>) semaphore(%arg13 : memref<!tpu.dma_semaphore, #tpu.memory_space<semaphore_mem>>)
      %dma_wait3A_243 = arith.constant 18 : i32
      %dma_wait3A_244 = arith.constant 0 : i32
      %dma_wait3A_245 = tpu.memref_slice %arg5[%dma_wait3A_243, %dma_wait3A_244] : memref<32x80xi32, #tpu.memory_space<vmem>> -> memref<1x80xi32, #tpu.memory_space<vmem>>
      %dma_wait3A_246 = tpu.memref_squeeze %dma_wait3A_245 : memref<1x80xi32, #tpu.memory_space<vmem>> -> memref<80xi32, #tpu.memory_space<vmem>>
      %dma_wait3A_247 = arith.constant 0 : i32
      %dma_wait3A_248 = arith.constant 0 : i32
      %dma_wait3A_249 = tpu.memref_slice %arg10[%dma_wait3A_247, %dma_wait3A_248] : memref<10320x128xf32, #tpu.memory_space<vmem_shared>> -> memref<10320x128xf32, #tpu.memory_space<vmem_shared>>
      tpu.wait_indirect_dma semaphore(%arg18 : memref<!tpu.dma_semaphore, #tpu.memory_space<semaphore_mem>>) src(%arg8 : memref<80x128xf32, #tpu.memory_space<vmem>>) dst(%dma_wait3A_249 : memref<10320x128xf32, #tpu.memory_space<vmem_shared>>)
      %dma_start3A_250 = arith.constant 6 : i32
      %dma_start3A_251 = arith.constant 0 : i32
      %dma_start3A_252 = tpu.memref_slice %arg5[%dma_start3A_250, %dma_start3A_251] : memref<32x80xi32, #tpu.memory_space<vmem>> -> memref<1x80xi32, #tpu.memory_space<vmem>>
      %dma_start3A_253 = tpu.memref_squeeze %dma_start3A_252 : memref<1x80xi32, #tpu.memory_space<vmem>> -> memref<80xi32, #tpu.memory_space<vmem>>
      %dma_start3A_254 = arith.constant 0 : i32
      %dma_start3A_255 = arith.constant 0 : i32
      %dma_start3A_256 = tpu.memref_slice %arg2[%dma_start3A_254, %dma_start3A_255] : memref<10000x128xf32, #tpu.memory_space<hbm>> -> memref<10000x128xf32, #tpu.memory_space<hbm>>
      tpu.enqueue_indirect_dma source(%dma_start3A_256 : memref<10000x128xf32, #tpu.memory_space<hbm>>) target(%arg8 : memref<80x128xf32, #tpu.memory_space<vmem>>) offsets(%dma_start3A_253 : memref<80xi32, #tpu.memory_space<vmem>>) semaphore(%arg14 : memref<!tpu.dma_semaphore, #tpu.memory_space<semaphore_mem>>)
      %dma_wait3A_257 = arith.constant 19 : i32
      %dma_wait3A_258 = arith.constant 0 : i32
      %dma_wait3A_259 = tpu.memref_slice %arg5[%dma_wait3A_257, %dma_wait3A_258] : memref<32x80xi32, #tpu.memory_space<vmem>> -> memref<1x80xi32, #tpu.memory_space<vmem>>
      %dma_wait3A_260 = tpu.memref_squeeze %dma_wait3A_259 : memref<1x80xi32, #tpu.memory_space<vmem>> -> memref<80xi32, #tpu.memory_space<vmem>>
      %dma_wait3A_261 = arith.constant 0 : i32
      %dma_wait3A_262 = arith.constant 0 : i32
      %dma_wait3A_263 = tpu.memref_slice %arg10[%dma_wait3A_261, %dma_wait3A_262] : memref<10320x128xf32, #tpu.memory_space<vmem_shared>> -> memref<10320x128xf32, #tpu.memory_space<vmem_shared>>
      tpu.wait_indirect_dma semaphore(%arg19 : memref<!tpu.dma_semaphore, #tpu.memory_space<semaphore_mem>>) src(%arg9 : memref<80x128xf32, #tpu.memory_space<vmem>>) dst(%dma_wait3A_263 : memref<10320x128xf32, #tpu.memory_space<vmem_shared>>)
      %dma_start3A_264 = arith.constant 7 : i32
      %dma_start3A_265 = arith.constant 0 : i32
      %dma_start3A_266 = tpu.memref_slice %arg5[%dma_start3A_264, %dma_start3A_265] : memref<32x80xi32, #tpu.memory_space<vmem>> -> memref<1x80xi32, #tpu.memory_space<vmem>>
      %dma_start3A_267 = tpu.memref_squeeze %dma_start3A_266 : memref<1x80xi32, #tpu.memory_space<vmem>> -> memref<80xi32, #tpu.memory_space<vmem>>
      %dma_start3A_268 = arith.constant 0 : i32
      %dma_start3A_269 = arith.constant 0 : i32
      %dma_start3A_270 = tpu.memref_slice %arg2[%dma_start3A_268, %dma_start3A_269] : memref<10000x128xf32, #tpu.memory_space<hbm>> -> memref<10000x128xf32, #tpu.memory_space<hbm>>
      tpu.enqueue_indirect_dma source(%dma_start3A_270 : memref<10000x128xf32, #tpu.memory_space<hbm>>) target(%arg9 : memref<80x128xf32, #tpu.memory_space<vmem>>) offsets(%dma_start3A_267 : memref<80xi32, #tpu.memory_space<vmem>>) semaphore(%arg15 : memref<!tpu.dma_semaphore, #tpu.memory_space<semaphore_mem>>)
      %dma_wait3A_271 = arith.constant 4 : i32
      %dma_wait3A_272 = arith.constant 0 : i32
      %dma_wait3A_273 = tpu.memref_slice %arg5[%dma_wait3A_271, %dma_wait3A_272] : memref<32x80xi32, #tpu.memory_space<vmem>> -> memref<1x80xi32, #tpu.memory_space<vmem>>
      %dma_wait3A_274 = tpu.memref_squeeze %dma_wait3A_273 : memref<1x80xi32, #tpu.memory_space<vmem>> -> memref<80xi32, #tpu.memory_space<vmem>>
      %dma_wait3A_275 = arith.constant 0 : i32
      %dma_wait3A_276 = arith.constant 0 : i32
      %dma_wait3A_277 = tpu.memref_slice %arg2[%dma_wait3A_275, %dma_wait3A_276] : memref<10000x128xf32, #tpu.memory_space<hbm>> -> memref<10000x128xf32, #tpu.memory_space<hbm>>
      tpu.wait_indirect_dma semaphore(%arg12 : memref<!tpu.dma_semaphore, #tpu.memory_space<semaphore_mem>>) src(%dma_wait3A_277 : memref<10000x128xf32, #tpu.memory_space<hbm>>) dst(%arg6 : memref<80x128xf32, #tpu.memory_space<vmem>>)
      %dma_start3A_278 = arith.constant 20 : i32
      %dma_start3A_279 = arith.constant 0 : i32
      %dma_start3A_280 = tpu.memref_slice %arg5[%dma_start3A_278, %dma_start3A_279] : memref<32x80xi32, #tpu.memory_space<vmem>> -> memref<1x80xi32, #tpu.memory_space<vmem>>
      %dma_start3A_281 = tpu.memref_squeeze %dma_start3A_280 : memref<1x80xi32, #tpu.memory_space<vmem>> -> memref<80xi32, #tpu.memory_space<vmem>>
      %dma_start3A_282 = arith.constant 0 : i32
      %dma_start3A_283 = arith.constant 0 : i32
      %dma_start3A_284 = tpu.memref_slice %arg10[%dma_start3A_282, %dma_start3A_283] : memref<10320x128xf32, #tpu.memory_space<vmem_shared>> -> memref<10320x128xf32, #tpu.memory_space<vmem_shared>>
      tpu.enqueue_indirect_dma source(%arg6 : memref<80x128xf32, #tpu.memory_space<vmem>>) target(%dma_start3A_284 : memref<10320x128xf32, #tpu.memory_space<vmem_shared>>) offsets(%dma_start3A_281 : memref<80xi32, #tpu.memory_space<vmem>>) semaphore(%arg16 : memref<!tpu.dma_semaphore, #tpu.memory_space<semaphore_mem>>) {add = true}
      %dma_wait3A_285 = arith.constant 5 : i32
      %dma_wait3A_286 = arith.constant 0 : i32
      %dma_wait3A_287 = tpu.memref_slice %arg5[%dma_wait3A_285, %dma_wait3A_286] : memref<32x80xi32, #tpu.memory_space<vmem>> -> memref<1x80xi32, #tpu.memory_space<vmem>>
      %dma_wait3A_288 = tpu.memref_squeeze %dma_wait3A_287 : memref<1x80xi32, #tpu.memory_space<vmem>> -> memref<80xi32, #tpu.memory_space<vmem>>
      %dma_wait3A_289 = arith.constant 0 : i32
      %dma_wait3A_290 = arith.constant 0 : i32
      %dma_wait3A_291 = tpu.memref_slice %arg2[%dma_wait3A_289, %dma_wait3A_290] : memref<10000x128xf32, #tpu.memory_space<hbm>> -> memref<10000x128xf32, #tpu.memory_space<hbm>>
      tpu.wait_indirect_dma semaphore(%arg13 : memref<!tpu.dma_semaphore, #tpu.memory_space<semaphore_mem>>) src(%dma_wait3A_291 : memref<10000x128xf32, #tpu.memory_space<hbm>>) dst(%arg7 : memref<80x128xf32, #tpu.memory_space<vmem>>)
      %dma_start3A_292 = arith.constant 21 : i32
      %dma_start3A_293 = arith.constant 0 : i32
      %dma_start3A_294 = tpu.memref_slice %arg5[%dma_start3A_292, %dma_start3A_293] : memref<32x80xi32, #tpu.memory_space<vmem>> -> memref<1x80xi32, #tpu.memory_space<vmem>>
      %dma_start3A_295 = tpu.memref_squeeze %dma_start3A_294 : memref<1x80xi32, #tpu.memory_space<vmem>> -> memref<80xi32, #tpu.memory_space<vmem>>
      %dma_start3A_296 = arith.constant 0 : i32
      %dma_start3A_297 = arith.constant 0 : i32
      %dma_start3A_298 = tpu.memref_slice %arg10[%dma_start3A_296, %dma_start3A_297] : memref<10320x128xf32, #tpu.memory_space<vmem_shared>> -> memref<10320x128xf32, #tpu.memory_space<vmem_shared>>
      tpu.enqueue_indirect_dma source(%arg7 : memref<80x128xf32, #tpu.memory_space<vmem>>) target(%dma_start3A_298 : memref<10320x128xf32, #tpu.memory_space<vmem_shared>>) offsets(%dma_start3A_295 : memref<80xi32, #tpu.memory_space<vmem>>) semaphore(%arg17 : memref<!tpu.dma_semaphore, #tpu.memory_space<semaphore_mem>>) {add = true}
      %dma_wait3A_299 = arith.constant 6 : i32
      %dma_wait3A_300 = arith.constant 0 : i32
      %dma_wait3A_301 = tpu.memref_slice %arg5[%dma_wait3A_299, %dma_wait3A_300] : memref<32x80xi32, #tpu.memory_space<vmem>> -> memref<1x80xi32, #tpu.memory_space<vmem>>
      %dma_wait3A_302 = tpu.memref_squeeze %dma_wait3A_301 : memref<1x80xi32, #tpu.memory_space<vmem>> -> memref<80xi32, #tpu.memory_space<vmem>>
      %dma_wait3A_303 = arith.constant 0 : i32
      %dma_wait3A_304 = arith.constant 0 : i32
      %dma_wait3A_305 = tpu.memref_slice %arg2[%dma_wait3A_303, %dma_wait3A_304] : memref<10000x128xf32, #tpu.memory_space<hbm>> -> memref<10000x128xf32, #tpu.memory_space<hbm>>
      tpu.wait_indirect_dma semaphore(%arg14 : memref<!tpu.dma_semaphore, #tpu.memory_space<semaphore_mem>>) src(%dma_wait3A_305 : memref<10000x128xf32, #tpu.memory_space<hbm>>) dst(%arg8 : memref<80x128xf32, #tpu.memory_space<vmem>>)
      %dma_start3A_306 = arith.constant 22 : i32
      %dma_start3A_307 = arith.constant 0 : i32
      %dma_start3A_308 = tpu.memref_slice %arg5[%dma_start3A_306, %dma_start3A_307] : memref<32x80xi32, #tpu.memory_space<vmem>> -> memref<1x80xi32, #tpu.memory_space<vmem>>
      %dma_start3A_309 = tpu.memref_squeeze %dma_start3A_308 : memref<1x80xi32, #tpu.memory_space<vmem>> -> memref<80xi32, #tpu.memory_space<vmem>>
      %dma_start3A_310 = arith.constant 0 : i32
      %dma_start3A_311 = arith.constant 0 : i32
      %dma_start3A_312 = tpu.memref_slice %arg10[%dma_start3A_310, %dma_start3A_311] : memref<10320x128xf32, #tpu.memory_space<vmem_shared>> -> memref<10320x128xf32, #tpu.memory_space<vmem_shared>>
      tpu.enqueue_indirect_dma source(%arg8 : memref<80x128xf32, #tpu.memory_space<vmem>>) target(%dma_start3A_312 : memref<10320x128xf32, #tpu.memory_space<vmem_shared>>) offsets(%dma_start3A_309 : memref<80xi32, #tpu.memory_space<vmem>>) semaphore(%arg18 : memref<!tpu.dma_semaphore, #tpu.memory_space<semaphore_mem>>) {add = true}
      %dma_wait3A_313 = arith.constant 7 : i32
      %dma_wait3A_314 = arith.constant 0 : i32
      %dma_wait3A_315 = tpu.memref_slice %arg5[%dma_wait3A_313, %dma_wait3A_314] : memref<32x80xi32, #tpu.memory_space<vmem>> -> memref<1x80xi32, #tpu.memory_space<vmem>>
      %dma_wait3A_316 = tpu.memref_squeeze %dma_wait3A_315 : memref<1x80xi32, #tpu.memory_space<vmem>> -> memref<80xi32, #tpu.memory_space<vmem>>
      %dma_wait3A_317 = arith.constant 0 : i32
      %dma_wait3A_318 = arith.constant 0 : i32
      %dma_wait3A_319 = tpu.memref_slice %arg2[%dma_wait3A_317, %dma_wait3A_318] : memref<10000x128xf32, #tpu.memory_space<hbm>> -> memref<10000x128xf32, #tpu.memory_space<hbm>>
      tpu.wait_indirect_dma semaphore(%arg15 : memref<!tpu.dma_semaphore, #tpu.memory_space<semaphore_mem>>) src(%dma_wait3A_319 : memref<10000x128xf32, #tpu.memory_space<hbm>>) dst(%arg9 : memref<80x128xf32, #tpu.memory_space<vmem>>)
      %dma_start3A_320 = arith.constant 23 : i32
      %dma_start3A_321 = arith.constant 0 : i32
      %dma_start3A_322 = tpu.memref_slice %arg5[%dma_start3A_320, %dma_start3A_321] : memref<32x80xi32, #tpu.memory_space<vmem>> -> memref<1x80xi32, #tpu.memory_space<vmem>>
      %dma_start3A_323 = tpu.memref_squeeze %dma_start3A_322 : memref<1x80xi32, #tpu.memory_space<vmem>> -> memref<80xi32, #tpu.memory_space<vmem>>
      %dma_start3A_324 = arith.constant 0 : i32
      %dma_start3A_325 = arith.constant 0 : i32
      %dma_start3A_326 = tpu.memref_slice %arg10[%dma_start3A_324, %dma_start3A_325] : memref<10320x128xf32, #tpu.memory_space<vmem_shared>> -> memref<10320x128xf32, #tpu.memory_space<vmem_shared>>
      tpu.enqueue_indirect_dma source(%arg9 : memref<80x128xf32, #tpu.memory_space<vmem>>) target(%dma_start3A_326 : memref<10320x128xf32, #tpu.memory_space<vmem_shared>>) offsets(%dma_start3A_323 : memref<80xi32, #tpu.memory_space<vmem>>) semaphore(%arg19 : memref<!tpu.dma_semaphore, #tpu.memory_space<semaphore_mem>>) {add = true}
      %dma_wait3A_327 = arith.constant 20 : i32
      %dma_wait3A_328 = arith.constant 0 : i32
      %dma_wait3A_329 = tpu.memref_slice %arg5[%dma_wait3A_327, %dma_wait3A_328] : memref<32x80xi32, #tpu.memory_space<vmem>> -> memref<1x80xi32, #tpu.memory_space<vmem>>
      %dma_wait3A_330 = tpu.memref_squeeze %dma_wait3A_329 : memref<1x80xi32, #tpu.memory_space<vmem>> -> memref<80xi32, #tpu.memory_space<vmem>>
      %dma_wait3A_331 = arith.constant 0 : i32
      %dma_wait3A_332 = arith.constant 0 : i32
      %dma_wait3A_333 = tpu.memref_slice %arg10[%dma_wait3A_331, %dma_wait3A_332] : memref<10320x128xf32, #tpu.memory_space<vmem_shared>> -> memref<10320x128xf32, #tpu.memory_space<vmem_shared>>
      tpu.wait_indirect_dma semaphore(%arg16 : memref<!tpu.dma_semaphore, #tpu.memory_space<semaphore_mem>>) src(%arg6 : memref<80x128xf32, #tpu.memory_space<vmem>>) dst(%dma_wait3A_333 : memref<10320x128xf32, #tpu.memory_space<vmem_shared>>)
      %dma_start3A_334 = arith.constant 8 : i32
      %dma_start3A_335 = arith.constant 0 : i32
      %dma_start3A_336 = tpu.memref_slice %arg5[%dma_start3A_334, %dma_start3A_335] : memref<32x80xi32, #tpu.memory_space<vmem>> -> memref<1x80xi32, #tpu.memory_space<vmem>>
      %dma_start3A_337 = tpu.memref_squeeze %dma_start3A_336 : memref<1x80xi32, #tpu.memory_space<vmem>> -> memref<80xi32, #tpu.memory_space<vmem>>
      %dma_start3A_338 = arith.constant 0 : i32
      %dma_start3A_339 = arith.constant 0 : i32
      %dma_start3A_340 = tpu.memref_slice %arg2[%dma_start3A_338, %dma_start3A_339] : memref<10000x128xf32, #tpu.memory_space<hbm>> -> memref<10000x128xf32, #tpu.memory_space<hbm>>
      tpu.enqueue_indirect_dma source(%dma_start3A_340 : memref<10000x128xf32, #tpu.memory_space<hbm>>) target(%arg6 : memref<80x128xf32, #tpu.memory_space<vmem>>) offsets(%dma_start3A_337 : memref<80xi32, #tpu.memory_space<vmem>>) semaphore(%arg12 : memref<!tpu.dma_semaphore, #tpu.memory_space<semaphore_mem>>)
      %dma_wait3A_341 = arith.constant 21 : i32
      %dma_wait3A_342 = arith.constant 0 : i32
      %dma_wait3A_343 = tpu.memref_slice %arg5[%dma_wait3A_341, %dma_wait3A_342] : memref<32x80xi32, #tpu.memory_space<vmem>> -> memref<1x80xi32, #tpu.memory_space<vmem>>
      %dma_wait3A_344 = tpu.memref_squeeze %dma_wait3A_343 : memref<1x80xi32, #tpu.memory_space<vmem>> -> memref<80xi32, #tpu.memory_space<vmem>>
      %dma_wait3A_345 = arith.constant 0 : i32
      %dma_wait3A_346 = arith.constant 0 : i32
      %dma_wait3A_347 = tpu.memref_slice %arg10[%dma_wait3A_345, %dma_wait3A_346] : memref<10320x128xf32, #tpu.memory_space<vmem_shared>> -> memref<10320x128xf32, #tpu.memory_space<vmem_shared>>
      tpu.wait_indirect_dma semaphore(%arg17 : memref<!tpu.dma_semaphore, #tpu.memory_space<semaphore_mem>>) src(%arg7 : memref<80x128xf32, #tpu.memory_space<vmem>>) dst(%dma_wait3A_347 : memref<10320x128xf32, #tpu.memory_space<vmem_shared>>)
      %dma_start3A_348 = arith.constant 9 : i32
      %dma_start3A_349 = arith.constant 0 : i32
      %dma_start3A_350 = tpu.memref_slice %arg5[%dma_start3A_348, %dma_start3A_349] : memref<32x80xi32, #tpu.memory_space<vmem>> -> memref<1x80xi32, #tpu.memory_space<vmem>>
      %dma_start3A_351 = tpu.memref_squeeze %dma_start3A_350 : memref<1x80xi32, #tpu.memory_space<vmem>> -> memref<80xi32, #tpu.memory_space<vmem>>
      %dma_start3A_352 = arith.constant 0 : i32
      %dma_start3A_353 = arith.constant 0 : i32
      %dma_start3A_354 = tpu.memref_slice %arg2[%dma_start3A_352, %dma_start3A_353] : memref<10000x128xf32, #tpu.memory_space<hbm>> -> memref<10000x128xf32, #tpu.memory_space<hbm>>
      tpu.enqueue_indirect_dma source(%dma_start3A_354 : memref<10000x128xf32, #tpu.memory_space<hbm>>) target(%arg7 : memref<80x128xf32, #tpu.memory_space<vmem>>) offsets(%dma_start3A_351 : memref<80xi32, #tpu.memory_space<vmem>>) semaphore(%arg13 : memref<!tpu.dma_semaphore, #tpu.memory_space<semaphore_mem>>)
      %dma_wait3A_355 = arith.constant 22 : i32
      %dma_wait3A_356 = arith.constant 0 : i32
      %dma_wait3A_357 = tpu.memref_slice %arg5[%dma_wait3A_355, %dma_wait3A_356] : memref<32x80xi32, #tpu.memory_space<vmem>> -> memref<1x80xi32, #tpu.memory_space<vmem>>
      %dma_wait3A_358 = tpu.memref_squeeze %dma_wait3A_357 : memref<1x80xi32, #tpu.memory_space<vmem>> -> memref<80xi32, #tpu.memory_space<vmem>>
      %dma_wait3A_359 = arith.constant 0 : i32
      %dma_wait3A_360 = arith.constant 0 : i32
      %dma_wait3A_361 = tpu.memref_slice %arg10[%dma_wait3A_359, %dma_wait3A_360] : memref<10320x128xf32, #tpu.memory_space<vmem_shared>> -> memref<10320x128xf32, #tpu.memory_space<vmem_shared>>
      tpu.wait_indirect_dma semaphore(%arg18 : memref<!tpu.dma_semaphore, #tpu.memory_space<semaphore_mem>>) src(%arg8 : memref<80x128xf32, #tpu.memory_space<vmem>>) dst(%dma_wait3A_361 : memref<10320x128xf32, #tpu.memory_space<vmem_shared>>)
      %dma_start3A_362 = arith.constant 10 : i32
      %dma_start3A_363 = arith.constant 0 : i32
      %dma_start3A_364 = tpu.memref_slice %arg5[%dma_start3A_362, %dma_start3A_363] : memref<32x80xi32, #tpu.memory_space<vmem>> -> memref<1x80xi32, #tpu.memory_space<vmem>>
      %dma_start3A_365 = tpu.memref_squeeze %dma_start3A_364 : memref<1x80xi32, #tpu.memory_space<vmem>> -> memref<80xi32, #tpu.memory_space<vmem>>
      %dma_start3A_366 = arith.constant 0 : i32
      %dma_start3A_367 = arith.constant 0 : i32
      %dma_start3A_368 = tpu.memref_slice %arg2[%dma_start3A_366, %dma_start3A_367] : memref<10000x128xf32, #tpu.memory_space<hbm>> -> memref<10000x128xf32, #tpu.memory_space<hbm>>
      tpu.enqueue_indirect_dma source(%dma_start3A_368 : memref<10000x128xf32, #tpu.memory_space<hbm>>) target(%arg8 : memref<80x128xf32, #tpu.memory_space<vmem>>) offsets(%dma_start3A_365 : memref<80xi32, #tpu.memory_space<vmem>>) semaphore(%arg14 : memref<!tpu.dma_semaphore, #tpu.memory_space<semaphore_mem>>)
      %dma_wait3A_369 = arith.constant 23 : i32
      %dma_wait3A_370 = arith.constant 0 : i32
      %dma_wait3A_371 = tpu.memref_slice %arg5[%dma_wait3A_369, %dma_wait3A_370] : memref<32x80xi32, #tpu.memory_space<vmem>> -> memref<1x80xi32, #tpu.memory_space<vmem>>
      %dma_wait3A_372 = tpu.memref_squeeze %dma_wait3A_371 : memref<1x80xi32, #tpu.memory_space<vmem>> -> memref<80xi32, #tpu.memory_space<vmem>>
      %dma_wait3A_373 = arith.constant 0 : i32
      %dma_wait3A_374 = arith.constant 0 : i32
      %dma_wait3A_375 = tpu.memref_slice %arg10[%dma_wait3A_373, %dma_wait3A_374] : memref<10320x128xf32, #tpu.memory_space<vmem_shared>> -> memref<10320x128xf32, #tpu.memory_space<vmem_shared>>
      tpu.wait_indirect_dma semaphore(%arg19 : memref<!tpu.dma_semaphore, #tpu.memory_space<semaphore_mem>>) src(%arg9 : memref<80x128xf32, #tpu.memory_space<vmem>>) dst(%dma_wait3A_375 : memref<10320x128xf32, #tpu.memory_space<vmem_shared>>)
      %dma_start3A_376 = arith.constant 11 : i32
      %dma_start3A_377 = arith.constant 0 : i32
      %dma_start3A_378 = tpu.memref_slice %arg5[%dma_start3A_376, %dma_start3A_377] : memref<32x80xi32, #tpu.memory_space<vmem>> -> memref<1x80xi32, #tpu.memory_space<vmem>>
      %dma_start3A_379 = tpu.memref_squeeze %dma_start3A_378 : memref<1x80xi32, #tpu.memory_space<vmem>> -> memref<80xi32, #tpu.memory_space<vmem>>
      %dma_start3A_380 = arith.constant 0 : i32
      %dma_start3A_381 = arith.constant 0 : i32
      %dma_start3A_382 = tpu.memref_slice %arg2[%dma_start3A_380, %dma_start3A_381] : memref<10000x128xf32, #tpu.memory_space<hbm>> -> memref<10000x128xf32, #tpu.memory_space<hbm>>
      tpu.enqueue_indirect_dma source(%dma_start3A_382 : memref<10000x128xf32, #tpu.memory_space<hbm>>) target(%arg9 : memref<80x128xf32, #tpu.memory_space<vmem>>) offsets(%dma_start3A_379 : memref<80xi32, #tpu.memory_space<vmem>>) semaphore(%arg15 : memref<!tpu.dma_semaphore, #tpu.memory_space<semaphore_mem>>)
      %dma_wait3A_383 = arith.constant 8 : i32
      %dma_wait3A_384 = arith.constant 0 : i32
      %dma_wait3A_385 = tpu.memref_slice %arg5[%dma_wait3A_383, %dma_wait3A_384] : memref<32x80xi32, #tpu.memory_space<vmem>> -> memref<1x80xi32, #tpu.memory_space<vmem>>
      %dma_wait3A_386 = tpu.memref_squeeze %dma_wait3A_385 : memref<1x80xi32, #tpu.memory_space<vmem>> -> memref<80xi32, #tpu.memory_space<vmem>>
      %dma_wait3A_387 = arith.constant 0 : i32
      %dma_wait3A_388 = arith.constant 0 : i32
      %dma_wait3A_389 = tpu.memref_slice %arg2[%dma_wait3A_387, %dma_wait3A_388] : memref<10000x128xf32, #tpu.memory_space<hbm>> -> memref<10000x128xf32, #tpu.memory_space<hbm>>
      tpu.wait_indirect_dma semaphore(%arg12 : memref<!tpu.dma_semaphore, #tpu.memory_space<semaphore_mem>>) src(%dma_wait3A_389 : memref<10000x128xf32, #tpu.memory_space<hbm>>) dst(%arg6 : memref<80x128xf32, #tpu.memory_space<vmem>>)
      %dma_start3A_390 = arith.constant 24 : i32
      %dma_start3A_391 = arith.constant 0 : i32
      %dma_start3A_392 = tpu.memref_slice %arg5[%dma_start3A_390, %dma_start3A_391] : memref<32x80xi32, #tpu.memory_space<vmem>> -> memref<1x80xi32, #tpu.memory_space<vmem>>
      %dma_start3A_393 = tpu.memref_squeeze %dma_start3A_392 : memref<1x80xi32, #tpu.memory_space<vmem>> -> memref<80xi32, #tpu.memory_space<vmem>>
      %dma_start3A_394 = arith.constant 0 : i32
      %dma_start3A_395 = arith.constant 0 : i32
      %dma_start3A_396 = tpu.memref_slice %arg10[%dma_start3A_394, %dma_start3A_395] : memref<10320x128xf32, #tpu.memory_space<vmem_shared>> -> memref<10320x128xf32, #tpu.memory_space<vmem_shared>>
      tpu.enqueue_indirect_dma source(%arg6 : memref<80x128xf32, #tpu.memory_space<vmem>>) target(%dma_start3A_396 : memref<10320x128xf32, #tpu.memory_space<vmem_shared>>) offsets(%dma_start3A_393 : memref<80xi32, #tpu.memory_space<vmem>>) semaphore(%arg16 : memref<!tpu.dma_semaphore, #tpu.memory_space<semaphore_mem>>) {add = true}
      %dma_wait3A_397 = arith.constant 9 : i32
      %dma_wait3A_398 = arith.constant 0 : i32
      %dma_wait3A_399 = tpu.memref_slice %arg5[%dma_wait3A_397, %dma_wait3A_398] : memref<32x80xi32, #tpu.memory_space<vmem>> -> memref<1x80xi32, #tpu.memory_space<vmem>>
      %dma_wait3A_400 = tpu.memref_squeeze %dma_wait3A_399 : memref<1x80xi32, #tpu.memory_space<vmem>> -> memref<80xi32, #tpu.memory_space<vmem>>
      %dma_wait3A_401 = arith.constant 0 : i32
      %dma_wait3A_402 = arith.constant 0 : i32
      %dma_wait3A_403 = tpu.memref_slice %arg2[%dma_wait3A_401, %dma_wait3A_402] : memref<10000x128xf32, #tpu.memory_space<hbm>> -> memref<10000x128xf32, #tpu.memory_space<hbm>>
      tpu.wait_indirect_dma semaphore(%arg13 : memref<!tpu.dma_semaphore, #tpu.memory_space<semaphore_mem>>) src(%dma_wait3A_403 : memref<10000x128xf32, #tpu.memory_space<hbm>>) dst(%arg7 : memref<80x128xf32, #tpu.memory_space<vmem>>)
      %dma_start3A_404 = arith.constant 25 : i32
      %dma_start3A_405 = arith.constant 0 : i32
      %dma_start3A_406 = tpu.memref_slice %arg5[%dma_start3A_404, %dma_start3A_405] : memref<32x80xi32, #tpu.memory_space<vmem>> -> memref<1x80xi32, #tpu.memory_space<vmem>>
      %dma_start3A_407 = tpu.memref_squeeze %dma_start3A_406 : memref<1x80xi32, #tpu.memory_space<vmem>> -> memref<80xi32, #tpu.memory_space<vmem>>
      %dma_start3A_408 = arith.constant 0 : i32
      %dma_start3A_409 = arith.constant 0 : i32
      %dma_start3A_410 = tpu.memref_slice %arg10[%dma_start3A_408, %dma_start3A_409] : memref<10320x128xf32, #tpu.memory_space<vmem_shared>> -> memref<10320x128xf32, #tpu.memory_space<vmem_shared>>
      tpu.enqueue_indirect_dma source(%arg7 : memref<80x128xf32, #tpu.memory_space<vmem>>) target(%dma_start3A_410 : memref<10320x128xf32, #tpu.memory_space<vmem_shared>>) offsets(%dma_start3A_407 : memref<80xi32, #tpu.memory_space<vmem>>) semaphore(%arg17 : memref<!tpu.dma_semaphore, #tpu.memory_space<semaphore_mem>>) {add = true}
      %dma_wait3A_411 = arith.constant 10 : i32
      %dma_wait3A_412 = arith.constant 0 : i32
      %dma_wait3A_413 = tpu.memref_slice %arg5[%dma_wait3A_411, %dma_wait3A_412] : memref<32x80xi32, #tpu.memory_space<vmem>> -> memref<1x80xi32, #tpu.memory_space<vmem>>
      %dma_wait3A_414 = tpu.memref_squeeze %dma_wait3A_413 : memref<1x80xi32, #tpu.memory_space<vmem>> -> memref<80xi32, #tpu.memory_space<vmem>>
      %dma_wait3A_415 = arith.constant 0 : i32
      %dma_wait3A_416 = arith.constant 0 : i32
      %dma_wait3A_417 = tpu.memref_slice %arg2[%dma_wait3A_415, %dma_wait3A_416] : memref<10000x128xf32, #tpu.memory_space<hbm>> -> memref<10000x128xf32, #tpu.memory_space<hbm>>
      tpu.wait_indirect_dma semaphore(%arg14 : memref<!tpu.dma_semaphore, #tpu.memory_space<semaphore_mem>>) src(%dma_wait3A_417 : memref<10000x128xf32, #tpu.memory_space<hbm>>) dst(%arg8 : memref<80x128xf32, #tpu.memory_space<vmem>>)
      %dma_start3A_418 = arith.constant 26 : i32
      %dma_start3A_419 = arith.constant 0 : i32
      %dma_start3A_420 = tpu.memref_slice %arg5[%dma_start3A_418, %dma_start3A_419] : memref<32x80xi32, #tpu.memory_space<vmem>> -> memref<1x80xi32, #tpu.memory_space<vmem>>
      %dma_start3A_421 = tpu.memref_squeeze %dma_start3A_420 : memref<1x80xi32, #tpu.memory_space<vmem>> -> memref<80xi32, #tpu.memory_space<vmem>>
      %dma_start3A_422 = arith.constant 0 : i32
      %dma_start3A_423 = arith.constant 0 : i32
      %dma_start3A_424 = tpu.memref_slice %arg10[%dma_start3A_422, %dma_start3A_423] : memref<10320x128xf32, #tpu.memory_space<vmem_shared>> -> memref<10320x128xf32, #tpu.memory_space<vmem_shared>>
      tpu.enqueue_indirect_dma source(%arg8 : memref<80x128xf32, #tpu.memory_space<vmem>>) target(%dma_start3A_424 : memref<10320x128xf32, #tpu.memory_space<vmem_shared>>) offsets(%dma_start3A_421 : memref<80xi32, #tpu.memory_space<vmem>>) semaphore(%arg18 : memref<!tpu.dma_semaphore, #tpu.memory_space<semaphore_mem>>) {add = true}
      %dma_wait3A_425 = arith.constant 11 : i32
      %dma_wait3A_426 = arith.constant 0 : i32
      %dma_wait3A_427 = tpu.memref_slice %arg5[%dma_wait3A_425, %dma_wait3A_426] : memref<32x80xi32, #tpu.memory_space<vmem>> -> memref<1x80xi32, #tpu.memory_space<vmem>>
      %dma_wait3A_428 = tpu.memref_squeeze %dma_wait3A_427 : memref<1x80xi32, #tpu.memory_space<vmem>> -> memref<80xi32, #tpu.memory_space<vmem>>
      %dma_wait3A_429 = arith.constant 0 : i32
      %dma_wait3A_430 = arith.constant 0 : i32
      %dma_wait3A_431 = tpu.memref_slice %arg2[%dma_wait3A_429, %dma_wait3A_430] : memref<10000x128xf32, #tpu.memory_space<hbm>> -> memref<10000x128xf32, #tpu.memory_space<hbm>>
      tpu.wait_indirect_dma semaphore(%arg15 : memref<!tpu.dma_semaphore, #tpu.memory_space<semaphore_mem>>) src(%dma_wait3A_431 : memref<10000x128xf32, #tpu.memory_space<hbm>>) dst(%arg9 : memref<80x128xf32, #tpu.memory_space<vmem>>)
      %dma_start3A_432 = arith.constant 27 : i32
      %dma_start3A_433 = arith.constant 0 : i32
      %dma_start3A_434 = tpu.memref_slice %arg5[%dma_start3A_432, %dma_start3A_433] : memref<32x80xi32, #tpu.memory_space<vmem>> -> memref<1x80xi32, #tpu.memory_space<vmem>>
      %dma_start3A_435 = tpu.memref_squeeze %dma_start3A_434 : memref<1x80xi32, #tpu.memory_space<vmem>> -> memref<80xi32, #tpu.memory_space<vmem>>
      %dma_start3A_436 = arith.constant 0 : i32
      %dma_start3A_437 = arith.constant 0 : i32
      %dma_start3A_438 = tpu.memref_slice %arg10[%dma_start3A_436, %dma_start3A_437] : memref<10320x128xf32, #tpu.memory_space<vmem_shared>> -> memref<10320x128xf32, #tpu.memory_space<vmem_shared>>
      tpu.enqueue_indirect_dma source(%arg9 : memref<80x128xf32, #tpu.memory_space<vmem>>) target(%dma_start3A_438 : memref<10320x128xf32, #tpu.memory_space<vmem_shared>>) offsets(%dma_start3A_435 : memref<80xi32, #tpu.memory_space<vmem>>) semaphore(%arg19 : memref<!tpu.dma_semaphore, #tpu.memory_space<semaphore_mem>>) {add = true}
      %dma_wait3A_439 = arith.constant 24 : i32
      %dma_wait3A_440 = arith.constant 0 : i32
      %dma_wait3A_441 = tpu.memref_slice %arg5[%dma_wait3A_439, %dma_wait3A_440] : memref<32x80xi32, #tpu.memory_space<vmem>> -> memref<1x80xi32, #tpu.memory_space<vmem>>
      %dma_wait3A_442 = tpu.memref_squeeze %dma_wait3A_441 : memref<1x80xi32, #tpu.memory_space<vmem>> -> memref<80xi32, #tpu.memory_space<vmem>>
      %dma_wait3A_443 = arith.constant 0 : i32
      %dma_wait3A_444 = arith.constant 0 : i32
      %dma_wait3A_445 = tpu.memref_slice %arg10[%dma_wait3A_443, %dma_wait3A_444] : memref<10320x128xf32, #tpu.memory_space<vmem_shared>> -> memref<10320x128xf32, #tpu.memory_space<vmem_shared>>
      tpu.wait_indirect_dma semaphore(%arg16 : memref<!tpu.dma_semaphore, #tpu.memory_space<semaphore_mem>>) src(%arg6 : memref<80x128xf32, #tpu.memory_space<vmem>>) dst(%dma_wait3A_445 : memref<10320x128xf32, #tpu.memory_space<vmem_shared>>)
      %dma_start3A_446 = arith.constant 12 : i32
      %dma_start3A_447 = arith.constant 0 : i32
      %dma_start3A_448 = tpu.memref_slice %arg5[%dma_start3A_446, %dma_start3A_447] : memref<32x80xi32, #tpu.memory_space<vmem>> -> memref<1x80xi32, #tpu.memory_space<vmem>>
      %dma_start3A_449 = tpu.memref_squeeze %dma_start3A_448 : memref<1x80xi32, #tpu.memory_space<vmem>> -> memref<80xi32, #tpu.memory_space<vmem>>
      %dma_start3A_450 = arith.constant 0 : i32
      %dma_start3A_451 = arith.constant 0 : i32
      %dma_start3A_452 = tpu.memref_slice %arg2[%dma_start3A_450, %dma_start3A_451] : memref<10000x128xf32, #tpu.memory_space<hbm>> -> memref<10000x128xf32, #tpu.memory_space<hbm>>
      tpu.enqueue_indirect_dma source(%dma_start3A_452 : memref<10000x128xf32, #tpu.memory_space<hbm>>) target(%arg6 : memref<80x128xf32, #tpu.memory_space<vmem>>) offsets(%dma_start3A_449 : memref<80xi32, #tpu.memory_space<vmem>>) semaphore(%arg12 : memref<!tpu.dma_semaphore, #tpu.memory_space<semaphore_mem>>)
      %dma_wait3A_453 = arith.constant 25 : i32
      %dma_wait3A_454 = arith.constant 0 : i32
      %dma_wait3A_455 = tpu.memref_slice %arg5[%dma_wait3A_453, %dma_wait3A_454] : memref<32x80xi32, #tpu.memory_space<vmem>> -> memref<1x80xi32, #tpu.memory_space<vmem>>
      %dma_wait3A_456 = tpu.memref_squeeze %dma_wait3A_455 : memref<1x80xi32, #tpu.memory_space<vmem>> -> memref<80xi32, #tpu.memory_space<vmem>>
      %dma_wait3A_457 = arith.constant 0 : i32
      %dma_wait3A_458 = arith.constant 0 : i32
      %dma_wait3A_459 = tpu.memref_slice %arg10[%dma_wait3A_457, %dma_wait3A_458] : memref<10320x128xf32, #tpu.memory_space<vmem_shared>> -> memref<10320x128xf32, #tpu.memory_space<vmem_shared>>
      tpu.wait_indirect_dma semaphore(%arg17 : memref<!tpu.dma_semaphore, #tpu.memory_space<semaphore_mem>>) src(%arg7 : memref<80x128xf32, #tpu.memory_space<vmem>>) dst(%dma_wait3A_459 : memref<10320x128xf32, #tpu.memory_space<vmem_shared>>)
      %dma_start3A_460 = arith.constant 13 : i32
      %dma_start3A_461 = arith.constant 0 : i32
      %dma_start3A_462 = tpu.memref_slice %arg5[%dma_start3A_460, %dma_start3A_461] : memref<32x80xi32, #tpu.memory_space<vmem>> -> memref<1x80xi32, #tpu.memory_space<vmem>>
      %dma_start3A_463 = tpu.memref_squeeze %dma_start3A_462 : memref<1x80xi32, #tpu.memory_space<vmem>> -> memref<80xi32, #tpu.memory_space<vmem>>
      %dma_start3A_464 = arith.constant 0 : i32
      %dma_start3A_465 = arith.constant 0 : i32
      %dma_start3A_466 = tpu.memref_slice %arg2[%dma_start3A_464, %dma_start3A_465] : memref<10000x128xf32, #tpu.memory_space<hbm>> -> memref<10000x128xf32, #tpu.memory_space<hbm>>
      tpu.enqueue_indirect_dma source(%dma_start3A_466 : memref<10000x128xf32, #tpu.memory_space<hbm>>) target(%arg7 : memref<80x128xf32, #tpu.memory_space<vmem>>) offsets(%dma_start3A_463 : memref<80xi32, #tpu.memory_space<vmem>>) semaphore(%arg13 : memref<!tpu.dma_semaphore, #tpu.memory_space<semaphore_mem>>)
      %dma_wait3A_467 = arith.constant 26 : i32
      %dma_wait3A_468 = arith.constant 0 : i32
      %dma_wait3A_469 = tpu.memref_slice %arg5[%dma_wait3A_467, %dma_wait3A_468] : memref<32x80xi32, #tpu.memory_space<vmem>> -> memref<1x80xi32, #tpu.memory_space<vmem>>
      %dma_wait3A_470 = tpu.memref_squeeze %dma_wait3A_469 : memref<1x80xi32, #tpu.memory_space<vmem>> -> memref<80xi32, #tpu.memory_space<vmem>>
      %dma_wait3A_471 = arith.constant 0 : i32
      %dma_wait3A_472 = arith.constant 0 : i32
      %dma_wait3A_473 = tpu.memref_slice %arg10[%dma_wait3A_471, %dma_wait3A_472] : memref<10320x128xf32, #tpu.memory_space<vmem_shared>> -> memref<10320x128xf32, #tpu.memory_space<vmem_shared>>
      tpu.wait_indirect_dma semaphore(%arg18 : memref<!tpu.dma_semaphore, #tpu.memory_space<semaphore_mem>>) src(%arg8 : memref<80x128xf32, #tpu.memory_space<vmem>>) dst(%dma_wait3A_473 : memref<10320x128xf32, #tpu.memory_space<vmem_shared>>)
      %dma_start3A_474 = arith.constant 14 : i32
      %dma_start3A_475 = arith.constant 0 : i32
      %dma_start3A_476 = tpu.memref_slice %arg5[%dma_start3A_474, %dma_start3A_475] : memref<32x80xi32, #tpu.memory_space<vmem>> -> memref<1x80xi32, #tpu.memory_space<vmem>>
      %dma_start3A_477 = tpu.memref_squeeze %dma_start3A_476 : memref<1x80xi32, #tpu.memory_space<vmem>> -> memref<80xi32, #tpu.memory_space<vmem>>
      %dma_start3A_478 = arith.constant 0 : i32
      %dma_start3A_479 = arith.constant 0 : i32
      %dma_start3A_480 = tpu.memref_slice %arg2[%dma_start3A_478, %dma_start3A_479] : memref<10000x128xf32, #tpu.memory_space<hbm>> -> memref<10000x128xf32, #tpu.memory_space<hbm>>
      tpu.enqueue_indirect_dma source(%dma_start3A_480 : memref<10000x128xf32, #tpu.memory_space<hbm>>) target(%arg8 : memref<80x128xf32, #tpu.memory_space<vmem>>) offsets(%dma_start3A_477 : memref<80xi32, #tpu.memory_space<vmem>>) semaphore(%arg14 : memref<!tpu.dma_semaphore, #tpu.memory_space<semaphore_mem>>)
      %dma_wait3A_481 = arith.constant 27 : i32
      %dma_wait3A_482 = arith.constant 0 : i32
      %dma_wait3A_483 = tpu.memref_slice %arg5[%dma_wait3A_481, %dma_wait3A_482] : memref<32x80xi32, #tpu.memory_space<vmem>> -> memref<1x80xi32, #tpu.memory_space<vmem>>
      %dma_wait3A_484 = tpu.memref_squeeze %dma_wait3A_483 : memref<1x80xi32, #tpu.memory_space<vmem>> -> memref<80xi32, #tpu.memory_space<vmem>>
      %dma_wait3A_485 = arith.constant 0 : i32
      %dma_wait3A_486 = arith.constant 0 : i32
      %dma_wait3A_487 = tpu.memref_slice %arg10[%dma_wait3A_485, %dma_wait3A_486] : memref<10320x128xf32, #tpu.memory_space<vmem_shared>> -> memref<10320x128xf32, #tpu.memory_space<vmem_shared>>
      tpu.wait_indirect_dma semaphore(%arg19 : memref<!tpu.dma_semaphore, #tpu.memory_space<semaphore_mem>>) src(%arg9 : memref<80x128xf32, #tpu.memory_space<vmem>>) dst(%dma_wait3A_487 : memref<10320x128xf32, #tpu.memory_space<vmem_shared>>)
      %dma_start3A_488 = arith.constant 15 : i32
      %dma_start3A_489 = arith.constant 0 : i32
      %dma_start3A_490 = tpu.memref_slice %arg5[%dma_start3A_488, %dma_start3A_489] : memref<32x80xi32, #tpu.memory_space<vmem>> -> memref<1x80xi32, #tpu.memory_space<vmem>>
      %dma_start3A_491 = tpu.memref_squeeze %dma_start3A_490 : memref<1x80xi32, #tpu.memory_space<vmem>> -> memref<80xi32, #tpu.memory_space<vmem>>
      %dma_start3A_492 = arith.constant 0 : i32
      %dma_start3A_493 = arith.constant 0 : i32
      %dma_start3A_494 = tpu.memref_slice %arg2[%dma_start3A_492, %dma_start3A_493] : memref<10000x128xf32, #tpu.memory_space<hbm>> -> memref<10000x128xf32, #tpu.memory_space<hbm>>
      tpu.enqueue_indirect_dma source(%dma_start3A_494 : memref<10000x128xf32, #tpu.memory_space<hbm>>) target(%arg9 : memref<80x128xf32, #tpu.memory_space<vmem>>) offsets(%dma_start3A_491 : memref<80xi32, #tpu.memory_space<vmem>>) semaphore(%arg15 : memref<!tpu.dma_semaphore, #tpu.memory_space<semaphore_mem>>)
      %dma_wait3A_495 = arith.constant 12 : i32
      %dma_wait3A_496 = arith.constant 0 : i32
      %dma_wait3A_497 = tpu.memref_slice %arg5[%dma_wait3A_495, %dma_wait3A_496] : memref<32x80xi32, #tpu.memory_space<vmem>> -> memref<1x80xi32, #tpu.memory_space<vmem>>
      %dma_wait3A_498 = tpu.memref_squeeze %dma_wait3A_497 : memref<1x80xi32, #tpu.memory_space<vmem>> -> memref<80xi32, #tpu.memory_space<vmem>>
      %dma_wait3A_499 = arith.constant 0 : i32
      %dma_wait3A_500 = arith.constant 0 : i32
      %dma_wait3A_501 = tpu.memref_slice %arg2[%dma_wait3A_499, %dma_wait3A_500] : memref<10000x128xf32, #tpu.memory_space<hbm>> -> memref<10000x128xf32, #tpu.memory_space<hbm>>
      tpu.wait_indirect_dma semaphore(%arg12 : memref<!tpu.dma_semaphore, #tpu.memory_space<semaphore_mem>>) src(%dma_wait3A_501 : memref<10000x128xf32, #tpu.memory_space<hbm>>) dst(%arg6 : memref<80x128xf32, #tpu.memory_space<vmem>>)
      %dma_start3A_502 = arith.constant 28 : i32
      %dma_start3A_503 = arith.constant 0 : i32
      %dma_start3A_504 = tpu.memref_slice %arg5[%dma_start3A_502, %dma_start3A_503] : memref<32x80xi32, #tpu.memory_space<vmem>> -> memref<1x80xi32, #tpu.memory_space<vmem>>
      %dma_start3A_505 = tpu.memref_squeeze %dma_start3A_504 : memref<1x80xi32, #tpu.memory_space<vmem>> -> memref<80xi32, #tpu.memory_space<vmem>>
      %dma_start3A_506 = arith.constant 0 : i32
      %dma_start3A_507 = arith.constant 0 : i32
      %dma_start3A_508 = tpu.memref_slice %arg10[%dma_start3A_506, %dma_start3A_507] : memref<10320x128xf32, #tpu.memory_space<vmem_shared>> -> memref<10320x128xf32, #tpu.memory_space<vmem_shared>>
      tpu.enqueue_indirect_dma source(%arg6 : memref<80x128xf32, #tpu.memory_space<vmem>>) target(%dma_start3A_508 : memref<10320x128xf32, #tpu.memory_space<vmem_shared>>) offsets(%dma_start3A_505 : memref<80xi32, #tpu.memory_space<vmem>>) semaphore(%arg16 : memref<!tpu.dma_semaphore, #tpu.memory_space<semaphore_mem>>) {add = true}
      %dma_wait3A_509 = arith.constant 13 : i32
      %dma_wait3A_510 = arith.constant 0 : i32
      %dma_wait3A_511 = tpu.memref_slice %arg5[%dma_wait3A_509, %dma_wait3A_510] : memref<32x80xi32, #tpu.memory_space<vmem>> -> memref<1x80xi32, #tpu.memory_space<vmem>>
      %dma_wait3A_512 = tpu.memref_squeeze %dma_wait3A_511 : memref<1x80xi32, #tpu.memory_space<vmem>> -> memref<80xi32, #tpu.memory_space<vmem>>
      %dma_wait3A_513 = arith.constant 0 : i32
      %dma_wait3A_514 = arith.constant 0 : i32
      %dma_wait3A_515 = tpu.memref_slice %arg2[%dma_wait3A_513, %dma_wait3A_514] : memref<10000x128xf32, #tpu.memory_space<hbm>> -> memref<10000x128xf32, #tpu.memory_space<hbm>>
      tpu.wait_indirect_dma semaphore(%arg13 : memref<!tpu.dma_semaphore, #tpu.memory_space<semaphore_mem>>) src(%dma_wait3A_515 : memref<10000x128xf32, #tpu.memory_space<hbm>>) dst(%arg7 : memref<80x128xf32, #tpu.memory_space<vmem>>)
      %dma_start3A_516 = arith.constant 29 : i32
      %dma_start3A_517 = arith.constant 0 : i32
      %dma_start3A_518 = tpu.memref_slice %arg5[%dma_start3A_516, %dma_start3A_517] : memref<32x80xi32, #tpu.memory_space<vmem>> -> memref<1x80xi32, #tpu.memory_space<vmem>>
      %dma_start3A_519 = tpu.memref_squeeze %dma_start3A_518 : memref<1x80xi32, #tpu.memory_space<vmem>> -> memref<80xi32, #tpu.memory_space<vmem>>
      %dma_start3A_520 = arith.constant 0 : i32
      %dma_start3A_521 = arith.constant 0 : i32
      %dma_start3A_522 = tpu.memref_slice %arg10[%dma_start3A_520, %dma_start3A_521] : memref<10320x128xf32, #tpu.memory_space<vmem_shared>> -> memref<10320x128xf32, #tpu.memory_space<vmem_shared>>
      tpu.enqueue_indirect_dma source(%arg7 : memref<80x128xf32, #tpu.memory_space<vmem>>) target(%dma_start3A_522 : memref<10320x128xf32, #tpu.memory_space<vmem_shared>>) offsets(%dma_start3A_519 : memref<80xi32, #tpu.memory_space<vmem>>) semaphore(%arg17 : memref<!tpu.dma_semaphore, #tpu.memory_space<semaphore_mem>>) {add = true}
      %dma_wait3A_523 = arith.constant 14 : i32
      %dma_wait3A_524 = arith.constant 0 : i32
      %dma_wait3A_525 = tpu.memref_slice %arg5[%dma_wait3A_523, %dma_wait3A_524] : memref<32x80xi32, #tpu.memory_space<vmem>> -> memref<1x80xi32, #tpu.memory_space<vmem>>
      %dma_wait3A_526 = tpu.memref_squeeze %dma_wait3A_525 : memref<1x80xi32, #tpu.memory_space<vmem>> -> memref<80xi32, #tpu.memory_space<vmem>>
      %dma_wait3A_527 = arith.constant 0 : i32
      %dma_wait3A_528 = arith.constant 0 : i32
      %dma_wait3A_529 = tpu.memref_slice %arg2[%dma_wait3A_527, %dma_wait3A_528] : memref<10000x128xf32, #tpu.memory_space<hbm>> -> memref<10000x128xf32, #tpu.memory_space<hbm>>
      tpu.wait_indirect_dma semaphore(%arg14 : memref<!tpu.dma_semaphore, #tpu.memory_space<semaphore_mem>>) src(%dma_wait3A_529 : memref<10000x128xf32, #tpu.memory_space<hbm>>) dst(%arg8 : memref<80x128xf32, #tpu.memory_space<vmem>>)
      %dma_start3A_530 = arith.constant 30 : i32
      %dma_start3A_531 = arith.constant 0 : i32
      %dma_start3A_532 = tpu.memref_slice %arg5[%dma_start3A_530, %dma_start3A_531] : memref<32x80xi32, #tpu.memory_space<vmem>> -> memref<1x80xi32, #tpu.memory_space<vmem>>
      %dma_start3A_533 = tpu.memref_squeeze %dma_start3A_532 : memref<1x80xi32, #tpu.memory_space<vmem>> -> memref<80xi32, #tpu.memory_space<vmem>>
      %dma_start3A_534 = arith.constant 0 : i32
      %dma_start3A_535 = arith.constant 0 : i32
      %dma_start3A_536 = tpu.memref_slice %arg10[%dma_start3A_534, %dma_start3A_535] : memref<10320x128xf32, #tpu.memory_space<vmem_shared>> -> memref<10320x128xf32, #tpu.memory_space<vmem_shared>>
      tpu.enqueue_indirect_dma source(%arg8 : memref<80x128xf32, #tpu.memory_space<vmem>>) target(%dma_start3A_536 : memref<10320x128xf32, #tpu.memory_space<vmem_shared>>) offsets(%dma_start3A_533 : memref<80xi32, #tpu.memory_space<vmem>>) semaphore(%arg18 : memref<!tpu.dma_semaphore, #tpu.memory_space<semaphore_mem>>) {add = true}
      %dma_wait3A_537 = arith.constant 15 : i32
      %dma_wait3A_538 = arith.constant 0 : i32
      %dma_wait3A_539 = tpu.memref_slice %arg5[%dma_wait3A_537, %dma_wait3A_538] : memref<32x80xi32, #tpu.memory_space<vmem>> -> memref<1x80xi32, #tpu.memory_space<vmem>>
      %dma_wait3A_540 = tpu.memref_squeeze %dma_wait3A_539 : memref<1x80xi32, #tpu.memory_space<vmem>> -> memref<80xi32, #tpu.memory_space<vmem>>
      %dma_wait3A_541 = arith.constant 0 : i32
      %dma_wait3A_542 = arith.constant 0 : i32
      %dma_wait3A_543 = tpu.memref_slice %arg2[%dma_wait3A_541, %dma_wait3A_542] : memref<10000x128xf32, #tpu.memory_space<hbm>> -> memref<10000x128xf32, #tpu.memory_space<hbm>>
      tpu.wait_indirect_dma semaphore(%arg15 : memref<!tpu.dma_semaphore, #tpu.memory_space<semaphore_mem>>) src(%dma_wait3A_543 : memref<10000x128xf32, #tpu.memory_space<hbm>>) dst(%arg9 : memref<80x128xf32, #tpu.memory_space<vmem>>)
      %dma_start3A_544 = arith.constant 31 : i32
      %dma_start3A_545 = arith.constant 0 : i32
      %dma_start3A_546 = tpu.memref_slice %arg5[%dma_start3A_544, %dma_start3A_545] : memref<32x80xi32, #tpu.memory_space<vmem>> -> memref<1x80xi32, #tpu.memory_space<vmem>>
      %dma_start3A_547 = tpu.memref_squeeze %dma_start3A_546 : memref<1x80xi32, #tpu.memory_space<vmem>> -> memref<80xi32, #tpu.memory_space<vmem>>
      %dma_start3A_548 = arith.constant 0 : i32
      %dma_start3A_549 = arith.constant 0 : i32
      %dma_start3A_550 = tpu.memref_slice %arg10[%dma_start3A_548, %dma_start3A_549] : memref<10320x128xf32, #tpu.memory_space<vmem_shared>> -> memref<10320x128xf32, #tpu.memory_space<vmem_shared>>
      tpu.enqueue_indirect_dma source(%arg9 : memref<80x128xf32, #tpu.memory_space<vmem>>) target(%dma_start3A_550 : memref<10320x128xf32, #tpu.memory_space<vmem_shared>>) offsets(%dma_start3A_547 : memref<80xi32, #tpu.memory_space<vmem>>) semaphore(%arg19 : memref<!tpu.dma_semaphore, #tpu.memory_space<semaphore_mem>>) {add = true}
      %dma_wait3A_551 = arith.constant 28 : i32
      %dma_wait3A_552 = arith.constant 0 : i32
      %dma_wait3A_553 = tpu.memref_slice %arg5[%dma_wait3A_551, %dma_wait3A_552] : memref<32x80xi32, #tpu.memory_space<vmem>> -> memref<1x80xi32, #tpu.memory_space<vmem>>
      %dma_wait3A_554 = tpu.memref_squeeze %dma_wait3A_553 : memref<1x80xi32, #tpu.memory_space<vmem>> -> memref<80xi32, #tpu.memory_space<vmem>>
      %dma_wait3A_555 = arith.constant 0 : i32
      %dma_wait3A_556 = arith.constant 0 : i32
      %dma_wait3A_557 = tpu.memref_slice %arg10[%dma_wait3A_555, %dma_wait3A_556] : memref<10320x128xf32, #tpu.memory_space<vmem_shared>> -> memref<10320x128xf32, #tpu.memory_space<vmem_shared>>
      tpu.wait_indirect_dma semaphore(%arg16 : memref<!tpu.dma_semaphore, #tpu.memory_space<semaphore_mem>>) src(%arg6 : memref<80x128xf32, #tpu.memory_space<vmem>>) dst(%dma_wait3A_557 : memref<10320x128xf32, #tpu.memory_space<vmem_shared>>)
      %dma_wait3A_558 = arith.constant 29 : i32
      %dma_wait3A_559 = arith.constant 0 : i32
      %dma_wait3A_560 = tpu.memref_slice %arg5[%dma_wait3A_558, %dma_wait3A_559] : memref<32x80xi32, #tpu.memory_space<vmem>> -> memref<1x80xi32, #tpu.memory_space<vmem>>
      %dma_wait3A_561 = tpu.memref_squeeze %dma_wait3A_560 : memref<1x80xi32, #tpu.memory_space<vmem>> -> memref<80xi32, #tpu.memory_space<vmem>>
      %dma_wait3A_562 = arith.constant 0 : i32
      %dma_wait3A_563 = arith.constant 0 : i32
      %dma_wait3A_564 = tpu.memref_slice %arg10[%dma_wait3A_562, %dma_wait3A_563] : memref<10320x128xf32, #tpu.memory_space<vmem_shared>> -> memref<10320x128xf32, #tpu.memory_space<vmem_shared>>
      tpu.wait_indirect_dma semaphore(%arg17 : memref<!tpu.dma_semaphore, #tpu.memory_space<semaphore_mem>>) src(%arg7 : memref<80x128xf32, #tpu.memory_space<vmem>>) dst(%dma_wait3A_564 : memref<10320x128xf32, #tpu.memory_space<vmem_shared>>)
      %dma_wait3A_565 = arith.constant 30 : i32
      %dma_wait3A_566 = arith.constant 0 : i32
      %dma_wait3A_567 = tpu.memref_slice %arg5[%dma_wait3A_565, %dma_wait3A_566] : memref<32x80xi32, #tpu.memory_space<vmem>> -> memref<1x80xi32, #tpu.memory_space<vmem>>
      %dma_wait3A_568 = tpu.memref_squeeze %dma_wait3A_567 : memref<1x80xi32, #tpu.memory_space<vmem>> -> memref<80xi32, #tpu.memory_space<vmem>>
      %dma_wait3A_569 = arith.constant 0 : i32
      %dma_wait3A_570 = arith.constant 0 : i32
      %dma_wait3A_571 = tpu.memref_slice %arg10[%dma_wait3A_569, %dma_wait3A_570] : memref<10320x128xf32, #tpu.memory_space<vmem_shared>> -> memref<10320x128xf32, #tpu.memory_space<vmem_shared>>
      tpu.wait_indirect_dma semaphore(%arg18 : memref<!tpu.dma_semaphore, #tpu.memory_space<semaphore_mem>>) src(%arg8 : memref<80x128xf32, #tpu.memory_space<vmem>>) dst(%dma_wait3A_571 : memref<10320x128xf32, #tpu.memory_space<vmem_shared>>)
      %dma_wait3A_572 = arith.constant 31 : i32
      %dma_wait3A_573 = arith.constant 0 : i32
      %dma_wait3A_574 = tpu.memref_slice %arg5[%dma_wait3A_572, %dma_wait3A_573] : memref<32x80xi32, #tpu.memory_space<vmem>> -> memref<1x80xi32, #tpu.memory_space<vmem>>
      %dma_wait3A_575 = tpu.memref_squeeze %dma_wait3A_574 : memref<1x80xi32, #tpu.memory_space<vmem>> -> memref<80xi32, #tpu.memory_space<vmem>>
      %dma_wait3A_576 = arith.constant 0 : i32
      %dma_wait3A_577 = arith.constant 0 : i32
      %dma_wait3A_578 = tpu.memref_slice %arg10[%dma_wait3A_576, %dma_wait3A_577] : memref<10320x128xf32, #tpu.memory_space<vmem_shared>> -> memref<10320x128xf32, #tpu.memory_space<vmem_shared>>
      tpu.wait_indirect_dma semaphore(%arg19 : memref<!tpu.dma_semaphore, #tpu.memory_space<semaphore_mem>>) src(%arg9 : memref<80x128xf32, #tpu.memory_space<vmem>>) dst(%dma_wait3A_578 : memref<10320x128xf32, #tpu.memory_space<vmem_shared>>)
    }
    %scan3A_104 = arith.constant 8 : i32
    %barrier3A_105 = arith.constant 0 : index
    tpu.barrier barrier_id(%barrier3A_105)
    %mul3A_106 = arith.constant 640 : i32
    %mul3A_107 = arith.muli %arg1, %mul3A_106 : i32
    %mul3A_108 = arith.constant 10240 : i32
    %mul3A_109 = arith.muli %arg0, %mul3A_108 : i32
    %add3A_110 = arith.addi %mul3A_109, %mul3A_107 : i32
    "tpu.region"() ({
      %run_scoped3A = tpu.sem_alloc : memref<!tpu.dma_semaphore, #tpu.memory_space<semaphore_mem>>
      %dma_start3A_111 = arith.constant 0 : i32
      %dma_start3A_112 = tpu.memref_slice %arg4[%add3A_110, %dma_start3A_111] : memref<20480x128xf32, #tpu.memory_space<hbm>> -> memref<640x128xf32, #tpu.memory_space<hbm>>
      %dma_start3A_113 = arith.constant 0 : i32
      %dma_start3A_114 = tpu.memref_slice %arg10[%mul3A_107, %dma_start3A_113] : memref<10320x128xf32, #tpu.memory_space<vmem_shared>> -> memref<640x128xf32, #tpu.memory_space<vmem_shared>>
      tpu.enqueue_dma source(%dma_start3A_114 : memref<640x128xf32, #tpu.memory_space<vmem_shared>>) target(%dma_start3A_112 : memref<640x128xf32, #tpu.memory_space<hbm>>) target_semaphore(%run_scoped3A : memref<!tpu.dma_semaphore, #tpu.memory_space<semaphore_mem>>)
      %dma_wait3A_115 = arith.constant 0 : i32
      %dma_wait3A_116 = tpu.memref_slice %arg4[%add3A_110, %dma_wait3A_115] : memref<20480x128xf32, #tpu.memory_space<hbm>> -> memref<640x128xf32, #tpu.memory_space<hbm>>
      %dma_wait3A_117 = arith.constant 0 : i32
      %dma_wait3A_118 = tpu.memref_slice %arg10[%mul3A_107, %dma_wait3A_117] : memref<10320x128xf32, #tpu.memory_space<vmem_shared>> -> memref<640x128xf32, #tpu.memory_space<vmem_shared>>
      tpu.wait_dma2 semaphore(%run_scoped3A : memref<!tpu.dma_semaphore, #tpu.memory_space<semaphore_mem>>) src(%dma_wait3A_118 : memref<640x128xf32, #tpu.memory_space<vmem_shared>>) dst(%dma_wait3A_116 : memref<640x128xf32, #tpu.memory_space<hbm>>)
      tpu.yield
    }) : () -> ()
    return
  }
}

#map = affine_map<(d0, d1) -> (0, 0, 0)>
#map1 = affine_map<(d0, d1) -> (0, 0)>
module attributes {stable_mosaic.version = 14 : i64} {
  func.func @k(%arg0: i32, %arg1: i32, %arg2: memref<32x128x80xi32, #tpu.memory_space<hbm>>, %arg3: memref<20480x128xf32, #tpu.memory_space<hbm>>, %arg4: memref<128x80xi32, #tpu.memory_space<vmem>>, %arg5: memref<80x128xf32, #tpu.memory_space<vmem>>, %arg6: memref<128x128xf32, #tpu.memory_space<vmem>>, %arg7: memref<10320x128xf32, #tpu.memory_space<vmem_shared>>, %arg8: memref<!tpu.dma_semaphore, #tpu.memory_space<semaphore_mem>>) attributes {dimension_semantics = [#tpu.dimension_semantics<core_parallel>, #tpu.dimension_semantics<subcore_parallel>], iteration_bounds = array<i64: 2, 16>, scalar_prefetch = 0 : i64, scratch_operands = 5 : i64, tpu.core_type = #tpu.core_type<sc_vector_subcore>, window_params = [{transform_indices = #map}, {transform_indices = #map1}]} {
    %mul3A = arith.constant 16 : i32
    %mul3A_0 = arith.muli %arg0, %mul3A : i32
    %add3A = arith.addi %mul3A_0, %arg1 : i32
    %broadcast_in_dim3A = arith.constant 1.000000e+00 : f32
    %broadcast_in_dim3A_1 = vector.broadcast %broadcast_in_dim3A : f32 to vector<16xf32>
    "tpu.region"() ({
      %run_scoped3A = tpu.sem_alloc : memref<!tpu.dma_semaphore, #tpu.memory_space<semaphore_mem>>
      %dma_start3A = arith.constant 0 : i32
      %dma_start3A_29 = arith.constant 0 : i32
      %dma_start3A_30 = tpu.memref_slice %arg2[%add3A, %dma_start3A, %dma_start3A_29] : memref<32x128x80xi32, #tpu.memory_space<hbm>> -> memref<1x128x80xi32, #tpu.memory_space<hbm>>
      %dma_start3A_31 = tpu.memref_squeeze %dma_start3A_30 : memref<1x128x80xi32, #tpu.memory_space<hbm>> -> memref<128x80xi32, #tpu.memory_space<hbm>>
      %dma_start3A_32 = arith.constant 0 : i32
      %dma_start3A_33 = arith.constant 0 : i32
      %dma_start3A_34 = tpu.memref_slice %arg2[%add3A, %dma_start3A_32, %dma_start3A_33] : memref<32x128x80xi32, #tpu.memory_space<hbm>> -> memref<1x128x80xi32, #tpu.memory_space<hbm>>
      %dma_start3A_35 = tpu.memref_squeeze %dma_start3A_34 : memref<1x128x80xi32, #tpu.memory_space<hbm>> -> memref<128x80xi32, #tpu.memory_space<hbm>>
      tpu.enqueue_dma source(%dma_start3A_35 : memref<128x80xi32, #tpu.memory_space<hbm>>) target(%arg4 : memref<128x80xi32, #tpu.memory_space<vmem>>) target_semaphore(%run_scoped3A : memref<!tpu.dma_semaphore, #tpu.memory_space<semaphore_mem>>)
      %dma_wait3A = arith.constant 0 : i32
      %dma_wait3A_36 = arith.constant 0 : i32
      %dma_wait3A_37 = tpu.memref_slice %arg2[%add3A, %dma_wait3A, %dma_wait3A_36] : memref<32x128x80xi32, #tpu.memory_space<hbm>> -> memref<1x128x80xi32, #tpu.memory_space<hbm>>
      %dma_wait3A_38 = tpu.memref_squeeze %dma_wait3A_37 : memref<1x128x80xi32, #tpu.memory_space<hbm>> -> memref<128x80xi32, #tpu.memory_space<hbm>>
      %dma_wait3A_39 = arith.constant 0 : i32
      %dma_wait3A_40 = arith.constant 0 : i32
      %dma_wait3A_41 = tpu.memref_slice %arg2[%add3A, %dma_wait3A_39, %dma_wait3A_40] : memref<32x128x80xi32, #tpu.memory_space<hbm>> -> memref<1x128x80xi32, #tpu.memory_space<hbm>>
      %dma_wait3A_42 = tpu.memref_squeeze %dma_wait3A_41 : memref<1x128x80xi32, #tpu.memory_space<hbm>> -> memref<128x80xi32, #tpu.memory_space<hbm>>
      tpu.wait_dma2 semaphore(%run_scoped3A : memref<!tpu.dma_semaphore, #tpu.memory_space<semaphore_mem>>) src(%dma_wait3A_42 : memref<128x80xi32, #tpu.memory_space<hbm>>) dst(%arg4 : memref<128x80xi32, #tpu.memory_space<vmem>>)
      tpu.yield
    }) : () -> ()
    %scan3A = arith.constant 0 : i32
    %scan3A_2 = arith.constant 80 : i32
    %scan3A_3 = arith.addi %scan3A, %scan3A_2 : i32
    %scan3A_4 = arith.constant 1 : i32
    scf.for %scan3A_29 = %scan3A to %scan3A_3 step %scan3A_4  : i32 {
      %mul3A_30 = arith.constant 1 : i32
      %mul3A_31 = arith.muli %scan3A_29, %mul3A_30 : i32
      %add3A_32 = arith.constant 0 : i32
      %add3A_33 = arith.addi %add3A_32, %mul3A_31 : i32
      %scan3A_34 = arith.constant 0 : i32
      %scan3A_35 = arith.constant 8 : i32
      %scan3A_36 = arith.addi %scan3A_34, %scan3A_35 : i32
      %scan3A_37 = arith.constant 1 : i32
      scf.for %scan3A_39 = %scan3A_34 to %scan3A_36 step %scan3A_37  : i32 {
        %mul3A_40 = arith.constant 16 : i32
        %mul3A_41 = arith.muli %scan3A_39, %mul3A_40 : i32
        %add3A_42 = arith.constant 0 : i32
        %add3A_43 = arith.addi %add3A_42, %mul3A_41 : i32
        %swap3A = arith.index_cast %add3A_33 : i32 to index
        %swap3A_44 = arith.index_cast %add3A_43 : i32 to index
        %swap3A_45 = tpu.vector_load %arg5[%swap3A, %swap3A_44] {strides = array<i32>} : memref<80x128xf32, #tpu.memory_space<vmem>>, vector<1x16xf32>,
        %swap3A_46 = vector.shape_cast %swap3A_45 : vector<1x16xf32> to vector<16xf32>
        %swap3A_47 = vector.shape_cast %broadcast_in_dim3A_1 : vector<16xf32> to vector<1x16xf32>
        tpu.vector_store %arg5[%swap3A, %swap3A_44], %swap3A_47 {strides = array<i32>} : memref<80x128xf32, #tpu.memory_space<vmem>>, vector<1x16xf32>,
      }
      %scan3A_38 = arith.constant 8 : i32
    }
    %scan3A_5 = arith.constant 80 : i32
    %broadcast_in_dim3A_6 = arith.constant 0.000000e+00 : f32
    %broadcast_in_dim3A_7 = vector.broadcast %broadcast_in_dim3A_6 : f32 to vector<16xf32>
    %scan3A_8 = arith.constant 0 : i32
    %scan3A_9 = arith.constant 128 : i32
    %scan3A_10 = arith.addi %scan3A_8, %scan3A_9 : i32
    %scan3A_11 = arith.constant 1 : i32
    scf.for %scan3A_29 = %scan3A_8 to %scan3A_10 step %scan3A_11  : i32 {
      %mul3A_30 = arith.constant 1 : i32
      %mul3A_31 = arith.muli %scan3A_29, %mul3A_30 : i32
      %add3A_32 = arith.constant 0 : i32
      %add3A_33 = arith.addi %add3A_32, %mul3A_31 : i32
      %scan3A_34 = arith.constant 0 : i32
      %scan3A_35 = arith.constant 8 : i32
      %scan3A_36 = arith.addi %scan3A_34, %scan3A_35 : i32
      %scan3A_37 = arith.constant 1 : i32
      scf.for %scan3A_39 = %scan3A_34 to %scan3A_36 step %scan3A_37  : i32 {
        %mul3A_40 = arith.constant 16 : i32
        %mul3A_41 = arith.muli %scan3A_39, %mul3A_40 : i32
        %add3A_42 = arith.constant 0 : i32
        %add3A_43 = arith.addi %add3A_42, %mul3A_41 : i32
        %swap3A = arith.index_cast %add3A_33 : i32 to index
        %swap3A_44 = arith.index_cast %add3A_43 : i32 to index
        %swap3A_45 = tpu.vector_load %arg6[%swap3A, %swap3A_44] {strides = array<i32>} : memref<128x128xf32, #tpu.memory_space<vmem>>, vector<1x16xf32>,
        %swap3A_46 = vector.shape_cast %swap3A_45 : vector<1x16xf32> to vector<16xf32>
        %swap3A_47 = vector.shape_cast %broadcast_in_dim3A_7 : vector<16xf32> to vector<1x16xf32>
        tpu.vector_store %arg6[%swap3A, %swap3A_44], %swap3A_47 {strides = array<i32>} : memref<128x128xf32, #tpu.memory_space<vmem>>, vector<1x16xf32>,
      }
      %scan3A_38 = arith.constant 8 : i32
    }
    %scan3A_12 = arith.constant 128 : i32
    %scan3A_13 = arith.constant 0 : i32
    %scan3A_14 = arith.constant 5 : i32
    %scan3A_15 = arith.addi %scan3A_13, %scan3A_14 : i32
    %scan3A_16 = arith.constant 1 : i32
    scf.for %scan3A_29 = %scan3A_13 to %scan3A_15 step %scan3A_16  : i32 {
      %mul3A_30 = arith.constant 1 : i32
      %mul3A_31 = arith.muli %scan3A_29, %mul3A_30 : i32
      %add3A_32 = arith.constant 0 : i32
      %add3A_33 = arith.addi %add3A_32, %mul3A_31 : i32
      %mul3A_34 = arith.constant 640 : i32
      %mul3A_35 = arith.muli %arg1, %mul3A_34 : i32
      %mul3A_36 = arith.constant 128 : i32
      %mul3A_37 = arith.muli %add3A_33, %mul3A_36 : i32
      %add3A_38 = arith.addi %mul3A_35, %mul3A_37 : i32
      "tpu.region"() ({
        %run_scoped3A = tpu.sem_alloc : memref<!tpu.dma_semaphore, #tpu.memory_space<semaphore_mem>>
        %dma_start3A = arith.constant 0 : i32
        %dma_start3A_39 = tpu.memref_slice %arg7[%add3A_38, %dma_start3A] : memref<10320x128xf32, #tpu.memory_space<vmem_shared>> -> memref<128x128xf32, #tpu.memory_space<vmem_shared>>
        %dma_start3A_40 = arith.constant 0 : i32
        %dma_start3A_41 = tpu.memref_slice %arg7[%add3A_38, %dma_start3A_40] : memref<10320x128xf32, #tpu.memory_space<vmem_shared>> -> memref<128x128xf32, #tpu.memory_space<vmem_shared>>
        tpu.enqueue_dma source(%arg6 : memref<128x128xf32, #tpu.memory_space<vmem>>) target(%dma_start3A_41 : memref<128x128xf32, #tpu.memory_space<vmem_shared>>) target_semaphore(%run_scoped3A : memref<!tpu.dma_semaphore, #tpu.memory_space<semaphore_mem>>)
        %dma_wait3A = arith.constant 0 : i32
        %dma_wait3A_42 = tpu.memref_slice %arg7[%add3A_38, %dma_wait3A] : memref<10320x128xf32, #tpu.memory_space<vmem_shared>> -> memref<128x128xf32, #tpu.memory_space<vmem_shared>>
        %dma_wait3A_43 = arith.constant 0 : i32
        %dma_wait3A_44 = tpu.memref_slice %arg7[%add3A_38, %dma_wait3A_43] : memref<10320x128xf32, #tpu.memory_space<vmem_shared>> -> memref<128x128xf32, #tpu.memory_space<vmem_shared>>
        tpu.wait_dma2 semaphore(%run_scoped3A : memref<!tpu.dma_semaphore, #tpu.memory_space<semaphore_mem>>) src(%arg6 : memref<128x128xf32, #tpu.memory_space<vmem>>) dst(%dma_wait3A_44 : memref<128x128xf32, #tpu.memory_space<vmem_shared>>)
        tpu.yield
      }) : () -> ()
    }
    %scan3A_17 = arith.constant 5 : i32
    %barrier3A = arith.constant 0 : index
    tpu.barrier barrier_id(%barrier3A)
    %scan3A_18 = arith.constant 0 : i32
    %scan3A_19 = arith.constant 16 : i32
    %scan3A_20 = arith.addi %scan3A_18, %scan3A_19 : i32
    %scan3A_21 = arith.constant 1 : i32
    scf.for %scan3A_29 = %scan3A_18 to %scan3A_20 step %scan3A_21  : i32 {
      %mul3A_30 = arith.constant 8 : i32
      %mul3A_31 = arith.muli %scan3A_29, %mul3A_30 : i32
      %add3A_32 = arith.constant 0 : i32
      %add3A_33 = arith.addi %add3A_32, %mul3A_31 : i32
      %add3A_34 = arith.constant 0 : i32
      %add3A_35 = arith.addi %add3A_33, %add3A_34 : i32
      %dma_start3A = arith.constant 0 : i32
      %dma_start3A_36 = tpu.memref_slice %arg4[%add3A_35, %dma_start3A] : memref<128x80xi32, #tpu.memory_space<vmem>> -> memref<1x80xi32, #tpu.memory_space<vmem>>
      %dma_start3A_37 = tpu.memref_squeeze %dma_start3A_36 : memref<1x80xi32, #tpu.memory_space<vmem>> -> memref<80xi32, #tpu.memory_space<vmem>>
      %dma_start3A_38 = arith.constant 0 : i32
      %dma_start3A_39 = arith.constant 0 : i32
      %dma_start3A_40 = tpu.memref_slice %arg7[%dma_start3A_38, %dma_start3A_39] : memref<10320x128xf32, #tpu.memory_space<vmem_shared>> -> memref<10320x128xf32, #tpu.memory_space<vmem_shared>>
      tpu.enqueue_indirect_dma source(%arg5 : memref<80x128xf32, #tpu.memory_space<vmem>>) target(%dma_start3A_40 : memref<10320x128xf32, #tpu.memory_space<vmem_shared>>) offsets(%dma_start3A_37 : memref<80xi32, #tpu.memory_space<vmem>>) semaphore(%arg8 : memref<!tpu.dma_semaphore, #tpu.memory_space<semaphore_mem>>) {add = true}
      %add3A_41 = arith.constant 1 : i32
      %add3A_42 = arith.addi %add3A_33, %add3A_41 : i32
      %dma_start3A_43 = arith.constant 0 : i32
      %dma_start3A_44 = tpu.memref_slice %arg4[%add3A_42, %dma_start3A_43] : memref<128x80xi32, #tpu.memory_space<vmem>> -> memref<1x80xi32, #tpu.memory_space<vmem>>
      %dma_start3A_45 = tpu.memref_squeeze %dma_start3A_44 : memref<1x80xi32, #tpu.memory_space<vmem>> -> memref<80xi32, #tpu.memory_space<vmem>>
      %dma_start3A_46 = arith.constant 0 : i32
      %dma_start3A_47 = arith.constant 0 : i32
      %dma_start3A_48 = tpu.memref_slice %arg7[%dma_start3A_46, %dma_start3A_47] : memref<10320x128xf32, #tpu.memory_space<vmem_shared>> -> memref<10320x128xf32, #tpu.memory_space<vmem_shared>>
      tpu.enqueue_indirect_dma source(%arg5 : memref<80x128xf32, #tpu.memory_space<vmem>>) target(%dma_start3A_48 : memref<10320x128xf32, #tpu.memory_space<vmem_shared>>) offsets(%dma_start3A_45 : memref<80xi32, #tpu.memory_space<vmem>>) semaphore(%arg8 : memref<!tpu.dma_semaphore, #tpu.memory_space<semaphore_mem>>) {add = true}
      %add3A_49 = arith.constant 2 : i32
      %add3A_50 = arith.addi %add3A_33, %add3A_49 : i32
      %dma_start3A_51 = arith.constant 0 : i32
      %dma_start3A_52 = tpu.memref_slice %arg4[%add3A_50, %dma_start3A_51] : memref<128x80xi32, #tpu.memory_space<vmem>> -> memref<1x80xi32, #tpu.memory_space<vmem>>
      %dma_start3A_53 = tpu.memref_squeeze %dma_start3A_52 : memref<1x80xi32, #tpu.memory_space<vmem>> -> memref<80xi32, #tpu.memory_space<vmem>>
      %dma_start3A_54 = arith.constant 0 : i32
      %dma_start3A_55 = arith.constant 0 : i32
      %dma_start3A_56 = tpu.memref_slice %arg7[%dma_start3A_54, %dma_start3A_55] : memref<10320x128xf32, #tpu.memory_space<vmem_shared>> -> memref<10320x128xf32, #tpu.memory_space<vmem_shared>>
      tpu.enqueue_indirect_dma source(%arg5 : memref<80x128xf32, #tpu.memory_space<vmem>>) target(%dma_start3A_56 : memref<10320x128xf32, #tpu.memory_space<vmem_shared>>) offsets(%dma_start3A_53 : memref<80xi32, #tpu.memory_space<vmem>>) semaphore(%arg8 : memref<!tpu.dma_semaphore, #tpu.memory_space<semaphore_mem>>) {add = true}
      %add3A_57 = arith.constant 3 : i32
      %add3A_58 = arith.addi %add3A_33, %add3A_57 : i32
      %dma_start3A_59 = arith.constant 0 : i32
      %dma_start3A_60 = tpu.memref_slice %arg4[%add3A_58, %dma_start3A_59] : memref<128x80xi32, #tpu.memory_space<vmem>> -> memref<1x80xi32, #tpu.memory_space<vmem>>
      %dma_start3A_61 = tpu.memref_squeeze %dma_start3A_60 : memref<1x80xi32, #tpu.memory_space<vmem>> -> memref<80xi32, #tpu.memory_space<vmem>>
      %dma_start3A_62 = arith.constant 0 : i32
      %dma_start3A_63 = arith.constant 0 : i32
      %dma_start3A_64 = tpu.memref_slice %arg7[%dma_start3A_62, %dma_start3A_63] : memref<10320x128xf32, #tpu.memory_space<vmem_shared>> -> memref<10320x128xf32, #tpu.memory_space<vmem_shared>>
      tpu.enqueue_indirect_dma source(%arg5 : memref<80x128xf32, #tpu.memory_space<vmem>>) target(%dma_start3A_64 : memref<10320x128xf32, #tpu.memory_space<vmem_shared>>) offsets(%dma_start3A_61 : memref<80xi32, #tpu.memory_space<vmem>>) semaphore(%arg8 : memref<!tpu.dma_semaphore, #tpu.memory_space<semaphore_mem>>) {add = true}
      %add3A_65 = arith.constant 4 : i32
      %add3A_66 = arith.addi %add3A_33, %add3A_65 : i32
      %dma_start3A_67 = arith.constant 0 : i32
      %dma_start3A_68 = tpu.memref_slice %arg4[%add3A_66, %dma_start3A_67] : memref<128x80xi32, #tpu.memory_space<vmem>> -> memref<1x80xi32, #tpu.memory_space<vmem>>
      %dma_start3A_69 = tpu.memref_squeeze %dma_start3A_68 : memref<1x80xi32, #tpu.memory_space<vmem>> -> memref<80xi32, #tpu.memory_space<vmem>>
      %dma_start3A_70 = arith.constant 0 : i32
      %dma_start3A_71 = arith.constant 0 : i32
      %dma_start3A_72 = tpu.memref_slice %arg7[%dma_start3A_70, %dma_start3A_71] : memref<10320x128xf32, #tpu.memory_space<vmem_shared>> -> memref<10320x128xf32, #tpu.memory_space<vmem_shared>>
      tpu.enqueue_indirect_dma source(%arg5 : memref<80x128xf32, #tpu.memory_space<vmem>>) target(%dma_start3A_72 : memref<10320x128xf32, #tpu.memory_space<vmem_shared>>) offsets(%dma_start3A_69 : memref<80xi32, #tpu.memory_space<vmem>>) semaphore(%arg8 : memref<!tpu.dma_semaphore, #tpu.memory_space<semaphore_mem>>) {add = true}
      %add3A_73 = arith.constant 5 : i32
      %add3A_74 = arith.addi %add3A_33, %add3A_73 : i32
      %dma_start3A_75 = arith.constant 0 : i32
      %dma_start3A_76 = tpu.memref_slice %arg4[%add3A_74, %dma_start3A_75] : memref<128x80xi32, #tpu.memory_space<vmem>> -> memref<1x80xi32, #tpu.memory_space<vmem>>
      %dma_start3A_77 = tpu.memref_squeeze %dma_start3A_76 : memref<1x80xi32, #tpu.memory_space<vmem>> -> memref<80xi32, #tpu.memory_space<vmem>>
      %dma_start3A_78 = arith.constant 0 : i32
      %dma_start3A_79 = arith.constant 0 : i32
      %dma_start3A_80 = tpu.memref_slice %arg7[%dma_start3A_78, %dma_start3A_79] : memref<10320x128xf32, #tpu.memory_space<vmem_shared>> -> memref<10320x128xf32, #tpu.memory_space<vmem_shared>>
      tpu.enqueue_indirect_dma source(%arg5 : memref<80x128xf32, #tpu.memory_space<vmem>>) target(%dma_start3A_80 : memref<10320x128xf32, #tpu.memory_space<vmem_shared>>) offsets(%dma_start3A_77 : memref<80xi32, #tpu.memory_space<vmem>>) semaphore(%arg8 : memref<!tpu.dma_semaphore, #tpu.memory_space<semaphore_mem>>) {add = true}
      %add3A_81 = arith.constant 6 : i32
      %add3A_82 = arith.addi %add3A_33, %add3A_81 : i32
      %dma_start3A_83 = arith.constant 0 : i32
      %dma_start3A_84 = tpu.memref_slice %arg4[%add3A_82, %dma_start3A_83] : memref<128x80xi32, #tpu.memory_space<vmem>> -> memref<1x80xi32, #tpu.memory_space<vmem>>
      %dma_start3A_85 = tpu.memref_squeeze %dma_start3A_84 : memref<1x80xi32, #tpu.memory_space<vmem>> -> memref<80xi32, #tpu.memory_space<vmem>>
      %dma_start3A_86 = arith.constant 0 : i32
      %dma_start3A_87 = arith.constant 0 : i32
      %dma_start3A_88 = tpu.memref_slice %arg7[%dma_start3A_86, %dma_start3A_87] : memref<10320x128xf32, #tpu.memory_space<vmem_shared>> -> memref<10320x128xf32, #tpu.memory_space<vmem_shared>>
      tpu.enqueue_indirect_dma source(%arg5 : memref<80x128xf32, #tpu.memory_space<vmem>>) target(%dma_start3A_88 : memref<10320x128xf32, #tpu.memory_space<vmem_shared>>) offsets(%dma_start3A_85 : memref<80xi32, #tpu.memory_space<vmem>>) semaphore(%arg8 : memref<!tpu.dma_semaphore, #tpu.memory_space<semaphore_mem>>) {add = true}
      %add3A_89 = arith.constant 7 : i32
      %add3A_90 = arith.addi %add3A_33, %add3A_89 : i32
      %dma_start3A_91 = arith.constant 0 : i32
      %dma_start3A_92 = tpu.memref_slice %arg4[%add3A_90, %dma_start3A_91] : memref<128x80xi32, #tpu.memory_space<vmem>> -> memref<1x80xi32, #tpu.memory_space<vmem>>
      %dma_start3A_93 = tpu.memref_squeeze %dma_start3A_92 : memref<1x80xi32, #tpu.memory_space<vmem>> -> memref<80xi32, #tpu.memory_space<vmem>>
      %dma_start3A_94 = arith.constant 0 : i32
      %dma_start3A_95 = arith.constant 0 : i32
      %dma_start3A_96 = tpu.memref_slice %arg7[%dma_start3A_94, %dma_start3A_95] : memref<10320x128xf32, #tpu.memory_space<vmem_shared>> -> memref<10320x128xf32, #tpu.memory_space<vmem_shared>>
      tpu.enqueue_indirect_dma source(%arg5 : memref<80x128xf32, #tpu.memory_space<vmem>>) target(%dma_start3A_96 : memref<10320x128xf32, #tpu.memory_space<vmem_shared>>) offsets(%dma_start3A_93 : memref<80xi32, #tpu.memory_space<vmem>>) semaphore(%arg8 : memref<!tpu.dma_semaphore, #tpu.memory_space<semaphore_mem>>) {add = true}
      %dma_wait3A = arith.constant 0 : i32
      %dma_wait3A_97 = tpu.memref_slice %arg4[%add3A_35, %dma_wait3A] : memref<128x80xi32, #tpu.memory_space<vmem>> -> memref<1x80xi32, #tpu.memory_space<vmem>>
      %dma_wait3A_98 = tpu.memref_squeeze %dma_wait3A_97 : memref<1x80xi32, #tpu.memory_space<vmem>> -> memref<80xi32, #tpu.memory_space<vmem>>
      %dma_wait3A_99 = arith.constant 0 : i32
      %dma_wait3A_100 = arith.constant 0 : i32
      %dma_wait3A_101 = tpu.memref_slice %arg7[%dma_wait3A_99, %dma_wait3A_100] : memref<10320x128xf32, #tpu.memory_space<vmem_shared>> -> memref<10320x128xf32, #tpu.memory_space<vmem_shared>>
      tpu.wait_indirect_dma semaphore(%arg8 : memref<!tpu.dma_semaphore, #tpu.memory_space<semaphore_mem>>) src(%arg5 : memref<80x128xf32, #tpu.memory_space<vmem>>) dst(%dma_wait3A_101 : memref<10320x128xf32, #tpu.memory_space<vmem_shared>>)
      %dma_wait3A_102 = arith.constant 0 : i32
      %dma_wait3A_103 = tpu.memref_slice %arg4[%add3A_42, %dma_wait3A_102] : memref<128x80xi32, #tpu.memory_space<vmem>> -> memref<1x80xi32, #tpu.memory_space<vmem>>
      %dma_wait3A_104 = tpu.memref_squeeze %dma_wait3A_103 : memref<1x80xi32, #tpu.memory_space<vmem>> -> memref<80xi32, #tpu.memory_space<vmem>>
      %dma_wait3A_105 = arith.constant 0 : i32
      %dma_wait3A_106 = arith.constant 0 : i32
      %dma_wait3A_107 = tpu.memref_slice %arg7[%dma_wait3A_105, %dma_wait3A_106] : memref<10320x128xf32, #tpu.memory_space<vmem_shared>> -> memref<10320x128xf32, #tpu.memory_space<vmem_shared>>
      tpu.wait_indirect_dma semaphore(%arg8 : memref<!tpu.dma_semaphore, #tpu.memory_space<semaphore_mem>>) src(%arg5 : memref<80x128xf32, #tpu.memory_space<vmem>>) dst(%dma_wait3A_107 : memref<10320x128xf32, #tpu.memory_space<vmem_shared>>)
      %dma_wait3A_108 = arith.constant 0 : i32
      %dma_wait3A_109 = tpu.memref_slice %arg4[%add3A_50, %dma_wait3A_108] : memref<128x80xi32, #tpu.memory_space<vmem>> -> memref<1x80xi32, #tpu.memory_space<vmem>>
      %dma_wait3A_110 = tpu.memref_squeeze %dma_wait3A_109 : memref<1x80xi32, #tpu.memory_space<vmem>> -> memref<80xi32, #tpu.memory_space<vmem>>
      %dma_wait3A_111 = arith.constant 0 : i32
      %dma_wait3A_112 = arith.constant 0 : i32
      %dma_wait3A_113 = tpu.memref_slice %arg7[%dma_wait3A_111, %dma_wait3A_112] : memref<10320x128xf32, #tpu.memory_space<vmem_shared>> -> memref<10320x128xf32, #tpu.memory_space<vmem_shared>>
      tpu.wait_indirect_dma semaphore(%arg8 : memref<!tpu.dma_semaphore, #tpu.memory_space<semaphore_mem>>) src(%arg5 : memref<80x128xf32, #tpu.memory_space<vmem>>) dst(%dma_wait3A_113 : memref<10320x128xf32, #tpu.memory_space<vmem_shared>>)
      %dma_wait3A_114 = arith.constant 0 : i32
      %dma_wait3A_115 = tpu.memref_slice %arg4[%add3A_58, %dma_wait3A_114] : memref<128x80xi32, #tpu.memory_space<vmem>> -> memref<1x80xi32, #tpu.memory_space<vmem>>
      %dma_wait3A_116 = tpu.memref_squeeze %dma_wait3A_115 : memref<1x80xi32, #tpu.memory_space<vmem>> -> memref<80xi32, #tpu.memory_space<vmem>>
      %dma_wait3A_117 = arith.constant 0 : i32
      %dma_wait3A_118 = arith.constant 0 : i32
      %dma_wait3A_119 = tpu.memref_slice %arg7[%dma_wait3A_117, %dma_wait3A_118] : memref<10320x128xf32, #tpu.memory_space<vmem_shared>> -> memref<10320x128xf32, #tpu.memory_space<vmem_shared>>
      tpu.wait_indirect_dma semaphore(%arg8 : memref<!tpu.dma_semaphore, #tpu.memory_space<semaphore_mem>>) src(%arg5 : memref<80x128xf32, #tpu.memory_space<vmem>>) dst(%dma_wait3A_119 : memref<10320x128xf32, #tpu.memory_space<vmem_shared>>)
      %dma_wait3A_120 = arith.constant 0 : i32
      %dma_wait3A_121 = tpu.memref_slice %arg4[%add3A_66, %dma_wait3A_120] : memref<128x80xi32, #tpu.memory_space<vmem>> -> memref<1x80xi32, #tpu.memory_space<vmem>>
      %dma_wait3A_122 = tpu.memref_squeeze %dma_wait3A_121 : memref<1x80xi32, #tpu.memory_space<vmem>> -> memref<80xi32, #tpu.memory_space<vmem>>
      %dma_wait3A_123 = arith.constant 0 : i32
      %dma_wait3A_124 = arith.constant 0 : i32
      %dma_wait3A_125 = tpu.memref_slice %arg7[%dma_wait3A_123, %dma_wait3A_124] : memref<10320x128xf32, #tpu.memory_space<vmem_shared>> -> memref<10320x128xf32, #tpu.memory_space<vmem_shared>>
      tpu.wait_indirect_dma semaphore(%arg8 : memref<!tpu.dma_semaphore, #tpu.memory_space<semaphore_mem>>) src(%arg5 : memref<80x128xf32, #tpu.memory_space<vmem>>) dst(%dma_wait3A_125 : memref<10320x128xf32, #tpu.memory_space<vmem_shared>>)
      %dma_wait3A_126 = arith.constant 0 : i32
      %dma_wait3A_127 = tpu.memref_slice %arg4[%add3A_74, %dma_wait3A_126] : memref<128x80xi32, #tpu.memory_space<vmem>> -> memref<1x80xi32, #tpu.memory_space<vmem>>
      %dma_wait3A_128 = tpu.memref_squeeze %dma_wait3A_127 : memref<1x80xi32, #tpu.memory_space<vmem>> -> memref<80xi32, #tpu.memory_space<vmem>>
      %dma_wait3A_129 = arith.constant 0 : i32
      %dma_wait3A_130 = arith.constant 0 : i32
      %dma_wait3A_131 = tpu.memref_slice %arg7[%dma_wait3A_129, %dma_wait3A_130] : memref<10320x128xf32, #tpu.memory_space<vmem_shared>> -> memref<10320x128xf32, #tpu.memory_space<vmem_shared>>
      tpu.wait_indirect_dma semaphore(%arg8 : memref<!tpu.dma_semaphore, #tpu.memory_space<semaphore_mem>>) src(%arg5 : memref<80x128xf32, #tpu.memory_space<vmem>>) dst(%dma_wait3A_131 : memref<10320x128xf32, #tpu.memory_space<vmem_shared>>)
      %dma_wait3A_132 = arith.constant 0 : i32
      %dma_wait3A_133 = tpu.memref_slice %arg4[%add3A_82, %dma_wait3A_132] : memref<128x80xi32, #tpu.memory_space<vmem>> -> memref<1x80xi32, #tpu.memory_space<vmem>>
      %dma_wait3A_134 = tpu.memref_squeeze %dma_wait3A_133 : memref<1x80xi32, #tpu.memory_space<vmem>> -> memref<80xi32, #tpu.memory_space<vmem>>
      %dma_wait3A_135 = arith.constant 0 : i32
      %dma_wait3A_136 = arith.constant 0 : i32
      %dma_wait3A_137 = tpu.memref_slice %arg7[%dma_wait3A_135, %dma_wait3A_136] : memref<10320x128xf32, #tpu.memory_space<vmem_shared>> -> memref<10320x128xf32, #tpu.memory_space<vmem_shared>>
      tpu.wait_indirect_dma semaphore(%arg8 : memref<!tpu.dma_semaphore, #tpu.memory_space<semaphore_mem>>) src(%arg5 : memref<80x128xf32, #tpu.memory_space<vmem>>) dst(%dma_wait3A_137 : memref<10320x128xf32, #tpu.memory_space<vmem_shared>>)
      %dma_wait3A_138 = arith.constant 0 : i32
      %dma_wait3A_139 = tpu.memref_slice %arg4[%add3A_90, %dma_wait3A_138] : memref<128x80xi32, #tpu.memory_space<vmem>> -> memref<1x80xi32, #tpu.memory_space<vmem>>
      %dma_wait3A_140 = tpu.memref_squeeze %dma_wait3A_139 : memref<1x80xi32, #tpu.memory_space<vmem>> -> memref<80xi32, #tpu.memory_space<vmem>>
      %dma_wait3A_141 = arith.constant 0 : i32
      %dma_wait3A_142 = arith.constant 0 : i32
      %dma_wait3A_143 = tpu.memref_slice %arg7[%dma_wait3A_141, %dma_wait3A_142] : memref<10320x128xf32, #tpu.memory_space<vmem_shared>> -> memref<10320x128xf32, #tpu.memory_space<vmem_shared>>
      tpu.wait_indirect_dma semaphore(%arg8 : memref<!tpu.dma_semaphore, #tpu.memory_space<semaphore_mem>>) src(%arg5 : memref<80x128xf32, #tpu.memory_space<vmem>>) dst(%dma_wait3A_143 : memref<10320x128xf32, #tpu.memory_space<vmem_shared>>)
    }
    %scan3A_22 = arith.constant 16 : i32
    %barrier3A_23 = arith.constant 0 : index
    tpu.barrier barrier_id(%barrier3A_23)
    %mul3A_24 = arith.constant 640 : i32
    %mul3A_25 = arith.muli %arg1, %mul3A_24 : i32
    %mul3A_26 = arith.constant 10240 : i32
    %mul3A_27 = arith.muli %arg0, %mul3A_26 : i32
    %add3A_28 = arith.addi %mul3A_27, %mul3A_25 : i32
    "tpu.region"() ({
      %run_scoped3A = tpu.sem_alloc : memref<!tpu.dma_semaphore, #tpu.memory_space<semaphore_mem>>
      %dma_start3A = arith.constant 0 : i32
      %dma_start3A_29 = tpu.memref_slice %arg3[%add3A_28, %dma_start3A] : memref<20480x128xf32, #tpu.memory_space<hbm>> -> memref<640x128xf32, #tpu.memory_space<hbm>>
      %dma_start3A_30 = arith.constant 0 : i32
      %dma_start3A_31 = tpu.memref_slice %arg7[%mul3A_25, %dma_start3A_30] : memref<10320x128xf32, #tpu.memory_space<vmem_shared>> -> memref<640x128xf32, #tpu.memory_space<vmem_shared>>
      tpu.enqueue_dma source(%dma_start3A_31 : memref<640x128xf32, #tpu.memory_space<vmem_shared>>) target(%dma_start3A_29 : memref<640x128xf32, #tpu.memory_space<hbm>>) target_semaphore(%run_scoped3A : memref<!tpu.dma_semaphore, #tpu.memory_space<semaphore_mem>>)
      %dma_wait3A = arith.constant 0 : i32
      %dma_wait3A_32 = tpu.memref_slice %arg3[%add3A_28, %dma_wait3A] : memref<20480x128xf32, #tpu.memory_space<hbm>> -> memref<640x128xf32, #tpu.memory_space<hbm>>
      %dma_wait3A_33 = arith.constant 0 : i32
      %dma_wait3A_34 = tpu.memref_slice %arg7[%mul3A_25, %dma_wait3A_33] : memref<10320x128xf32, #tpu.memory_space<vmem_shared>> -> memref<640x128xf32, #tpu.memory_space<vmem_shared>>
      tpu.wait_dma2 semaphore(%run_scoped3A : memref<!tpu.dma_semaphore, #tpu.memory_space<semaphore_mem>>) src(%dma_wait3A_34 : memref<640x128xf32, #tpu.memory_space<vmem_shared>>) dst(%dma_wait3A_32 : memref<640x128xf32, #tpu.memory_space<hbm>>)
      tpu.yield
    }) : () -> ()
    return
  }
}

#map = affine_map<(d0, d1) -> (0, 0)>
module attributes {stable_mosaic.version = 14 : i64} {
  func.func @k(%arg0: i32, %arg1: i32, %arg2: memref<10000x128xf32, #tpu.memory_space<hbm>>, %arg3: memref<8192x80xi32, #tpu.memory_space<hbm>>, %arg4: memref<20480x128xf32, #tpu.memory_space<hbm>>, %arg5: memref<32x80xi32, #tpu.memory_space<vmem>>, %arg6: memref<80x128xf32, #tpu.memory_space<vmem>>, %arg7: memref<80x128xf32, #tpu.memory_space<vmem>>, %arg8: memref<80x128xf32, #tpu.memory_space<vmem>>, %arg9: memref<80x128xf32, #tpu.memory_space<vmem>>, %arg10: memref<10320x128xf32, #tpu.memory_space<vmem_shared>>, %arg11: memref<!tpu.dma_semaphore, #tpu.memory_space<semaphore_mem>>, %arg12: memref<!tpu.dma_semaphore, #tpu.memory_space<semaphore_mem>>, %arg13: memref<!tpu.dma_semaphore, #tpu.memory_space<semaphore_mem>>, %arg14: memref<!tpu.dma_semaphore, #tpu.memory_space<semaphore_mem>>, %arg15: memref<!tpu.dma_semaphore, #tpu.memory_space<semaphore_mem>>, %arg16: memref<!tpu.dma_semaphore, #tpu.memory_space<semaphore_mem>>, %arg17: memref<!tpu.dma_semaphore, #tpu.memory_space<semaphore_mem>>, %arg18: memref<!tpu.dma_semaphore, #tpu.memory_space<semaphore_mem>>, %arg19: memref<!tpu.dma_semaphore, #tpu.memory_space<semaphore_mem>>) attributes {dimension_semantics = [#tpu.dimension_semantics<core_parallel>, #tpu.dimension_semantics<subcore_parallel>], iteration_bounds = array<i64: 2, 16>, scalar_prefetch = 0 : i64, scratch_operands = 15 : i64, tpu.core_type = #tpu.core_type<sc_vector_subcore>, window_params = [{transform_indices = #map}, {transform_indices = #map}, {transform_indices = #map}]} {
    %mul3A = arith.constant 16 : i32
    %mul3A_0 = arith.muli %arg0, %mul3A : i32
    %add3A = arith.addi %mul3A_0, %arg1 : i32
    %broadcast_in_dim3A = arith.constant 0.000000e+00 : f32
    %broadcast_in_dim3A_1 = vector.broadcast %broadcast_in_dim3A : f32 to vector<16xf32>
    %scan3A = arith.constant 0 : i32
    %scan3A_2 = arith.constant 80 : i32
    %scan3A_3 = arith.addi %scan3A, %scan3A_2 : i32
    %scan3A_4 = arith.constant 1 : i32
    scf.for %scan3A_111 = %scan3A to %scan3A_3 step %scan3A_4  : i32 {
      %mul3A_112 = arith.constant 1 : i32
      %mul3A_113 = arith.muli %scan3A_111, %mul3A_112 : i32
      %add3A_114 = arith.constant 0 : i32
      %add3A_115 = arith.addi %add3A_114, %mul3A_113 : i32
      %scan3A_116 = arith.constant 0 : i32
      %scan3A_117 = arith.constant 8 : i32
      %scan3A_118 = arith.addi %scan3A_116, %scan3A_117 : i32
      %scan3A_119 = arith.constant 1 : i32
      scf.for %scan3A_121 = %scan3A_116 to %scan3A_118 step %scan3A_119  : i32 {
        %mul3A_122 = arith.constant 16 : i32
        %mul3A_123 = arith.muli %scan3A_121, %mul3A_122 : i32
        %add3A_124 = arith.constant 0 : i32
        %add3A_125 = arith.addi %add3A_124, %mul3A_123 : i32
        %swap3A = arith.index_cast %add3A_115 : i32 to index
        %swap3A_126 = arith.index_cast %add3A_125 : i32 to index
        %swap3A_127 = tpu.vector_load %arg6[%swap3A, %swap3A_126] {strides = array<i32>} : memref<80x128xf32, #tpu.memory_space<vmem>>, vector<1x16xf32>,
        %swap3A_128 = vector.shape_cast %swap3A_127 : vector<1x16xf32> to vector<16xf32>
        %swap3A_129 = vector.shape_cast %broadcast_in_dim3A_1 : vector<16xf32> to vector<1x16xf32>
        tpu.vector_store %arg6[%swap3A, %swap3A_126], %swap3A_129 {strides = array<i32>} : memref<80x128xf32, #tpu.memory_space<vmem>>, vector<1x16xf32>,
      }
      %scan3A_120 = arith.constant 8 : i32
    }
    %scan3A_5 = arith.constant 80 : i32
    %mul3A_6 = arith.constant 640 : i32
    %mul3A_7 = arith.muli %arg1, %mul3A_6 : i32
    %add3A_8 = arith.constant 0 : i32
    %add3A_9 = arith.addi %mul3A_7, %add3A_8 : i32
    %dma_start3A = arith.constant 0 : i32
    %dma_start3A_10 = tpu.memref_slice %arg10[%add3A_9, %dma_start3A] : memref<10320x128xf32, #tpu.memory_space<vmem_shared>> -> memref<80x128xf32, #tpu.memory_space<vmem_shared>>
    %dma_start3A_11 = arith.constant 0 : i32
    %dma_start3A_12 = tpu.memref_slice %arg10[%add3A_9, %dma_start3A_11] : memref<10320x128xf32, #tpu.memory_space<vmem_shared>> -> memref<80x128xf32, #tpu.memory_space<vmem_shared>>
    tpu.enqueue_dma source(%arg6 : memref<80x128xf32, #tpu.memory_space<vmem>>) target(%dma_start3A_12 : memref<80x128xf32, #tpu.memory_space<vmem_shared>>) target_semaphore(%arg11 : memref<!tpu.dma_semaphore, #tpu.memory_space<semaphore_mem>>)
    %mul3A_13 = arith.constant 640 : i32
    %mul3A_14 = arith.muli %arg1, %mul3A_13 : i32
    %add3A_15 = arith.constant 80 : i32
    %add3A_16 = arith.addi %mul3A_14, %add3A_15 : i32
    %dma_start3A_17 = arith.constant 0 : i32
    %dma_start3A_18 = tpu.memref_slice %arg10[%add3A_16, %dma_start3A_17] : memref<10320x128xf32, #tpu.memory_space<vmem_shared>> -> memref<80x128xf32, #tpu.memory_space<vmem_shared>>
    %dma_start3A_19 = arith.constant 0 : i32
    %dma_start3A_20 = tpu.memref_slice %arg10[%add3A_16, %dma_start3A_19] : memref<10320x128xf32, #tpu.memory_space<vmem_shared>> -> memref<80x128xf32, #tpu.memory_space<vmem_shared>>
    tpu.enqueue_dma source(%arg6 : memref<80x128xf32, #tpu.memory_space<vmem>>) target(%dma_start3A_20 : memref<80x128xf32, #tpu.memory_space<vmem_shared>>) target_semaphore(%arg11 : memref<!tpu.dma_semaphore, #tpu.memory_space<semaphore_mem>>)
    %mul3A_21 = arith.constant 640 : i32
    %mul3A_22 = arith.muli %arg1, %mul3A_21 : i32
    %add3A_23 = arith.constant 160 : i32
    %add3A_24 = arith.addi %mul3A_22, %add3A_23 : i32
    %dma_start3A_25 = arith.constant 0 : i32
    %dma_start3A_26 = tpu.memref_slice %arg10[%add3A_24, %dma_start3A_25] : memref<10320x128xf32, #tpu.memory_space<vmem_shared>> -> memref<80x128xf32, #tpu.memory_space<vmem_shared>>
    %dma_start3A_27 = arith.constant 0 : i32
    %dma_start3A_28 = tpu.memref_slice %arg10[%add3A_24, %dma_start3A_27] : memref<10320x128xf32, #tpu.memory_space<vmem_shared>> -> memref<80x128xf32, #tpu.memory_space<vmem_shared>>
    tpu.enqueue_dma source(%arg6 : memref<80x128xf32, #tpu.memory_space<vmem>>) target(%dma_start3A_28 : memref<80x128xf32, #tpu.memory_space<vmem_shared>>) target_semaphore(%arg11 : memref<!tpu.dma_semaphore, #tpu.memory_space<semaphore_mem>>)
    %mul3A_29 = arith.constant 640 : i32
    %mul3A_30 = arith.muli %arg1, %mul3A_29 : i32
    %add3A_31 = arith.constant 240 : i32
    %add3A_32 = arith.addi %mul3A_30, %add3A_31 : i32
    %dma_start3A_33 = arith.constant 0 : i32
    %dma_start3A_34 = tpu.memref_slice %arg10[%add3A_32, %dma_start3A_33] : memref<10320x128xf32, #tpu.memory_space<vmem_shared>> -> memref<80x128xf32, #tpu.memory_space<vmem_shared>>
    %dma_start3A_35 = arith.constant 0 : i32
    %dma_start3A_36 = tpu.memref_slice %arg10[%add3A_32, %dma_start3A_35] : memref<10320x128xf32, #tpu.memory_space<vmem_shared>> -> memref<80x128xf32, #tpu.memory_space<vmem_shared>>
    tpu.enqueue_dma source(%arg6 : memref<80x128xf32, #tpu.memory_space<vmem>>) target(%dma_start3A_36 : memref<80x128xf32, #tpu.memory_space<vmem_shared>>) target_semaphore(%arg11 : memref<!tpu.dma_semaphore, #tpu.memory_space<semaphore_mem>>)
    %mul3A_37 = arith.constant 640 : i32
    %mul3A_38 = arith.muli %arg1, %mul3A_37 : i32
    %add3A_39 = arith.constant 320 : i32
    %add3A_40 = arith.addi %mul3A_38, %add3A_39 : i32
    %dma_start3A_41 = arith.constant 0 : i32
    %dma_start3A_42 = tpu.memref_slice %arg10[%add3A_40, %dma_start3A_41] : memref<10320x128xf32, #tpu.memory_space<vmem_shared>> -> memref<80x128xf32, #tpu.memory_space<vmem_shared>>
    %dma_start3A_43 = arith.constant 0 : i32
    %dma_start3A_44 = tpu.memref_slice %arg10[%add3A_40, %dma_start3A_43] : memref<10320x128xf32, #tpu.memory_space<vmem_shared>> -> memref<80x128xf32, #tpu.memory_space<vmem_shared>>
    tpu.enqueue_dma source(%arg6 : memref<80x128xf32, #tpu.memory_space<vmem>>) target(%dma_start3A_44 : memref<80x128xf32, #tpu.memory_space<vmem_shared>>) target_semaphore(%arg11 : memref<!tpu.dma_semaphore, #tpu.memory_space<semaphore_mem>>)
    %mul3A_45 = arith.constant 640 : i32
    %mul3A_46 = arith.muli %arg1, %mul3A_45 : i32
    %add3A_47 = arith.constant 400 : i32
    %add3A_48 = arith.addi %mul3A_46, %add3A_47 : i32
    %dma_start3A_49 = arith.constant 0 : i32
    %dma_start3A_50 = tpu.memref_slice %arg10[%add3A_48, %dma_start3A_49] : memref<10320x128xf32, #tpu.memory_space<vmem_shared>> -> memref<80x128xf32, #tpu.memory_space<vmem_shared>>
    %dma_start3A_51 = arith.constant 0 : i32
    %dma_start3A_52 = tpu.memref_slice %arg10[%add3A_48, %dma_start3A_51] : memref<10320x128xf32, #tpu.memory_space<vmem_shared>> -> memref<80x128xf32, #tpu.memory_space<vmem_shared>>
    tpu.enqueue_dma source(%arg6 : memref<80x128xf32, #tpu.memory_space<vmem>>) target(%dma_start3A_52 : memref<80x128xf32, #tpu.memory_space<vmem_shared>>) target_semaphore(%arg11 : memref<!tpu.dma_semaphore, #tpu.memory_space<semaphore_mem>>)
    %mul3A_53 = arith.constant 640 : i32
    %mul3A_54 = arith.muli %arg1, %mul3A_53 : i32
    %add3A_55 = arith.constant 480 : i32
    %add3A_56 = arith.addi %mul3A_54, %add3A_55 : i32
    %dma_start3A_57 = arith.constant 0 : i32
    %dma_start3A_58 = tpu.memref_slice %arg10[%add3A_56, %dma_start3A_57] : memref<10320x128xf32, #tpu.memory_space<vmem_shared>> -> memref<80x128xf32, #tpu.memory_space<vmem_shared>>
    %dma_start3A_59 = arith.constant 0 : i32
    %dma_start3A_60 = tpu.memref_slice %arg10[%add3A_56, %dma_start3A_59] : memref<10320x128xf32, #tpu.memory_space<vmem_shared>> -> memref<80x128xf32, #tpu.memory_space<vmem_shared>>
    tpu.enqueue_dma source(%arg6 : memref<80x128xf32, #tpu.memory_space<vmem>>) target(%dma_start3A_60 : memref<80x128xf32, #tpu.memory_space<vmem_shared>>) target_semaphore(%arg11 : memref<!tpu.dma_semaphore, #tpu.memory_space<semaphore_mem>>)
    %mul3A_61 = arith.constant 640 : i32
    %mul3A_62 = arith.muli %arg1, %mul3A_61 : i32
    %add3A_63 = arith.constant 560 : i32
    %add3A_64 = arith.addi %mul3A_62, %add3A_63 : i32
    %dma_start3A_65 = arith.constant 0 : i32
    %dma_start3A_66 = tpu.memref_slice %arg10[%add3A_64, %dma_start3A_65] : memref<10320x128xf32, #tpu.memory_space<vmem_shared>> -> memref<80x128xf32, #tpu.memory_space<vmem_shared>>
    %dma_start3A_67 = arith.constant 0 : i32
    %dma_start3A_68 = tpu.memref_slice %arg10[%add3A_64, %dma_start3A_67] : memref<10320x128xf32, #tpu.memory_space<vmem_shared>> -> memref<80x128xf32, #tpu.memory_space<vmem_shared>>
    tpu.enqueue_dma source(%arg6 : memref<80x128xf32, #tpu.memory_space<vmem>>) target(%dma_start3A_68 : memref<80x128xf32, #tpu.memory_space<vmem_shared>>) target_semaphore(%arg11 : memref<!tpu.dma_semaphore, #tpu.memory_space<semaphore_mem>>)
    %dma_wait3A = arith.constant 0 : i32
    %dma_wait3A_69 = tpu.memref_slice %arg10[%add3A_9, %dma_wait3A] : memref<10320x128xf32, #tpu.memory_space<vmem_shared>> -> memref<80x128xf32, #tpu.memory_space<vmem_shared>>
    %dma_wait3A_70 = arith.constant 0 : i32
    %dma_wait3A_71 = tpu.memref_slice %arg10[%add3A_9, %dma_wait3A_70] : memref<10320x128xf32, #tpu.memory_space<vmem_shared>> -> memref<80x128xf32, #tpu.memory_space<vmem_shared>>
    tpu.wait_dma2 semaphore(%arg11 : memref<!tpu.dma_semaphore, #tpu.memory_space<semaphore_mem>>) src(%arg6 : memref<80x128xf32, #tpu.memory_space<vmem>>) dst(%dma_wait3A_71 : memref<80x128xf32, #tpu.memory_space<vmem_shared>>)
    %dma_wait3A_72 = arith.constant 0 : i32
    %dma_wait3A_73 = tpu.memref_slice %arg10[%add3A_16, %dma_wait3A_72] : memref<10320x128xf32, #tpu.memory_space<vmem_shared>> -> memref<80x128xf32, #tpu.memory_space<vmem_shared>>
    %dma_wait3A_74 = arith.constant 0 : i32
    %dma_wait3A_75 = tpu.memref_slice %arg10[%add3A_16, %dma_wait3A_74] : memref<10320x128xf32, #tpu.memory_space<vmem_shared>> -> memref<80x128xf32, #tpu.memory_space<vmem_shared>>
    tpu.wait_dma2 semaphore(%arg11 : memref<!tpu.dma_semaphore, #tpu.memory_space<semaphore_mem>>) src(%arg6 : memref<80x128xf32, #tpu.memory_space<vmem>>) dst(%dma_wait3A_75 : memref<80x128xf32, #tpu.memory_space<vmem_shared>>)
    %dma_wait3A_76 = arith.constant 0 : i32
    %dma_wait3A_77 = tpu.memref_slice %arg10[%add3A_24, %dma_wait3A_76] : memref<10320x128xf32, #tpu.memory_space<vmem_shared>> -> memref<80x128xf32, #tpu.memory_space<vmem_shared>>
    %dma_wait3A_78 = arith.constant 0 : i32
    %dma_wait3A_79 = tpu.memref_slice %arg10[%add3A_24, %dma_wait3A_78] : memref<10320x128xf32, #tpu.memory_space<vmem_shared>> -> memref<80x128xf32, #tpu.memory_space<vmem_shared>>
    tpu.wait_dma2 semaphore(%arg11 : memref<!tpu.dma_semaphore, #tpu.memory_space<semaphore_mem>>) src(%arg6 : memref<80x128xf32, #tpu.memory_space<vmem>>) dst(%dma_wait3A_79 : memref<80x128xf32, #tpu.memory_space<vmem_shared>>)
    %dma_wait3A_80 = arith.constant 0 : i32
    %dma_wait3A_81 = tpu.memref_slice %arg10[%add3A_32, %dma_wait3A_80] : memref<10320x128xf32, #tpu.memory_space<vmem_shared>> -> memref<80x128xf32, #tpu.memory_space<vmem_shared>>
    %dma_wait3A_82 = arith.constant 0 : i32
    %dma_wait3A_83 = tpu.memref_slice %arg10[%add3A_32, %dma_wait3A_82] : memref<10320x128xf32, #tpu.memory_space<vmem_shared>> -> memref<80x128xf32, #tpu.memory_space<vmem_shared>>
    tpu.wait_dma2 semaphore(%arg11 : memref<!tpu.dma_semaphore, #tpu.memory_space<semaphore_mem>>) src(%arg6 : memref<80x128xf32, #tpu.memory_space<vmem>>) dst(%dma_wait3A_83 : memref<80x128xf32, #tpu.memory_space<vmem_shared>>)
    %dma_wait3A_84 = arith.constant 0 : i32
    %dma_wait3A_85 = tpu.memref_slice %arg10[%add3A_40, %dma_wait3A_84] : memref<10320x128xf32, #tpu.memory_space<vmem_shared>> -> memref<80x128xf32, #tpu.memory_space<vmem_shared>>
    %dma_wait3A_86 = arith.constant 0 : i32
    %dma_wait3A_87 = tpu.memref_slice %arg10[%add3A_40, %dma_wait3A_86] : memref<10320x128xf32, #tpu.memory_space<vmem_shared>> -> memref<80x128xf32, #tpu.memory_space<vmem_shared>>
    tpu.wait_dma2 semaphore(%arg11 : memref<!tpu.dma_semaphore, #tpu.memory_space<semaphore_mem>>) src(%arg6 : memref<80x128xf32, #tpu.memory_space<vmem>>) dst(%dma_wait3A_87 : memref<80x128xf32, #tpu.memory_space<vmem_shared>>)
    %dma_wait3A_88 = arith.constant 0 : i32
    %dma_wait3A_89 = tpu.memref_slice %arg10[%add3A_48, %dma_wait3A_88] : memref<10320x128xf32, #tpu.memory_space<vmem_shared>> -> memref<80x128xf32, #tpu.memory_space<vmem_shared>>
    %dma_wait3A_90 = arith.constant 0 : i32
    %dma_wait3A_91 = tpu.memref_slice %arg10[%add3A_48, %dma_wait3A_90] : memref<10320x128xf32, #tpu.memory_space<vmem_shared>> -> memref<80x128xf32, #tpu.memory_space<vmem_shared>>
    tpu.wait_dma2 semaphore(%arg11 : memref<!tpu.dma_semaphore, #tpu.memory_space<semaphore_mem>>) src(%arg6 : memref<80x128xf32, #tpu.memory_space<vmem>>) dst(%dma_wait3A_91 : memref<80x128xf32, #tpu.memory_space<vmem_shared>>)
    %dma_wait3A_92 = arith.constant 0 : i32
    %dma_wait3A_93 = tpu.memref_slice %arg10[%add3A_56, %dma_wait3A_92] : memref<10320x128xf32, #tpu.memory_space<vmem_shared>> -> memref<80x128xf32, #tpu.memory_space<vmem_shared>>
    %dma_wait3A_94 = arith.constant 0 : i32
    %dma_wait3A_95 = tpu.memref_slice %arg10[%add3A_56, %dma_wait3A_94] : memref<10320x128xf32, #tpu.memory_space<vmem_shared>> -> memref<80x128xf32, #tpu.memory_space<vmem_shared>>
    tpu.wait_dma2 semaphore(%arg11 : memref<!tpu.dma_semaphore, #tpu.memory_space<semaphore_mem>>) src(%arg6 : memref<80x128xf32, #tpu.memory_space<vmem>>) dst(%dma_wait3A_95 : memref<80x128xf32, #tpu.memory_space<vmem_shared>>)
    %dma_wait3A_96 = arith.constant 0 : i32
    %dma_wait3A_97 = tpu.memref_slice %arg10[%add3A_64, %dma_wait3A_96] : memref<10320x128xf32, #tpu.memory_space<vmem_shared>> -> memref<80x128xf32, #tpu.memory_space<vmem_shared>>
    %dma_wait3A_98 = arith.constant 0 : i32
    %dma_wait3A_99 = tpu.memref_slice %arg10[%add3A_64, %dma_wait3A_98] : memref<10320x128xf32, #tpu.memory_space<vmem_shared>> -> memref<80x128xf32, #tpu.memory_space<vmem_shared>>
    tpu.wait_dma2 semaphore(%arg11 : memref<!tpu.dma_semaphore, #tpu.memory_space<semaphore_mem>>) src(%arg6 : memref<80x128xf32, #tpu.memory_space<vmem>>) dst(%dma_wait3A_99 : memref<80x128xf32, #tpu.memory_space<vmem_shared>>)
    %barrier3A = arith.constant 0 : index
    tpu.barrier barrier_id(%barrier3A)
    %scan3A_100 = arith.constant 0 : i32
    %scan3A_101 = arith.constant 8 : i32
    %scan3A_102 = arith.addi %scan3A_100, %scan3A_101 : i32
    %scan3A_103 = arith.constant 1 : i32
    scf.for %scan3A_111 = %scan3A_100 to %scan3A_102 step %scan3A_103  : i32 {
      %mul3A_112 = arith.constant 1 : i32
      %mul3A_113 = arith.muli %scan3A_111, %mul3A_112 : i32
      %add3A_114 = arith.constant 0 : i32
      %add3A_115 = arith.addi %add3A_114, %mul3A_113 : i32
      %mul3A_116 = arith.constant 8 : i32
      %mul3A_117 = arith.muli %add3A, %mul3A_116 : i32
      %add3A_118 = arith.addi %mul3A_117, %add3A_115 : i32
      %mul3A_119 = arith.constant 2 : i32
      %mul3A_120 = arith.muli %add3A_118, %mul3A_119 : i32
      %mul3A_121 = arith.constant 16 : i32
      %mul3A_122 = arith.muli %mul3A_120, %mul3A_121 : i32
      %dma_start3A_123 = arith.constant 0 : i32
      %dma_start3A_124 = tpu.memref_slice %arg3[%mul3A_122, %dma_start3A_123] : memref<8192x80xi32, #tpu.memory_space<hbm>> -> memref<32x80xi32, #tpu.memory_space<hbm>>
      %dma_start3A_125 = arith.constant 0 : i32
      %dma_start3A_126 = tpu.memref_slice %arg3[%mul3A_122, %dma_start3A_125] : memref<8192x80xi32, #tpu.memory_space<hbm>> -> memref<32x80xi32, #tpu.memory_space<hbm>>
      tpu.enqueue_dma source(%dma_start3A_126 : memref<32x80xi32, #tpu.memory_space<hbm>>) target(%arg5 : memref<32x80xi32, #tpu.memory_space<vmem>>) target_semaphore(%arg11 : memref<!tpu.dma_semaphore, #tpu.memory_space<semaphore_mem>>)
      %dma_wait3A_127 = arith.constant 0 : i32
      %dma_wait3A_128 = tpu.memref_slice %arg3[%mul3A_122, %dma_wait3A_127] : memref<8192x80xi32, #tpu.memory_space<hbm>> -> memref<32x80xi32, #tpu.memory_space<hbm>>
      %dma_wait3A_129 = arith.constant 0 : i32
      %dma_wait3A_130 = tpu.memref_slice %arg3[%mul3A_122, %dma_wait3A_129] : memref<8192x80xi32, #tpu.memory_space<hbm>> -> memref<32x80xi32, #tpu.memory_space<hbm>>
      tpu.wait_dma2 semaphore(%arg11 : memref<!tpu.dma_semaphore, #tpu.memory_space<semaphore_mem>>) src(%dma_wait3A_130 : memref<32x80xi32, #tpu.memory_space<hbm>>) dst(%arg5 : memref<32x80xi32, #tpu.memory_space<vmem>>)
      %dma_start3A_131 = arith.constant 0 : i32
      %dma_start3A_132 = arith.constant 0 : i32
      %dma_start3A_133 = tpu.memref_slice %arg5[%dma_start3A_131, %dma_start3A_132] : memref<32x80xi32, #tpu.memory_space<vmem>> -> memref<1x80xi32, #tpu.memory_space<vmem>>
      %dma_start3A_134 = tpu.memref_squeeze %dma_start3A_133 : memref<1x80xi32, #tpu.memory_space<vmem>> -> memref<80xi32, #tpu.memory_space<vmem>>
      %dma_start3A_135 = arith.constant 0 : i32
      %dma_start3A_136 = arith.constant 0 : i32
      %dma_start3A_137 = tpu.memref_slice %arg2[%dma_start3A_135, %dma_start3A_136] : memref<10000x128xf32, #tpu.memory_space<hbm>> -> memref<10000x128xf32, #tpu.memory_space<hbm>>
      tpu.enqueue_indirect_dma source(%dma_start3A_137 : memref<10000x128xf32, #tpu.memory_space<hbm>>) target(%arg6 : memref<80x128xf32, #tpu.memory_space<vmem>>) offsets(%dma_start3A_134 : memref<80xi32, #tpu.memory_space<vmem>>) semaphore(%arg12 : memref<!tpu.dma_semaphore, #tpu.memory_space<semaphore_mem>>)
      %dma_start3A_138 = arith.constant 1 : i32
      %dma_start3A_139 = arith.constant 0 : i32
      %dma_start3A_140 = tpu.memref_slice %arg5[%dma_start3A_138, %dma_start3A_139] : memref<32x80xi32, #tpu.memory_space<vmem>> -> memref<1x80xi32, #tpu.memory_space<vmem>>
      %dma_start3A_141 = tpu.memref_squeeze %dma_start3A_140 : memref<1x80xi32, #tpu.memory_space<vmem>> -> memref<80xi32, #tpu.memory_space<vmem>>
      %dma_start3A_142 = arith.constant 0 : i32
      %dma_start3A_143 = arith.constant 0 : i32
      %dma_start3A_144 = tpu.memref_slice %arg2[%dma_start3A_142, %dma_start3A_143] : memref<10000x128xf32, #tpu.memory_space<hbm>> -> memref<10000x128xf32, #tpu.memory_space<hbm>>
      tpu.enqueue_indirect_dma source(%dma_start3A_144 : memref<10000x128xf32, #tpu.memory_space<hbm>>) target(%arg7 : memref<80x128xf32, #tpu.memory_space<vmem>>) offsets(%dma_start3A_141 : memref<80xi32, #tpu.memory_space<vmem>>) semaphore(%arg13 : memref<!tpu.dma_semaphore, #tpu.memory_space<semaphore_mem>>)
      %dma_start3A_145 = arith.constant 2 : i32
      %dma_start3A_146 = arith.constant 0 : i32
      %dma_start3A_147 = tpu.memref_slice %arg5[%dma_start3A_145, %dma_start3A_146] : memref<32x80xi32, #tpu.memory_space<vmem>> -> memref<1x80xi32, #tpu.memory_space<vmem>>
      %dma_start3A_148 = tpu.memref_squeeze %dma_start3A_147 : memref<1x80xi32, #tpu.memory_space<vmem>> -> memref<80xi32, #tpu.memory_space<vmem>>
      %dma_start3A_149 = arith.constant 0 : i32
      %dma_start3A_150 = arith.constant 0 : i32
      %dma_start3A_151 = tpu.memref_slice %arg2[%dma_start3A_149, %dma_start3A_150] : memref<10000x128xf32, #tpu.memory_space<hbm>> -> memref<10000x128xf32, #tpu.memory_space<hbm>>
      tpu.enqueue_indirect_dma source(%dma_start3A_151 : memref<10000x128xf32, #tpu.memory_space<hbm>>) target(%arg8 : memref<80x128xf32, #tpu.memory_space<vmem>>) offsets(%dma_start3A_148 : memref<80xi32, #tpu.memory_space<vmem>>) semaphore(%arg14 : memref<!tpu.dma_semaphore, #tpu.memory_space<semaphore_mem>>)
      %dma_start3A_152 = arith.constant 3 : i32
      %dma_start3A_153 = arith.constant 0 : i32
      %dma_start3A_154 = tpu.memref_slice %arg5[%dma_start3A_152, %dma_start3A_153] : memref<32x80xi32, #tpu.memory_space<vmem>> -> memref<1x80xi32, #tpu.memory_space<vmem>>
      %dma_start3A_155 = tpu.memref_squeeze %dma_start3A_154 : memref<1x80xi32, #tpu.memory_space<vmem>> -> memref<80xi32, #tpu.memory_space<vmem>>
      %dma_start3A_156 = arith.constant 0 : i32
      %dma_start3A_157 = arith.constant 0 : i32
      %dma_start3A_158 = tpu.memref_slice %arg2[%dma_start3A_156, %dma_start3A_157] : memref<10000x128xf32, #tpu.memory_space<hbm>> -> memref<10000x128xf32, #tpu.memory_space<hbm>>
      tpu.enqueue_indirect_dma source(%dma_start3A_158 : memref<10000x128xf32, #tpu.memory_space<hbm>>) target(%arg9 : memref<80x128xf32, #tpu.memory_space<vmem>>) offsets(%dma_start3A_155 : memref<80xi32, #tpu.memory_space<vmem>>) semaphore(%arg15 : memref<!tpu.dma_semaphore, #tpu.memory_space<semaphore_mem>>)
      %dma_wait3A_159 = arith.constant 0 : i32
      %dma_wait3A_160 = arith.constant 0 : i32
      %dma_wait3A_161 = tpu.memref_slice %arg5[%dma_wait3A_159, %dma_wait3A_160] : memref<32x80xi32, #tpu.memory_space<vmem>> -> memref<1x80xi32, #tpu.memory_space<vmem>>
      %dma_wait3A_162 = tpu.memref_squeeze %dma_wait3A_161 : memref<1x80xi32, #tpu.memory_space<vmem>> -> memref<80xi32, #tpu.memory_space<vmem>>
      %dma_wait3A_163 = arith.constant 0 : i32
      %dma_wait3A_164 = arith.constant 0 : i32
      %dma_wait3A_165 = tpu.memref_slice %arg2[%dma_wait3A_163, %dma_wait3A_164] : memref<10000x128xf32, #tpu.memory_space<hbm>> -> memref<10000x128xf32, #tpu.memory_space<hbm>>
      tpu.wait_indirect_dma semaphore(%arg12 : memref<!tpu.dma_semaphore, #tpu.memory_space<semaphore_mem>>) src(%dma_wait3A_165 : memref<10000x128xf32, #tpu.memory_space<hbm>>) dst(%arg6 : memref<80x128xf32, #tpu.memory_space<vmem>>)
      %dma_start3A_166 = arith.constant 16 : i32
      %dma_start3A_167 = arith.constant 0 : i32
      %dma_start3A_168 = tpu.memref_slice %arg5[%dma_start3A_166, %dma_start3A_167] : memref<32x80xi32, #tpu.memory_space<vmem>> -> memref<1x80xi32, #tpu.memory_space<vmem>>
      %dma_start3A_169 = tpu.memref_squeeze %dma_start3A_168 : memref<1x80xi32, #tpu.memory_space<vmem>> -> memref<80xi32, #tpu.memory_space<vmem>>
      %dma_start3A_170 = arith.constant 0 : i32
      %dma_start3A_171 = arith.constant 0 : i32
      %dma_start3A_172 = tpu.memref_slice %arg10[%dma_start3A_170, %dma_start3A_171] : memref<10320x128xf32, #tpu.memory_space<vmem_shared>> -> memref<10320x128xf32, #tpu.memory_space<vmem_shared>>
      tpu.enqueue_indirect_dma source(%arg6 : memref<80x128xf32, #tpu.memory_space<vmem>>) target(%dma_start3A_172 : memref<10320x128xf32, #tpu.memory_space<vmem_shared>>) offsets(%dma_start3A_169 : memref<80xi32, #tpu.memory_space<vmem>>) semaphore(%arg16 : memref<!tpu.dma_semaphore, #tpu.memory_space<semaphore_mem>>) {add = true}
      %dma_wait3A_173 = arith.constant 1 : i32
      %dma_wait3A_174 = arith.constant 0 : i32
      %dma_wait3A_175 = tpu.memref_slice %arg5[%dma_wait3A_173, %dma_wait3A_174] : memref<32x80xi32, #tpu.memory_space<vmem>> -> memref<1x80xi32, #tpu.memory_space<vmem>>
      %dma_wait3A_176 = tpu.memref_squeeze %dma_wait3A_175 : memref<1x80xi32, #tpu.memory_space<vmem>> -> memref<80xi32, #tpu.memory_space<vmem>>
      %dma_wait3A_177 = arith.constant 0 : i32
      %dma_wait3A_178 = arith.constant 0 : i32
      %dma_wait3A_179 = tpu.memref_slice %arg2[%dma_wait3A_177, %dma_wait3A_178] : memref<10000x128xf32, #tpu.memory_space<hbm>> -> memref<10000x128xf32, #tpu.memory_space<hbm>>
      tpu.wait_indirect_dma semaphore(%arg13 : memref<!tpu.dma_semaphore, #tpu.memory_space<semaphore_mem>>) src(%dma_wait3A_179 : memref<10000x128xf32, #tpu.memory_space<hbm>>) dst(%arg7 : memref<80x128xf32, #tpu.memory_space<vmem>>)
      %dma_start3A_180 = arith.constant 17 : i32
      %dma_start3A_181 = arith.constant 0 : i32
      %dma_start3A_182 = tpu.memref_slice %arg5[%dma_start3A_180, %dma_start3A_181] : memref<32x80xi32, #tpu.memory_space<vmem>> -> memref<1x80xi32, #tpu.memory_space<vmem>>
      %dma_start3A_183 = tpu.memref_squeeze %dma_start3A_182 : memref<1x80xi32, #tpu.memory_space<vmem>> -> memref<80xi32, #tpu.memory_space<vmem>>
      %dma_start3A_184 = arith.constant 0 : i32
      %dma_start3A_185 = arith.constant 0 : i32
      %dma_start3A_186 = tpu.memref_slice %arg10[%dma_start3A_184, %dma_start3A_185] : memref<10320x128xf32, #tpu.memory_space<vmem_shared>> -> memref<10320x128xf32, #tpu.memory_space<vmem_shared>>
      tpu.enqueue_indirect_dma source(%arg7 : memref<80x128xf32, #tpu.memory_space<vmem>>) target(%dma_start3A_186 : memref<10320x128xf32, #tpu.memory_space<vmem_shared>>) offsets(%dma_start3A_183 : memref<80xi32, #tpu.memory_space<vmem>>) semaphore(%arg17 : memref<!tpu.dma_semaphore, #tpu.memory_space<semaphore_mem>>) {add = true}
      %dma_wait3A_187 = arith.constant 2 : i32
      %dma_wait3A_188 = arith.constant 0 : i32
      %dma_wait3A_189 = tpu.memref_slice %arg5[%dma_wait3A_187, %dma_wait3A_188] : memref<32x80xi32, #tpu.memory_space<vmem>> -> memref<1x80xi32, #tpu.memory_space<vmem>>
      %dma_wait3A_190 = tpu.memref_squeeze %dma_wait3A_189 : memref<1x80xi32, #tpu.memory_space<vmem>> -> memref<80xi32, #tpu.memory_space<vmem>>
      %dma_wait3A_191 = arith.constant 0 : i32
      %dma_wait3A_192 = arith.constant 0 : i32
      %dma_wait3A_193 = tpu.memref_slice %arg2[%dma_wait3A_191, %dma_wait3A_192] : memref<10000x128xf32, #tpu.memory_space<hbm>> -> memref<10000x128xf32, #tpu.memory_space<hbm>>
      tpu.wait_indirect_dma semaphore(%arg14 : memref<!tpu.dma_semaphore, #tpu.memory_space<semaphore_mem>>) src(%dma_wait3A_193 : memref<10000x128xf32, #tpu.memory_space<hbm>>) dst(%arg8 : memref<80x128xf32, #tpu.memory_space<vmem>>)
      %dma_start3A_194 = arith.constant 18 : i32
      %dma_start3A_195 = arith.constant 0 : i32
      %dma_start3A_196 = tpu.memref_slice %arg5[%dma_start3A_194, %dma_start3A_195] : memref<32x80xi32, #tpu.memory_space<vmem>> -> memref<1x80xi32, #tpu.memory_space<vmem>>
      %dma_start3A_197 = tpu.memref_squeeze %dma_start3A_196 : memref<1x80xi32, #tpu.memory_space<vmem>> -> memref<80xi32, #tpu.memory_space<vmem>>
      %dma_start3A_198 = arith.constant 0 : i32
      %dma_start3A_199 = arith.constant 0 : i32
      %dma_start3A_200 = tpu.memref_slice %arg10[%dma_start3A_198, %dma_start3A_199] : memref<10320x128xf32, #tpu.memory_space<vmem_shared>> -> memref<10320x128xf32, #tpu.memory_space<vmem_shared>>
      tpu.enqueue_indirect_dma source(%arg8 : memref<80x128xf32, #tpu.memory_space<vmem>>) target(%dma_start3A_200 : memref<10320x128xf32, #tpu.memory_space<vmem_shared>>) offsets(%dma_start3A_197 : memref<80xi32, #tpu.memory_space<vmem>>) semaphore(%arg18 : memref<!tpu.dma_semaphore, #tpu.memory_space<semaphore_mem>>) {add = true}
      %dma_wait3A_201 = arith.constant 3 : i32
      %dma_wait3A_202 = arith.constant 0 : i32
      %dma_wait3A_203 = tpu.memref_slice %arg5[%dma_wait3A_201, %dma_wait3A_202] : memref<32x80xi32, #tpu.memory_space<vmem>> -> memref<1x80xi32, #tpu.memory_space<vmem>>
      %dma_wait3A_204 = tpu.memref_squeeze %dma_wait3A_203 : memref<1x80xi32, #tpu.memory_space<vmem>> -> memref<80xi32, #tpu.memory_space<vmem>>
      %dma_wait3A_205 = arith.constant 0 : i32
      %dma_wait3A_206 = arith.constant 0 : i32
      %dma_wait3A_207 = tpu.memref_slice %arg2[%dma_wait3A_205, %dma_wait3A_206] : memref<10000x128xf32, #tpu.memory_space<hbm>> -> memref<10000x128xf32, #tpu.memory_space<hbm>>
      tpu.wait_indirect_dma semaphore(%arg15 : memref<!tpu.dma_semaphore, #tpu.memory_space<semaphore_mem>>) src(%dma_wait3A_207 : memref<10000x128xf32, #tpu.memory_space<hbm>>) dst(%arg9 : memref<80x128xf32, #tpu.memory_space<vmem>>)
      %dma_start3A_208 = arith.constant 19 : i32
      %dma_start3A_209 = arith.constant 0 : i32
      %dma_start3A_210 = tpu.memref_slice %arg5[%dma_start3A_208, %dma_start3A_209] : memref<32x80xi32, #tpu.memory_space<vmem>> -> memref<1x80xi32, #tpu.memory_space<vmem>>
      %dma_start3A_211 = tpu.memref_squeeze %dma_start3A_210 : memref<1x80xi32, #tpu.memory_space<vmem>> -> memref<80xi32, #tpu.memory_space<vmem>>
      %dma_start3A_212 = arith.constant 0 : i32
      %dma_start3A_213 = arith.constant 0 : i32
      %dma_start3A_214 = tpu.memref_slice %arg10[%dma_start3A_212, %dma_start3A_213] : memref<10320x128xf32, #tpu.memory_space<vmem_shared>> -> memref<10320x128xf32, #tpu.memory_space<vmem_shared>>
      tpu.enqueue_indirect_dma source(%arg9 : memref<80x128xf32, #tpu.memory_space<vmem>>) target(%dma_start3A_214 : memref<10320x128xf32, #tpu.memory_space<vmem_shared>>) offsets(%dma_start3A_211 : memref<80xi32, #tpu.memory_space<vmem>>) semaphore(%arg19 : memref<!tpu.dma_semaphore, #tpu.memory_space<semaphore_mem>>) {add = true}
      %dma_wait3A_215 = arith.constant 16 : i32
      %dma_wait3A_216 = arith.constant 0 : i32
      %dma_wait3A_217 = tpu.memref_slice %arg5[%dma_wait3A_215, %dma_wait3A_216] : memref<32x80xi32, #tpu.memory_space<vmem>> -> memref<1x80xi32, #tpu.memory_space<vmem>>
      %dma_wait3A_218 = tpu.memref_squeeze %dma_wait3A_217 : memref<1x80xi32, #tpu.memory_space<vmem>> -> memref<80xi32, #tpu.memory_space<vmem>>
      %dma_wait3A_219 = arith.constant 0 : i32
      %dma_wait3A_220 = arith.constant 0 : i32
      %dma_wait3A_221 = tpu.memref_slice %arg10[%dma_wait3A_219, %dma_wait3A_220] : memref<10320x128xf32, #tpu.memory_space<vmem_shared>> -> memref<10320x128xf32, #tpu.memory_space<vmem_shared>>
      tpu.wait_indirect_dma semaphore(%arg16 : memref<!tpu.dma_semaphore, #tpu.memory_space<semaphore_mem>>) src(%arg6 : memref<80x128xf32, #tpu.memory_space<vmem>>) dst(%dma_wait3A_221 : memref<10320x128xf32, #tpu.memory_space<vmem_shared>>)
      %dma_start3A_222 = arith.constant 4 : i32
      %dma_start3A_223 = arith.constant 0 : i32
      %dma_start3A_224 = tpu.memref_slice %arg5[%dma_start3A_222, %dma_start3A_223] : memref<32x80xi32, #tpu.memory_space<vmem>> -> memref<1x80xi32, #tpu.memory_space<vmem>>
      %dma_start3A_225 = tpu.memref_squeeze %dma_start3A_224 : memref<1x80xi32, #tpu.memory_space<vmem>> -> memref<80xi32, #tpu.memory_space<vmem>>
      %dma_start3A_226 = arith.constant 0 : i32
      %dma_start3A_227 = arith.constant 0 : i32
      %dma_start3A_228 = tpu.memref_slice %arg2[%dma_start3A_226, %dma_start3A_227] : memref<10000x128xf32, #tpu.memory_space<hbm>> -> memref<10000x128xf32, #tpu.memory_space<hbm>>
      tpu.enqueue_indirect_dma source(%dma_start3A_228 : memref<10000x128xf32, #tpu.memory_space<hbm>>) target(%arg6 : memref<80x128xf32, #tpu.memory_space<vmem>>) offsets(%dma_start3A_225 : memref<80xi32, #tpu.memory_space<vmem>>) semaphore(%arg12 : memref<!tpu.dma_semaphore, #tpu.memory_space<semaphore_mem>>)
      %dma_wait3A_229 = arith.constant 17 : i32
      %dma_wait3A_230 = arith.constant 0 : i32
      %dma_wait3A_231 = tpu.memref_slice %arg5[%dma_wait3A_229, %dma_wait3A_230] : memref<32x80xi32, #tpu.memory_space<vmem>> -> memref<1x80xi32, #tpu.memory_space<vmem>>
      %dma_wait3A_232 = tpu.memref_squeeze %dma_wait3A_231 : memref<1x80xi32, #tpu.memory_space<vmem>> -> memref<80xi32, #tpu.memory_space<vmem>>
      %dma_wait3A_233 = arith.constant 0 : i32
      %dma_wait3A_234 = arith.constant 0 : i32
      %dma_wait3A_235 = tpu.memref_slice %arg10[%dma_wait3A_233, %dma_wait3A_234] : memref<10320x128xf32, #tpu.memory_space<vmem_shared>> -> memref<10320x128xf32, #tpu.memory_space<vmem_shared>>
      tpu.wait_indirect_dma semaphore(%arg17 : memref<!tpu.dma_semaphore, #tpu.memory_space<semaphore_mem>>) src(%arg7 : memref<80x128xf32, #tpu.memory_space<vmem>>) dst(%dma_wait3A_235 : memref<10320x128xf32, #tpu.memory_space<vmem_shared>>)
      %dma_start3A_236 = arith.constant 5 : i32
      %dma_start3A_237 = arith.constant 0 : i32
      %dma_start3A_238 = tpu.memref_slice %arg5[%dma_start3A_236, %dma_start3A_237] : memref<32x80xi32, #tpu.memory_space<vmem>> -> memref<1x80xi32, #tpu.memory_space<vmem>>
      %dma_start3A_239 = tpu.memref_squeeze %dma_start3A_238 : memref<1x80xi32, #tpu.memory_space<vmem>> -> memref<80xi32, #tpu.memory_space<vmem>>
      %dma_start3A_240 = arith.constant 0 : i32
      %dma_start3A_241 = arith.constant 0 : i32
      %dma_start3A_242 = tpu.memref_slice %arg2[%dma_start3A_240, %dma_start3A_241] : memref<10000x128xf32, #tpu.memory_space<hbm>> -> memref<10000x128xf32, #tpu.memory_space<hbm>>
      tpu.enqueue_indirect_dma source(%dma_start3A_242 : memref<10000x128xf32, #tpu.memory_space<hbm>>) target(%arg7 : memref<80x128xf32, #tpu.memory_space<vmem>>) offsets(%dma_start3A_239 : memref<80xi32, #tpu.memory_space<vmem>>) semaphore(%arg13 : memref<!tpu.dma_semaphore, #tpu.memory_space<semaphore_mem>>)
      %dma_wait3A_243 = arith.constant 18 : i32
      %dma_wait3A_244 = arith.constant 0 : i32
      %dma_wait3A_245 = tpu.memref_slice %arg5[%dma_wait3A_243, %dma_wait3A_244] : memref<32x80xi32, #tpu.memory_space<vmem>> -> memref<1x80xi32, #tpu.memory_space<vmem>>
      %dma_wait3A_246 = tpu.memref_squeeze %dma_wait3A_245 : memref<1x80xi32, #tpu.memory_space<vmem>> -> memref<80xi32, #tpu.memory_space<vmem>>
      %dma_wait3A_247 = arith.constant 0 : i32
      %dma_wait3A_248 = arith.constant 0 : i32
      %dma_wait3A_249 = tpu.memref_slice %arg10[%dma_wait3A_247, %dma_wait3A_248] : memref<10320x128xf32, #tpu.memory_space<vmem_shared>> -> memref<10320x128xf32, #tpu.memory_space<vmem_shared>>
      tpu.wait_indirect_dma semaphore(%arg18 : memref<!tpu.dma_semaphore, #tpu.memory_space<semaphore_mem>>) src(%arg8 : memref<80x128xf32, #tpu.memory_space<vmem>>) dst(%dma_wait3A_249 : memref<10320x128xf32, #tpu.memory_space<vmem_shared>>)
      %dma_start3A_250 = arith.constant 6 : i32
      %dma_start3A_251 = arith.constant 0 : i32
      %dma_start3A_252 = tpu.memref_slice %arg5[%dma_start3A_250, %dma_start3A_251] : memref<32x80xi32, #tpu.memory_space<vmem>> -> memref<1x80xi32, #tpu.memory_space<vmem>>
      %dma_start3A_253 = tpu.memref_squeeze %dma_start3A_252 : memref<1x80xi32, #tpu.memory_space<vmem>> -> memref<80xi32, #tpu.memory_space<vmem>>
      %dma_start3A_254 = arith.constant 0 : i32
      %dma_start3A_255 = arith.constant 0 : i32
      %dma_start3A_256 = tpu.memref_slice %arg2[%dma_start3A_254, %dma_start3A_255] : memref<10000x128xf32, #tpu.memory_space<hbm>> -> memref<10000x128xf32, #tpu.memory_space<hbm>>
      tpu.enqueue_indirect_dma source(%dma_start3A_256 : memref<10000x128xf32, #tpu.memory_space<hbm>>) target(%arg8 : memref<80x128xf32, #tpu.memory_space<vmem>>) offsets(%dma_start3A_253 : memref<80xi32, #tpu.memory_space<vmem>>) semaphore(%arg14 : memref<!tpu.dma_semaphore, #tpu.memory_space<semaphore_mem>>)
      %dma_wait3A_257 = arith.constant 19 : i32
      %dma_wait3A_258 = arith.constant 0 : i32
      %dma_wait3A_259 = tpu.memref_slice %arg5[%dma_wait3A_257, %dma_wait3A_258] : memref<32x80xi32, #tpu.memory_space<vmem>> -> memref<1x80xi32, #tpu.memory_space<vmem>>
      %dma_wait3A_260 = tpu.memref_squeeze %dma_wait3A_259 : memref<1x80xi32, #tpu.memory_space<vmem>> -> memref<80xi32, #tpu.memory_space<vmem>>
      %dma_wait3A_261 = arith.constant 0 : i32
      %dma_wait3A_262 = arith.constant 0 : i32
      %dma_wait3A_263 = tpu.memref_slice %arg10[%dma_wait3A_261, %dma_wait3A_262] : memref<10320x128xf32, #tpu.memory_space<vmem_shared>> -> memref<10320x128xf32, #tpu.memory_space<vmem_shared>>
      tpu.wait_indirect_dma semaphore(%arg19 : memref<!tpu.dma_semaphore, #tpu.memory_space<semaphore_mem>>) src(%arg9 : memref<80x128xf32, #tpu.memory_space<vmem>>) dst(%dma_wait3A_263 : memref<10320x128xf32, #tpu.memory_space<vmem_shared>>)
      %dma_start3A_264 = arith.constant 7 : i32
      %dma_start3A_265 = arith.constant 0 : i32
      %dma_start3A_266 = tpu.memref_slice %arg5[%dma_start3A_264, %dma_start3A_265] : memref<32x80xi32, #tpu.memory_space<vmem>> -> memref<1x80xi32, #tpu.memory_space<vmem>>
      %dma_start3A_267 = tpu.memref_squeeze %dma_start3A_266 : memref<1x80xi32, #tpu.memory_space<vmem>> -> memref<80xi32, #tpu.memory_space<vmem>>
      %dma_start3A_268 = arith.constant 0 : i32
      %dma_start3A_269 = arith.constant 0 : i32
      %dma_start3A_270 = tpu.memref_slice %arg2[%dma_start3A_268, %dma_start3A_269] : memref<10000x128xf32, #tpu.memory_space<hbm>> -> memref<10000x128xf32, #tpu.memory_space<hbm>>
      tpu.enqueue_indirect_dma source(%dma_start3A_270 : memref<10000x128xf32, #tpu.memory_space<hbm>>) target(%arg9 : memref<80x128xf32, #tpu.memory_space<vmem>>) offsets(%dma_start3A_267 : memref<80xi32, #tpu.memory_space<vmem>>) semaphore(%arg15 : memref<!tpu.dma_semaphore, #tpu.memory_space<semaphore_mem>>)
      %dma_wait3A_271 = arith.constant 4 : i32
      %dma_wait3A_272 = arith.constant 0 : i32
      %dma_wait3A_273 = tpu.memref_slice %arg5[%dma_wait3A_271, %dma_wait3A_272] : memref<32x80xi32, #tpu.memory_space<vmem>> -> memref<1x80xi32, #tpu.memory_space<vmem>>
      %dma_wait3A_274 = tpu.memref_squeeze %dma_wait3A_273 : memref<1x80xi32, #tpu.memory_space<vmem>> -> memref<80xi32, #tpu.memory_space<vmem>>
      %dma_wait3A_275 = arith.constant 0 : i32
      %dma_wait3A_276 = arith.constant 0 : i32
      %dma_wait3A_277 = tpu.memref_slice %arg2[%dma_wait3A_275, %dma_wait3A_276] : memref<10000x128xf32, #tpu.memory_space<hbm>> -> memref<10000x128xf32, #tpu.memory_space<hbm>>
      tpu.wait_indirect_dma semaphore(%arg12 : memref<!tpu.dma_semaphore, #tpu.memory_space<semaphore_mem>>) src(%dma_wait3A_277 : memref<10000x128xf32, #tpu.memory_space<hbm>>) dst(%arg6 : memref<80x128xf32, #tpu.memory_space<vmem>>)
      %dma_start3A_278 = arith.constant 20 : i32
      %dma_start3A_279 = arith.constant 0 : i32
      %dma_start3A_280 = tpu.memref_slice %arg5[%dma_start3A_278, %dma_start3A_279] : memref<32x80xi32, #tpu.memory_space<vmem>> -> memref<1x80xi32, #tpu.memory_space<vmem>>
      %dma_start3A_281 = tpu.memref_squeeze %dma_start3A_280 : memref<1x80xi32, #tpu.memory_space<vmem>> -> memref<80xi32, #tpu.memory_space<vmem>>
      %dma_start3A_282 = arith.constant 0 : i32
      %dma_start3A_283 = arith.constant 0 : i32
      %dma_start3A_284 = tpu.memref_slice %arg10[%dma_start3A_282, %dma_start3A_283] : memref<10320x128xf32, #tpu.memory_space<vmem_shared>> -> memref<10320x128xf32, #tpu.memory_space<vmem_shared>>
      tpu.enqueue_indirect_dma source(%arg6 : memref<80x128xf32, #tpu.memory_space<vmem>>) target(%dma_start3A_284 : memref<10320x128xf32, #tpu.memory_space<vmem_shared>>) offsets(%dma_start3A_281 : memref<80xi32, #tpu.memory_space<vmem>>) semaphore(%arg16 : memref<!tpu.dma_semaphore, #tpu.memory_space<semaphore_mem>>) {add = true}
      %dma_wait3A_285 = arith.constant 5 : i32
      %dma_wait3A_286 = arith.constant 0 : i32
      %dma_wait3A_287 = tpu.memref_slice %arg5[%dma_wait3A_285, %dma_wait3A_286] : memref<32x80xi32, #tpu.memory_space<vmem>> -> memref<1x80xi32, #tpu.memory_space<vmem>>
      %dma_wait3A_288 = tpu.memref_squeeze %dma_wait3A_287 : memref<1x80xi32, #tpu.memory_space<vmem>> -> memref<80xi32, #tpu.memory_space<vmem>>
      %dma_wait3A_289 = arith.constant 0 : i32
      %dma_wait3A_290 = arith.constant 0 : i32
      %dma_wait3A_291 = tpu.memref_slice %arg2[%dma_wait3A_289, %dma_wait3A_290] : memref<10000x128xf32, #tpu.memory_space<hbm>> -> memref<10000x128xf32, #tpu.memory_space<hbm>>
      tpu.wait_indirect_dma semaphore(%arg13 : memref<!tpu.dma_semaphore, #tpu.memory_space<semaphore_mem>>) src(%dma_wait3A_291 : memref<10000x128xf32, #tpu.memory_space<hbm>>) dst(%arg7 : memref<80x128xf32, #tpu.memory_space<vmem>>)
      %dma_start3A_292 = arith.constant 21 : i32
      %dma_start3A_293 = arith.constant 0 : i32
      %dma_start3A_294 = tpu.memref_slice %arg5[%dma_start3A_292, %dma_start3A_293] : memref<32x80xi32, #tpu.memory_space<vmem>> -> memref<1x80xi32, #tpu.memory_space<vmem>>
      %dma_start3A_295 = tpu.memref_squeeze %dma_start3A_294 : memref<1x80xi32, #tpu.memory_space<vmem>> -> memref<80xi32, #tpu.memory_space<vmem>>
      %dma_start3A_296 = arith.constant 0 : i32
      %dma_start3A_297 = arith.constant 0 : i32
      %dma_start3A_298 = tpu.memref_slice %arg10[%dma_start3A_296, %dma_start3A_297] : memref<10320x128xf32, #tpu.memory_space<vmem_shared>> -> memref<10320x128xf32, #tpu.memory_space<vmem_shared>>
      tpu.enqueue_indirect_dma source(%arg7 : memref<80x128xf32, #tpu.memory_space<vmem>>) target(%dma_start3A_298 : memref<10320x128xf32, #tpu.memory_space<vmem_shared>>) offsets(%dma_start3A_295 : memref<80xi32, #tpu.memory_space<vmem>>) semaphore(%arg17 : memref<!tpu.dma_semaphore, #tpu.memory_space<semaphore_mem>>) {add = true}
      %dma_wait3A_299 = arith.constant 6 : i32
      %dma_wait3A_300 = arith.constant 0 : i32
      %dma_wait3A_301 = tpu.memref_slice %arg5[%dma_wait3A_299, %dma_wait3A_300] : memref<32x80xi32, #tpu.memory_space<vmem>> -> memref<1x80xi32, #tpu.memory_space<vmem>>
      %dma_wait3A_302 = tpu.memref_squeeze %dma_wait3A_301 : memref<1x80xi32, #tpu.memory_space<vmem>> -> memref<80xi32, #tpu.memory_space<vmem>>
      %dma_wait3A_303 = arith.constant 0 : i32
      %dma_wait3A_304 = arith.constant 0 : i32
      %dma_wait3A_305 = tpu.memref_slice %arg2[%dma_wait3A_303, %dma_wait3A_304] : memref<10000x128xf32, #tpu.memory_space<hbm>> -> memref<10000x128xf32, #tpu.memory_space<hbm>>
      tpu.wait_indirect_dma semaphore(%arg14 : memref<!tpu.dma_semaphore, #tpu.memory_space<semaphore_mem>>) src(%dma_wait3A_305 : memref<10000x128xf32, #tpu.memory_space<hbm>>) dst(%arg8 : memref<80x128xf32, #tpu.memory_space<vmem>>)
      %dma_start3A_306 = arith.constant 22 : i32
      %dma_start3A_307 = arith.constant 0 : i32
      %dma_start3A_308 = tpu.memref_slice %arg5[%dma_start3A_306, %dma_start3A_307] : memref<32x80xi32, #tpu.memory_space<vmem>> -> memref<1x80xi32, #tpu.memory_space<vmem>>
      %dma_start3A_309 = tpu.memref_squeeze %dma_start3A_308 : memref<1x80xi32, #tpu.memory_space<vmem>> -> memref<80xi32, #tpu.memory_space<vmem>>
      %dma_start3A_310 = arith.constant 0 : i32
      %dma_start3A_311 = arith.constant 0 : i32
      %dma_start3A_312 = tpu.memref_slice %arg10[%dma_start3A_310, %dma_start3A_311] : memref<10320x128xf32, #tpu.memory_space<vmem_shared>> -> memref<10320x128xf32, #tpu.memory_space<vmem_shared>>
      tpu.enqueue_indirect_dma source(%arg8 : memref<80x128xf32, #tpu.memory_space<vmem>>) target(%dma_start3A_312 : memref<10320x128xf32, #tpu.memory_space<vmem_shared>>) offsets(%dma_start3A_309 : memref<80xi32, #tpu.memory_space<vmem>>) semaphore(%arg18 : memref<!tpu.dma_semaphore, #tpu.memory_space<semaphore_mem>>) {add = true}
      %dma_wait3A_313 = arith.constant 7 : i32
      %dma_wait3A_314 = arith.constant 0 : i32
      %dma_wait3A_315 = tpu.memref_slice %arg5[%dma_wait3A_313, %dma_wait3A_314] : memref<32x80xi32, #tpu.memory_space<vmem>> -> memref<1x80xi32, #tpu.memory_space<vmem>>
      %dma_wait3A_316 = tpu.memref_squeeze %dma_wait3A_315 : memref<1x80xi32, #tpu.memory_space<vmem>> -> memref<80xi32, #tpu.memory_space<vmem>>
      %dma_wait3A_317 = arith.constant 0 : i32
      %dma_wait3A_318 = arith.constant 0 : i32
      %dma_wait3A_319 = tpu.memref_slice %arg2[%dma_wait3A_317, %dma_wait3A_318] : memref<10000x128xf32, #tpu.memory_space<hbm>> -> memref<10000x128xf32, #tpu.memory_space<hbm>>
      tpu.wait_indirect_dma semaphore(%arg15 : memref<!tpu.dma_semaphore, #tpu.memory_space<semaphore_mem>>) src(%dma_wait3A_319 : memref<10000x128xf32, #tpu.memory_space<hbm>>) dst(%arg9 : memref<80x128xf32, #tpu.memory_space<vmem>>)
      %dma_start3A_320 = arith.constant 23 : i32
      %dma_start3A_321 = arith.constant 0 : i32
      %dma_start3A_322 = tpu.memref_slice %arg5[%dma_start3A_320, %dma_start3A_321] : memref<32x80xi32, #tpu.memory_space<vmem>> -> memref<1x80xi32, #tpu.memory_space<vmem>>
      %dma_start3A_323 = tpu.memref_squeeze %dma_start3A_322 : memref<1x80xi32, #tpu.memory_space<vmem>> -> memref<80xi32, #tpu.memory_space<vmem>>
      %dma_start3A_324 = arith.constant 0 : i32
      %dma_start3A_325 = arith.constant 0 : i32
      %dma_start3A_326 = tpu.memref_slice %arg10[%dma_start3A_324, %dma_start3A_325] : memref<10320x128xf32, #tpu.memory_space<vmem_shared>> -> memref<10320x128xf32, #tpu.memory_space<vmem_shared>>
      tpu.enqueue_indirect_dma source(%arg9 : memref<80x128xf32, #tpu.memory_space<vmem>>) target(%dma_start3A_326 : memref<10320x128xf32, #tpu.memory_space<vmem_shared>>) offsets(%dma_start3A_323 : memref<80xi32, #tpu.memory_space<vmem>>) semaphore(%arg19 : memref<!tpu.dma_semaphore, #tpu.memory_space<semaphore_mem>>) {add = true}
      %dma_wait3A_327 = arith.constant 20 : i32
      %dma_wait3A_328 = arith.constant 0 : i32
      %dma_wait3A_329 = tpu.memref_slice %arg5[%dma_wait3A_327, %dma_wait3A_328] : memref<32x80xi32, #tpu.memory_space<vmem>> -> memref<1x80xi32, #tpu.memory_space<vmem>>
      %dma_wait3A_330 = tpu.memref_squeeze %dma_wait3A_329 : memref<1x80xi32, #tpu.memory_space<vmem>> -> memref<80xi32, #tpu.memory_space<vmem>>
      %dma_wait3A_331 = arith.constant 0 : i32
      %dma_wait3A_332 = arith.constant 0 : i32
      %dma_wait3A_333 = tpu.memref_slice %arg10[%dma_wait3A_331, %dma_wait3A_332] : memref<10320x128xf32, #tpu.memory_space<vmem_shared>> -> memref<10320x128xf32, #tpu.memory_space<vmem_shared>>
      tpu.wait_indirect_dma semaphore(%arg16 : memref<!tpu.dma_semaphore, #tpu.memory_space<semaphore_mem>>) src(%arg6 : memref<80x128xf32, #tpu.memory_space<vmem>>) dst(%dma_wait3A_333 : memref<10320x128xf32, #tpu.memory_space<vmem_shared>>)
      %dma_start3A_334 = arith.constant 8 : i32
      %dma_start3A_335 = arith.constant 0 : i32
      %dma_start3A_336 = tpu.memref_slice %arg5[%dma_start3A_334, %dma_start3A_335] : memref<32x80xi32, #tpu.memory_space<vmem>> -> memref<1x80xi32, #tpu.memory_space<vmem>>
      %dma_start3A_337 = tpu.memref_squeeze %dma_start3A_336 : memref<1x80xi32, #tpu.memory_space<vmem>> -> memref<80xi32, #tpu.memory_space<vmem>>
      %dma_start3A_338 = arith.constant 0 : i32
      %dma_start3A_339 = arith.constant 0 : i32
      %dma_start3A_340 = tpu.memref_slice %arg2[%dma_start3A_338, %dma_start3A_339] : memref<10000x128xf32, #tpu.memory_space<hbm>> -> memref<10000x128xf32, #tpu.memory_space<hbm>>
      tpu.enqueue_indirect_dma source(%dma_start3A_340 : memref<10000x128xf32, #tpu.memory_space<hbm>>) target(%arg6 : memref<80x128xf32, #tpu.memory_space<vmem>>) offsets(%dma_start3A_337 : memref<80xi32, #tpu.memory_space<vmem>>) semaphore(%arg12 : memref<!tpu.dma_semaphore, #tpu.memory_space<semaphore_mem>>)
      %dma_wait3A_341 = arith.constant 21 : i32
      %dma_wait3A_342 = arith.constant 0 : i32
      %dma_wait3A_343 = tpu.memref_slice %arg5[%dma_wait3A_341, %dma_wait3A_342] : memref<32x80xi32, #tpu.memory_space<vmem>> -> memref<1x80xi32, #tpu.memory_space<vmem>>
      %dma_wait3A_344 = tpu.memref_squeeze %dma_wait3A_343 : memref<1x80xi32, #tpu.memory_space<vmem>> -> memref<80xi32, #tpu.memory_space<vmem>>
      %dma_wait3A_345 = arith.constant 0 : i32
      %dma_wait3A_346 = arith.constant 0 : i32
      %dma_wait3A_347 = tpu.memref_slice %arg10[%dma_wait3A_345, %dma_wait3A_346] : memref<10320x128xf32, #tpu.memory_space<vmem_shared>> -> memref<10320x128xf32, #tpu.memory_space<vmem_shared>>
      tpu.wait_indirect_dma semaphore(%arg17 : memref<!tpu.dma_semaphore, #tpu.memory_space<semaphore_mem>>) src(%arg7 : memref<80x128xf32, #tpu.memory_space<vmem>>) dst(%dma_wait3A_347 : memref<10320x128xf32, #tpu.memory_space<vmem_shared>>)
      %dma_start3A_348 = arith.constant 9 : i32
      %dma_start3A_349 = arith.constant 0 : i32
      %dma_start3A_350 = tpu.memref_slice %arg5[%dma_start3A_348, %dma_start3A_349] : memref<32x80xi32, #tpu.memory_space<vmem>> -> memref<1x80xi32, #tpu.memory_space<vmem>>
      %dma_start3A_351 = tpu.memref_squeeze %dma_start3A_350 : memref<1x80xi32, #tpu.memory_space<vmem>> -> memref<80xi32, #tpu.memory_space<vmem>>
      %dma_start3A_352 = arith.constant 0 : i32
      %dma_start3A_353 = arith.constant 0 : i32
      %dma_start3A_354 = tpu.memref_slice %arg2[%dma_start3A_352, %dma_start3A_353] : memref<10000x128xf32, #tpu.memory_space<hbm>> -> memref<10000x128xf32, #tpu.memory_space<hbm>>
      tpu.enqueue_indirect_dma source(%dma_start3A_354 : memref<10000x128xf32, #tpu.memory_space<hbm>>) target(%arg7 : memref<80x128xf32, #tpu.memory_space<vmem>>) offsets(%dma_start3A_351 : memref<80xi32, #tpu.memory_space<vmem>>) semaphore(%arg13 : memref<!tpu.dma_semaphore, #tpu.memory_space<semaphore_mem>>)
      %dma_wait3A_355 = arith.constant 22 : i32
      %dma_wait3A_356 = arith.constant 0 : i32
      %dma_wait3A_357 = tpu.memref_slice %arg5[%dma_wait3A_355, %dma_wait3A_356] : memref<32x80xi32, #tpu.memory_space<vmem>> -> memref<1x80xi32, #tpu.memory_space<vmem>>
      %dma_wait3A_358 = tpu.memref_squeeze %dma_wait3A_357 : memref<1x80xi32, #tpu.memory_space<vmem>> -> memref<80xi32, #tpu.memory_space<vmem>>
      %dma_wait3A_359 = arith.constant 0 : i32
      %dma_wait3A_360 = arith.constant 0 : i32
      %dma_wait3A_361 = tpu.memref_slice %arg10[%dma_wait3A_359, %dma_wait3A_360] : memref<10320x128xf32, #tpu.memory_space<vmem_shared>> -> memref<10320x128xf32, #tpu.memory_space<vmem_shared>>
      tpu.wait_indirect_dma semaphore(%arg18 : memref<!tpu.dma_semaphore, #tpu.memory_space<semaphore_mem>>) src(%arg8 : memref<80x128xf32, #tpu.memory_space<vmem>>) dst(%dma_wait3A_361 : memref<10320x128xf32, #tpu.memory_space<vmem_shared>>)
      %dma_start3A_362 = arith.constant 10 : i32
      %dma_start3A_363 = arith.constant 0 : i32
      %dma_start3A_364 = tpu.memref_slice %arg5[%dma_start3A_362, %dma_start3A_363] : memref<32x80xi32, #tpu.memory_space<vmem>> -> memref<1x80xi32, #tpu.memory_space<vmem>>
      %dma_start3A_365 = tpu.memref_squeeze %dma_start3A_364 : memref<1x80xi32, #tpu.memory_space<vmem>> -> memref<80xi32, #tpu.memory_space<vmem>>
      %dma_start3A_366 = arith.constant 0 : i32
      %dma_start3A_367 = arith.constant 0 : i32
      %dma_start3A_368 = tpu.memref_slice %arg2[%dma_start3A_366, %dma_start3A_367] : memref<10000x128xf32, #tpu.memory_space<hbm>> -> memref<10000x128xf32, #tpu.memory_space<hbm>>
      tpu.enqueue_indirect_dma source(%dma_start3A_368 : memref<10000x128xf32, #tpu.memory_space<hbm>>) target(%arg8 : memref<80x128xf32, #tpu.memory_space<vmem>>) offsets(%dma_start3A_365 : memref<80xi32, #tpu.memory_space<vmem>>) semaphore(%arg14 : memref<!tpu.dma_semaphore, #tpu.memory_space<semaphore_mem>>)
      %dma_wait3A_369 = arith.constant 23 : i32
      %dma_wait3A_370 = arith.constant 0 : i32
      %dma_wait3A_371 = tpu.memref_slice %arg5[%dma_wait3A_369, %dma_wait3A_370] : memref<32x80xi32, #tpu.memory_space<vmem>> -> memref<1x80xi32, #tpu.memory_space<vmem>>
      %dma_wait3A_372 = tpu.memref_squeeze %dma_wait3A_371 : memref<1x80xi32, #tpu.memory_space<vmem>> -> memref<80xi32, #tpu.memory_space<vmem>>
      %dma_wait3A_373 = arith.constant 0 : i32
      %dma_wait3A_374 = arith.constant 0 : i32
      %dma_wait3A_375 = tpu.memref_slice %arg10[%dma_wait3A_373, %dma_wait3A_374] : memref<10320x128xf32, #tpu.memory_space<vmem_shared>> -> memref<10320x128xf32, #tpu.memory_space<vmem_shared>>
      tpu.wait_indirect_dma semaphore(%arg19 : memref<!tpu.dma_semaphore, #tpu.memory_space<semaphore_mem>>) src(%arg9 : memref<80x128xf32, #tpu.memory_space<vmem>>) dst(%dma_wait3A_375 : memref<10320x128xf32, #tpu.memory_space<vmem_shared>>)
      %dma_start3A_376 = arith.constant 11 : i32
      %dma_start3A_377 = arith.constant 0 : i32
      %dma_start3A_378 = tpu.memref_slice %arg5[%dma_start3A_376, %dma_start3A_377] : memref<32x80xi32, #tpu.memory_space<vmem>> -> memref<1x80xi32, #tpu.memory_space<vmem>>
      %dma_start3A_379 = tpu.memref_squeeze %dma_start3A_378 : memref<1x80xi32, #tpu.memory_space<vmem>> -> memref<80xi32, #tpu.memory_space<vmem>>
      %dma_start3A_380 = arith.constant 0 : i32
      %dma_start3A_381 = arith.constant 0 : i32
      %dma_start3A_382 = tpu.memref_slice %arg2[%dma_start3A_380, %dma_start3A_381] : memref<10000x128xf32, #tpu.memory_space<hbm>> -> memref<10000x128xf32, #tpu.memory_space<hbm>>
      tpu.enqueue_indirect_dma source(%dma_start3A_382 : memref<10000x128xf32, #tpu.memory_space<hbm>>) target(%arg9 : memref<80x128xf32, #tpu.memory_space<vmem>>) offsets(%dma_start3A_379 : memref<80xi32, #tpu.memory_space<vmem>>) semaphore(%arg15 : memref<!tpu.dma_semaphore, #tpu.memory_space<semaphore_mem>>)
      %dma_wait3A_383 = arith.constant 8 : i32
      %dma_wait3A_384 = arith.constant 0 : i32
      %dma_wait3A_385 = tpu.memref_slice %arg5[%dma_wait3A_383, %dma_wait3A_384] : memref<32x80xi32, #tpu.memory_space<vmem>> -> memref<1x80xi32, #tpu.memory_space<vmem>>
      %dma_wait3A_386 = tpu.memref_squeeze %dma_wait3A_385 : memref<1x80xi32, #tpu.memory_space<vmem>> -> memref<80xi32, #tpu.memory_space<vmem>>
      %dma_wait3A_387 = arith.constant 0 : i32
      %dma_wait3A_388 = arith.constant 0 : i32
      %dma_wait3A_389 = tpu.memref_slice %arg2[%dma_wait3A_387, %dma_wait3A_388] : memref<10000x128xf32, #tpu.memory_space<hbm>> -> memref<10000x128xf32, #tpu.memory_space<hbm>>
      tpu.wait_indirect_dma semaphore(%arg12 : memref<!tpu.dma_semaphore, #tpu.memory_space<semaphore_mem>>) src(%dma_wait3A_389 : memref<10000x128xf32, #tpu.memory_space<hbm>>) dst(%arg6 : memref<80x128xf32, #tpu.memory_space<vmem>>)
      %dma_start3A_390 = arith.constant 24 : i32
      %dma_start3A_391 = arith.constant 0 : i32
      %dma_start3A_392 = tpu.memref_slice %arg5[%dma_start3A_390, %dma_start3A_391] : memref<32x80xi32, #tpu.memory_space<vmem>> -> memref<1x80xi32, #tpu.memory_space<vmem>>
      %dma_start3A_393 = tpu.memref_squeeze %dma_start3A_392 : memref<1x80xi32, #tpu.memory_space<vmem>> -> memref<80xi32, #tpu.memory_space<vmem>>
      %dma_start3A_394 = arith.constant 0 : i32
      %dma_start3A_395 = arith.constant 0 : i32
      %dma_start3A_396 = tpu.memref_slice %arg10[%dma_start3A_394, %dma_start3A_395] : memref<10320x128xf32, #tpu.memory_space<vmem_shared>> -> memref<10320x128xf32, #tpu.memory_space<vmem_shared>>
      tpu.enqueue_indirect_dma source(%arg6 : memref<80x128xf32, #tpu.memory_space<vmem>>) target(%dma_start3A_396 : memref<10320x128xf32, #tpu.memory_space<vmem_shared>>) offsets(%dma_start3A_393 : memref<80xi32, #tpu.memory_space<vmem>>) semaphore(%arg16 : memref<!tpu.dma_semaphore, #tpu.memory_space<semaphore_mem>>) {add = true}
      %dma_wait3A_397 = arith.constant 9 : i32
      %dma_wait3A_398 = arith.constant 0 : i32
      %dma_wait3A_399 = tpu.memref_slice %arg5[%dma_wait3A_397, %dma_wait3A_398] : memref<32x80xi32, #tpu.memory_space<vmem>> -> memref<1x80xi32, #tpu.memory_space<vmem>>
      %dma_wait3A_400 = tpu.memref_squeeze %dma_wait3A_399 : memref<1x80xi32, #tpu.memory_space<vmem>> -> memref<80xi32, #tpu.memory_space<vmem>>
      %dma_wait3A_401 = arith.constant 0 : i32
      %dma_wait3A_402 = arith.constant 0 : i32
      %dma_wait3A_403 = tpu.memref_slice %arg2[%dma_wait3A_401, %dma_wait3A_402] : memref<10000x128xf32, #tpu.memory_space<hbm>> -> memref<10000x128xf32, #tpu.memory_space<hbm>>
      tpu.wait_indirect_dma semaphore(%arg13 : memref<!tpu.dma_semaphore, #tpu.memory_space<semaphore_mem>>) src(%dma_wait3A_403 : memref<10000x128xf32, #tpu.memory_space<hbm>>) dst(%arg7 : memref<80x128xf32, #tpu.memory_space<vmem>>)
      %dma_start3A_404 = arith.constant 25 : i32
      %dma_start3A_405 = arith.constant 0 : i32
      %dma_start3A_406 = tpu.memref_slice %arg5[%dma_start3A_404, %dma_start3A_405] : memref<32x80xi32, #tpu.memory_space<vmem>> -> memref<1x80xi32, #tpu.memory_space<vmem>>
      %dma_start3A_407 = tpu.memref_squeeze %dma_start3A_406 : memref<1x80xi32, #tpu.memory_space<vmem>> -> memref<80xi32, #tpu.memory_space<vmem>>
      %dma_start3A_408 = arith.constant 0 : i32
      %dma_start3A_409 = arith.constant 0 : i32
      %dma_start3A_410 = tpu.memref_slice %arg10[%dma_start3A_408, %dma_start3A_409] : memref<10320x128xf32, #tpu.memory_space<vmem_shared>> -> memref<10320x128xf32, #tpu.memory_space<vmem_shared>>
      tpu.enqueue_indirect_dma source(%arg7 : memref<80x128xf32, #tpu.memory_space<vmem>>) target(%dma_start3A_410 : memref<10320x128xf32, #tpu.memory_space<vmem_shared>>) offsets(%dma_start3A_407 : memref<80xi32, #tpu.memory_space<vmem>>) semaphore(%arg17 : memref<!tpu.dma_semaphore, #tpu.memory_space<semaphore_mem>>) {add = true}
      %dma_wait3A_411 = arith.constant 10 : i32
      %dma_wait3A_412 = arith.constant 0 : i32
      %dma_wait3A_413 = tpu.memref_slice %arg5[%dma_wait3A_411, %dma_wait3A_412] : memref<32x80xi32, #tpu.memory_space<vmem>> -> memref<1x80xi32, #tpu.memory_space<vmem>>
      %dma_wait3A_414 = tpu.memref_squeeze %dma_wait3A_413 : memref<1x80xi32, #tpu.memory_space<vmem>> -> memref<80xi32, #tpu.memory_space<vmem>>
      %dma_wait3A_415 = arith.constant 0 : i32
      %dma_wait3A_416 = arith.constant 0 : i32
      %dma_wait3A_417 = tpu.memref_slice %arg2[%dma_wait3A_415, %dma_wait3A_416] : memref<10000x128xf32, #tpu.memory_space<hbm>> -> memref<10000x128xf32, #tpu.memory_space<hbm>>
      tpu.wait_indirect_dma semaphore(%arg14 : memref<!tpu.dma_semaphore, #tpu.memory_space<semaphore_mem>>) src(%dma_wait3A_417 : memref<10000x128xf32, #tpu.memory_space<hbm>>) dst(%arg8 : memref<80x128xf32, #tpu.memory_space<vmem>>)
      %dma_start3A_418 = arith.constant 26 : i32
      %dma_start3A_419 = arith.constant 0 : i32
      %dma_start3A_420 = tpu.memref_slice %arg5[%dma_start3A_418, %dma_start3A_419] : memref<32x80xi32, #tpu.memory_space<vmem>> -> memref<1x80xi32, #tpu.memory_space<vmem>>
      %dma_start3A_421 = tpu.memref_squeeze %dma_start3A_420 : memref<1x80xi32, #tpu.memory_space<vmem>> -> memref<80xi32, #tpu.memory_space<vmem>>
      %dma_start3A_422 = arith.constant 0 : i32
      %dma_start3A_423 = arith.constant 0 : i32
      %dma_start3A_424 = tpu.memref_slice %arg10[%dma_start3A_422, %dma_start3A_423] : memref<10320x128xf32, #tpu.memory_space<vmem_shared>> -> memref<10320x128xf32, #tpu.memory_space<vmem_shared>>
      tpu.enqueue_indirect_dma source(%arg8 : memref<80x128xf32, #tpu.memory_space<vmem>>) target(%dma_start3A_424 : memref<10320x128xf32, #tpu.memory_space<vmem_shared>>) offsets(%dma_start3A_421 : memref<80xi32, #tpu.memory_space<vmem>>) semaphore(%arg18 : memref<!tpu.dma_semaphore, #tpu.memory_space<semaphore_mem>>) {add = true}
      %dma_wait3A_425 = arith.constant 11 : i32
      %dma_wait3A_426 = arith.constant 0 : i32
      %dma_wait3A_427 = tpu.memref_slice %arg5[%dma_wait3A_425, %dma_wait3A_426] : memref<32x80xi32, #tpu.memory_space<vmem>> -> memref<1x80xi32, #tpu.memory_space<vmem>>
      %dma_wait3A_428 = tpu.memref_squeeze %dma_wait3A_427 : memref<1x80xi32, #tpu.memory_space<vmem>> -> memref<80xi32, #tpu.memory_space<vmem>>
      %dma_wait3A_429 = arith.constant 0 : i32
      %dma_wait3A_430 = arith.constant 0 : i32
      %dma_wait3A_431 = tpu.memref_slice %arg2[%dma_wait3A_429, %dma_wait3A_430] : memref<10000x128xf32, #tpu.memory_space<hbm>> -> memref<10000x128xf32, #tpu.memory_space<hbm>>
      tpu.wait_indirect_dma semaphore(%arg15 : memref<!tpu.dma_semaphore, #tpu.memory_space<semaphore_mem>>) src(%dma_wait3A_431 : memref<10000x128xf32, #tpu.memory_space<hbm>>) dst(%arg9 : memref<80x128xf32, #tpu.memory_space<vmem>>)
      %dma_start3A_432 = arith.constant 27 : i32
      %dma_start3A_433 = arith.constant 0 : i32
      %dma_start3A_434 = tpu.memref_slice %arg5[%dma_start3A_432, %dma_start3A_433] : memref<32x80xi32, #tpu.memory_space<vmem>> -> memref<1x80xi32, #tpu.memory_space<vmem>>
      %dma_start3A_435 = tpu.memref_squeeze %dma_start3A_434 : memref<1x80xi32, #tpu.memory_space<vmem>> -> memref<80xi32, #tpu.memory_space<vmem>>
      %dma_start3A_436 = arith.constant 0 : i32
      %dma_start3A_437 = arith.constant 0 : i32
      %dma_start3A_438 = tpu.memref_slice %arg10[%dma_start3A_436, %dma_start3A_437] : memref<10320x128xf32, #tpu.memory_space<vmem_shared>> -> memref<10320x128xf32, #tpu.memory_space<vmem_shared>>
      tpu.enqueue_indirect_dma source(%arg9 : memref<80x128xf32, #tpu.memory_space<vmem>>) target(%dma_start3A_438 : memref<10320x128xf32, #tpu.memory_space<vmem_shared>>) offsets(%dma_start3A_435 : memref<80xi32, #tpu.memory_space<vmem>>) semaphore(%arg19 : memref<!tpu.dma_semaphore, #tpu.memory_space<semaphore_mem>>) {add = true}
      %dma_wait3A_439 = arith.constant 24 : i32
      %dma_wait3A_440 = arith.constant 0 : i32
      %dma_wait3A_441 = tpu.memref_slice %arg5[%dma_wait3A_439, %dma_wait3A_440] : memref<32x80xi32, #tpu.memory_space<vmem>> -> memref<1x80xi32, #tpu.memory_space<vmem>>
      %dma_wait3A_442 = tpu.memref_squeeze %dma_wait3A_441 : memref<1x80xi32, #tpu.memory_space<vmem>> -> memref<80xi32, #tpu.memory_space<vmem>>
      %dma_wait3A_443 = arith.constant 0 : i32
      %dma_wait3A_444 = arith.constant 0 : i32
      %dma_wait3A_445 = tpu.memref_slice %arg10[%dma_wait3A_443, %dma_wait3A_444] : memref<10320x128xf32, #tpu.memory_space<vmem_shared>> -> memref<10320x128xf32, #tpu.memory_space<vmem_shared>>
      tpu.wait_indirect_dma semaphore(%arg16 : memref<!tpu.dma_semaphore, #tpu.memory_space<semaphore_mem>>) src(%arg6 : memref<80x128xf32, #tpu.memory_space<vmem>>) dst(%dma_wait3A_445 : memref<10320x128xf32, #tpu.memory_space<vmem_shared>>)
      %dma_start3A_446 = arith.constant 12 : i32
      %dma_start3A_447 = arith.constant 0 : i32
      %dma_start3A_448 = tpu.memref_slice %arg5[%dma_start3A_446, %dma_start3A_447] : memref<32x80xi32, #tpu.memory_space<vmem>> -> memref<1x80xi32, #tpu.memory_space<vmem>>
      %dma_start3A_449 = tpu.memref_squeeze %dma_start3A_448 : memref<1x80xi32, #tpu.memory_space<vmem>> -> memref<80xi32, #tpu.memory_space<vmem>>
      %dma_start3A_450 = arith.constant 0 : i32
      %dma_start3A_451 = arith.constant 0 : i32
      %dma_start3A_452 = tpu.memref_slice %arg2[%dma_start3A_450, %dma_start3A_451] : memref<10000x128xf32, #tpu.memory_space<hbm>> -> memref<10000x128xf32, #tpu.memory_space<hbm>>
      tpu.enqueue_indirect_dma source(%dma_start3A_452 : memref<10000x128xf32, #tpu.memory_space<hbm>>) target(%arg6 : memref<80x128xf32, #tpu.memory_space<vmem>>) offsets(%dma_start3A_449 : memref<80xi32, #tpu.memory_space<vmem>>) semaphore(%arg12 : memref<!tpu.dma_semaphore, #tpu.memory_space<semaphore_mem>>)
      %dma_wait3A_453 = arith.constant 25 : i32
      %dma_wait3A_454 = arith.constant 0 : i32
      %dma_wait3A_455 = tpu.memref_slice %arg5[%dma_wait3A_453, %dma_wait3A_454] : memref<32x80xi32, #tpu.memory_space<vmem>> -> memref<1x80xi32, #tpu.memory_space<vmem>>
      %dma_wait3A_456 = tpu.memref_squeeze %dma_wait3A_455 : memref<1x80xi32, #tpu.memory_space<vmem>> -> memref<80xi32, #tpu.memory_space<vmem>>
      %dma_wait3A_457 = arith.constant 0 : i32
      %dma_wait3A_458 = arith.constant 0 : i32
      %dma_wait3A_459 = tpu.memref_slice %arg10[%dma_wait3A_457, %dma_wait3A_458] : memref<10320x128xf32, #tpu.memory_space<vmem_shared>> -> memref<10320x128xf32, #tpu.memory_space<vmem_shared>>
      tpu.wait_indirect_dma semaphore(%arg17 : memref<!tpu.dma_semaphore, #tpu.memory_space<semaphore_mem>>) src(%arg7 : memref<80x128xf32, #tpu.memory_space<vmem>>) dst(%dma_wait3A_459 : memref<10320x128xf32, #tpu.memory_space<vmem_shared>>)
      %dma_start3A_460 = arith.constant 13 : i32
      %dma_start3A_461 = arith.constant 0 : i32
      %dma_start3A_462 = tpu.memref_slice %arg5[%dma_start3A_460, %dma_start3A_461] : memref<32x80xi32, #tpu.memory_space<vmem>> -> memref<1x80xi32, #tpu.memory_space<vmem>>
      %dma_start3A_463 = tpu.memref_squeeze %dma_start3A_462 : memref<1x80xi32, #tpu.memory_space<vmem>> -> memref<80xi32, #tpu.memory_space<vmem>>
      %dma_start3A_464 = arith.constant 0 : i32
      %dma_start3A_465 = arith.constant 0 : i32
      %dma_start3A_466 = tpu.memref_slice %arg2[%dma_start3A_464, %dma_start3A_465] : memref<10000x128xf32, #tpu.memory_space<hbm>> -> memref<10000x128xf32, #tpu.memory_space<hbm>>
      tpu.enqueue_indirect_dma source(%dma_start3A_466 : memref<10000x128xf32, #tpu.memory_space<hbm>>) target(%arg7 : memref<80x128xf32, #tpu.memory_space<vmem>>) offsets(%dma_start3A_463 : memref<80xi32, #tpu.memory_space<vmem>>) semaphore(%arg13 : memref<!tpu.dma_semaphore, #tpu.memory_space<semaphore_mem>>)
      %dma_wait3A_467 = arith.constant 26 : i32
      %dma_wait3A_468 = arith.constant 0 : i32
      %dma_wait3A_469 = tpu.memref_slice %arg5[%dma_wait3A_467, %dma_wait3A_468] : memref<32x80xi32, #tpu.memory_space<vmem>> -> memref<1x80xi32, #tpu.memory_space<vmem>>
      %dma_wait3A_470 = tpu.memref_squeeze %dma_wait3A_469 : memref<1x80xi32, #tpu.memory_space<vmem>> -> memref<80xi32, #tpu.memory_space<vmem>>
      %dma_wait3A_471 = arith.constant 0 : i32
      %dma_wait3A_472 = arith.constant 0 : i32
      %dma_wait3A_473 = tpu.memref_slice %arg10[%dma_wait3A_471, %dma_wait3A_472] : memref<10320x128xf32, #tpu.memory_space<vmem_shared>> -> memref<10320x128xf32, #tpu.memory_space<vmem_shared>>
      tpu.wait_indirect_dma semaphore(%arg18 : memref<!tpu.dma_semaphore, #tpu.memory_space<semaphore_mem>>) src(%arg8 : memref<80x128xf32, #tpu.memory_space<vmem>>) dst(%dma_wait3A_473 : memref<10320x128xf32, #tpu.memory_space<vmem_shared>>)
      %dma_start3A_474 = arith.constant 14 : i32
      %dma_start3A_475 = arith.constant 0 : i32
      %dma_start3A_476 = tpu.memref_slice %arg5[%dma_start3A_474, %dma_start3A_475] : memref<32x80xi32, #tpu.memory_space<vmem>> -> memref<1x80xi32, #tpu.memory_space<vmem>>
      %dma_start3A_477 = tpu.memref_squeeze %dma_start3A_476 : memref<1x80xi32, #tpu.memory_space<vmem>> -> memref<80xi32, #tpu.memory_space<vmem>>
      %dma_start3A_478 = arith.constant 0 : i32
      %dma_start3A_479 = arith.constant 0 : i32
      %dma_start3A_480 = tpu.memref_slice %arg2[%dma_start3A_478, %dma_start3A_479] : memref<10000x128xf32, #tpu.memory_space<hbm>> -> memref<10000x128xf32, #tpu.memory_space<hbm>>
      tpu.enqueue_indirect_dma source(%dma_start3A_480 : memref<10000x128xf32, #tpu.memory_space<hbm>>) target(%arg8 : memref<80x128xf32, #tpu.memory_space<vmem>>) offsets(%dma_start3A_477 : memref<80xi32, #tpu.memory_space<vmem>>) semaphore(%arg14 : memref<!tpu.dma_semaphore, #tpu.memory_space<semaphore_mem>>)
      %dma_wait3A_481 = arith.constant 27 : i32
      %dma_wait3A_482 = arith.constant 0 : i32
      %dma_wait3A_483 = tpu.memref_slice %arg5[%dma_wait3A_481, %dma_wait3A_482] : memref<32x80xi32, #tpu.memory_space<vmem>> -> memref<1x80xi32, #tpu.memory_space<vmem>>
      %dma_wait3A_484 = tpu.memref_squeeze %dma_wait3A_483 : memref<1x80xi32, #tpu.memory_space<vmem>> -> memref<80xi32, #tpu.memory_space<vmem>>
      %dma_wait3A_485 = arith.constant 0 : i32
      %dma_wait3A_486 = arith.constant 0 : i32
      %dma_wait3A_487 = tpu.memref_slice %arg10[%dma_wait3A_485, %dma_wait3A_486] : memref<10320x128xf32, #tpu.memory_space<vmem_shared>> -> memref<10320x128xf32, #tpu.memory_space<vmem_shared>>
      tpu.wait_indirect_dma semaphore(%arg19 : memref<!tpu.dma_semaphore, #tpu.memory_space<semaphore_mem>>) src(%arg9 : memref<80x128xf32, #tpu.memory_space<vmem>>) dst(%dma_wait3A_487 : memref<10320x128xf32, #tpu.memory_space<vmem_shared>>)
      %dma_start3A_488 = arith.constant 15 : i32
      %dma_start3A_489 = arith.constant 0 : i32
      %dma_start3A_490 = tpu.memref_slice %arg5[%dma_start3A_488, %dma_start3A_489] : memref<32x80xi32, #tpu.memory_space<vmem>> -> memref<1x80xi32, #tpu.memory_space<vmem>>
      %dma_start3A_491 = tpu.memref_squeeze %dma_start3A_490 : memref<1x80xi32, #tpu.memory_space<vmem>> -> memref<80xi32, #tpu.memory_space<vmem>>
      %dma_start3A_492 = arith.constant 0 : i32
      %dma_start3A_493 = arith.constant 0 : i32
      %dma_start3A_494 = tpu.memref_slice %arg2[%dma_start3A_492, %dma_start3A_493] : memref<10000x128xf32, #tpu.memory_space<hbm>> -> memref<10000x128xf32, #tpu.memory_space<hbm>>
      tpu.enqueue_indirect_dma source(%dma_start3A_494 : memref<10000x128xf32, #tpu.memory_space<hbm>>) target(%arg9 : memref<80x128xf32, #tpu.memory_space<vmem>>) offsets(%dma_start3A_491 : memref<80xi32, #tpu.memory_space<vmem>>) semaphore(%arg15 : memref<!tpu.dma_semaphore, #tpu.memory_space<semaphore_mem>>)
      %dma_wait3A_495 = arith.constant 12 : i32
      %dma_wait3A_496 = arith.constant 0 : i32
      %dma_wait3A_497 = tpu.memref_slice %arg5[%dma_wait3A_495, %dma_wait3A_496] : memref<32x80xi32, #tpu.memory_space<vmem>> -> memref<1x80xi32, #tpu.memory_space<vmem>>
      %dma_wait3A_498 = tpu.memref_squeeze %dma_wait3A_497 : memref<1x80xi32, #tpu.memory_space<vmem>> -> memref<80xi32, #tpu.memory_space<vmem>>
      %dma_wait3A_499 = arith.constant 0 : i32
      %dma_wait3A_500 = arith.constant 0 : i32
      %dma_wait3A_501 = tpu.memref_slice %arg2[%dma_wait3A_499, %dma_wait3A_500] : memref<10000x128xf32, #tpu.memory_space<hbm>> -> memref<10000x128xf32, #tpu.memory_space<hbm>>
      tpu.wait_indirect_dma semaphore(%arg12 : memref<!tpu.dma_semaphore, #tpu.memory_space<semaphore_mem>>) src(%dma_wait3A_501 : memref<10000x128xf32, #tpu.memory_space<hbm>>) dst(%arg6 : memref<80x128xf32, #tpu.memory_space<vmem>>)
      %dma_start3A_502 = arith.constant 28 : i32
      %dma_start3A_503 = arith.constant 0 : i32
      %dma_start3A_504 = tpu.memref_slice %arg5[%dma_start3A_502, %dma_start3A_503] : memref<32x80xi32, #tpu.memory_space<vmem>> -> memref<1x80xi32, #tpu.memory_space<vmem>>
      %dma_start3A_505 = tpu.memref_squeeze %dma_start3A_504 : memref<1x80xi32, #tpu.memory_space<vmem>> -> memref<80xi32, #tpu.memory_space<vmem>>
      %dma_start3A_506 = arith.constant 0 : i32
      %dma_start3A_507 = arith.constant 0 : i32
      %dma_start3A_508 = tpu.memref_slice %arg10[%dma_start3A_506, %dma_start3A_507] : memref<10320x128xf32, #tpu.memory_space<vmem_shared>> -> memref<10320x128xf32, #tpu.memory_space<vmem_shared>>
      tpu.enqueue_indirect_dma source(%arg6 : memref<80x128xf32, #tpu.memory_space<vmem>>) target(%dma_start3A_508 : memref<10320x128xf32, #tpu.memory_space<vmem_shared>>) offsets(%dma_start3A_505 : memref<80xi32, #tpu.memory_space<vmem>>) semaphore(%arg16 : memref<!tpu.dma_semaphore, #tpu.memory_space<semaphore_mem>>) {add = true}
      %dma_wait3A_509 = arith.constant 13 : i32
      %dma_wait3A_510 = arith.constant 0 : i32
      %dma_wait3A_511 = tpu.memref_slice %arg5[%dma_wait3A_509, %dma_wait3A_510] : memref<32x80xi32, #tpu.memory_space<vmem>> -> memref<1x80xi32, #tpu.memory_space<vmem>>
      %dma_wait3A_512 = tpu.memref_squeeze %dma_wait3A_511 : memref<1x80xi32, #tpu.memory_space<vmem>> -> memref<80xi32, #tpu.memory_space<vmem>>
      %dma_wait3A_513 = arith.constant 0 : i32
      %dma_wait3A_514 = arith.constant 0 : i32
      %dma_wait3A_515 = tpu.memref_slice %arg2[%dma_wait3A_513, %dma_wait3A_514] : memref<10000x128xf32, #tpu.memory_space<hbm>> -> memref<10000x128xf32, #tpu.memory_space<hbm>>
      tpu.wait_indirect_dma semaphore(%arg13 : memref<!tpu.dma_semaphore, #tpu.memory_space<semaphore_mem>>) src(%dma_wait3A_515 : memref<10000x128xf32, #tpu.memory_space<hbm>>) dst(%arg7 : memref<80x128xf32, #tpu.memory_space<vmem>>)
      %dma_start3A_516 = arith.constant 29 : i32
      %dma_start3A_517 = arith.constant 0 : i32
      %dma_start3A_518 = tpu.memref_slice %arg5[%dma_start3A_516, %dma_start3A_517] : memref<32x80xi32, #tpu.memory_space<vmem>> -> memref<1x80xi32, #tpu.memory_space<vmem>>
      %dma_start3A_519 = tpu.memref_squeeze %dma_start3A_518 : memref<1x80xi32, #tpu.memory_space<vmem>> -> memref<80xi32, #tpu.memory_space<vmem>>
      %dma_start3A_520 = arith.constant 0 : i32
      %dma_start3A_521 = arith.constant 0 : i32
      %dma_start3A_522 = tpu.memref_slice %arg10[%dma_start3A_520, %dma_start3A_521] : memref<10320x128xf32, #tpu.memory_space<vmem_shared>> -> memref<10320x128xf32, #tpu.memory_space<vmem_shared>>
      tpu.enqueue_indirect_dma source(%arg7 : memref<80x128xf32, #tpu.memory_space<vmem>>) target(%dma_start3A_522 : memref<10320x128xf32, #tpu.memory_space<vmem_shared>>) offsets(%dma_start3A_519 : memref<80xi32, #tpu.memory_space<vmem>>) semaphore(%arg17 : memref<!tpu.dma_semaphore, #tpu.memory_space<semaphore_mem>>) {add = true}
      %dma_wait3A_523 = arith.constant 14 : i32
      %dma_wait3A_524 = arith.constant 0 : i32
      %dma_wait3A_525 = tpu.memref_slice %arg5[%dma_wait3A_523, %dma_wait3A_524] : memref<32x80xi32, #tpu.memory_space<vmem>> -> memref<1x80xi32, #tpu.memory_space<vmem>>
      %dma_wait3A_526 = tpu.memref_squeeze %dma_wait3A_525 : memref<1x80xi32, #tpu.memory_space<vmem>> -> memref<80xi32, #tpu.memory_space<vmem>>
      %dma_wait3A_527 = arith.constant 0 : i32
      %dma_wait3A_528 = arith.constant 0 : i32
      %dma_wait3A_529 = tpu.memref_slice %arg2[%dma_wait3A_527, %dma_wait3A_528] : memref<10000x128xf32, #tpu.memory_space<hbm>> -> memref<10000x128xf32, #tpu.memory_space<hbm>>
      tpu.wait_indirect_dma semaphore(%arg14 : memref<!tpu.dma_semaphore, #tpu.memory_space<semaphore_mem>>) src(%dma_wait3A_529 : memref<10000x128xf32, #tpu.memory_space<hbm>>) dst(%arg8 : memref<80x128xf32, #tpu.memory_space<vmem>>)
      %dma_start3A_530 = arith.constant 30 : i32
      %dma_start3A_531 = arith.constant 0 : i32
      %dma_start3A_532 = tpu.memref_slice %arg5[%dma_start3A_530, %dma_start3A_531] : memref<32x80xi32, #tpu.memory_space<vmem>> -> memref<1x80xi32, #tpu.memory_space<vmem>>
      %dma_start3A_533 = tpu.memref_squeeze %dma_start3A_532 : memref<1x80xi32, #tpu.memory_space<vmem>> -> memref<80xi32, #tpu.memory_space<vmem>>
      %dma_start3A_534 = arith.constant 0 : i32
      %dma_start3A_535 = arith.constant 0 : i32
      %dma_start3A_536 = tpu.memref_slice %arg10[%dma_start3A_534, %dma_start3A_535] : memref<10320x128xf32, #tpu.memory_space<vmem_shared>> -> memref<10320x128xf32, #tpu.memory_space<vmem_shared>>
      tpu.enqueue_indirect_dma source(%arg8 : memref<80x128xf32, #tpu.memory_space<vmem>>) target(%dma_start3A_536 : memref<10320x128xf32, #tpu.memory_space<vmem_shared>>) offsets(%dma_start3A_533 : memref<80xi32, #tpu.memory_space<vmem>>) semaphore(%arg18 : memref<!tpu.dma_semaphore, #tpu.memory_space<semaphore_mem>>) {add = true}
      %dma_wait3A_537 = arith.constant 15 : i32
      %dma_wait3A_538 = arith.constant 0 : i32
      %dma_wait3A_539 = tpu.memref_slice %arg5[%dma_wait3A_537, %dma_wait3A_538] : memref<32x80xi32, #tpu.memory_space<vmem>> -> memref<1x80xi32, #tpu.memory_space<vmem>>
      %dma_wait3A_540 = tpu.memref_squeeze %dma_wait3A_539 : memref<1x80xi32, #tpu.memory_space<vmem>> -> memref<80xi32, #tpu.memory_space<vmem>>
      %dma_wait3A_541 = arith.constant 0 : i32
      %dma_wait3A_542 = arith.constant 0 : i32
      %dma_wait3A_543 = tpu.memref_slice %arg2[%dma_wait3A_541, %dma_wait3A_542] : memref<10000x128xf32, #tpu.memory_space<hbm>> -> memref<10000x128xf32, #tpu.memory_space<hbm>>
      tpu.wait_indirect_dma semaphore(%arg15 : memref<!tpu.dma_semaphore, #tpu.memory_space<semaphore_mem>>) src(%dma_wait3A_543 : memref<10000x128xf32, #tpu.memory_space<hbm>>) dst(%arg9 : memref<80x128xf32, #tpu.memory_space<vmem>>)
      %dma_start3A_544 = arith.constant 31 : i32
      %dma_start3A_545 = arith.constant 0 : i32
      %dma_start3A_546 = tpu.memref_slice %arg5[%dma_start3A_544, %dma_start3A_545] : memref<32x80xi32, #tpu.memory_space<vmem>> -> memref<1x80xi32, #tpu.memory_space<vmem>>
      %dma_start3A_547 = tpu.memref_squeeze %dma_start3A_546 : memref<1x80xi32, #tpu.memory_space<vmem>> -> memref<80xi32, #tpu.memory_space<vmem>>
      %dma_start3A_548 = arith.constant 0 : i32
      %dma_start3A_549 = arith.constant 0 : i32
      %dma_start3A_550 = tpu.memref_slice %arg10[%dma_start3A_548, %dma_start3A_549] : memref<10320x128xf32, #tpu.memory_space<vmem_shared>> -> memref<10320x128xf32, #tpu.memory_space<vmem_shared>>
      tpu.enqueue_indirect_dma source(%arg9 : memref<80x128xf32, #tpu.memory_space<vmem>>) target(%dma_start3A_550 : memref<10320x128xf32, #tpu.memory_space<vmem_shared>>) offsets(%dma_start3A_547 : memref<80xi32, #tpu.memory_space<vmem>>) semaphore(%arg19 : memref<!tpu.dma_semaphore, #tpu.memory_space<semaphore_mem>>) {add = true}
      %dma_wait3A_551 = arith.constant 28 : i32
      %dma_wait3A_552 = arith.constant 0 : i32
      %dma_wait3A_553 = tpu.memref_slice %arg5[%dma_wait3A_551, %dma_wait3A_552] : memref<32x80xi32, #tpu.memory_space<vmem>> -> memref<1x80xi32, #tpu.memory_space<vmem>>
      %dma_wait3A_554 = tpu.memref_squeeze %dma_wait3A_553 : memref<1x80xi32, #tpu.memory_space<vmem>> -> memref<80xi32, #tpu.memory_space<vmem>>
      %dma_wait3A_555 = arith.constant 0 : i32
      %dma_wait3A_556 = arith.constant 0 : i32
      %dma_wait3A_557 = tpu.memref_slice %arg10[%dma_wait3A_555, %dma_wait3A_556] : memref<10320x128xf32, #tpu.memory_space<vmem_shared>> -> memref<10320x128xf32, #tpu.memory_space<vmem_shared>>
      tpu.wait_indirect_dma semaphore(%arg16 : memref<!tpu.dma_semaphore, #tpu.memory_space<semaphore_mem>>) src(%arg6 : memref<80x128xf32, #tpu.memory_space<vmem>>) dst(%dma_wait3A_557 : memref<10320x128xf32, #tpu.memory_space<vmem_shared>>)
      %dma_wait3A_558 = arith.constant 29 : i32
      %dma_wait3A_559 = arith.constant 0 : i32
      %dma_wait3A_560 = tpu.memref_slice %arg5[%dma_wait3A_558, %dma_wait3A_559] : memref<32x80xi32, #tpu.memory_space<vmem>> -> memref<1x80xi32, #tpu.memory_space<vmem>>
      %dma_wait3A_561 = tpu.memref_squeeze %dma_wait3A_560 : memref<1x80xi32, #tpu.memory_space<vmem>> -> memref<80xi32, #tpu.memory_space<vmem>>
      %dma_wait3A_562 = arith.constant 0 : i32
      %dma_wait3A_563 = arith.constant 0 : i32
      %dma_wait3A_564 = tpu.memref_slice %arg10[%dma_wait3A_562, %dma_wait3A_563] : memref<10320x128xf32, #tpu.memory_space<vmem_shared>> -> memref<10320x128xf32, #tpu.memory_space<vmem_shared>>
      tpu.wait_indirect_dma semaphore(%arg17 : memref<!tpu.dma_semaphore, #tpu.memory_space<semaphore_mem>>) src(%arg7 : memref<80x128xf32, #tpu.memory_space<vmem>>) dst(%dma_wait3A_564 : memref<10320x128xf32, #tpu.memory_space<vmem_shared>>)
      %dma_wait3A_565 = arith.constant 30 : i32
      %dma_wait3A_566 = arith.constant 0 : i32
      %dma_wait3A_567 = tpu.memref_slice %arg5[%dma_wait3A_565, %dma_wait3A_566] : memref<32x80xi32, #tpu.memory_space<vmem>> -> memref<1x80xi32, #tpu.memory_space<vmem>>
      %dma_wait3A_568 = tpu.memref_squeeze %dma_wait3A_567 : memref<1x80xi32, #tpu.memory_space<vmem>> -> memref<80xi32, #tpu.memory_space<vmem>>
      %dma_wait3A_569 = arith.constant 0 : i32
      %dma_wait3A_570 = arith.constant 0 : i32
      %dma_wait3A_571 = tpu.memref_slice %arg10[%dma_wait3A_569, %dma_wait3A_570] : memref<10320x128xf32, #tpu.memory_space<vmem_shared>> -> memref<10320x128xf32, #tpu.memory_space<vmem_shared>>
      tpu.wait_indirect_dma semaphore(%arg18 : memref<!tpu.dma_semaphore, #tpu.memory_space<semaphore_mem>>) src(%arg8 : memref<80x128xf32, #tpu.memory_space<vmem>>) dst(%dma_wait3A_571 : memref<10320x128xf32, #tpu.memory_space<vmem_shared>>)
      %dma_wait3A_572 = arith.constant 31 : i32
      %dma_wait3A_573 = arith.constant 0 : i32
      %dma_wait3A_574 = tpu.memref_slice %arg5[%dma_wait3A_572, %dma_wait3A_573] : memref<32x80xi32, #tpu.memory_space<vmem>> -> memref<1x80xi32, #tpu.memory_space<vmem>>
      %dma_wait3A_575 = tpu.memref_squeeze %dma_wait3A_574 : memref<1x80xi32, #tpu.memory_space<vmem>> -> memref<80xi32, #tpu.memory_space<vmem>>
      %dma_wait3A_576 = arith.constant 0 : i32
      %dma_wait3A_577 = arith.constant 0 : i32
      %dma_wait3A_578 = tpu.memref_slice %arg10[%dma_wait3A_576, %dma_wait3A_577] : memref<10320x128xf32, #tpu.memory_space<vmem_shared>> -> memref<10320x128xf32, #tpu.memory_space<vmem_shared>>
      tpu.wait_indirect_dma semaphore(%arg19 : memref<!tpu.dma_semaphore, #tpu.memory_space<semaphore_mem>>) src(%arg9 : memref<80x128xf32, #tpu.memory_space<vmem>>) dst(%dma_wait3A_578 : memref<10320x128xf32, #tpu.memory_space<vmem_shared>>)
    }
    %scan3A_104 = arith.constant 8 : i32
    %barrier3A_105 = arith.constant 0 : index
    tpu.barrier barrier_id(%barrier3A_105)
    %mul3A_106 = arith.constant 640 : i32
    %mul3A_107 = arith.muli %arg1, %mul3A_106 : i32
    %mul3A_108 = arith.constant 10240 : i32
    %mul3A_109 = arith.muli %arg0, %mul3A_108 : i32
    %add3A_110 = arith.addi %mul3A_109, %mul3A_107 : i32
    "tpu.region"() ({
      %run_scoped3A = tpu.sem_alloc : memref<!tpu.dma_semaphore, #tpu.memory_space<semaphore_mem>>
      %dma_start3A_111 = arith.constant 0 : i32
      %dma_start3A_112 = tpu.memref_slice %arg4[%add3A_110, %dma_start3A_111] : memref<20480x128xf32, #tpu.memory_space<hbm>> -> memref<640x128xf32, #tpu.memory_space<hbm>>
      %dma_start3A_113 = arith.constant 0 : i32
      %dma_start3A_114 = tpu.memref_slice %arg10[%mul3A_107, %dma_start3A_113] : memref<10320x128xf32, #tpu.memory_space<vmem_shared>> -> memref<640x128xf32, #tpu.memory_space<vmem_shared>>
      tpu.enqueue_dma source(%dma_start3A_114 : memref<640x128xf32, #tpu.memory_space<vmem_shared>>) target(%dma_start3A_112 : memref<640x128xf32, #tpu.memory_space<hbm>>) target_semaphore(%run_scoped3A : memref<!tpu.dma_semaphore, #tpu.memory_space<semaphore_mem>>)
      %dma_wait3A_115 = arith.constant 0 : i32
      %dma_wait3A_116 = tpu.memref_slice %arg4[%add3A_110, %dma_wait3A_115] : memref<20480x128xf32, #tpu.memory_space<hbm>> -> memref<640x128xf32, #tpu.memory_space<hbm>>
      %dma_wait3A_117 = arith.constant 0 : i32
      %dma_wait3A_118 = tpu.memref_slice %arg10[%mul3A_107, %dma_wait3A_117] : memref<10320x128xf32, #tpu.memory_space<vmem_shared>> -> memref<640x128xf32, #tpu.memory_space<vmem_shared>>
      tpu.wait_dma2 semaphore(%run_scoped3A : memref<!tpu.dma_semaphore, #tpu.memory_space<semaphore_mem>>) src(%dma_wait3A_118 : memref<640x128xf32, #tpu.memory_space<vmem_shared>>) dst(%dma_wait3A_116 : memref<640x128xf32, #tpu.memory_space<hbm>>)
      tpu.yield
    }) : () -> ()
    return
  }
}

module attributes {stable_mosaic.version = 14 : i64} {
  func.func @body(%arg0: memref<10000x128xf32, #tpu.memory_space<vmem>>, %arg1: memref<20480x128xf32, #tpu.memory_space<vmem>>, %arg2: memref<128x1xi32, #tpu.memory_space<vmem>>, %arg3: memref<128x128xf32, #tpu.memory_space<vmem>>, %arg4: memref<10000x1xf32, #tpu.memory_space<vmem>>, %arg5: memref<10000x128xf32, #tpu.memory_space<vmem>>, %arg6: memref<128x128xf32, #tpu.memory_space<vmem>>) attributes {dimension_semantics = [], scalar_prefetch = 0 : i64, scratch_operands = 0 : i64, tpu.core_type = #tpu.core_type<tc>} {
    %get3A = arith.constant 0 : index
    %get3A_0 = arith.constant 0 : index
    %get3A_1 = vector.load %arg1[%get3A, %get3A_0] : memref<20480x128xf32, #tpu.memory_space<vmem>>, vector<10000x1xf32>
    %get3A_2 = arith.constant 10240 : index
    %get3A_3 = arith.constant 0 : index
    %get3A_4 = vector.load %arg1[%get3A_2, %get3A_3] : memref<20480x128xf32, #tpu.memory_space<vmem>>, vector<10000x1xf32>
    %add3A = arith.addf %get3A_1, %get3A_4 : vector<10000x1xf32>
    %add3A_5 = arith.constant 1.000000e+00 : f32
    %add3A_6 = vector.broadcast %add3A_5 : f32 to vector<10000x1xf32>
    %add3A_7 = arith.addf %add3A, %add3A_6 : vector<10000x1xf32>
    %rsqrt3A = math.rsqrt %add3A_7 : vector<10000x1xf32>
    %swap3A = arith.constant 0 : index
    %swap3A_8 = arith.constant 0 : index
    %swap3A_9 = vector.load %arg4[%swap3A, %swap3A_8] : memref<10000x1xf32, #tpu.memory_space<vmem>>, vector<10000x1xf32>
    tpu.vector_store %arg4[%swap3A, %swap3A_8], %rsqrt3A {strides = array<i32>} : memref<10000x1xf32, #tpu.memory_space<vmem>>, vector<10000x1xf32>,
    %get3A_10 = arith.constant 0 : index
    %get3A_11 = arith.constant 0 : index
    %get3A_12 = vector.load %arg0[%get3A_10, %get3A_11] : memref<10000x128xf32, #tpu.memory_space<vmem>>, vector<10000x128xf32>
    %mul3A = vector.broadcast %rsqrt3A : vector<10000x1xf32> to vector<10000x128xf32>
    %mul3A_13 = arith.mulf %get3A_12, %mul3A : vector<10000x128xf32>
    %swap3A_14 = arith.constant 0 : index
    %swap3A_15 = arith.constant 0 : index
    %swap3A_16 = vector.load %arg5[%swap3A_14, %swap3A_15] : memref<10000x128xf32, #tpu.memory_space<vmem>>, vector<10000x128xf32>
    tpu.vector_store %arg5[%swap3A_14, %swap3A_15], %mul3A_13 {strides = array<i32>} : memref<10000x128xf32, #tpu.memory_space<vmem>>, vector<10000x128xf32>,
    %get3A_17 = arith.constant 0 : index
    %get3A_18 = arith.constant 0 : index
    %get3A_19 = vector.load %arg2[%get3A_17, %get3A_18] : memref<128x1xi32, #tpu.memory_space<vmem>>, vector<128x1xi32>
    %iota3A = tpu.iota {dimensions = array<i32: 1>} : vector<128x10000xi32>
    %eq3A = vector.broadcast %get3A_19 : vector<128x1xi32> to vector<128x10000xi32>
    %eq3A_20 = arith.cmpi eq, %eq3A, %iota3A : vector<128x10000xi32>
    %convert_element_type3A = arith.extui %eq3A_20 : vector<128x10000xi1> to vector<128x10000xi32>
    %convert_element_type3A_21 = arith.sitofp %convert_element_type3A : vector<128x10000xi32> to vector<128x10000xf32>
    %get3A_22 = arith.constant 0 : index
    %get3A_23 = arith.constant 0 : index
    %get3A_24 = vector.load %arg0[%get3A_22, %get3A_23] : memref<10000x128xf32, #tpu.memory_space<vmem>>, vector<10000x128xf32>
    %dot_general3A = arith.constant dense<0.000000e+00> : vector<128x128xf32>
    %dot_general3A_25 = tpu.matmul %convert_element_type3A_21, %get3A_24, %dot_general3A {dimension_numbers = #tpu.dot_dimension_numbers<[1], [0], [0], [1], [0, 0, 1, 1], [], []>, precision = #tpu.contract_precision<fp32>, transpose_lhs_hint = false} : vector<128x10000xf32>, vector<10000x128xf32>, vector<128x128xf32> -> vector<128x128xf32>
    %max3A = arith.constant 0.000000e+00 : f32
    %max3A_26 = vector.broadcast %max3A : f32 to vector<128x128xf32>
    %max3A_27 = arith.maximumf %dot_general3A_25, %max3A_26 : vector<128x128xf32>
    %get3A_28 = arith.constant 0 : index
    %get3A_29 = arith.constant 0 : index
    %get3A_30 = vector.load %arg3[%get3A_28, %get3A_29] : memref<128x128xf32, #tpu.memory_space<vmem>>, vector<128x128xf32>
    %dot_general3A_31 = arith.constant dense<0.000000e+00> : vector<128x128xf32>
    %dot_general3A_32 = tpu.matmul %max3A_27, %get3A_30, %dot_general3A_31 {dimension_numbers = #tpu.dot_dimension_numbers<[1], [0], [0], [1], [0, 0, 1, 1], [], []>, precision = #tpu.contract_precision<fp32>, transpose_lhs_hint = false} : vector<128x128xf32>, vector<128x128xf32>, vector<128x128xf32> -> vector<128x128xf32>
    %swap3A_33 = arith.constant 0 : index
    %swap3A_34 = arith.constant 0 : index
    %swap3A_35 = vector.load %arg6[%swap3A_33, %swap3A_34] : memref<128x128xf32, #tpu.memory_space<vmem>>, vector<128x128xf32>
    tpu.vector_store %arg6[%swap3A_33, %swap3A_34], %dot_general3A_32 {strides = array<i32>} : memref<128x128xf32, #tpu.memory_space<vmem>>, vector<128x128xf32>,
    return
  }
}

module attributes {stable_mosaic.version = 14 : i64} {
  func.func @body(%arg0: i32, %arg1: memref<2000x128xf32, #tpu.memory_space<vmem>>, %arg2: memref<2000x128xf32, #tpu.memory_space<vmem>>, %arg3: memref<2000x128xf32, #tpu.memory_space<vmem>>, %arg4: memref<2000x1xf32, #tpu.memory_space<vmem>>, %arg5: memref<2000x1xi32, #tpu.memory_space<vmem>>, %arg6: memref<128x256xf32, #tpu.memory_space<vmem>>, %arg7: memref<1x256xf32, #tpu.memory_space<vmem>>, %arg8: memref<256x128xf32, #tpu.memory_space<vmem>>, %arg9: memref<128x128xf32, #tpu.memory_space<vmem>>, %arg10: memref<2000x256xf32, #tpu.memory_space<vmem>>, %arg11: memref<2000x128xf32, #tpu.memory_space<vmem>>, %arg12: memref<2000x128xf32, #tpu.memory_space<vmem>>) attributes {dimension_semantics = [#tpu.dimension_semantics<arbitrary>], iteration_bounds = array<i64: 5>, scalar_prefetch = 0 : i64, scratch_operands = 0 : i64, tpu.core_type = #tpu.core_type<tc>, window_params = [{transform_indices = @transform_0, window_bounds = array<i64: 2000, 128>}, {transform_indices = @transform_1, window_bounds = array<i64: 2000, 128>}, {transform_indices = @transform_2, window_bounds = array<i64: 2000, 128>}, {transform_indices = @transform_3, window_bounds = array<i64: 2000, 1>}, {transform_indices = @transform_4, window_bounds = array<i64: 2000, 1>}, {pipeline_mode = #tpu.pipeline_mode<synchronous>, transform_indices = @transform_5, window_bounds = array<i64: 128, 256>}, {pipeline_mode = #tpu.pipeline_mode<synchronous>, transform_indices = @transform_6, window_bounds = array<i64: 1, 256>}, {pipeline_mode = #tpu.pipeline_mode<synchronous>, transform_indices = @transform_7, window_bounds = array<i64: 256, 128>}, {pipeline_mode = #tpu.pipeline_mode<synchronous>, transform_indices = @transform_8, window_bounds = array<i64: 128, 128>}, {transform_indices = @transform_9, window_bounds = array<i64: 2000, 256>}, {transform_indices = @transform_10, window_bounds = array<i64: 2000, 128>}, {transform_indices = @transform_11, window_bounds = array<i64: 2000, 128>}]} {
    %get3A = arith.constant 0 : index
    %get3A_0 = arith.constant 0 : index
    %get3A_1 = vector.load %arg4[%get3A, %get3A_0] : memref<2000x1xf32, #tpu.memory_space<vmem>>, vector<2000x1xf32>
    %get3A_2 = arith.constant 0 : index
    %get3A_3 = arith.constant 0 : index
    %get3A_4 = vector.load %arg1[%get3A_2, %get3A_3] : memref<2000x128xf32, #tpu.memory_space<vmem>>, vector<2000x128xf32>
    %get3A_5 = arith.constant 0 : index
    %get3A_6 = arith.constant 0 : index
    %get3A_7 = vector.load %arg2[%get3A_5, %get3A_6] : memref<2000x128xf32, #tpu.memory_space<vmem>>, vector<2000x128xf32>
    %add3A = arith.addf %get3A_4, %get3A_7 : vector<2000x128xf32>
    %mul3A = vector.broadcast %get3A_1 : vector<2000x1xf32> to vector<2000x128xf32>
    %mul3A_8 = arith.mulf %mul3A, %add3A : vector<2000x128xf32>
    %mul3A_9 = arith.mulf %get3A_1, %get3A_1 : vector<2000x1xf32>
    %get3A_10 = arith.constant 0 : index
    %get3A_11 = arith.constant 0 : index
    %get3A_12 = vector.load %arg3[%get3A_10, %get3A_11] : memref<2000x128xf32, #tpu.memory_space<vmem>>, vector<2000x128xf32>
    %mul3A_13 = vector.broadcast %mul3A_9 : vector<2000x1xf32> to vector<2000x128xf32>
    %mul3A_14 = arith.mulf %mul3A_13, %get3A_12 : vector<2000x128xf32>
    %add3A_15 = arith.addf %mul3A_8, %mul3A_14 : vector<2000x128xf32>
    %get3A_16 = arith.constant 0 : index
    %get3A_17 = arith.constant 0 : index
    %get3A_18 = vector.load %arg6[%get3A_16, %get3A_17] : memref<128x256xf32, #tpu.memory_space<vmem>>, vector<128x256xf32>
    %dot_general3A = arith.constant dense<0.000000e+00> : vector<2000x256xf32>
    %dot_general3A_19 = tpu.matmul %add3A_15, %get3A_18, %dot_general3A {dimension_numbers = #tpu.dot_dimension_numbers<[1], [0], [0], [1], [0, 0, 1, 1], [], []>, precision = #tpu.contract_precision<fp32>, transpose_lhs_hint = false} : vector<2000x128xf32>, vector<128x256xf32>, vector<2000x256xf32> -> vector<2000x256xf32>
    %get3A_20 = arith.constant 0 : index
    %get3A_21 = arith.constant 0 : index
    %get3A_22 = vector.load %arg7[%get3A_20, %get3A_21] : memref<1x256xf32, #tpu.memory_space<vmem>>, vector<1x256xf32>
    %add3A_23 = vector.broadcast %get3A_22 : vector<1x256xf32> to vector<2000x256xf32>
    %add3A_24 = arith.addf %dot_general3A_19, %add3A_23 : vector<2000x256xf32>
    %max3A = arith.constant 0.000000e+00 : f32
    %max3A_25 = vector.broadcast %max3A : f32 to vector<2000x256xf32>
    %max3A_26 = arith.maximumf %add3A_24, %max3A_25 : vector<2000x256xf32>
    %iota3A = tpu.iota {dimensions = array<i32: 1>} : vector<2000x128xi32>
    %get3A_27 = arith.constant 0 : index
    %get3A_28 = arith.constant 0 : index
    %get3A_29 = vector.load %arg5[%get3A_27, %get3A_28] : memref<2000x1xi32, #tpu.memory_space<vmem>>, vector<2000x1xi32>
    %eq3A = vector.broadcast %get3A_29 : vector<2000x1xi32> to vector<2000x128xi32>
    %eq3A_30 = arith.cmpi eq, %eq3A, %iota3A : vector<2000x128xi32>
    %convert_element_type3A = arith.extui %eq3A_30 : vector<2000x128xi1> to vector<2000x128xi32>
    %convert_element_type3A_31 = arith.sitofp %convert_element_type3A : vector<2000x128xi32> to vector<2000x128xf32>
    %get3A_32 = arith.constant 0 : index
    %get3A_33 = arith.constant 0 : index
    %get3A_34 = vector.load %arg9[%get3A_32, %get3A_33] : memref<128x128xf32, #tpu.memory_space<vmem>>, vector<128x128xf32>
    %dot_general3A_35 = arith.constant dense<0.000000e+00> : vector<2000x128xf32>
    %dot_general3A_36 = tpu.matmul %convert_element_type3A_31, %get3A_34, %dot_general3A_35 {dimension_numbers = #tpu.dot_dimension_numbers<[1], [0], [0], [1], [0, 0, 1, 1], [], []>, precision = #tpu.contract_precision<fp32>, transpose_lhs_hint = false} : vector<2000x128xf32>, vector<128x128xf32>, vector<2000x128xf32> -> vector<2000x128xf32>
    %get3A_37 = arith.constant 0 : index
    %get3A_38 = arith.constant 0 : index
    %get3A_39 = vector.load %arg8[%get3A_37, %get3A_38] : memref<256x128xf32, #tpu.memory_space<vmem>>, vector<256x128xf32>
    %dot_general3A_40 = arith.constant dense<0.000000e+00> : vector<2000x128xf32>
    %dot_general3A_41 = tpu.matmul %max3A_26, %get3A_39, %dot_general3A_40 {dimension_numbers = #tpu.dot_dimension_numbers<[1], [0], [0], [1], [0, 0, 1, 1], [], []>, precision = #tpu.contract_precision<fp32>, transpose_lhs_hint = false} : vector<2000x256xf32>, vector<256x128xf32>, vector<2000x128xf32> -> vector<2000x128xf32>
    %add3A_42 = arith.addf %dot_general3A_41, %dot_general3A_36 : vector<2000x128xf32>
    %swap3A = arith.constant 0 : index
    %swap3A_43 = arith.constant 0 : index
    %swap3A_44 = vector.load %arg10[%swap3A, %swap3A_43] : memref<2000x256xf32, #tpu.memory_space<vmem>>, vector<2000x256xf32>
    tpu.vector_store %arg10[%swap3A, %swap3A_43], %add3A_24 {strides = array<i32>} : memref<2000x256xf32, #tpu.memory_space<vmem>>, vector<2000x256xf32>,
    %swap3A_45 = arith.constant 0 : index
    %swap3A_46 = arith.constant 0 : index
    %swap3A_47 = vector.load %arg11[%swap3A_45, %swap3A_46] : memref<2000x128xf32, #tpu.memory_space<vmem>>, vector<2000x128xf32>
    tpu.vector_store %arg11[%swap3A_45, %swap3A_46], %add3A_42 {strides = array<i32>} : memref<2000x128xf32, #tpu.memory_space<vmem>>, vector<2000x128xf32>,
    %mul3A_48 = vector.broadcast %get3A_1 : vector<2000x1xf32> to vector<2000x128xf32>
    %mul3A_49 = arith.mulf %mul3A_48, %add3A_42 : vector<2000x128xf32>
    %swap3A_50 = arith.constant 0 : index
    %swap3A_51 = arith.constant 0 : index
    %swap3A_52 = vector.load %arg12[%swap3A_50, %swap3A_51] : memref<2000x128xf32, #tpu.memory_space<vmem>>, vector<2000x128xf32>
    tpu.vector_store %arg12[%swap3A_50, %swap3A_51], %mul3A_49 {strides = array<i32>} : memref<2000x128xf32, #tpu.memory_space<vmem>>, vector<2000x128xf32>,
    return
  }
  func.func @transform_0(%arg0: i32) -> (i32, i32) {
    %c0_i32 = arith.constant 0 : i32
    %c0_i32_0 = arith.constant 0 : i32
    return %arg0, %c0_i32 : i32, i32
  }
  func.func @transform_1(%arg0: i32) -> (i32, i32) {
    %c0_i32 = arith.constant 0 : i32
    %c0_i32_0 = arith.constant 0 : i32
    return %arg0, %c0_i32 : i32, i32
  }
  func.func @transform_2(%arg0: i32) -> (i32, i32) {
    %c0_i32 = arith.constant 0 : i32
    %c0_i32_0 = arith.constant 0 : i32
    return %arg0, %c0_i32 : i32, i32
  }
  func.func @transform_3(%arg0: i32) -> (i32, i32) {
    %c0_i32 = arith.constant 0 : i32
    %c0_i32_0 = arith.constant 0 : i32
    return %arg0, %c0_i32 : i32, i32
  }
  func.func @transform_4(%arg0: i32) -> (i32, i32) {
    %c0_i32 = arith.constant 0 : i32
    %c0_i32_0 = arith.constant 0 : i32
    return %arg0, %c0_i32 : i32, i32
  }
  func.func @transform_5(%arg0: i32) -> (i32, i32) {
    %c0_i32 = arith.constant 0 : i32
    %c0_i32_0 = arith.constant 0 : i32
    %c0_i32_1 = arith.constant 0 : i32
    return %c0_i32, %c0_i32_0 : i32, i32
  }
  func.func @transform_6(%arg0: i32) -> (i32, i32) {
    %c0_i32 = arith.constant 0 : i32
    %c0_i32_0 = arith.constant 0 : i32
    %c0_i32_1 = arith.constant 0 : i32
    return %c0_i32, %c0_i32_0 : i32, i32
  }
  func.func @transform_7(%arg0: i32) -> (i32, i32) {
    %c0_i32 = arith.constant 0 : i32
    %c0_i32_0 = arith.constant 0 : i32
    %c0_i32_1 = arith.constant 0 : i32
    return %c0_i32, %c0_i32_0 : i32, i32
  }
  func.func @transform_8(%arg0: i32) -> (i32, i32) {
    %c0_i32 = arith.constant 0 : i32
    %c0_i32_0 = arith.constant 0 : i32
    %c0_i32_1 = arith.constant 0 : i32
    return %c0_i32, %c0_i32_0 : i32, i32
  }
  func.func @transform_9(%arg0: i32) -> (i32, i32) {
    %c0_i32 = arith.constant 0 : i32
    %c0_i32_0 = arith.constant 0 : i32
    return %arg0, %c0_i32 : i32, i32
  }
  func.func @transform_10(%arg0: i32) -> (i32, i32) {
    %c0_i32 = arith.constant 0 : i32
    %c0_i32_0 = arith.constant 0 : i32
    return %arg0, %c0_i32 : i32, i32
  }
  func.func @transform_11(%arg0: i32) -> (i32, i32) {
    %c0_i32 = arith.constant 0 : i32
    %c0_i32_0 = arith.constant 0 : i32
    return %arg0, %c0_i32 : i32, i32
  }
}

module attributes {stable_mosaic.version = 14 : i64} {
  func.func @body(%arg0: i32, %arg1: memref<2000x128xf32, #tpu.memory_space<vmem>>, %arg2: memref<2000x128xf32, #tpu.memory_space<vmem>>, %arg3: memref<2000x128xf32, #tpu.memory_space<vmem>>, %arg4: memref<2000x1xf32, #tpu.memory_space<vmem>>, %arg5: memref<2000x1xi32, #tpu.memory_space<vmem>>, %arg6: memref<2000x256xf32, #tpu.memory_space<vmem>>, %arg7: memref<128x1xi32, #tpu.memory_space<vmem>>, %arg8: memref<1x128xf32, #tpu.memory_space<vmem>>, %arg9: memref<128x384xf32, #tpu.memory_space<vmem>>, %arg10: memref<128x384xf32, #tpu.memory_space<vmem>>, %arg11: memref<128x1xf32, #tpu.memory_space<vmem>>) attributes {dimension_semantics = [#tpu.dimension_semantics<arbitrary>], iteration_bounds = array<i64: 5>, scalar_prefetch = 0 : i64, scratch_operands = 2 : i64, tpu.core_type = #tpu.core_type<tc>, window_params = [{transform_indices = @transform_0, window_bounds = array<i64: 2000, 128>}, {transform_indices = @transform_1, window_bounds = array<i64: 2000, 128>}, {transform_indices = @transform_2, window_bounds = array<i64: 2000, 128>}, {transform_indices = @transform_3, window_bounds = array<i64: 2000, 1>}, {transform_indices = @transform_4, window_bounds = array<i64: 2000, 1>}, {transform_indices = @transform_5, window_bounds = array<i64: 2000, 256>}, {pipeline_mode = #tpu.pipeline_mode<synchronous>, transform_indices = @transform_6, window_bounds = array<i64: 128, 1>}, {pipeline_mode = #tpu.pipeline_mode<synchronous>, transform_indices = @transform_7, window_bounds = array<i64: 1, 128>}, {pipeline_mode = #tpu.pipeline_mode<synchronous>, transform_indices = @transform_8, window_bounds = array<i64: 128, 384>}]} {
    %eq3A = arith.constant 0 : i32
    %eq3A_0 = arith.cmpi eq, %arg0, %eq3A : i32
    %convert_element_type3A = arith.extui %eq3A_0 : i1 to i32
    %cond3A = arith.constant 0 : i32
    %cond3A_1 = arith.cmpi ne, %convert_element_type3A, %cond3A : i32
    scf.if %cond3A_1 {
      %broadcast_in_dim3A_69 = arith.constant 0.000000e+00 : f32
      %broadcast_in_dim3A_70 = vector.broadcast %broadcast_in_dim3A_69 : f32 to vector<128x384xf32>
      %swap3A_71 = arith.constant 0 : index
      %swap3A_72 = arith.constant 0 : index
      %swap3A_73 = vector.load %arg10[%swap3A_71, %swap3A_72] : memref<128x384xf32, #tpu.memory_space<vmem>>, vector<128x384xf32>
      tpu.vector_store %arg10[%swap3A_71, %swap3A_72], %broadcast_in_dim3A_70 {strides = array<i32>} : memref<128x384xf32, #tpu.memory_space<vmem>>, vector<128x384xf32>,
      %broadcast_in_dim3A_74 = arith.constant 0.000000e+00 : f32
      %broadcast_in_dim3A_75 = vector.broadcast %broadcast_in_dim3A_74 : f32 to vector<128x1xf32>
      %swap3A_76 = arith.constant 0 : index
      %swap3A_77 = arith.constant 0 : index
      %swap3A_78 = vector.load %arg11[%swap3A_76, %swap3A_77] : memref<128x1xf32, #tpu.memory_space<vmem>>, vector<128x1xf32>
      tpu.vector_store %arg11[%swap3A_76, %swap3A_77], %broadcast_in_dim3A_75 {strides = array<i32>} : memref<128x1xf32, #tpu.memory_space<vmem>>, vector<128x1xf32>,
    } else {
    }
    %get3A = arith.constant 0 : index
    %get3A_2 = arith.constant 0 : index
    %get3A_3 = vector.load %arg4[%get3A, %get3A_2] : memref<2000x1xf32, #tpu.memory_space<vmem>>, vector<2000x1xf32>
    %get3A_4 = arith.constant 0 : index
    %get3A_5 = arith.constant 0 : index
    %get3A_6 = vector.load %arg1[%get3A_4, %get3A_5] : memref<2000x128xf32, #tpu.memory_space<vmem>>, vector<2000x128xf32>
    %get3A_7 = arith.constant 0 : index
    %get3A_8 = arith.constant 0 : index
    %get3A_9 = vector.load %arg2[%get3A_7, %get3A_8] : memref<2000x128xf32, #tpu.memory_space<vmem>>, vector<2000x128xf32>
    %add3A = arith.addf %get3A_6, %get3A_9 : vector<2000x128xf32>
    %mul3A = vector.broadcast %get3A_3 : vector<2000x1xf32> to vector<2000x128xf32>
    %mul3A_10 = arith.mulf %mul3A, %add3A : vector<2000x128xf32>
    %mul3A_11 = arith.mulf %get3A_3, %get3A_3 : vector<2000x1xf32>
    %get3A_12 = arith.constant 0 : index
    %get3A_13 = arith.constant 0 : index
    %get3A_14 = vector.load %arg3[%get3A_12, %get3A_13] : memref<2000x128xf32, #tpu.memory_space<vmem>>, vector<2000x128xf32>
    %mul3A_15 = vector.broadcast %mul3A_11 : vector<2000x1xf32> to vector<2000x128xf32>
    %mul3A_16 = arith.mulf %mul3A_15, %get3A_14 : vector<2000x128xf32>
    %add3A_17 = arith.addf %mul3A_10, %mul3A_16 : vector<2000x128xf32>
    %iota3A = tpu.iota {dimensions = array<i32: 1>} : vector<2000x128xi32>
    %get3A_18 = arith.constant 0 : index
    %get3A_19 = arith.constant 0 : index
    %get3A_20 = vector.load %arg5[%get3A_18, %get3A_19] : memref<2000x1xi32, #tpu.memory_space<vmem>>, vector<2000x1xi32>
    %eq3A_21 = vector.broadcast %get3A_20 : vector<2000x1xi32> to vector<2000x128xi32>
    %eq3A_22 = arith.cmpi eq, %eq3A_21, %iota3A : vector<2000x128xi32>
    %convert_element_type3A_23 = arith.extui %eq3A_22 : vector<2000x128xi1> to vector<2000x128xi32>
    %convert_element_type3A_24 = arith.sitofp %convert_element_type3A_23 : vector<2000x128xi32> to vector<2000x128xf32>
    %get3A_25 = arith.constant 0 : index
    %get3A_26 = arith.constant 0 : index
    %get3A_27 = vector.load %arg10[%get3A_25, %get3A_26] : memref<128x384xf32, #tpu.memory_space<vmem>>, vector<128x128xf32>
    %dot_general3A = arith.constant dense<0.000000e+00> : vector<128x128xf32>
    %dot_general3A_28 = tpu.matmul %convert_element_type3A_24, %add3A_17, %dot_general3A {dimension_numbers = #tpu.dot_dimension_numbers<[0], [0], [1], [1], [0, 1, 1, 1], [], []>, precision = #tpu.contract_precision<fp32>, transpose_lhs_hint = false} : vector<2000x128xf32>, vector<2000x128xf32>, vector<128x128xf32> -> vector<128x128xf32>
    %add3A_29 = arith.addf %get3A_27, %dot_general3A_28 : vector<128x128xf32>
    %swap3A = arith.constant 0 : index
    %swap3A_30 = arith.constant 0 : index
    %swap3A_31 = vector.load %arg10[%swap3A, %swap3A_30] : memref<128x384xf32, #tpu.memory_space<vmem>>, vector<128x128xf32>
    tpu.vector_store %arg10[%swap3A, %swap3A_30], %add3A_29 {strides = array<i32>} : memref<128x384xf32, #tpu.memory_space<vmem>>, vector<128x128xf32>,
    %get3A_32 = arith.constant 0 : index
    %get3A_33 = arith.constant 0 : index
    %get3A_34 = vector.load %arg11[%get3A_32, %get3A_33] : memref<128x1xf32, #tpu.memory_space<vmem>>, vector<128x1xf32>
    %reduce_sum3A = arith.constant dense<0.000000e+00> : vector<128xf32>
    %reduce_sum3A_35 = vector.multi_reduction <add>, %convert_element_type3A_24, %reduce_sum3A [0] : vector<2000x128xf32> to vector<128xf32>
    %broadcast_in_dim3A = vector.shape_cast %reduce_sum3A_35 : vector<128xf32> to vector<128x1xf32>
    %add3A_36 = arith.addf %get3A_34, %broadcast_in_dim3A : vector<128x1xf32>
    %swap3A_37 = arith.constant 0 : index
    %swap3A_38 = arith.constant 0 : index
    %swap3A_39 = vector.load %arg11[%swap3A_37, %swap3A_38] : memref<128x1xf32, #tpu.memory_space<vmem>>, vector<128x1xf32>
    tpu.vector_store %arg11[%swap3A_37, %swap3A_38], %add3A_36 {strides = array<i32>} : memref<128x1xf32, #tpu.memory_space<vmem>>, vector<128x1xf32>,
    %iota3A_40 = tpu.iota {dimensions = array<i32: 1>} : vector<128x2000xi32>
    %mul3A_41 = arith.constant 2000 : i32
    %mul3A_42 = arith.muli %arg0, %mul3A_41 : i32
    %add3A_43 = vector.broadcast %mul3A_42 : i32 to vector<128x2000xi32>
    %add3A_44 = arith.addi %iota3A_40, %add3A_43 : vector<128x2000xi32>
    %get3A_45 = arith.constant 0 : index
    %get3A_46 = arith.constant 0 : index
    %get3A_47 = vector.load %arg7[%get3A_45, %get3A_46] : memref<128x1xi32, #tpu.memory_space<vmem>>, vector<128x1xi32>
    %eq3A_48 = vector.broadcast %get3A_47 : vector<128x1xi32> to vector<128x2000xi32>
    %eq3A_49 = arith.cmpi eq, %eq3A_48, %add3A_44 : vector<128x2000xi32>
    %convert_element_type3A_50 = arith.extui %eq3A_49 : vector<128x2000xi1> to vector<128x2000xi32>
    %convert_element_type3A_51 = arith.sitofp %convert_element_type3A_50 : vector<128x2000xi32> to vector<128x2000xf32>
    %get3A_52 = arith.constant 0 : index
    %get3A_53 = arith.constant 128 : index
    %get3A_54 = vector.load %arg10[%get3A_52, %get3A_53] : memref<128x384xf32, #tpu.memory_space<vmem>>, vector<128x256xf32>
    %get3A_55 = arith.constant 0 : index
    %get3A_56 = arith.constant 0 : index
    %get3A_57 = vector.load %arg6[%get3A_55, %get3A_56] : memref<2000x256xf32, #tpu.memory_space<vmem>>, vector<2000x256xf32>
    %dot_general3A_58 = arith.constant dense<0.000000e+00> : vector<128x256xf32>
    %dot_general3A_59 = tpu.matmul %convert_element_type3A_51, %get3A_57, %dot_general3A_58 {dimension_numbers = #tpu.dot_dimension_numbers<[1], [0], [0], [1], [0, 0, 1, 1], [], []>, precision = #tpu.contract_precision<fp32>, transpose_lhs_hint = false} : vector<128x2000xf32>, vector<2000x256xf32>, vector<128x256xf32> -> vector<128x256xf32>
    %add3A_60 = arith.addf %get3A_54, %dot_general3A_59 : vector<128x256xf32>
    %swap3A_61 = arith.constant 0 : index
    %swap3A_62 = arith.constant 128 : index
    %swap3A_63 = vector.load %arg10[%swap3A_61, %swap3A_62] : memref<128x384xf32, #tpu.memory_space<vmem>>, vector<128x256xf32>
    tpu.vector_store %arg10[%swap3A_61, %swap3A_62], %add3A_60 {strides = array<i32>} : memref<128x384xf32, #tpu.memory_space<vmem>>, vector<128x256xf32>,
    %eq3A_64 = arith.constant 4 : i32
    %eq3A_65 = arith.cmpi eq, %arg0, %eq3A_64 : i32
    %convert_element_type3A_66 = arith.extui %eq3A_65 : i1 to i32
    %cond3A_67 = arith.constant 0 : i32
    %cond3A_68 = arith.cmpi ne, %convert_element_type3A_66, %cond3A_67 : i32
    scf.if %cond3A_68 {
      %get3A_69 = arith.constant 0 : index
      %get3A_70 = arith.constant 0 : index
      %get3A_71 = vector.load %arg11[%get3A_69, %get3A_70] : memref<128x1xf32, #tpu.memory_space<vmem>>, vector<128x1xf32>
      %gt3A = arith.constant 0.000000e+00 : f32
      %gt3A_72 = vector.broadcast %gt3A : f32 to vector<128x1xf32>
      %gt3A_73 = arith.cmpf ogt, %get3A_71, %gt3A_72 : vector<128x1xf32>
      %get3A_74 = arith.constant 0 : index
      %get3A_75 = arith.constant 0 : index
      %get3A_76 = vector.load %arg10[%get3A_74, %get3A_75] : memref<128x384xf32, #tpu.memory_space<vmem>>, vector<128x128xf32>
      %max3A = arith.constant 1.000000e+00 : f32
      %max3A_77 = vector.broadcast %max3A : f32 to vector<128x1xf32>
      %max3A_78 = arith.maximumf %get3A_71, %max3A_77 : vector<128x1xf32>
      %div3A = vector.broadcast %max3A_78 : vector<128x1xf32> to vector<128x128xf32>
      %div3A_79 = arith.divf %get3A_76, %div3A : vector<128x128xf32>
      %get3A_80 = arith.constant 0 : index
      %get3A_81 = arith.constant 0 : index
      %get3A_82 = vector.load %arg8[%get3A_80, %get3A_81] : memref<1x128xf32, #tpu.memory_space<vmem>>, vector<1x128xf32>
      %jit3A = arith.constant 0.000000e+00 : f32
      %broadcast_in_dim3A_83 = vector.shape_cast %gt3A_73 : vector<128x1xi1> to vector<128x1xi1>
      %broadcast_in_dim3A_84 = vector.broadcast %broadcast_in_dim3A_83 : vector<128x1xi1> to vector<128x128xi1>
      %broadcast_in_dim3A_85 = vector.shape_cast %get3A_82 : vector<1x128xf32> to vector<1x128xf32>
      %broadcast_in_dim3A_86 = vector.broadcast %broadcast_in_dim3A_85 : vector<1x128xf32> to vector<128x128xf32>
      %broadcast_in_dim3A_87 = vector.broadcast %jit3A : f32 to vector<128x128xf32>
      %select_n3A = arith.select %broadcast_in_dim3A_84, %broadcast_in_dim3A_86, %broadcast_in_dim3A_87 : vector<128x128xi1>, vector<128x128xf32>
      %add3A_88 = arith.addf %div3A_79, %select_n3A : vector<128x128xf32>
      %swap3A_89 = arith.constant 0 : index
      %swap3A_90 = arith.constant 0 : index
      %swap3A_91 = vector.load %arg9[%swap3A_89, %swap3A_90] : memref<128x384xf32, #tpu.memory_space<vmem>>, vector<128x128xf32>
      tpu.vector_store %arg9[%swap3A_89, %swap3A_90], %add3A_88 {strides = array<i32>} : memref<128x384xf32, #tpu.memory_space<vmem>>, vector<128x128xf32>,
      %get3A_92 = arith.constant 0 : index
      %get3A_93 = arith.constant 128 : index
      %get3A_94 = vector.load %arg10[%get3A_92, %get3A_93] : memref<128x384xf32, #tpu.memory_space<vmem>>, vector<128x256xf32>
      %jit3A_95 = arith.constant 0.000000e+00 : f32
      %broadcast_in_dim3A_96 = vector.shape_cast %gt3A_73 : vector<128x1xi1> to vector<128x1xi1>
      %broadcast_in_dim3A_97 = vector.broadcast %broadcast_in_dim3A_96 : vector<128x1xi1> to vector<128x256xi1>
      %broadcast_in_dim3A_98 = vector.broadcast %jit3A_95 : f32 to vector<128x256xf32>
      %select_n3A_99 = arith.select %broadcast_in_dim3A_97, %get3A_94, %broadcast_in_dim3A_98 : vector<128x256xi1>, vector<128x256xf32>
      %swap3A_100 = arith.constant 0 : index
      %swap3A_101 = arith.constant 128 : index
      %swap3A_102 = vector.load %arg9[%swap3A_100, %swap3A_101] : memref<128x384xf32, #tpu.memory_space<vmem>>, vector<128x256xf32>
      tpu.vector_store %arg9[%swap3A_100, %swap3A_101], %select_n3A_99 {strides = array<i32>} : memref<128x384xf32, #tpu.memory_space<vmem>>, vector<128x256xf32>,
    } else {
    }
    return
  }
  func.func @transform_0(%arg0: i32) -> (i32, i32) {
    %c0_i32 = arith.constant 0 : i32
    %c0_i32_0 = arith.constant 0 : i32
    return %arg0, %c0_i32 : i32, i32
  }
  func.func @transform_1(%arg0: i32) -> (i32, i32) {
    %c0_i32 = arith.constant 0 : i32
    %c0_i32_0 = arith.constant 0 : i32
    return %arg0, %c0_i32 : i32, i32
  }
  func.func @transform_2(%arg0: i32) -> (i32, i32) {
    %c0_i32 = arith.constant 0 : i32
    %c0_i32_0 = arith.constant 0 : i32
    return %arg0, %c0_i32 : i32, i32
  }
  func.func @transform_3(%arg0: i32) -> (i32, i32) {
    %c0_i32 = arith.constant 0 : i32
    %c0_i32_0 = arith.constant 0 : i32
    return %arg0, %c0_i32 : i32, i32
  }
  func.func @transform_4(%arg0: i32) -> (i32, i32) {
    %c0_i32 = arith.constant 0 : i32
    %c0_i32_0 = arith.constant 0 : i32
    return %arg0, %c0_i32 : i32, i32
  }
  func.func @transform_5(%arg0: i32) -> (i32, i32) {
    %c0_i32 = arith.constant 0 : i32
    %c0_i32_0 = arith.constant 0 : i32
    return %arg0, %c0_i32 : i32, i32
  }
  func.func @transform_6(%arg0: i32) -> (i32, i32) {
    %c0_i32 = arith.constant 0 : i32
    %c0_i32_0 = arith.constant 0 : i32
    %c0_i32_1 = arith.constant 0 : i32
    return %c0_i32, %c0_i32_0 : i32, i32
  }
  func.func @transform_7(%arg0: i32) -> (i32, i32) {
    %c0_i32 = arith.constant 0 : i32
    %c0_i32_0 = arith.constant 0 : i32
    %c0_i32_1 = arith.constant 0 : i32
    return %c0_i32, %c0_i32_0 : i32, i32
  }
  func.func @transform_8(%arg0: i32) -> (i32, i32) {
    %c0_i32 = arith.constant 0 : i32
    %c0_i32_0 = arith.constant 0 : i32
    %c0_i32_1 = arith.constant 0 : i32
    return %c0_i32, %c0_i32_0 : i32, i32
  }
}

</mosaic_0001>

<sc_bundles>
// kernel: kernel.11.cloned.1.call-start
scs
__scs_entry_jumppad:
0x0: {  	(pc) =	sbr.rel $0x88, $3  }
0x1: {  	(tag) =	ssettag $0x0;
	lr =	simm.s32 $0x1  }
0x2: {  	[smem:$0x3F99] =	sst lr;
	_ =	strace $0xD0000000  }
0x3: {  	_ = 	snop  }
0x4: {  	_ = 	snop  }
0x5: {  	_ = 	snop  }
0x6: {  	_ = 	snop  }
0x7: {  	_ = 	snop  }
__scs_overlays_trampoline_lowered:
0x8: {  	[smem:$0x3FA8] =	sst s0  }
0x9: {  	[smem:$0x3FA9] =	sst s1  }
0xa: {  	[smem:$0x3FAA] =	sst s2  }
0xb: {  	[smem:$0x3FAB] =	sst s3  }
0xc: {  	[smem:$0x3FAC] =	sst s4  }
0xd: {  	[smem:$0x3FAD] =	sst s5  }
0xe: {  	[smem:$0x3FAE] =	sst s6  }
0xf: {  	[smem:$0x3FAF] =	sst s7  }
0x10: {  	[smem:$0x3FB0] =	sst s8  }
0x11: {  	[smem:$0x3FB1] =	sst s9;
	s0 =	simm.s32 @!p0 $0x0  }
0x12: {  	s1 =	sld [smem:$0x3F97];
	s0 =	simm.s32 @p0 $0x1  }
0x13: {  	[smem:$0x3FB2] =	sst s0;
	s0 =	simm.s32 @!p1 $0x0  }
0x14: {  	s2 =	sld [smem:$0x3F96];
	s0 =	simm.s32 @p1 $0x1  }
0x15: {  	[smem:$0x3FB3] =	sst s0;
	s0 =	simm.s32 @!p2 $0x0  }
0x16: {  	s3 =	sld [smem:$0x3FDB];
	s0 =	simm.s32 @p2 $0x1  }
0x17: {  	s4 =	simm.s32 $0x1BF5;
	[smem:$0x3FB5] =	sst s0  }
0x18: {  	s0 =	sld [smem:$0x3F98];
	_ =	swait.ge [sflag:s4], $0x0  }
0x19: {  	s7 =	sld [smem:$0x3F99]  }
0x1a: {  	s8 =	sadd.s32 $0xFFFFE003, lr  }
0x1b: {  	s9 =	sadd.s32 $0xFFFFFEF7, lr;
	s5 =	simm.s32 $0xFFFFFFFF;
	p2 =	slt.u32 s8, $0xFFFFF086  }
0x1c: {  	p1 =	slt.u32 s9, $0xF7A;
	s5 =	simm.s32 @!p2 $0x0  }
0x1d: {  	s5 =	simm.s32 @p1 $0x1;
	p0 =	seq.s32 s7, s2  }
0x1e: {  	s7 =	smul.u32 @!p0 $0xF7A, s2;
	p2 =	seq.s32 @!p0 s5, $0x0  }
0x1f: {  	s9 =	smul.u32 $0xF7A, s1;
	s8 =	simm.s32 @!p0 $0x1BF5;
	p2 =	por !p2, p0  }
0x20: {  	[sflag:s8] =	ssyncset.s32 @!p0 $0xFFFFF086;
	s6 =	sadd.s32 @!p0 s3, s7;
	s7 =	simm.s32 @!p0 $0x108  }
0x21: {  	s3 =	sadd.s32 s3, s9;
	s6 =	sadd.s32 @!p0 $0x88, s6;
	s7 =	simm.s32 @p2 $0x1082  }
0x22: {  	[simem:s7], [sflag:s8] =	dma.local @!p0 [hbm:s6], $0xF7A  }
0x23: {  	s9 =	sor.u32 $0xD0000000, s2;
	s6 =	simm.s32 $0x108;
	_ =	swait.ge @!p0 [sflag:s8], $0x0  }
0x24: {  	s3 =	sadd.s32 $0x88, s3;
	s6 =	simm.s32 @!p1 $0x1082;
	[sflag:s4] =	ssyncset.s32 $0xFFFFF086  }
0x25: {  	[simem:s6], [sflag:s4] =	dma.local [hbm:s3], $0xF7A  }
0x26: {  	[smem:$0x3F99] =	sst s1;
	(tag) =	ssettag s2;
	_ =	strace s9  }
0x27: {  	s1 =	sld [smem:$0x3FA9]  }
0x28: {  	s2 =	sld [smem:$0x3FAA]  }
0x29: {  	s4 =	sld [smem:$0x3FAC]  }
0x2a: {  	p0 =	seq.s32 s5, $0x0;
	s5 =	sld [smem:$0x3FAD]  }
0x2b: {  	s6 =	sld [smem:$0x3FAE]  }
0x2c: {  	s7 =	sld [smem:$0x3FAF]  }
0x2d: {  	s3 =	simm.s32 $0x108;
	s8 =	sld [smem:$0x3FB0]  }
0x2e: {  	s3 =	simm.s32 @!p0 $0x1082;
	s9 =	sld [smem:$0x3FB1]  }
0x2f: {  	lr =	sadd.s32 s0, s3;
	s0 =	sld [smem:$0x3FA8]  }
0x30: {  	s3 =	sld [smem:$0x3FAB]  }
0x31: {  	[smem:$0x3FB4] =	sst s10  }
0x32: {  	s10 =	sld [smem:$0x3FB2];
	_ =	sdelay $0x3  }
0x33: {  	p0 =	seq.s32 s10, $0x1;
	s10 =	sld [smem:$0x3FB4];
	_ =	sdelay $0x3  }
0x34: {  	[smem:$0x3FB4] =	sst s10  }
0x35: {  	s10 =	sld [smem:$0x3FB3];
	_ =	sdelay $0x3  }
0x36: {  	p1 =	seq.s32 s10, $0x1;
	s10 =	sld [smem:$0x3FB4];
	_ =	sdelay $0x3  }
0x37: {  	[smem:$0x3FB4] =	sst s10  }
0x38: {  	s10 =	sld [smem:$0x3FB5]  }
0x39: {  	_ = 	snop;
	(pc) =	sbr.ind lr, $3  }
0x3a: {  	_ = 	snop  }
0x3b: {  	_ = 	snop  }
0x3c: {  	p2 =	seq.s32 s10, $0x1;
	s10 =	sld [smem:$0x3FB4]  }
0x3d: {  	_ =	shalt  }
0x3e: {  	_ =	shalt  }
0x3f: {  	_ =	shalt  }
0x40: {  	_ =	shalt  }
0x41: {  	_ =	shalt  }
0x42: {  	_ =	shalt  }
0x43: {  	_ =	shalt  }
0x44: {  	_ =	shalt  }
0x45: {  	_ =	shalt  }
0x46: {  	_ =	shalt  }
0x47: {  	_ =	shalt  }
0x48: {  	_ =	shalt  }
0x49: {  	_ =	shalt  }
0x4a: {  	_ =	shalt  }
0x4b: {  	_ =	shalt  }
0x4c: {  	_ =	shalt  }
0x4d: {  	_ =	shalt  }
0x4e: {  	_ =	shalt  }
0x4f: {  	_ =	shalt  }
0x50: {  	_ =	shalt  }
0x51: {  	_ =	shalt  }
0x52: {  	_ =	shalt  }
0x53: {  	_ =	shalt  }
0x54: {  	_ =	shalt  }
0x55: {  	_ =	shalt  }
0x56: {  	_ =	shalt  }
0x57: {  	_ =	shalt  }
0x58: {  	_ =	shalt  }
0x59: {  	_ =	shalt  }
0x5a: {  	_ =	shalt  }
0x5b: {  	_ =	shalt  }
0x5c: {  	_ =	shalt  }
0x5d: {  	_ =	shalt  }
0x5e: {  	_ =	shalt  }
0x5f: {  	_ =	shalt  }
0x60: {  	_ =	shalt  }
0x61: {  	_ =	shalt  }
0x62: {  	_ =	shalt  }
0x63: {  	_ =	shalt  }
0x64: {  	_ =	shalt  }
0x65: {  	_ =	shalt  }
0x66: {  	_ =	shalt  }
0x67: {  	_ =	shalt  }
0x68: {  	_ =	shalt  }
0x69: {  	_ =	shalt  }
0x6a: {  	_ =	shalt  }
0x6b: {  	_ =	shalt  }
0x6c: {  	_ =	shalt  }
0x6d: {  	_ =	shalt  }
0x6e: {  	_ =	shalt  }
0x6f: {  	_ =	shalt  }
0x70: {  	_ =	shalt  }
0x71: {  	_ =	shalt  }
0x72: {  	_ =	shalt  }
0x73: {  	_ =	shalt  }
0x74: {  	_ =	shalt  }
0x75: {  	_ =	shalt  }
0x76: {  	_ =	shalt  }
0x77: {  	_ =	shalt  }
0x78: {  	_ =	shalt  }
0x79: {  	_ =	shalt  }
0x7a: {  	_ =	shalt  }
0x7b: {  	_ =	shalt  }
0x7c: {  	_ =	shalt  }
0x7d: {  	_ =	shalt  }
0x7e: {  	_ =	shalt  }
0x7f: {  	_ =	shalt  }
0x80: {  	_ =	shalt  }
0x81: {  	_ =	shalt  }
0x82: {  	_ =	shalt  }
0x83: {  	_ =	shalt  }
0x84: {  	_ =	shalt  }
0x85: {  	_ =	shalt  }
0x86: {  	_ =	shalt  }
0x87: {  	_ =	shalt  }
.Lfunc_end0:
.L_simem_size_0:
called_computation.1_lowered:
.L_overlay_start_0:
0x88: {  	s2 =	sld [smem:$0x3FD9]  }
0x89: {  	s3 =	sld [smem:$0x3FFE];
	_ =	sdelay $0x1  }
0x8a: {  	s1 =	srdreg.scid  }
0x8b: {  	s0 =	sand.u32 $0x1, s1  }
0x8c: {  	s16 =	sshll.u32 s0, $0xA;
	s2 =	sadd.s32 s3, s2  }
0x8d: {  	s2 =	sadd.s32 s2, s16  }
0x8e: {  	[smem:$0x3FC0] =	sst s2  }
0x8f: {  	_ = 	snop  }
0x90: {  	(tm) =	ssettm $0x1  }
0x91: {  	s17 =	sld [smem:$0x3FFB];
	_ =	sdelay $0x3  }
0x92: {  	_ =	strace s17  }
0x93: {  	s2 =	sld [smem:$0x3FFC];
	_ =	sdelay $0x3  }
0x94: {  	_ =	strace s2  }
0x95: {  	s2 =	sld [smem:$0x3FFD];
	_ =	sdelay $0x3  }
0x96: {  	_ =	strace s2  }
0x97: {  	_ =	strace $0x8FFFFFFF  }
0x98: {  	s18 =	sld [smem:$0x3FDB];
	_ =	sdelay $0x1  }
0x99: {  	s19 =	simm.s32 $_scs_section_size  }
0x9a: {  	s4 =	simm.s32 $_size__tile_overlayer_lowered;
	s5 =	simm.s32 $_tile_overlayer_lowered  }
0x9b: {  	s22 =	simm.s32 $0x1BFF;
	s21 =	sshll.u32 s5, $0x1;
	s2 =	sadd.s32 s19, s18  }
0x9c: {  	s6 =	simm.s32 $0x0;
	s20 =	sshll.u32 s4, $0x1;
	s4 =	sadd.s32 s21, s2  }
0x9d: {  	[timem:s6], [sflag:s22] =	dma.local [hbm:s4], s20  }
0x9e: {  	_ =	swait.ge [sflag:s22], s20  }
0x9f: {  	s3 =	ssub.s32 $0x0, s20;
	[sflag:s22] =	ssyncset.done $0x0  }
0xa0: {  	[sflag:s22] =	ssyncadd.s32 s3;
	_ =	sdelay $0x1  }
0xa1: {  	s23 =	simm.s32 $0x1B8B  }
0xa2: {  	_ =	swait.ge [sflag:s23], $0x1  }
0xa3: {  	[sflag:s23] =	ssyncset.done $0x0  }
0xa4: {  	s25 =	simm.s32 $0x1B8E;
	s24 =	sld [smem:$0x3FFE];
	[sflag:s23] =	ssyncadd.s32 $0xFFFFFFFF  }
0xa5: {  	s26 =	simm.s32 $execute0_lowered;
	[smem:$0x3FD2] =	sst s25  }
0xa6: {  	s4 =	sshll.u32 s26, $0x1;
	_ =	strace $0x80000049;
	[dreg:$0x1] =	wrdreg $0xFFFFFFFF  }
0xa7: {  	s28 =	simm.s32 $_size_execute0_lowered;
	s2 =	sadd.s32 s2, s4;
	[dreg:$0x0] =	wrdreg $0x0  }
0xa8: {  	s4 =	sshll.u32 s28, $0x1;
	[dreg:$0x2] =	wrdreg s2  }
0xa9: {  	[dreg:$0x3] =	wrdreg s4  }
0xaa: {  	[dreg:$0x4] =	wrdreg $0xC0  }
0xab: {  	_ =	task [dreg:s6], $0x5FFFF  }
0xac: {  	[dreg:$0x1] =	wrdreg $0xFFFFFFFF  }
0xad: {  	[dreg:$0x0] =	wrdreg $0x60  }
0xae: {  	[dreg:$0x2] =	wrdreg s24  }
0xaf: {  	[dreg:$0x3] =	wrdreg $0xB0000  }
0xb0: {  	[dreg:$0x4] =	wrdreg $0x9  }
0xb1: {  	_ =	task.clear_ibuf [dreg:s6], $0x5FFFF;
	_ =	strace $0x90000049  }
0xb2: {  	s29 =	simm.s32 $0x9;
	_ =	strace $0x8000004B  }
0xb3: {  	_ =	swait.ge [sflag:s29], $0x1  }
0xb4: {  	[sflag:s29] =	ssyncadd.s32 $0xFFFFFFFF  }
0xb5: {  	_ =	strace $0x9000004B  }
0xb6: {  	_ =	sfence  }
0xb7: {  	s30 =	sld [smem:$0x0];
	_ =	sdelay $0x2  }
0xb8: {  	s31 =	sshll.u32 s1, $0xD;
	s1 =	sshrl.u32 s1, $0x2  }
0xb9: {  	s3 =	sand.u32 $0x4000, s31;
	s1 =	sadd.s32 s1, s30  }
0xba: {  	s0 =	sor.u32 s3, s0;
	s1 =	sshll.u32 s1, $0x11  }
0xbb: {  	s0 =	sor.u32 s1, s0  }
0xbc: {  	s0 =	sadd.s32 $0x8F2B, s0  }
0xbd: {  	[sflag:s0] =	ssyncadd.remote.s32 $0x1  }
0xbe: {  	_ =	sfence.sel $0xFFFF  }
0xbf: {  	[dreg:$0x0] =	wrdreg $0xFFFFFFFF;
	(pc) =	sbr.abs _section_cstart, $3  }
0xc0: {  	[dreg:$0x1] =	wrdreg $0xFFFFFFFF  }
0xc1: {  	_ =	task.clear_ibuf [dreg:s6], $0x2FFFF;
	_ =	strace $0x9FFFFFFF  }
0xc2: {  	(tm) =	ssettm $0x7FFFFFFF  }
0xc3: {  	_ =	shalt  }
tec
execute0_lowered:
.L_overlay_start_1:
0x0: {  	(tag) =	ssettag $0x1  }
0x1: {  	s0 =	rddreg [dreg:$0x0]  }
0x2: {  	s2 =	rddreg [dreg:$0x1]  }
0x3: {  	s1 =	srdreg.scid;
	s8 =	stileid.u32  }
0x4: {  	s3 =	simm.s32 $0x0;
	s19 =	simm.s32 $0x80;
	s21 =	simm.s32 $0x100  }
0x5: {  	s23 =	simm.s32 $0x180;
	s25 =	simm.s32 $0x800;
	s9 =	simm.s32 $0x900  }
0x6: {  	s11 =	simm.s32 $0x980;
	s13 =	simm.s32 $0x200;
	[smem:$0x7FF] =	sst s3  }
0x7: {  	s28 =	simm.s32 $0x8;
	_ =	strace $0x8000004A;
	[dreg:$0x4] =	wrdreg s19  }
0x8: {  	s29 =	simm.s32 $0x9;
	s31 =	simm.s32 $0xD00;
	[dreg:$0x5] =	wrdreg s21  }
0x9: {  	s30 =	simm.s32 $0x0;
	s1 =	sand.u32 $0x1, s1;
	[dreg:$0x6] =	wrdreg s23  }
0xa: {  	s5 =	smul.u32 $0x2800, s8;
	s4 =	sadd.s32 $0x3000, s0;
	[dreg:$0x7] =	wrdreg s25  }
0xb: {  	s15 =	smul.u32 $0x50000, s8;
	s8 =	sshll.u32 s8, $0xC;
	[dreg:$0x9] =	wrdreg s9  }
0xc: {  	s6 =	smul.u32 $0x28000, s1;
	s7 =	sshll.u32 s1, $0x10;
	[dreg:$0xa] =	wrdreg s11  }
0xd: {  	s1 =	ssub.s32 $0x2, s1;
	[dreg:$0xb] =	wrdreg s13;
	s19 =	simm.s32 $0xA80  }
0xe: {  	s21 =	simm.s32 $0xB80;
	s23 =	simm.s32 $0x480;
	[dreg:$0x10] =	wrdreg s19  }
0xf: {  	s25 =	simm.s32 $0x580;
	s9 =	simm.s32 $0xE00;
	[dreg:$0x12] =	wrdreg s21  }
0x10: {  	s7 =	sadd.s32 s7, s0;
	s16 =	sshrl.u32 s1, $0x1;
	[dreg:$0x14] =	wrdreg s23  }
0x11: {  	s17 =	sshrl.u32 s15, $0x2;
	s15 =	simm.s32 $0x280;
	[dreg:$0x16] =	wrdreg s25  }
0x12: {  	s1 =	ssub.s32 s1, s16;
	[dreg:$0xc] =	wrdreg s15;
	s16 =	simm.s32 $0x300  }
0x13: {  	s14 =	sadd.s32 s17, s2;
	s17 =	simm.s32 $0x380;
	[dreg:$0xd] =	wrdreg s16  }
0x14: {  	s11 =	simm.s32 $0xF00;
	s7 =	sadd.s32 s8, s7;
	[dreg:$0xe] =	wrdreg s17  }
0x15: {  	s19 =	simm.s32 $0x6000;
	s18 =	sadd.s32 $0x63000, s7;
	[dreg:$0x18] =	wrdreg s14  }
0x16: {  	s21 =	simm.s32 $0x2;
	s20 =	sadd.s32 $0x2800, s14;
	[dreg:$0x3] =	wrdreg s18  }
0x17: {  	s23 =	simm.s32 $0x4;
	s22 =	sadd.s32 $0x5000, s14;
	[dreg:$0x19] =	wrdreg s20  }
0x18: {  	s25 =	simm.s32 $0x6;
	s24 =	sadd.s32 $0x7800, s14;
	[dreg:$0x1a] =	wrdreg s22  }
0x19: {  	s5 =	sadd.s32 s5, s6;
	s26 =	sadd.s32 $0xA000, s14;
	[dreg:$0x1b] =	wrdreg s24  }
0x1a: {  	s15 =	simm.s32 $0x1000;
	s8 =	sadd.s32 $0xC800, s14;
	[dreg:$0x1c] =	wrdreg s26  }
0x1b: {  	s6 =	simm.s32 $0x680;
	s7 =	simm.s32 $0x880;
	[dreg:$0x1d] =	wrdreg s8  }
0x1c: {  	s0 =	sadd.s32 s5, s0;
	s10 =	sadd.s32 $0xF000, s14;
	[dreg:$0x8] =	wrdreg s7  }
0x1d: {  	s12 =	sadd.s32 $0x11800, s14;
	s1 =	smax.u32 s1, $0x1;
	[dreg:$0x1e] =	wrdreg s10  }
0x1e: {  	s16 =	simm.s32 $0x1;
	s17 =	simm.s32 $0x50;
	[dreg:$0x1f] =	wrdreg s12  }
0x1f: {  	s0 =	sadd.s32 $0x83000, s0;
	[smem:$0x7FD] =	sst s1;
	s18 =	simm.s32 $0xA00  }
0x20: {  	s20 =	simm.s32 $0xB00;
	s22 =	simm.s32 $0x400;
	s24 =	simm.s32 $0x500  }
0x21: {  	s26 =	simm.s32 $0xC00;
	s1 =	simm.s32 $0x600;
	[smem:$0x7FC] =	sst s0  }
0x22: {  	s7 =	simm.s32 $0x700;
	s8 =	simm.s32 $0x780;
	[dreg:$0xf] =	wrdreg s18  }
0x23: {  	s10 =	simm.s32 $0xE80;
	s12 =	simm.s32 $0xF80;
	[dreg:$0x11] =	wrdreg s20  }
0x24: {  	s18 =	simm.s32 $0x3800;
	s20 =	simm.s32 $0x8800;
	[dreg:$0x13] =	wrdreg s22  }
0x25: {  	s22 =	simm.s32 $0x3;
	[dreg:$0x15] =	wrdreg s24;
	s24 =	simm.s32 $0x5  }
0x26: {  	v0 =	vimm.f32 $0.0e+00;
	[dreg:$0x17] =	wrdreg s26;
	s26 =	simm.s32 $0x7;
	s0 =	simm.s32 $0xD80  }
.LBB2_1:
0x27: {  	[smem:$0x7FB] =	sst s30;
	s5 =	simm.s32 $0x70;
	s13 =	simm.s32 $0x3C0  }
.LBB2_2:
0x28: {  	p0 =	sne.s32 s13, $0x9FC0;
	[tilespmem:s5+$0x1000] =	vst v0  }
0x29: {  	[tilespmem:s5+$0xF90] =	vst v0  }
0x2a: {  	[tilespmem:s5+$0xFA0] =	vst v0  }
.Ltmp0:
0x2b: {  	[tilespmem:s5+$0xFB0] =	vst v0;
	(pc) =	sbr.rel @p0 .LBB2_2-.Ltmp0, $4  }
0x2c: {  	[tilespmem:s5+$0xFC0] =	vst v0  }
0x2d: {  	[tilespmem:s5+$0xFD0] =	vst v0  }
0x2e: {  	[tilespmem:s5+$0xFE0] =	vst v0  }
0x2f: {  	[tilespmem:s5+$0xFF0] =	vst v0;
	s5 =	sshra.s32 s13, $0x2;
	s13 =	sadd.s32 $0x200, s13  }
0x30: {  	[tilespmem:s5+$0x1000] =	vst v0  }
0x31: {  	[tilespmem:s5+$0xF90] =	vst v0  }
0x32: {  	[tilespmem:s5+$0xFA0] =	vst v0  }
0x33: {  	[tilespmem:s5+$0xFB0] =	vst v0  }
0x34: {  	[tilespmem:s5+$0xFC0] =	vst v0  }
0x35: {  	[tilespmem:s5+$0xFD0] =	vst v0  }
0x36: {  	[tilespmem:s5+$0xFE0] =	vst v0  }
0x37: {  	[tilespmem:s5+$0xFF0] =	vst v0  }
0x38: {  	[spmem:s14] =	stream.linear.scatter [tilespmem:s15], [sflag:$0x1], $0x2800, $0x38;
	[tilespmem:$0x1F280] =	vst v63  }
0x39: {  	s30 =	rddreg [dreg:$0x19]  }
0x3a: {  	[spmem:s30] =	stream.linear.scatter [tilespmem:s15], [sflag:$0x1], $0x2800, $0x38;
	[tilespmem:$0x1F280] =	vst v63  }
0x3b: {  	s13 =	rddreg [dreg:$0x1a]  }
0x3c: {  	[spmem:s13] =	stream.linear.scatter [tilespmem:s15], [sflag:$0x1], $0x2800, $0x38;
	[tilespmem:$0x1F280] =	vst v63  }
0x3d: {  	s14 =	rddreg [dreg:$0x1b]  }
0x3e: {  	[spmem:s14] =	stream.linear.scatter [tilespmem:s15], [sflag:$0x1], $0x2800, $0x38;
	[tilespmem:$0x1F280] =	vst v63  }
0x3f: {  	s30 =	rddreg [dreg:$0x1c]  }
0x40: {  	[spmem:s30] =	stream.linear.scatter [tilespmem:s15], [sflag:$0x1], $0x2800, $0x38;
	[tilespmem:$0x1F280] =	vst v63  }
0x41: {  	s13 =	rddreg [dreg:$0x1d]  }
0x42: {  	[spmem:s13] =	stream.linear.scatter [tilespmem:s15], [sflag:$0x1], $0x2800, $0x38;
	[tilespmem:$0x1F280] =	vst v63  }
0x43: {  	s14 =	rddreg [dreg:$0x1e]  }
0x44: {  	[spmem:s14] =	stream.linear.scatter [tilespmem:s15], [sflag:$0x1], $0x2800, $0x38;
	[tilespmem:$0x1F280] =	vst v63  }
0x45: {  	s30 =	rddreg [dreg:$0x1f]  }
0x46: {  	[spmem:s30] =	stream.linear.scatter [tilespmem:s15], [sflag:$0x1], $0x2800, $0x38;
	[tilespmem:$0x1F280] =	vst v63  }
0x47: {  	_ =	swait.ge [sflag:s16], $0x2800  }
0x48: {  	[sflag:s16] =	ssyncset.done $0x0  }
0x49: {  	[sflag:s16] =	ssyncadd.s32 $0xFFFFD800  }
0x4a: {  	_ =	swait.ge [sflag:s16], $0x2800  }
0x4b: {  	[sflag:s16] =	ssyncset.done $0x0  }
0x4c: {  	[sflag:s16] =	ssyncadd.s32 $0xFFFFD800  }
0x4d: {  	_ =	swait.ge [sflag:s16], $0x2800  }
0x4e: {  	[sflag:s16] =	ssyncset.done $0x0  }
0x4f: {  	[sflag:s16] =	ssyncadd.s32 $0xFFFFD800  }
0x50: {  	_ =	swait.ge [sflag:s16], $0x2800  }
0x51: {  	[sflag:s16] =	ssyncset.done $0x0  }
0x52: {  	[sflag:s16] =	ssyncadd.s32 $0xFFFFD800  }
0x53: {  	_ =	swait.ge [sflag:s16], $0x2800  }
0x54: {  	[sflag:s16] =	ssyncset.done $0x0  }
0x55: {  	[sflag:s16] =	ssyncadd.s32 $0xFFFFD800  }
0x56: {  	_ =	swait.ge [sflag:s16], $0x2800  }
0x57: {  	[sflag:s16] =	ssyncset.done $0x0  }
0x58: {  	[sflag:s16] =	ssyncadd.s32 $0xFFFFD800  }
0x59: {  	_ =	swait.ge [sflag:s16], $0x2800  }
0x5a: {  	[sflag:s16] =	ssyncset.done $0x0  }
0x5b: {  	[sflag:s16] =	ssyncadd.s32 $0xFFFFD800  }
0x5c: {  	_ =	swait.ge [sflag:s16], $0x2800  }
0x5d: {  	[sflag:s16] =	ssyncset.done $0x0  }
0x5e: {  	[sflag:s16] =	ssyncadd.s32 $0xFFFFD800  }
0x5f: {  	[bflag:$0x0] =	sbarrier.arrive $0xFFFF  }
0x60: {  	s13 =	rddreg [dreg:$0x3]  }
0x61: {  	s5 =	sadd.s32 $0x0, s13  }
0x62: {  	[tilespmem:s3], [sflag:$0x1] =	stream.linear.gather [hbm4b:s5+s3], $0x1000, $0x38;
	[tilespmem:$0x1F280] =	vst v63  }
0x63: {  	_ =	swait.ge [sflag:s16], $0x1000  }
0x64: {  	[sflag:s16] =	ssyncset.done $0x0  }
0x65: {  	[sflag:s16] =	ssyncadd.s32 $0xFFFFF000  }
0x66: {  	[tilespmem:s15], [sflag:$0x2] =	stream.indirect.gather [hbm4b:s4+s17], $0x80, s3, s17, $0xb8;
	[tilespmem:$0x1F280] =	vst v63  }
0x67: {  	s14 =	rddreg [dreg:$0x4]  }
0x68: {  	[tilespmem:s18], [sflag:$0x3] =	stream.indirect.gather [hbm4b:s4+s17], $0x80, s14, s17, $0xb8;
	[tilespmem:$0x1F280] =	vst v63  }
0x69: {  	s13 =	rddreg [dreg:$0x5]  }
0x6a: {  	[tilespmem:s19], [sflag:$0x4] =	stream.indirect.gather [hbm4b:s4+s17], $0x80, s13, s17, $0xb8;
	[tilespmem:$0x1F280] =	vst v63  }
0x6b: {  	s30 =	rddreg [dreg:$0x6]  }
0x6c: {  	[tilespmem:s20], [sflag:$0x5] =	stream.indirect.gather [hbm4b:s4+s17], $0x80, s30, s17, $0xb8;
	[tilespmem:$0x1F280] =	vst v63  }
0x6d: {  	_ =	swait.ge [sflag:s21], $0x2800  }
0x6e: {  	[sflag:s21] =	ssyncset.done $0x0  }
0x6f: {  	s13 =	rddreg [dreg:$0x7];
	[sflag:s21] =	ssyncadd.s32 $0xFFFFD800  }
0x70: {  	[spmem:s2] =	stream.indirect.scatter.add.f32 [tilespmem:s15], [sflag:$0x6], $0x80, s13, s17, $0xb8;
	[tilespmem:$0x1F280] =	vst v63  }
0x71: {  	_ =	swait.ge [sflag:s22], $0x2800  }
0x72: {  	[sflag:s22] =	ssyncset.done $0x0  }
0x73: {  	s14 =	rddreg [dreg:$0x8];
	[sflag:s22] =	ssyncadd.s32 $0xFFFFD800  }
0x74: {  	[spmem:s2] =	stream.indirect.scatter.add.f32 [tilespmem:s18], [sflag:$0x7], $0x80, s14, s17, $0xb8;
	[tilespmem:$0x1F280] =	vst v63  }
0x75: {  	_ =	swait.ge [sflag:s23], $0x2800  }
0x76: {  	[sflag:s23] =	ssyncset.done $0x0  }
0x77: {  	s30 =	rddreg [dreg:$0x9];
	[sflag:s23] =	ssyncadd.s32 $0xFFFFD800  }
0x78: {  	[spmem:s2] =	stream.indirect.scatter.add.f32 [tilespmem:s19], [sflag:$0x8], $0x80, s30, s17, $0xb8;
	[tilespmem:$0x1F280] =	vst v63  }
0x79: {  	_ =	swait.ge [sflag:s24], $0x2800  }
0x7a: {  	[sflag:s24] =	ssyncset.done $0x0  }
0x7b: {  	s13 =	rddreg [dreg:$0xa];
	[sflag:s24] =	ssyncadd.s32 $0xFFFFD800  }
0x7c: {  	[spmem:s2] =	stream.indirect.scatter.add.f32 [tilespmem:s20], [sflag:$0x9], $0x80, s13, s17, $0xb8;
	[tilespmem:$0x1F280] =	vst v63  }
0x7d: {  	_ =	swait.ge [sflag:s25], $0x2800  }
0x7e: {  	[sflag:s25] =	ssyncset.done $0x0  }
0x7f: {  	s14 =	rddreg [dreg:$0xb];
	[sflag:s25] =	ssyncadd.s32 $0xFFFFD800  }
0x80: {  	[tilespmem:s15], [sflag:$0x2] =	stream.indirect.gather [hbm4b:s4+s17], $0x80, s14, s17, $0xb8;
	[tilespmem:$0x1F280] =	vst v63  }
0x81: {  	_ =	swait.ge [sflag:s26], $0x2800  }
0x82: {  	[sflag:s26] =	ssyncset.done $0x0  }
0x83: {  	s30 =	rddreg [dreg:$0xc];
	[sflag:s26] =	ssyncadd.s32 $0xFFFFD800  }
0x84: {  	[tilespmem:s18], [sflag:$0x3] =	stream.indirect.gather [hbm4b:s4+s17], $0x80, s30, s17, $0xb8;
	[tilespmem:$0x1F280] =	vst v63  }
0x85: {  	_ =	swait.ge [sflag:s28], $0x2800  }
0x86: {  	[sflag:s28] =	ssyncset.done $0x0  }
0x87: {  	s13 =	rddreg [dreg:$0xd];
	[sflag:s28] =	ssyncadd.s32 $0xFFFFD800  }
0x88: {  	[tilespmem:s19], [sflag:$0x4] =	stream.indirect.gather [hbm4b:s4+s17], $0x80, s13, s17, $0xb8;
	[tilespmem:$0x1F280] =	vst v63  }
0x89: {  	_ =	swait.ge [sflag:s29], $0x2800  }
0x8a: {  	[sflag:s29] =	ssyncset.done $0x0  }
0x8b: {  	s14 =	rddreg [dreg:$0xe];
	[sflag:s29] =	ssyncadd.s32 $0xFFFFD800  }
0x8c: {  	[tilespmem:s20], [sflag:$0x5] =	stream.indirect.gather [hbm4b:s4+s17], $0x80, s14, s17, $0xb8;
	[tilespmem:$0x1F280] =	vst v63  }
0x8d: {  	_ =	swait.ge [sflag:s21], $0x2800  }
0x8e: {  	[sflag:s21] =	ssyncset.done $0x0  }
0x8f: {  	s30 =	rddreg [dreg:$0xf];
	[sflag:s21] =	ssyncadd.s32 $0xFFFFD800  }
0x90: {  	[spmem:s2] =	stream.indirect.scatter.add.f32 [tilespmem:s15], [sflag:$0x6], $0x80, s30, s17, $0xb8;
	[tilespmem:$0x1F280] =	vst v63  }
0x91: {  	_ =	swait.ge [sflag:s22], $0x2800  }
0x92: {  	[sflag:s22] =	ssyncset.done $0x0  }
0x93: {  	s13 =	rddreg [dreg:$0x10];
	[sflag:s22] =	ssyncadd.s32 $0xFFFFD800  }
0x94: {  	[spmem:s2] =	stream.indirect.scatter.add.f32 [tilespmem:s18], [sflag:$0x7], $0x80, s13, s17, $0xb8;
	[tilespmem:$0x1F280] =	vst v63  }
0x95: {  	_ =	swait.ge [sflag:s23], $0x2800  }
0x96: {  	[sflag:s23] =	ssyncset.done $0x0  }
0x97: {  	s14 =	rddreg [dreg:$0x11];
	[sflag:s23] =	ssyncadd.s32 $0xFFFFD800  }
0x98: {  	[spmem:s2] =	stream.indirect.scatter.add.f32 [tilespmem:s19], [sflag:$0x8], $0x80, s14, s17, $0xb8;
	[tilespmem:$0x1F280] =	vst v63  }
0x99: {  	_ =	swait.ge [sflag:s24], $0x2800  }
0x9a: {  	[sflag:s24] =	ssyncset.done $0x0  }
0x9b: {  	s30 =	rddreg [dreg:$0x12];
	[sflag:s24] =	ssyncadd.s32 $0xFFFFD800  }
0x9c: {  	[spmem:s2] =	stream.indirect.scatter.add.f32 [tilespmem:s20], [sflag:$0x9], $0x80, s30, s17, $0xb8;
	[tilespmem:$0x1F280] =	vst v63  }
0x9d: {  	_ =	swait.ge [sflag:s25], $0x2800  }
0x9e: {  	[sflag:s25] =	ssyncset.done $0x0  }
0x9f: {  	s13 =	rddreg [dreg:$0x13];
	[sflag:s25] =	ssyncadd.s32 $0xFFFFD800  }
0xa0: {  	[tilespmem:s15], [sflag:$0x2] =	stream.indirect.gather [hbm4b:s4+s17], $0x80, s13, s17, $0xb8;
	[tilespmem:$0x1F280] =	vst v63  }
0xa1: {  	_ =	swait.ge [sflag:s26], $0x2800  }
0xa2: {  	[sflag:s26] =	ssyncset.done $0x0  }
0xa3: {  	s14 =	rddreg [dreg:$0x14];
	[sflag:s26] =	ssyncadd.s32 $0xFFFFD800  }
0xa4: {  	[tilespmem:s18], [sflag:$0x3] =	stream.indirect.gather [hbm4b:s4+s17], $0x80, s14, s17, $0xb8;
	[tilespmem:$0x1F280] =	vst v63  }
0xa5: {  	_ =	swait.ge [sflag:s28], $0x2800  }
0xa6: {  	[sflag:s28] =	ssyncset.done $0x0  }
0xa7: {  	s30 =	rddreg [dreg:$0x15];
	[sflag:s28] =	ssyncadd.s32 $0xFFFFD800  }
0xa8: {  	[tilespmem:s19], [sflag:$0x4] =	stream.indirect.gather [hbm4b:s4+s17], $0x80, s30, s17, $0xb8;
	[tilespmem:$0x1F280] =	vst v63  }
0xa9: {  	_ =	swait.ge [sflag:s29], $0x2800  }
0xaa: {  	[sflag:s29] =	ssyncset.done $0x0  }
0xab: {  	s13 =	rddreg [dreg:$0x16];
	[sflag:s29] =	ssyncadd.s32 $0xFFFFD800  }
0xac: {  	[tilespmem:s20], [sflag:$0x5] =	stream.indirect.gather [hbm4b:s4+s17], $0x80, s13, s17, $0xb8;
	[tilespmem:$0x1F280] =	vst v63  }
0xad: {  	_ =	swait.ge [sflag:s21], $0x2800  }
0xae: {  	[sflag:s21] =	ssyncset.done $0x0  }
0xaf: {  	s14 =	rddreg [dreg:$0x17];
	[sflag:s21] =	ssyncadd.s32 $0xFFFFD800  }
0xb0: {  	[spmem:s2] =	stream.indirect.scatter.add.f32 [tilespmem:s15], [sflag:$0x6], $0x80, s14, s17, $0xb8;
	[tilespmem:$0x1F280] =	vst v63  }
0xb1: {  	_ =	swait.ge [sflag:s22], $0x2800  }
0xb2: {  	[sflag:s22] =	ssyncset.done $0x0  }
0xb3: {  	s30 =	simm.s32 $0xC80;
	[sflag:s22] =	ssyncadd.s32 $0xFFFFD800  }
0xb4: {  	[spmem:s2] =	stream.indirect.scatter.add.f32 [tilespmem:s18], [sflag:$0x7], $0x80, s30, s17, $0xb8;
	[tilespmem:$0x1F280] =	vst v63  }
0xb5: {  	_ =	swait.ge [sflag:s23], $0x2800  }
0xb6: {  	[sflag:s23] =	ssyncset.done $0x0  }
0xb7: {  	[sflag:s23] =	ssyncadd.s32 $0xFFFFD800  }
0xb8: {  	[spmem:s2] =	stream.indirect.scatter.add.f32 [tilespmem:s19], [sflag:$0x8], $0x80, s31, s17, $0xb8;
	[tilespmem:$0x1F280] =	vst v63  }
0xb9: {  	_ =	swait.ge [sflag:s24], $0x2800  }
0xba: {  	[sflag:s24] =	ssyncset.done $0x0  }
0xbb: {  	[sflag:s24] =	ssyncadd.s32 $0xFFFFD800  }
0xbc: {  	[spmem:s2] =	stream.indirect.scatter.add.f32 [tilespmem:s20], [sflag:$0x9], $0x80, s0, s17, $0xb8;
	[tilespmem:$0x1F280] =	vst v63  }
0xbd: {  	_ =	swait.ge [sflag:s25], $0x2800  }
0xbe: {  	[sflag:s25] =	ssyncset.done $0x0  }
0xbf: {  	[sflag:s25] =	ssyncadd.s32 $0xFFFFD800  }
0xc0: {  	[tilespmem:s15], [sflag:$0x2] =	stream.indirect.gather [hbm4b:s4+s17], $0x80, s1, s17, $0xb8;
	[tilespmem:$0x1F280] =	vst v63  }
0xc1: {  	_ =	swait.ge [sflag:s26], $0x2800  }
0xc2: {  	[sflag:s26] =	ssyncset.done $0x0  }
0xc3: {  	[sflag:s26] =	ssyncadd.s32 $0xFFFFD800  }
0xc4: {  	[tilespmem:s18], [sflag:$0x3] =	stream.indirect.gather [hbm4b:s4+s17], $0x80, s6, s17, $0xb8;
	[tilespmem:$0x1F280] =	vst v63  }
0xc5: {  	_ =	swait.ge [sflag:s28], $0x2800  }
0xc6: {  	[sflag:s28] =	ssyncset.done $0x0  }
0xc7: {  	[sflag:s28] =	ssyncadd.s32 $0xFFFFD800  }
0xc8: {  	[tilespmem:s19], [sflag:$0x4] =	stream.indirect.gather [hbm4b:s4+s17], $0x80, s7, s17, $0xb8;
	[tilespmem:$0x1F280] =	vst v63  }
0xc9: {  	_ =	swait.ge [sflag:s29], $0x2800  }
0xca: {  	[sflag:s29] =	ssyncset.done $0x0  }
0xcb: {  	[sflag:s29] =	ssyncadd.s32 $0xFFFFD800  }
0xcc: {  	[tilespmem:s20], [sflag:$0x5] =	stream.indirect.gather [hbm4b:s4+s17], $0x80, s8, s17, $0xb8;
	[tilespmem:$0x1F280] =	vst v63  }
0xcd: {  	_ =	swait.ge [sflag:s21], $0x2800  }
0xce: {  	[sflag:s21] =	ssyncset.done $0x0  }
0xcf: {  	[sflag:s21] =	ssyncadd.s32 $0xFFFFD800  }
0xd0: {  	[spmem:s2] =	stream.indirect.scatter.add.f32 [tilespmem:s15], [sflag:$0x6], $0x80, s9, s17, $0xb8;
	[tilespmem:$0x1F280] =	vst v63  }
0xd1: {  	_ =	swait.ge [sflag:s22], $0x2800  }
0xd2: {  	[sflag:s22] =	ssyncset.done $0x0  }
0xd3: {  	[sflag:s22] =	ssyncadd.s32 $0xFFFFD800  }
0xd4: {  	[spmem:s2] =	stream.indirect.scatter.add.f32 [tilespmem:s18], [sflag:$0x7], $0x80, s10, s17, $0xb8;
	[tilespmem:$0x1F280] =	vst v63  }
0xd5: {  	_ =	swait.ge [sflag:s23], $0x2800  }
0xd6: {  	[sflag:s23] =	ssyncset.done $0x0  }
0xd7: {  	[sflag:s23] =	ssyncadd.s32 $0xFFFFD800  }
0xd8: {  	[spmem:s2] =	stream.indirect.scatter.add.f32 [tilespmem:s19], [sflag:$0x8], $0x80, s11, s17, $0xb8;
	[tilespmem:$0x1F280] =	vst v63  }
0xd9: {  	_ =	swait.ge [sflag:s24], $0x2800  }
0xda: {  	[sflag:s24] =	ssyncset.done $0x0  }
0xdb: {  	[sflag:s24] =	ssyncadd.s32 $0xFFFFD800  }
0xdc: {  	[spmem:s2] =	stream.indirect.scatter.add.f32 [tilespmem:s20], [sflag:$0x9], $0x80, s12, s17, $0xb8;
	[tilespmem:$0x1F280] =	vst v63  }
0xdd: {  	_ =	swait.ge [sflag:s25], $0x2800  }
0xde: {  	[sflag:s25] =	ssyncset.done $0x0  }
0xdf: {  	[sflag:s25] =	ssyncadd.s32 $0xFFFFD800  }
0xe0: {  	_ =	swait.ge [sflag:s26], $0x2800  }
0xe1: {  	[sflag:s26] =	ssyncset.done $0x0  }
0xe2: {  	[sflag:s26] =	ssyncadd.s32 $0xFFFFD800  }
0xe3: {  	_ =	swait.ge [sflag:s28], $0x2800  }
0xe4: {  	[sflag:s28] =	ssyncset.done $0x0  }
0xe5: {  	[sflag:s28] =	ssyncadd.s32 $0xFFFFD800  }
0xe6: {  	s5 =	simm.s32 $0x400;
	_ =	swait.ge [sflag:s29], $0x2800  }
0xe7: {  	s13 =	simm.s32 $0x200;
	s14 =	rddreg [dreg:$0x3];
	[sflag:s29] =	ssyncset.done $0x0  }
.LBB2_4:
0xe8: {  	[sflag:s29] =	ssyncadd.s32 $0xFFFFD800;
	s14 =	sadd.s32 s13, s14  }
0xe9: {  	[tilespmem:s3], [sflag:$0x1] =	stream.linear.gather [hbm4b:s14+s3], $0x1000, $0x38;
	[tilespmem:$0x1F280] =	vst v63  }
0xea: {  	_ =	swait.ge [sflag:s16], $0x1000  }
0xeb: {  	[sflag:s16] =	ssyncset.done $0x0  }
0xec: {  	[sflag:s16] =	ssyncadd.s32 $0xFFFFF000  }
0xed: {  	[tilespmem:s15], [sflag:$0x2] =	stream.indirect.gather [hbm4b:s4+s17], $0x80, s3, s17, $0xb8;
	[tilespmem:$0x1F280] =	vst v63  }
0xee: {  	s30 =	smov.u32 s5;
	s14 =	rddreg [dreg:$0x4]  }
0xef: {  	[tilespmem:s18], [sflag:$0x3] =	stream.indirect.gather [hbm4b:s4+s17], $0x80, s14, s17, $0xb8;
	[tilespmem:$0x1F280] =	vst v63  }
0xf0: {  	s13 =	smov.u32 s30;
	s30 =	rddreg [dreg:$0x5]  }
0xf1: {  	[tilespmem:s19], [sflag:$0x4] =	stream.indirect.gather [hbm4b:s4+s17], $0x80, s30, s17, $0xb8;
	[tilespmem:$0x1F280] =	vst v63  }
0xf2: {  	s14 =	rddreg [dreg:$0x6]  }
0xf3: {  	[tilespmem:s20], [sflag:$0x5] =	stream.indirect.gather [hbm4b:s4+s17], $0x80, s14, s17, $0xb8;
	[tilespmem:$0x1F280] =	vst v63  }
0xf4: {  	_ =	swait.ge [sflag:s21], $0x2800  }
0xf5: {  	[sflag:s21] =	ssyncset.done $0x0  }
0xf6: {  	s14 =	rddreg [dreg:$0x7];
	[sflag:s21] =	ssyncadd.s32 $0xFFFFD800  }
0xf7: {  	[spmem:s2] =	stream.indirect.scatter.add.f32 [tilespmem:s15], [sflag:$0x6], $0x80, s14, s17, $0xb8;
	[tilespmem:$0x1F280] =	vst v63  }
0xf8: {  	_ =	swait.ge [sflag:s22], $0x2800  }
0xf9: {  	[sflag:s22] =	ssyncset.done $0x0  }
0xfa: {  	s14 =	rddreg [dreg:$0x8];
	[sflag:s22] =	ssyncadd.s32 $0xFFFFD800  }
0xfb: {  	[spmem:s2] =	stream.indirect.scatter.add.f32 [tilespmem:s18], [sflag:$0x7], $0x80, s14, s17, $0xb8;
	[tilespmem:$0x1F280] =	vst v63  }
0xfc: {  	_ =	swait.ge [sflag:s23], $0x2800  }
0xfd: {  	[sflag:s23] =	ssyncset.done $0x0  }
0xfe: {  	s14 =	rddreg [dreg:$0x9];
	[sflag:s23] =	ssyncadd.s32 $0xFFFFD800  }
0xff: {  	[spmem:s2] =	stream.indirect.scatter.add.f32 [tilespmem:s19], [sflag:$0x8], $0x80, s14, s17, $0xb8;
	[tilespmem:$0x1F280] =	vst v63  }
0x100: {  	_ =	swait.ge [sflag:s24], $0x2800  }
0x101: {  	[sflag:s24] =	ssyncset.done $0x0  }
0x102: {  	s14 =	rddreg [dreg:$0xa];
	[sflag:s24] =	ssyncadd.s32 $0xFFFFD800  }
0x103: {  	[spmem:s2] =	stream.indirect.scatter.add.f32 [tilespmem:s20], [sflag:$0x9], $0x80, s14, s17, $0xb8;
	[tilespmem:$0x1F280] =	vst v63  }
0x104: {  	_ =	swait.ge [sflag:s25], $0x2800  }
0x105: {  	[sflag:s25] =	ssyncset.done $0x0  }
0x106: {  	s14 =	rddreg [dreg:$0xb];
	[sflag:s25] =	ssyncadd.s32 $0xFFFFD800  }
0x107: {  	[tilespmem:s15], [sflag:$0x2] =	stream.indirect.gather [hbm4b:s4+s17], $0x80, s14, s17, $0xb8;
	[tilespmem:$0x1F280] =	vst v63  }
0x108: {  	_ =	swait.ge [sflag:s26], $0x2800  }
0x109: {  	[sflag:s26] =	ssyncset.done $0x0  }
0x10a: {  	s14 =	rddreg [dreg:$0xc];
	[sflag:s26] =	ssyncadd.s32 $0xFFFFD800  }
0x10b: {  	[tilespmem:s18], [sflag:$0x3] =	stream.indirect.gather [hbm4b:s4+s17], $0x80, s14, s17, $0xb8;
	[tilespmem:$0x1F280] =	vst v63  }
0x10c: {  	_ =	swait.ge [sflag:s28], $0x2800  }
0x10d: {  	[sflag:s28] =	ssyncset.done $0x0  }
0x10e: {  	s14 =	rddreg [dreg:$0xd];
	[sflag:s28] =	ssyncadd.s32 $0xFFFFD800  }
0x10f: {  	[tilespmem:s19], [sflag:$0x4] =	stream.indirect.gather [hbm4b:s4+s17], $0x80, s14, s17, $0xb8;
	[tilespmem:$0x1F280] =	vst v63  }
0x110: {  	_ =	swait.ge [sflag:s29], $0x2800  }
0x111: {  	[sflag:s29] =	ssyncset.done $0x0  }
0x112: {  	s14 =	rddreg [dreg:$0xe];
	[sflag:s29] =	ssyncadd.s32 $0xFFFFD800  }
0x113: {  	[tilespmem:s20], [sflag:$0x5] =	stream.indirect.gather [hbm4b:s4+s17], $0x80, s14, s17, $0xb8;
	[tilespmem:$0x1F280] =	vst v63  }
0x114: {  	_ =	swait.ge [sflag:s21], $0x2800  }
0x115: {  	[sflag:s21] =	ssyncset.done $0x0  }
0x116: {  	s14 =	rddreg [dreg:$0xf];
	[sflag:s21] =	ssyncadd.s32 $0xFFFFD800  }
0x117: {  	[spmem:s2] =	stream.indirect.scatter.add.f32 [tilespmem:s15], [sflag:$0x6], $0x80, s14, s17, $0xb8;
	[tilespmem:$0x1F280] =	vst v63  }
0x118: {  	_ =	swait.ge [sflag:s22], $0x2800  }
0x119: {  	[sflag:s22] =	ssyncset.done $0x0  }
0x11a: {  	s14 =	rddreg [dreg:$0x10];
	[sflag:s22] =	ssyncadd.s32 $0xFFFFD800  }
0x11b: {  	[spmem:s2] =	stream.indirect.scatter.add.f32 [tilespmem:s18], [sflag:$0x7], $0x80, s14, s17, $0xb8;
	[tilespmem:$0x1F280] =	vst v63  }
0x11c: {  	_ =	swait.ge [sflag:s23], $0x2800  }
0x11d: {  	[sflag:s23] =	ssyncset.done $0x0  }
0x11e: {  	s14 =	rddreg [dreg:$0x11];
	[sflag:s23] =	ssyncadd.s32 $0xFFFFD800  }
0x11f: {  	[spmem:s2] =	stream.indirect.scatter.add.f32 [tilespmem:s19], [sflag:$0x8], $0x80, s14, s17, $0xb8;
	[tilespmem:$0x1F280] =	vst v63  }
0x120: {  	_ =	swait.ge [sflag:s24], $0x2800  }
0x121: {  	[sflag:s24] =	ssyncset.done $0x0  }
0x122: {  	s14 =	rddreg [dreg:$0x12];
	[sflag:s24] =	ssyncadd.s32 $0xFFFFD800  }
0x123: {  	[spmem:s2] =	stream.indirect.scatter.add.f32 [tilespmem:s20], [sflag:$0x9], $0x80, s14, s17, $0xb8;
	[tilespmem:$0x1F280] =	vst v63  }
0x124: {  	_ =	swait.ge [sflag:s25], $0x2800  }
0x125: {  	[sflag:s25] =	ssyncset.done $0x0  }
0x126: {  	s14 =	rddreg [dreg:$0x13];
	[sflag:s25] =	ssyncadd.s32 $0xFFFFD800  }
0x127: {  	[tilespmem:s15], [sflag:$0x2] =	stream.indirect.gather [hbm4b:s4+s17], $0x80, s14, s17, $0xb8;
	[tilespmem:$0x1F280] =	vst v63  }
0x128: {  	_ =	swait.ge [sflag:s26], $0x2800  }
0x129: {  	[sflag:s26] =	ssyncset.done $0x0  }
0x12a: {  	s14 =	rddreg [dreg:$0x14];
	[sflag:s26] =	ssyncadd.s32 $0xFFFFD800  }
0x12b: {  	[tilespmem:s18], [sflag:$0x3] =	stream.indirect.gather [hbm4b:s4+s17], $0x80, s14, s17, $0xb8;
	[tilespmem:$0x1F280] =	vst v63  }
0x12c: {  	_ =	swait.ge [sflag:s28], $0x2800  }
0x12d: {  	[sflag:s28] =	ssyncset.done $0x0  }
0x12e: {  	s14 =	rddreg [dreg:$0x15];
	[sflag:s28] =	ssyncadd.s32 $0xFFFFD800  }
0x12f: {  	[tilespmem:s19], [sflag:$0x4] =	stream.indirect.gather [hbm4b:s4+s17], $0x80, s14, s17, $0xb8;
	[tilespmem:$0x1F280] =	vst v63  }
0x130: {  	_ =	swait.ge [sflag:s29], $0x2800  }
0x131: {  	[sflag:s29] =	ssyncset.done $0x0  }
0x132: {  	s14 =	rddreg [dreg:$0x16];
	[sflag:s29] =	ssyncadd.s32 $0xFFFFD800  }
0x133: {  	[tilespmem:s20], [sflag:$0x5] =	stream.indirect.gather [hbm4b:s4+s17], $0x80, s14, s17, $0xb8;
	[tilespmem:$0x1F280] =	vst v63  }
0x134: {  	_ =	swait.ge [sflag:s21], $0x2800  }
0x135: {  	[sflag:s21] =	ssyncset.done $0x0  }
0x136: {  	s14 =	rddreg [dreg:$0x17];
	[sflag:s21] =	ssyncadd.s32 $0xFFFFD800  }
0x137: {  	[spmem:s2] =	stream.indirect.scatter.add.f32 [tilespmem:s15], [sflag:$0x6], $0x80, s14, s17, $0xb8;
	[tilespmem:$0x1F280] =	vst v63  }
0x138: {  	_ =	swait.ge [sflag:s22], $0x2800  }
0x139: {  	[sflag:s22] =	ssyncset.done $0x0  }
0x13a: {  	s30 =	simm.s32 $0xC80;
	[sflag:s22] =	ssyncadd.s32 $0xFFFFD800  }
0x13b: {  	[spmem:s2] =	stream.indirect.scatter.add.f32 [tilespmem:s18], [sflag:$0x7], $0x80, s30, s17, $0xb8;
	[tilespmem:$0x1F280] =	vst v63  }
0x13c: {  	_ =	swait.ge [sflag:s23], $0x2800  }
0x13d: {  	[sflag:s23] =	ssyncset.done $0x0  }
0x13e: {  	[sflag:s23] =	ssyncadd.s32 $0xFFFFD800  }
0x13f: {  	[spmem:s2] =	stream.indirect.scatter.add.f32 [tilespmem:s19], [sflag:$0x8], $0x80, s31, s17, $0xb8;
	[tilespmem:$0x1F280] =	vst v63  }
0x140: {  	_ =	swait.ge [sflag:s24], $0x2800  }
0x141: {  	[sflag:s24] =	ssyncset.done $0x0  }
0x142: {  	[sflag:s24] =	ssyncadd.s32 $0xFFFFD800  }
0x143: {  	[spmem:s2] =	stream.indirect.scatter.add.f32 [tilespmem:s20], [sflag:$0x9], $0x80, s0, s17, $0xb8;
	[tilespmem:$0x1F280] =	vst v63  }
0x144: {  	_ =	swait.ge [sflag:s25], $0x2800  }
0x145: {  	[sflag:s25] =	ssyncset.done $0x0  }
0x146: {  	[sflag:s25] =	ssyncadd.s32 $0xFFFFD800  }
0x147: {  	[tilespmem:s15], [sflag:$0x2] =	stream.indirect.gather [hbm4b:s4+s17], $0x80, s1, s17, $0xb8;
	[tilespmem:$0x1F280] =	vst v63  }
0x148: {  	_ =	swait.ge [sflag:s26], $0x2800  }
0x149: {  	[sflag:s26] =	ssyncset.done $0x0  }
0x14a: {  	[sflag:s26] =	ssyncadd.s32 $0xFFFFD800  }
0x14b: {  	[tilespmem:s18], [sflag:$0x3] =	stream.indirect.gather [hbm4b:s4+s17], $0x80, s6, s17, $0xb8;
	[tilespmem:$0x1F280] =	vst v63  }
0x14c: {  	_ =	swait.ge [sflag:s28], $0x2800  }
0x14d: {  	[sflag:s28] =	ssyncset.done $0x0  }
0x14e: {  	[sflag:s28] =	ssyncadd.s32 $0xFFFFD800  }
0x14f: {  	[tilespmem:s19], [sflag:$0x4] =	stream.indirect.gather [hbm4b:s4+s17], $0x80, s7, s17, $0xb8;
	[tilespmem:$0x1F280] =	vst v63  }
0x150: {  	_ =	swait.ge [sflag:s29], $0x2800  }
0x151: {  	[sflag:s29] =	ssyncset.done $0x0  }
0x152: {  	[sflag:s29] =	ssyncadd.s32 $0xFFFFD800  }
0x153: {  	[tilespmem:s20], [sflag:$0x5] =	stream.indirect.gather [hbm4b:s4+s17], $0x80, s8, s17, $0xb8;
	[tilespmem:$0x1F280] =	vst v63  }
0x154: {  	_ =	swait.ge [sflag:s21], $0x2800  }
0x155: {  	[sflag:s21] =	ssyncset.done $0x0  }
0x156: {  	[sflag:s21] =	ssyncadd.s32 $0xFFFFD800  }
0x157: {  	[spmem:s2] =	stream.indirect.scatter.add.f32 [tilespmem:s15], [sflag:$0x6], $0x80, s9, s17, $0xb8;
	[tilespmem:$0x1F280] =	vst v63  }
0x158: {  	_ =	swait.ge [sflag:s22], $0x2800  }
0x159: {  	[sflag:s22] =	ssyncset.done $0x0  }
0x15a: {  	[sflag:s22] =	ssyncadd.s32 $0xFFFFD800  }
0x15b: {  	[spmem:s2] =	stream.indirect.scatter.add.f32 [tilespmem:s18], [sflag:$0x7], $0x80, s10, s17, $0xb8;
	[tilespmem:$0x1F280] =	vst v63  }
0x15c: {  	_ =	swait.ge [sflag:s23], $0x2800  }
0x15d: {  	[sflag:s23] =	ssyncset.done $0x0  }
0x15e: {  	[sflag:s23] =	ssyncadd.s32 $0xFFFFD800  }
0x15f: {  	[spmem:s2] =	stream.indirect.scatter.add.f32 [tilespmem:s19], [sflag:$0x8], $0x80, s11, s17, $0xb8;
	[tilespmem:$0x1F280] =	vst v63  }
0x160: {  	_ =	swait.ge [sflag:s24], $0x2800  }
0x161: {  	[sflag:s24] =	ssyncset.done $0x0  }
0x162: {  	[sflag:s24] =	ssyncadd.s32 $0xFFFFD800  }
0x163: {  	[spmem:s2] =	stream.indirect.scatter.add.f32 [tilespmem:s20], [sflag:$0x9], $0x80, s12, s17, $0xb8;
	[tilespmem:$0x1F280] =	vst v63  }
0x164: {  	_ =	swait.ge [sflag:s25], $0x2800  }
0x165: {  	[sflag:s25] =	ssyncset.done $0x0  }
0x166: {  	[sflag:s25] =	ssyncadd.s32 $0xFFFFD800  }
0x167: {  	_ =	swait.ge [sflag:s26], $0x2800  }
0x168: {  	[sflag:s26] =	ssyncset.done $0x0  }
0x169: {  	p0 =	sne.s32 s5, $0xE00;
	[sflag:s26] =	ssyncadd.s32 $0xFFFFD800  }
.Ltmp1:
0x16a: {  	_ =	swait.ge [sflag:s28], $0x2800;
	(pc) =	sbr.rel @p0 .LBB2_4-.Ltmp1, $4  }
0x16b: {  	[sflag:s28] =	ssyncset.done $0x0  }
0x16c: {  	[sflag:s28] =	ssyncadd.s32 $0xFFFFD800  }
0x16d: {  	_ =	swait.ge [sflag:s29], $0x2800  }
0x16e: {  	s5 =	sadd.s32 $0x200, s5;
	s14 =	rddreg [dreg:$0x3];
	[sflag:s29] =	ssyncset.done $0x0  }
0x16f: {  	[sflag:s29] =	ssyncadd.s32 $0xFFFFD800;
	s5 =	sadd.s32 s13, s14  }
0x170: {  	[tilespmem:s3], [sflag:$0x1] =	stream.linear.gather [hbm4b:s5+s3], $0x1000, $0x38;
	[tilespmem:$0x1F280] =	vst v63  }
0x171: {  	_ =	swait.ge [sflag:s16], $0x1000  }
0x172: {  	[sflag:s16] =	ssyncset.done $0x0  }
0x173: {  	[sflag:s16] =	ssyncadd.s32 $0xFFFFF000  }
0x174: {  	[tilespmem:s15], [sflag:$0x2] =	stream.indirect.gather [hbm4b:s4+s17], $0x80, s3, s17, $0xb8;
	[tilespmem:$0x1F280] =	vst v63  }
0x175: {  	s14 =	rddreg [dreg:$0x4]  }
0x176: {  	[tilespmem:s18], [sflag:$0x3] =	stream.indirect.gather [hbm4b:s4+s17], $0x80, s14, s17, $0xb8;
	[tilespmem:$0x1F280] =	vst v63  }
0x177: {  	s13 =	rddreg [dreg:$0x5]  }
0x178: {  	[tilespmem:s19], [sflag:$0x4] =	stream.indirect.gather [hbm4b:s4+s17], $0x80, s13, s17, $0xb8;
	[tilespmem:$0x1F280] =	vst v63  }
0x179: {  	s14 =	rddreg [dreg:$0x6]  }
0x17a: {  	[tilespmem:s20], [sflag:$0x5] =	stream.indirect.gather [hbm4b:s4+s17], $0x80, s14, s17, $0xb8;
	[tilespmem:$0x1F280] =	vst v63  }
0x17b: {  	_ =	swait.ge [sflag:s21], $0x2800  }
0x17c: {  	[sflag:s21] =	ssyncset.done $0x0  }
0x17d: {  	s13 =	rddreg [dreg:$0x7];
	[sflag:s21] =	ssyncadd.s32 $0xFFFFD800  }
0x17e: {  	[spmem:s2] =	stream.indirect.scatter.add.f32 [tilespmem:s15], [sflag:$0x6], $0x80, s13, s17, $0xb8;
	[tilespmem:$0x1F280] =	vst v63  }
0x17f: {  	_ =	swait.ge [sflag:s22], $0x2800  }
0x180: {  	[sflag:s22] =	ssyncset.done $0x0  }
0x181: {  	s14 =	rddreg [dreg:$0x8];
	[sflag:s22] =	ssyncadd.s32 $0xFFFFD800  }
0x182: {  	[spmem:s2] =	stream.indirect.scatter.add.f32 [tilespmem:s18], [sflag:$0x7], $0x80, s14, s17, $0xb8;
	[tilespmem:$0x1F280] =	vst v63  }
0x183: {  	_ =	swait.ge [sflag:s23], $0x2800  }
0x184: {  	[sflag:s23] =	ssyncset.done $0x0  }
0x185: {  	s13 =	rddreg [dreg:$0x9];
	[sflag:s23] =	ssyncadd.s32 $0xFFFFD800  }
0x186: {  	[spmem:s2] =	stream.indirect.scatter.add.f32 [tilespmem:s19], [sflag:$0x8], $0x80, s13, s17, $0xb8;
	[tilespmem:$0x1F280] =	vst v63  }
0x187: {  	_ =	swait.ge [sflag:s24], $0x2800  }
0x188: {  	[sflag:s24] =	ssyncset.done $0x0  }
0x189: {  	s14 =	rddreg [dreg:$0xa];
	[sflag:s24] =	ssyncadd.s32 $0xFFFFD800  }
0x18a: {  	[spmem:s2] =	stream.indirect.scatter.add.f32 [tilespmem:s20], [sflag:$0x9], $0x80, s14, s17, $0xb8;
	[tilespmem:$0x1F280] =	vst v63  }
0x18b: {  	_ =	swait.ge [sflag:s25], $0x2800  }
0x18c: {  	[sflag:s25] =	ssyncset.done $0x0  }
0x18d: {  	s13 =	rddreg [dreg:$0xb];
	[sflag:s25] =	ssyncadd.s32 $0xFFFFD800  }
0x18e: {  	[tilespmem:s15], [sflag:$0x2] =	stream.indirect.gather [hbm4b:s4+s17], $0x80, s13, s17, $0xb8;
	[tilespmem:$0x1F280] =	vst v63  }
0x18f: {  	_ =	swait.ge [sflag:s26], $0x2800  }
0x190: {  	[sflag:s26] =	ssyncset.done $0x0  }
0x191: {  	s14 =	rddreg [dreg:$0xc];
	[sflag:s26] =	ssyncadd.s32 $0xFFFFD800  }
0x192: {  	[tilespmem:s18], [sflag:$0x3] =	stream.indirect.gather [hbm4b:s4+s17], $0x80, s14, s17, $0xb8;
	[tilespmem:$0x1F280] =	vst v63  }
0x193: {  	_ =	swait.ge [sflag:s28], $0x2800  }
0x194: {  	[sflag:s28] =	ssyncset.done $0x0  }
0x195: {  	s13 =	rddreg [dreg:$0xd];
	[sflag:s28] =	ssyncadd.s32 $0xFFFFD800  }
0x196: {  	[tilespmem:s19], [sflag:$0x4] =	stream.indirect.gather [hbm4b:s4+s17], $0x80, s13, s17, $0xb8;
	[tilespmem:$0x1F280] =	vst v63  }
0x197: {  	_ =	swait.ge [sflag:s29], $0x2800  }
0x198: {  	[sflag:s29] =	ssyncset.done $0x0  }
0x199: {  	s14 =	rddreg [dreg:$0xe];
	[sflag:s29] =	ssyncadd.s32 $0xFFFFD800  }
0x19a: {  	[tilespmem:s20], [sflag:$0x5] =	stream.indirect.gather [hbm4b:s4+s17], $0x80, s14, s17, $0xb8;
	[tilespmem:$0x1F280] =	vst v63  }
0x19b: {  	_ =	swait.ge [sflag:s21], $0x2800  }
0x19c: {  	[sflag:s21] =	ssyncset.done $0x0  }
0x19d: {  	s13 =	rddreg [dreg:$0xf];
	[sflag:s21] =	ssyncadd.s32 $0xFFFFD800  }
0x19e: {  	[spmem:s2] =	stream.indirect.scatter.add.f32 [tilespmem:s15], [sflag:$0x6], $0x80, s13, s17, $0xb8;
	[tilespmem:$0x1F280] =	vst v63  }
0x19f: {  	_ =	swait.ge [sflag:s22], $0x2800  }
0x1a0: {  	[sflag:s22] =	ssyncset.done $0x0  }
0x1a1: {  	s14 =	rddreg [dreg:$0x10];
	[sflag:s22] =	ssyncadd.s32 $0xFFFFD800  }
0x1a2: {  	[spmem:s2] =	stream.indirect.scatter.add.f32 [tilespmem:s18], [sflag:$0x7], $0x80, s14, s17, $0xb8;
	[tilespmem:$0x1F280] =	vst v63  }
0x1a3: {  	_ =	swait.ge [sflag:s23], $0x2800  }
0x1a4: {  	[sflag:s23] =	ssyncset.done $0x0  }
0x1a5: {  	s13 =	rddreg [dreg:$0x11];
	[sflag:s23] =	ssyncadd.s32 $0xFFFFD800  }
0x1a6: {  	[spmem:s2] =	stream.indirect.scatter.add.f32 [tilespmem:s19], [sflag:$0x8], $0x80, s13, s17, $0xb8;
	[tilespmem:$0x1F280] =	vst v63  }
0x1a7: {  	_ =	swait.ge [sflag:s24], $0x2800  }
0x1a8: {  	[sflag:s24] =	ssyncset.done $0x0  }
0x1a9: {  	s14 =	rddreg [dreg:$0x12];
	[sflag:s24] =	ssyncadd.s32 $0xFFFFD800  }
0x1aa: {  	[spmem:s2] =	stream.indirect.scatter.add.f32 [tilespmem:s20], [sflag:$0x9], $0x80, s14, s17, $0xb8;
	[tilespmem:$0x1F280] =	vst v63  }
0x1ab: {  	_ =	swait.ge [sflag:s25], $0x2800  }
0x1ac: {  	[sflag:s25] =	ssyncset.done $0x0  }
0x1ad: {  	s13 =	rddreg [dreg:$0x13];
	[sflag:s25] =	ssyncadd.s32 $0xFFFFD800  }
0x1ae: {  	[tilespmem:s15], [sflag:$0x2] =	stream.indirect.gather [hbm4b:s4+s17], $0x80, s13, s17, $0xb8;
	[tilespmem:$0x1F280] =	vst v63  }
0x1af: {  	_ =	swait.ge [sflag:s26], $0x2800  }
0x1b0: {  	[sflag:s26] =	ssyncset.done $0x0  }
0x1b1: {  	s14 =	rddreg [dreg:$0x14];
	[sflag:s26] =	ssyncadd.s32 $0xFFFFD800  }
0x1b2: {  	[tilespmem:s18], [sflag:$0x3] =	stream.indirect.gather [hbm4b:s4+s17], $0x80, s14, s17, $0xb8;
	[tilespmem:$0x1F280] =	vst v63  }
0x1b3: {  	_ =	swait.ge [sflag:s28], $0x2800  }
0x1b4: {  	[sflag:s28] =	ssyncset.done $0x0  }
0x1b5: {  	s13 =	rddreg [dreg:$0x15];
	[sflag:s28] =	ssyncadd.s32 $0xFFFFD800  }
0x1b6: {  	[tilespmem:s19], [sflag:$0x4] =	stream.indirect.gather [hbm4b:s4+s17], $0x80, s13, s17, $0xb8;
	[tilespmem:$0x1F280] =	vst v63  }
0x1b7: {  	_ =	swait.ge [sflag:s29], $0x2800  }
0x1b8: {  	[sflag:s29] =	ssyncset.done $0x0  }
0x1b9: {  	s14 =	rddreg [dreg:$0x16];
	[sflag:s29] =	ssyncadd.s32 $0xFFFFD800  }
0x1ba: {  	[tilespmem:s20], [sflag:$0x5] =	stream.indirect.gather [hbm4b:s4+s17], $0x80, s14, s17, $0xb8;
	[tilespmem:$0x1F280] =	vst v63  }
0x1bb: {  	_ =	swait.ge [sflag:s21], $0x2800  }
0x1bc: {  	[sflag:s21] =	ssyncset.done $0x0  }
0x1bd: {  	s13 =	rddreg [dreg:$0x17];
	[sflag:s21] =	ssyncadd.s32 $0xFFFFD800  }
0x1be: {  	[spmem:s2] =	stream.indirect.scatter.add.f32 [tilespmem:s15], [sflag:$0x6], $0x80, s13, s17, $0xb8;
	[tilespmem:$0x1F280] =	vst v63  }
0x1bf: {  	_ =	swait.ge [sflag:s22], $0x2800  }
0x1c0: {  	[sflag:s22] =	ssyncset.done $0x0  }
0x1c1: {  	[sflag:s22] =	ssyncadd.s32 $0xFFFFD800  }
0x1c2: {  	[spmem:s2] =	stream.indirect.scatter.add.f32 [tilespmem:s18], [sflag:$0x7], $0x80, s30, s17, $0xb8;
	[tilespmem:$0x1F280] =	vst v63  }
0x1c3: {  	_ =	swait.ge [sflag:s23], $0x2800  }
0x1c4: {  	[sflag:s23] =	ssyncset.done $0x0  }
0x1c5: {  	[sflag:s23] =	ssyncadd.s32 $0xFFFFD800  }
0x1c6: {  	[spmem:s2] =	stream.indirect.scatter.add.f32 [tilespmem:s19], [sflag:$0x8], $0x80, s31, s17, $0xb8;
	[tilespmem:$0x1F280] =	vst v63  }
0x1c7: {  	_ =	swait.ge [sflag:s24], $0x2800  }
0x1c8: {  	[sflag:s24] =	ssyncset.done $0x0  }
0x1c9: {  	[sflag:s24] =	ssyncadd.s32 $0xFFFFD800  }
0x1ca: {  	[spmem:s2] =	stream.indirect.scatter.add.f32 [tilespmem:s20], [sflag:$0x9], $0x80, s0, s17, $0xb8;
	[tilespmem:$0x1F280] =	vst v63  }
0x1cb: {  	_ =	swait.ge [sflag:s25], $0x2800  }
0x1cc: {  	[sflag:s25] =	ssyncset.done $0x0  }
0x1cd: {  	[sflag:s25] =	ssyncadd.s32 $0xFFFFD800  }
0x1ce: {  	[tilespmem:s15], [sflag:$0x2] =	stream.indirect.gather [hbm4b:s4+s17], $0x80, s1, s17, $0xb8;
	[tilespmem:$0x1F280] =	vst v63  }
0x1cf: {  	_ =	swait.ge [sflag:s26], $0x2800  }
0x1d0: {  	[sflag:s26] =	ssyncset.done $0x0  }
0x1d1: {  	[sflag:s26] =	ssyncadd.s32 $0xFFFFD800  }
0x1d2: {  	[tilespmem:s18], [sflag:$0x3] =	stream.indirect.gather [hbm4b:s4+s17], $0x80, s6, s17, $0xb8;
	[tilespmem:$0x1F280] =	vst v63  }
0x1d3: {  	_ =	swait.ge [sflag:s28], $0x2800  }
0x1d4: {  	[sflag:s28] =	ssyncset.done $0x0  }
0x1d5: {  	[sflag:s28] =	ssyncadd.s32 $0xFFFFD800  }
0x1d6: {  	[tilespmem:s19], [sflag:$0x4] =	stream.indirect.gather [hbm4b:s4+s17], $0x80, s7, s17, $0xb8;
	[tilespmem:$0x1F280] =	vst v63  }
0x1d7: {  	_ =	swait.ge [sflag:s29], $0x2800  }
0x1d8: {  	[sflag:s29] =	ssyncset.done $0x0  }
0x1d9: {  	[sflag:s29] =	ssyncadd.s32 $0xFFFFD800  }
0x1da: {  	[tilespmem:s20], [sflag:$0x5] =	stream.indirect.gather [hbm4b:s4+s17], $0x80, s8, s17, $0xb8;
	[tilespmem:$0x1F280] =	vst v63  }
0x1db: {  	_ =	swait.ge [sflag:s21], $0x2800  }
0x1dc: {  	[sflag:s21] =	ssyncset.done $0x0  }
0x1dd: {  	[sflag:s21] =	ssyncadd.s32 $0xFFFFD800  }
0x1de: {  	[spmem:s2] =	stream.indirect.scatter.add.f32 [tilespmem:s15], [sflag:$0x6], $0x80, s9, s17, $0xb8;
	[tilespmem:$0x1F280] =	vst v63  }
0x1df: {  	_ =	swait.ge [sflag:s22], $0x2800  }
0x1e0: {  	[sflag:s22] =	ssyncset.done $0x0  }
0x1e1: {  	[sflag:s22] =	ssyncadd.s32 $0xFFFFD800  }
0x1e2: {  	[spmem:s2] =	stream.indirect.scatter.add.f32 [tilespmem:s18], [sflag:$0x7], $0x80, s10, s17, $0xb8;
	[tilespmem:$0x1F280] =	vst v63  }
0x1e3: {  	_ =	swait.ge [sflag:s23], $0x2800  }
0x1e4: {  	[sflag:s23] =	ssyncset.done $0x0  }
0x1e5: {  	[sflag:s23] =	ssyncadd.s32 $0xFFFFD800  }
0x1e6: {  	[spmem:s2] =	stream.indirect.scatter.add.f32 [tilespmem:s19], [sflag:$0x8], $0x80, s11, s17, $0xb8;
	[tilespmem:$0x1F280] =	vst v63  }
0x1e7: {  	_ =	swait.ge [sflag:s24], $0x2800  }
0x1e8: {  	[sflag:s24] =	ssyncset.done $0x0  }
0x1e9: {  	[sflag:s24] =	ssyncadd.s32 $0xFFFFD800  }
0x1ea: {  	[spmem:s2] =	stream.indirect.scatter.add.f32 [tilespmem:s20], [sflag:$0x9], $0x80, s12, s17, $0xb8;
	[tilespmem:$0x1F280] =	vst v63  }
0x1eb: {  	_ =	swait.ge [sflag:s25], $0x2800  }
0x1ec: {  	[sflag:s25] =	ssyncset.done $0x0  }
0x1ed: {  	[sflag:s25] =	ssyncadd.s32 $0xFFFFD800  }
0x1ee: {  	_ =	swait.ge [sflag:s26], $0x2800  }
0x1ef: {  	[sflag:s26] =	ssyncset.done $0x0  }
0x1f0: {  	[sflag:s26] =	ssyncadd.s32 $0xFFFFD800  }
0x1f1: {  	_ =	swait.ge [sflag:s28], $0x2800  }
0x1f2: {  	[sflag:s28] =	ssyncset.done $0x0  }
0x1f3: {  	[sflag:s28] =	ssyncadd.s32 $0xFFFFD800  }
0x1f4: {  	_ =	swait.ge [sflag:s29], $0x2800  }
0x1f5: {  	[sflag:s29] =	ssyncset.done $0x0  }
0x1f6: {  	[sflag:s29] =	ssyncadd.s32 $0xFFFFD800  }
0x1f7: {  	[bflag:$0x0] =	sbarrier.arrive $0xFFFF  }
0x1f8: {  	s14 =	stileid.u32;
	s30 =	sld [smem:$0x7FC]  }
0x1f9: {  	s5 =	sshll.u32 s14, $0x6;
	s14 =	rddreg [dreg:$0x18]  }
0x1fa: {  	s5 =	sor.u32 $0x1C0A, s5;
	s13 =	sshrl.u32 s14, $0x3  }
0x1fb: {  	[hbm:s30], [sflag:s5] =	dma.local [spmem:s13], $0x2800  }
0x1fc: {  	s13 =	simm.s32 $0xA  }
0x1fd: {  	_ =	swait.ge [sflag:s13], $0x2800  }
0x1fe: {  	s30 =	sld [smem:$0x7FB]  }
0x1ff: {  	s5 =	sld [smem:$0x7FD];
	_ =	sdelay $0x1  }
0x200: {  	s30 =	sadd.s32 $0x1, s30  }
0x201: {  	p0 =	sne.s32 s30, s5  }
.Ltmp2:
0x202: {  	_ = 	snop;
	(pc) =	sbr.rel @p0 .LBB2_1-.Ltmp2, $3  }
0x203: {  	_ =	sdelay $0x1  }
0x204: {  	[sflag:s13] =	ssyncset.done $0x0  }
0x205: {  	[sflag:s13] =	ssyncadd.s32 $0xFFFFD800  }
0x206: {  	_ =	sfence.sel $0x180000  }
0x207: {  	[bflag:$0x0] =	sbarrier.arrive $0xFFFF  }
0x208: {  	_ =	strace $0x9000004A  }
0x209: {  	s0 =	stileid.u32;
	[bflag:$0x2] =	sbarrier.arrive $0xFFFF  }
0x20a: {  	p0 =	sne.s32 s0, $0x0;
	s0 =	rddreg [dreg:$0x2]  }
0x20b: {  	s0 =	sadd.s32 @!p0 $0x100000, s0  }
0x20c: {  	[sflag:s0] =	ssyncadd.tile.s32 @!p0 $0x1;
	_ =	shalt  }
.Lfunc_end2:
_tile_overlayer_lowered:
.L_overlay_start_2:
0x20d: {  	(tag) =	ssettag $0x2  }
0x20e: {  	s0 =	rddreg [dreg:$0x0];
	s2 =	stileid.u32  }
0x20f: {  	s1 =	rddreg [dreg:$0x1];
	p0 =	sne.s32 s2, $0x0  }
0x210: {  	s3 =	rddreg [dreg:$0x2];
	[bflag:$0x3] =	sbarrier.arrive $0xFFFF;
	s2 =	simm.s32 @!p0 $0x1C0A  }
0x211: {  	[timem:s3], [sflag:s2] =	dma.local @!p0 [hbm:s0], s1  }
0x212: {  	s0 =	simm.s32 @!p0 $0xA  }
0x213: {  	_ =	swait.ge @!p0 [sflag:s0], s1  }
0x214: {  	s1 =	ssub.s32 @!p0 $0x0, s1;
	[sflag:s0] =	ssyncset.done @!p0 $0x0  }
0x215: {  	[sflag:s0] =	ssyncadd.s32 @!p0 s1  }
0x216: {  	[bflag:$0x3] =	sbarrier.arrive $0xFFFF  }
0x217: {  	_ =	shalt  }

// kernel: kernel.14.cloned.1.call-start
scs
__scs_entry_jumppad:
0x0: {  	(pc) =	sbr.rel $0x88, $3  }
0x1: {  	(tag) =	ssettag $0x0;
	lr =	simm.s32 $0x1  }
0x2: {  	[smem:$0x3F99] =	sst lr;
	_ =	strace $0xD0000000  }
0x3: {  	_ = 	snop  }
0x4: {  	_ = 	snop  }
0x5: {  	_ = 	snop  }
0x6: {  	_ = 	snop  }
0x7: {  	_ = 	snop  }
__scs_overlays_trampoline_lowered:
0x8: {  	[smem:$0x3FA8] =	sst s0  }
0x9: {  	[smem:$0x3FA9] =	sst s1  }
0xa: {  	[smem:$0x3FAA] =	sst s2  }
0xb: {  	[smem:$0x3FAB] =	sst s3  }
0xc: {  	[smem:$0x3FAC] =	sst s4  }
0xd: {  	[smem:$0x3FAD] =	sst s5  }
0xe: {  	[smem:$0x3FAE] =	sst s6  }
0xf: {  	[smem:$0x3FAF] =	sst s7  }
0x10: {  	[smem:$0x3FB0] =	sst s8  }
0x11: {  	[smem:$0x3FB1] =	sst s9;
	s0 =	simm.s32 @!p0 $0x0  }
0x12: {  	s1 =	sld [smem:$0x3F97];
	s0 =	simm.s32 @p0 $0x1  }
0x13: {  	[smem:$0x3FB2] =	sst s0;
	s0 =	simm.s32 @!p1 $0x0  }
0x14: {  	s2 =	sld [smem:$0x3F96];
	s0 =	simm.s32 @p1 $0x1  }
0x15: {  	[smem:$0x3FB3] =	sst s0;
	s0 =	simm.s32 @!p2 $0x0  }
0x16: {  	s3 =	sld [smem:$0x3FDB];
	s0 =	simm.s32 @p2 $0x1  }
0x17: {  	s4 =	simm.s32 $0x1BF5;
	[smem:$0x3FB5] =	sst s0  }
0x18: {  	s0 =	sld [smem:$0x3F98];
	_ =	swait.ge [sflag:s4], $0x0  }
0x19: {  	s7 =	sld [smem:$0x3F99]  }
0x1a: {  	s8 =	sadd.s32 $0xFFFFE003, lr  }
0x1b: {  	s9 =	sadd.s32 $0xFFFFFEF7, lr;
	s5 =	simm.s32 $0xFFFFFFFF;
	p2 =	slt.u32 s8, $0xFFFFF086  }
0x1c: {  	p1 =	slt.u32 s9, $0xF7A;
	s5 =	simm.s32 @!p2 $0x0  }
0x1d: {  	s5 =	simm.s32 @p1 $0x1;
	p0 =	seq.s32 s7, s2  }
0x1e: {  	s7 =	smul.u32 @!p0 $0xF7A, s2;
	p2 =	seq.s32 @!p0 s5, $0x0  }
0x1f: {  	s9 =	smul.u32 $0xF7A, s1;
	s8 =	simm.s32 @!p0 $0x1BF5;
	p2 =	por !p2, p0  }
0x20: {  	[sflag:s8] =	ssyncset.s32 @!p0 $0xFFFFF086;
	s6 =	sadd.s32 @!p0 s3, s7;
	s7 =	simm.s32 @!p0 $0x108  }
0x21: {  	s3 =	sadd.s32 s3, s9;
	s6 =	sadd.s32 @!p0 $0x88, s6;
	s7 =	simm.s32 @p2 $0x1082  }
0x22: {  	[simem:s7], [sflag:s8] =	dma.local @!p0 [hbm:s6], $0xF7A  }
0x23: {  	s9 =	sor.u32 $0xD0000000, s2;
	s6 =	simm.s32 $0x108;
	_ =	swait.ge @!p0 [sflag:s8], $0x0  }
0x24: {  	s3 =	sadd.s32 $0x88, s3;
	s6 =	simm.s32 @!p1 $0x1082;
	[sflag:s4] =	ssyncset.s32 $0xFFFFF086  }
0x25: {  	[simem:s6], [sflag:s4] =	dma.local [hbm:s3], $0xF7A  }
0x26: {  	[smem:$0x3F99] =	sst s1;
	(tag) =	ssettag s2;
	_ =	strace s9  }
0x27: {  	s1 =	sld [smem:$0x3FA9]  }
0x28: {  	s2 =	sld [smem:$0x3FAA]  }
0x29: {  	s4 =	sld [smem:$0x3FAC]  }
0x2a: {  	p0 =	seq.s32 s5, $0x0;
	s5 =	sld [smem:$0x3FAD]  }
0x2b: {  	s6 =	sld [smem:$0x3FAE]  }
0x2c: {  	s7 =	sld [smem:$0x3FAF]  }
0x2d: {  	s3 =	simm.s32 $0x108;
	s8 =	sld [smem:$0x3FB0]  }
0x2e: {  	s3 =	simm.s32 @!p0 $0x1082;
	s9 =	sld [smem:$0x3FB1]  }
0x2f: {  	lr =	sadd.s32 s0, s3;
	s0 =	sld [smem:$0x3FA8]  }
0x30: {  	s3 =	sld [smem:$0x3FAB]  }
0x31: {  	[smem:$0x3FB4] =	sst s10  }
0x32: {  	s10 =	sld [smem:$0x3FB2];
	_ =	sdelay $0x3  }
0x33: {  	p0 =	seq.s32 s10, $0x1;
	s10 =	sld [smem:$0x3FB4];
	_ =	sdelay $0x3  }
0x34: {  	[smem:$0x3FB4] =	sst s10  }
0x35: {  	s10 =	sld [smem:$0x3FB3];
	_ =	sdelay $0x3  }
0x36: {  	p1 =	seq.s32 s10, $0x1;
	s10 =	sld [smem:$0x3FB4];
	_ =	sdelay $0x3  }
0x37: {  	[smem:$0x3FB4] =	sst s10  }
0x38: {  	s10 =	sld [smem:$0x3FB5]  }
0x39: {  	_ = 	snop;
	(pc) =	sbr.ind lr, $3  }
0x3a: {  	_ = 	snop  }
0x3b: {  	_ = 	snop  }
0x3c: {  	p2 =	seq.s32 s10, $0x1;
	s10 =	sld [smem:$0x3FB4]  }
0x3d: {  	_ =	shalt  }
0x3e: {  	_ =	shalt  }
0x3f: {  	_ =	shalt  }
0x40: {  	_ =	shalt  }
0x41: {  	_ =	shalt  }
0x42: {  	_ =	shalt  }
0x43: {  	_ =	shalt  }
0x44: {  	_ =	shalt  }
0x45: {  	_ =	shalt  }
0x46: {  	_ =	shalt  }
0x47: {  	_ =	shalt  }
0x48: {  	_ =	shalt  }
0x49: {  	_ =	shalt  }
0x4a: {  	_ =	shalt  }
0x4b: {  	_ =	shalt  }
0x4c: {  	_ =	shalt  }
0x4d: {  	_ =	shalt  }
0x4e: {  	_ =	shalt  }
0x4f: {  	_ =	shalt  }
0x50: {  	_ =	shalt  }
0x51: {  	_ =	shalt  }
0x52: {  	_ =	shalt  }
0x53: {  	_ =	shalt  }
0x54: {  	_ =	shalt  }
0x55: {  	_ =	shalt  }
0x56: {  	_ =	shalt  }
0x57: {  	_ =	shalt  }
0x58: {  	_ =	shalt  }
0x59: {  	_ =	shalt  }
0x5a: {  	_ =	shalt  }
0x5b: {  	_ =	shalt  }
0x5c: {  	_ =	shalt  }
0x5d: {  	_ =	shalt  }
0x5e: {  	_ =	shalt  }
0x5f: {  	_ =	shalt  }
0x60: {  	_ =	shalt  }
0x61: {  	_ =	shalt  }
0x62: {  	_ =	shalt  }
0x63: {  	_ =	shalt  }
0x64: {  	_ =	shalt  }
0x65: {  	_ =	shalt  }
0x66: {  	_ =	shalt  }
0x67: {  	_ =	shalt  }
0x68: {  	_ =	shalt  }
0x69: {  	_ =	shalt  }
0x6a: {  	_ =	shalt  }
0x6b: {  	_ =	shalt  }
0x6c: {  	_ =	shalt  }
0x6d: {  	_ =	shalt  }
0x6e: {  	_ =	shalt  }
0x6f: {  	_ =	shalt  }
0x70: {  	_ =	shalt  }
0x71: {  	_ =	shalt  }
0x72: {  	_ =	shalt  }
0x73: {  	_ =	shalt  }
0x74: {  	_ =	shalt  }
0x75: {  	_ =	shalt  }
0x76: {  	_ =	shalt  }
0x77: {  	_ =	shalt  }
0x78: {  	_ =	shalt  }
0x79: {  	_ =	shalt  }
0x7a: {  	_ =	shalt  }
0x7b: {  	_ =	shalt  }
0x7c: {  	_ =	shalt  }
0x7d: {  	_ =	shalt  }
0x7e: {  	_ =	shalt  }
0x7f: {  	_ =	shalt  }
0x80: {  	_ =	shalt  }
0x81: {  	_ =	shalt  }
0x82: {  	_ =	shalt  }
0x83: {  	_ =	shalt  }
0x84: {  	_ =	shalt  }
0x85: {  	_ =	shalt  }
0x86: {  	_ =	shalt  }
0x87: {  	_ =	shalt  }
.Lfunc_end0:
.L_simem_size_0:
called_computation.2_lowered:
.L_overlay_start_0:
0x88: {  	s2 =	sld [smem:$0x3FD9]  }
0x89: {  	s3 =	sld [smem:$0x3FFE];
	_ =	sdelay $0x1  }
0x8a: {  	s1 =	srdreg.scid  }
0x8b: {  	s0 =	sand.u32 $0x1, s1  }
0x8c: {  	s16 =	sshll.u32 s0, $0xA;
	s2 =	sadd.s32 s3, s2  }
0x8d: {  	s2 =	sadd.s32 s2, s16  }
0x8e: {  	[smem:$0x3FC0] =	sst s2  }
0x8f: {  	_ = 	snop  }
0x90: {  	(tm) =	ssettm $0x1  }
0x91: {  	s17 =	sld [smem:$0x3FFB];
	_ =	sdelay $0x3  }
0x92: {  	_ =	strace s17  }
0x93: {  	s2 =	sld [smem:$0x3FFC];
	_ =	sdelay $0x3  }
0x94: {  	_ =	strace s2  }
0x95: {  	s2 =	sld [smem:$0x3FFD];
	_ =	sdelay $0x3  }
0x96: {  	_ =	strace s2  }
0x97: {  	_ =	strace $0x8FFFFFFF  }
0x98: {  	s18 =	sld [smem:$0x3FDB];
	_ =	sdelay $0x1  }
0x99: {  	s19 =	simm.s32 $_scs_section_size  }
0x9a: {  	s4 =	simm.s32 $_size__tile_overlayer_lowered;
	s5 =	simm.s32 $_tile_overlayer_lowered  }
0x9b: {  	s22 =	simm.s32 $0x1BFF;
	s21 =	sshll.u32 s5, $0x1;
	s2 =	sadd.s32 s19, s18  }
0x9c: {  	s6 =	simm.s32 $0x0;
	s20 =	sshll.u32 s4, $0x1;
	s4 =	sadd.s32 s21, s2  }
0x9d: {  	[timem:s6], [sflag:s22] =	dma.local [hbm:s4], s20  }
0x9e: {  	_ =	swait.ge [sflag:s22], s20  }
0x9f: {  	s3 =	ssub.s32 $0x0, s20;
	[sflag:s22] =	ssyncset.done $0x0  }
0xa0: {  	[sflag:s22] =	ssyncadd.s32 s3;
	_ =	sdelay $0x1  }
0xa1: {  	s23 =	simm.s32 $0x1B8B  }
0xa2: {  	_ =	swait.ge [sflag:s23], $0x1  }
0xa3: {  	[sflag:s23] =	ssyncset.done $0x0  }
0xa4: {  	s25 =	simm.s32 $0x1B8E;
	s24 =	sld [smem:$0x3FFE];
	[sflag:s23] =	ssyncadd.s32 $0xFFFFFFFF  }
0xa5: {  	s26 =	simm.s32 $execute0_lowered;
	[smem:$0x3FD2] =	sst s25  }
0xa6: {  	s4 =	sshll.u32 s26, $0x1;
	_ =	strace $0x8000004C;
	[dreg:$0x1] =	wrdreg $0xFFFFFFFF  }
0xa7: {  	s28 =	simm.s32 $_size_execute0_lowered;
	s2 =	sadd.s32 s2, s4;
	[dreg:$0x0] =	wrdreg $0x0  }
0xa8: {  	s4 =	sshll.u32 s28, $0x1;
	[dreg:$0x2] =	wrdreg s2  }
0xa9: {  	[dreg:$0x3] =	wrdreg s4  }
0xaa: {  	[dreg:$0x4] =	wrdreg $0xC0  }
0xab: {  	_ =	task [dreg:s6], $0x5FFFF  }
0xac: {  	[dreg:$0x1] =	wrdreg $0xFFFFFFFF  }
0xad: {  	[dreg:$0x0] =	wrdreg $0x60  }
0xae: {  	[dreg:$0x2] =	wrdreg s24  }
0xaf: {  	[dreg:$0x3] =	wrdreg $0xB0000  }
0xb0: {  	[dreg:$0x4] =	wrdreg $0x9  }
0xb1: {  	_ =	task.clear_ibuf [dreg:s6], $0x5FFFF;
	_ =	strace $0x9000004C  }
0xb2: {  	s29 =	simm.s32 $0x9;
	_ =	strace $0x8000004E  }
0xb3: {  	_ =	swait.ge [sflag:s29], $0x1  }
0xb4: {  	[sflag:s29] =	ssyncadd.s32 $0xFFFFFFFF  }
0xb5: {  	_ =	strace $0x9000004E  }
0xb6: {  	_ =	sfence  }
0xb7: {  	s30 =	sld [smem:$0x0];
	_ =	sdelay $0x2  }
0xb8: {  	s31 =	sshll.u32 s1, $0xD;
	s1 =	sshrl.u32 s1, $0x2  }
0xb9: {  	s3 =	sand.u32 $0x4000, s31;
	s1 =	sadd.s32 s1, s30  }
0xba: {  	s0 =	sor.u32 s3, s0;
	s1 =	sshll.u32 s1, $0x11  }
0xbb: {  	s0 =	sor.u32 s1, s0  }
0xbc: {  	s0 =	sadd.s32 $0x8F2B, s0  }
0xbd: {  	[sflag:s0] =	ssyncadd.remote.s32 $0x1  }
0xbe: {  	_ =	sfence.sel $0xFFFF  }
0xbf: {  	[dreg:$0x0] =	wrdreg $0xFFFFFFFF;
	(pc) =	sbr.abs _section_cstart, $3  }
0xc0: {  	[dreg:$0x1] =	wrdreg $0xFFFFFFFF  }
0xc1: {  	_ =	task.clear_ibuf [dreg:s6], $0x2FFFF;
	_ =	strace $0x9FFFFFFF  }
0xc2: {  	(tm) =	ssettm $0x7FFFFFFF  }
0xc3: {  	_ =	shalt  }
tec
execute0_lowered:
.L_overlay_start_1:
0x0: {  	(tag) =	ssettag $0x1  }
0x1: {  	s0 =	rddreg [dreg:$0x0]  }
0x2: {  	s2 =	rddreg [dreg:$0x1]  }
0x3: {  	s1 =	srdreg.scid;
	s8 =	stileid.u32  }
0x4: {  	s3 =	simm.s32 $0x0;
	s19 =	simm.s32 $0x80;
	s21 =	simm.s32 $0x100  }
0x5: {  	s23 =	simm.s32 $0x180;
	s25 =	simm.s32 $0x800;
	s9 =	simm.s32 $0x900  }
0x6: {  	s11 =	simm.s32 $0x980;
	s13 =	simm.s32 $0x200;
	[smem:$0x7FF] =	sst s3  }
0x7: {  	s28 =	simm.s32 $0x8;
	_ =	strace $0x8000004D;
	[dreg:$0x4] =	wrdreg s19  }
0x8: {  	s29 =	simm.s32 $0x9;
	s31 =	simm.s32 $0xD00;
	[dreg:$0x5] =	wrdreg s21  }
0x9: {  	s30 =	simm.s32 $0x0;
	s1 =	sand.u32 $0x1, s1;
	[dreg:$0x6] =	wrdreg s23  }
0xa: {  	s5 =	smul.u32 $0x2800, s8;
	s4 =	sadd.s32 $0x3000, s0;
	[dreg:$0x7] =	wrdreg s25  }
0xb: {  	s15 =	smul.u32 $0x50000, s8;
	s8 =	sshll.u32 s8, $0xC;
	[dreg:$0x9] =	wrdreg s9  }
0xc: {  	s6 =	smul.u32 $0x28000, s1;
	s7 =	sshll.u32 s1, $0x10;
	[dreg:$0xa] =	wrdreg s11  }
0xd: {  	s1 =	ssub.s32 $0x2, s1;
	[dreg:$0xb] =	wrdreg s13;
	s19 =	simm.s32 $0xA80  }
0xe: {  	s21 =	simm.s32 $0xB80;
	s23 =	simm.s32 $0x480;
	[dreg:$0x10] =	wrdreg s19  }
0xf: {  	s25 =	simm.s32 $0x580;
	s9 =	simm.s32 $0xE00;
	[dreg:$0x12] =	wrdreg s21  }
0x10: {  	s7 =	sadd.s32 s7, s0;
	s16 =	sshrl.u32 s1, $0x1;
	[dreg:$0x14] =	wrdreg s23  }
0x11: {  	s17 =	sshrl.u32 s15, $0x2;
	s15 =	simm.s32 $0x280;
	[dreg:$0x16] =	wrdreg s25  }
0x12: {  	s1 =	ssub.s32 s1, s16;
	[dreg:$0xc] =	wrdreg s15;
	s16 =	simm.s32 $0x300  }
0x13: {  	s14 =	sadd.s32 s17, s2;
	s17 =	simm.s32 $0x380;
	[dreg:$0xd] =	wrdreg s16  }
0x14: {  	s11 =	simm.s32 $0xF00;
	s7 =	sadd.s32 s8, s7;
	[dreg:$0xe] =	wrdreg s17  }
0x15: {  	s19 =	simm.s32 $0x6000;
	s18 =	sadd.s32 $0x63000, s7;
	[dreg:$0x18] =	wrdreg s14  }
0x16: {  	s21 =	simm.s32 $0x2;
	s20 =	sadd.s32 $0x2800, s14;
	[dreg:$0x3] =	wrdreg s18  }
0x17: {  	s23 =	simm.s32 $0x4;
	s22 =	sadd.s32 $0x5000, s14;
	[dreg:$0x19] =	wrdreg s20  }
0x18: {  	s25 =	simm.s32 $0x6;
	s24 =	sadd.s32 $0x7800, s14;
	[dreg:$0x1a] =	wrdreg s22  }
0x19: {  	s5 =	sadd.s32 s5, s6;
	s26 =	sadd.s32 $0xA000, s14;
	[dreg:$0x1b] =	wrdreg s24  }
0x1a: {  	s15 =	simm.s32 $0x1000;
	s8 =	sadd.s32 $0xC800, s14;
	[dreg:$0x1c] =	wrdreg s26  }
0x1b: {  	s6 =	simm.s32 $0x680;
	s7 =	simm.s32 $0x880;
	[dreg:$0x1d] =	wrdreg s8  }
0x1c: {  	s0 =	sadd.s32 s5, s0;
	s10 =	sadd.s32 $0xF000, s14;
	[dreg:$0x8] =	wrdreg s7  }
0x1d: {  	s12 =	sadd.s32 $0x11800, s14;
	s1 =	smax.u32 s1, $0x1;
	[dreg:$0x1e] =	wrdreg s10  }
0x1e: {  	s16 =	simm.s32 $0x1;
	s17 =	simm.s32 $0x50;
	[dreg:$0x1f] =	wrdreg s12  }
0x1f: {  	s0 =	sadd.s32 $0xFA200, s0;
	[smem:$0x7FD] =	sst s1;
	s18 =	simm.s32 $0xA00  }
0x20: {  	s20 =	simm.s32 $0xB00;
	s22 =	simm.s32 $0x400;
	s24 =	simm.s32 $0x500  }
0x21: {  	s26 =	simm.s32 $0xC00;
	s1 =	simm.s32 $0x600;
	[smem:$0x7FC] =	sst s0  }
0x22: {  	s7 =	simm.s32 $0x700;
	s8 =	simm.s32 $0x780;
	[dreg:$0xf] =	wrdreg s18  }
0x23: {  	s10 =	simm.s32 $0xE80;
	s12 =	simm.s32 $0xF80;
	[dreg:$0x11] =	wrdreg s20  }
0x24: {  	s18 =	simm.s32 $0x3800;
	s20 =	simm.s32 $0x8800;
	[dreg:$0x13] =	wrdreg s22  }
0x25: {  	s22 =	simm.s32 $0x3;
	[dreg:$0x15] =	wrdreg s24;
	s24 =	simm.s32 $0x5  }
0x26: {  	v0 =	vimm.f32 $0.0e+00;
	[dreg:$0x17] =	wrdreg s26;
	s26 =	simm.s32 $0x7;
	s0 =	simm.s32 $0xD80  }
.LBB2_1:
0x27: {  	[smem:$0x7FB] =	sst s30;
	s5 =	simm.s32 $0x70;
	s13 =	simm.s32 $0x3C0  }
.LBB2_2:
0x28: {  	p0 =	sne.s32 s13, $0x9FC0;
	[tilespmem:s5+$0x1000] =	vst v0  }
0x29: {  	[tilespmem:s5+$0xF90] =	vst v0  }
0x2a: {  	[tilespmem:s5+$0xFA0] =	vst v0  }
.Ltmp0:
0x2b: {  	[tilespmem:s5+$0xFB0] =	vst v0;
	(pc) =	sbr.rel @p0 .LBB2_2-.Ltmp0, $4  }
0x2c: {  	[tilespmem:s5+$0xFC0] =	vst v0  }
0x2d: {  	[tilespmem:s5+$0xFD0] =	vst v0  }
0x2e: {  	[tilespmem:s5+$0xFE0] =	vst v0  }
0x2f: {  	[tilespmem:s5+$0xFF0] =	vst v0;
	s5 =	sshra.s32 s13, $0x2;
	s13 =	sadd.s32 $0x200, s13  }
0x30: {  	[tilespmem:s5+$0x1000] =	vst v0  }
0x31: {  	[tilespmem:s5+$0xF90] =	vst v0  }
0x32: {  	[tilespmem:s5+$0xFA0] =	vst v0  }
0x33: {  	[tilespmem:s5+$0xFB0] =	vst v0  }
0x34: {  	[tilespmem:s5+$0xFC0] =	vst v0  }
0x35: {  	[tilespmem:s5+$0xFD0] =	vst v0  }
0x36: {  	[tilespmem:s5+$0xFE0] =	vst v0  }
0x37: {  	[tilespmem:s5+$0xFF0] =	vst v0  }
0x38: {  	[spmem:s14] =	stream.linear.scatter [tilespmem:s15], [sflag:$0x1], $0x2800, $0x38;
	[tilespmem:$0x1F280] =	vst v63  }
0x39: {  	s30 =	rddreg [dreg:$0x19]  }
0x3a: {  	[spmem:s30] =	stream.linear.scatter [tilespmem:s15], [sflag:$0x1], $0x2800, $0x38;
	[tilespmem:$0x1F280] =	vst v63  }
0x3b: {  	s13 =	rddreg [dreg:$0x1a]  }
0x3c: {  	[spmem:s13] =	stream.linear.scatter [tilespmem:s15], [sflag:$0x1], $0x2800, $0x38;
	[tilespmem:$0x1F280] =	vst v63  }
0x3d: {  	s14 =	rddreg [dreg:$0x1b]  }
0x3e: {  	[spmem:s14] =	stream.linear.scatter [tilespmem:s15], [sflag:$0x1], $0x2800, $0x38;
	[tilespmem:$0x1F280] =	vst v63  }
0x3f: {  	s30 =	rddreg [dreg:$0x1c]  }
0x40: {  	[spmem:s30] =	stream.linear.scatter [tilespmem:s15], [sflag:$0x1], $0x2800, $0x38;
	[tilespmem:$0x1F280] =	vst v63  }
0x41: {  	s13 =	rddreg [dreg:$0x1d]  }
0x42: {  	[spmem:s13] =	stream.linear.scatter [tilespmem:s15], [sflag:$0x1], $0x2800, $0x38;
	[tilespmem:$0x1F280] =	vst v63  }
0x43: {  	s14 =	rddreg [dreg:$0x1e]  }
0x44: {  	[spmem:s14] =	stream.linear.scatter [tilespmem:s15], [sflag:$0x1], $0x2800, $0x38;
	[tilespmem:$0x1F280] =	vst v63  }
0x45: {  	s30 =	rddreg [dreg:$0x1f]  }
0x46: {  	[spmem:s30] =	stream.linear.scatter [tilespmem:s15], [sflag:$0x1], $0x2800, $0x38;
	[tilespmem:$0x1F280] =	vst v63  }
0x47: {  	_ =	swait.ge [sflag:s16], $0x2800  }
0x48: {  	[sflag:s16] =	ssyncset.done $0x0  }
0x49: {  	[sflag:s16] =	ssyncadd.s32 $0xFFFFD800  }
0x4a: {  	_ =	swait.ge [sflag:s16], $0x2800  }
0x4b: {  	[sflag:s16] =	ssyncset.done $0x0  }
0x4c: {  	[sflag:s16] =	ssyncadd.s32 $0xFFFFD800  }
0x4d: {  	_ =	swait.ge [sflag:s16], $0x2800  }
0x4e: {  	[sflag:s16] =	ssyncset.done $0x0  }
0x4f: {  	[sflag:s16] =	ssyncadd.s32 $0xFFFFD800  }
0x50: {  	_ =	swait.ge [sflag:s16], $0x2800  }
0x51: {  	[sflag:s16] =	ssyncset.done $0x0  }
0x52: {  	[sflag:s16] =	ssyncadd.s32 $0xFFFFD800  }
0x53: {  	_ =	swait.ge [sflag:s16], $0x2800  }
0x54: {  	[sflag:s16] =	ssyncset.done $0x0  }
0x55: {  	[sflag:s16] =	ssyncadd.s32 $0xFFFFD800  }
0x56: {  	_ =	swait.ge [sflag:s16], $0x2800  }
0x57: {  	[sflag:s16] =	ssyncset.done $0x0  }
0x58: {  	[sflag:s16] =	ssyncadd.s32 $0xFFFFD800  }
0x59: {  	_ =	swait.ge [sflag:s16], $0x2800  }
0x5a: {  	[sflag:s16] =	ssyncset.done $0x0  }
0x5b: {  	[sflag:s16] =	ssyncadd.s32 $0xFFFFD800  }
0x5c: {  	_ =	swait.ge [sflag:s16], $0x2800  }
0x5d: {  	[sflag:s16] =	ssyncset.done $0x0  }
0x5e: {  	[sflag:s16] =	ssyncadd.s32 $0xFFFFD800  }
0x5f: {  	[bflag:$0x0] =	sbarrier.arrive $0xFFFF  }
0x60: {  	s13 =	rddreg [dreg:$0x3]  }
0x61: {  	s5 =	sadd.s32 $0x0, s13  }
0x62: {  	[tilespmem:s3], [sflag:$0x1] =	stream.linear.gather [hbm4b:s5+s3], $0x1000, $0x38;
	[tilespmem:$0x1F280] =	vst v63  }
0x63: {  	_ =	swait.ge [sflag:s16], $0x1000  }
0x64: {  	[sflag:s16] =	ssyncset.done $0x0  }
0x65: {  	[sflag:s16] =	ssyncadd.s32 $0xFFFFF000  }
0x66: {  	[tilespmem:s15], [sflag:$0x2] =	stream.indirect.gather [hbm4b:s4+s17], $0x80, s3, s17, $0xb8;
	[tilespmem:$0x1F280] =	vst v63  }
0x67: {  	s14 =	rddreg [dreg:$0x4]  }
0x68: {  	[tilespmem:s18], [sflag:$0x3] =	stream.indirect.gather [hbm4b:s4+s17], $0x80, s14, s17, $0xb8;
	[tilespmem:$0x1F280] =	vst v63  }
0x69: {  	s13 =	rddreg [dreg:$0x5]  }
0x6a: {  	[tilespmem:s19], [sflag:$0x4] =	stream.indirect.gather [hbm4b:s4+s17], $0x80, s13, s17, $0xb8;
	[tilespmem:$0x1F280] =	vst v63  }
0x6b: {  	s30 =	rddreg [dreg:$0x6]  }
0x6c: {  	[tilespmem:s20], [sflag:$0x5] =	stream.indirect.gather [hbm4b:s4+s17], $0x80, s30, s17, $0xb8;
	[tilespmem:$0x1F280] =	vst v63  }
0x6d: {  	_ =	swait.ge [sflag:s21], $0x2800  }
0x6e: {  	[sflag:s21] =	ssyncset.done $0x0  }
0x6f: {  	s13 =	rddreg [dreg:$0x7];
	[sflag:s21] =	ssyncadd.s32 $0xFFFFD800  }
0x70: {  	[spmem:s2] =	stream.indirect.scatter.add.f32 [tilespmem:s15], [sflag:$0x6], $0x80, s13, s17, $0xb8;
	[tilespmem:$0x1F280] =	vst v63  }
0x71: {  	_ =	swait.ge [sflag:s22], $0x2800  }
0x72: {  	[sflag:s22] =	ssyncset.done $0x0  }
0x73: {  	s14 =	rddreg [dreg:$0x8];
	[sflag:s22] =	ssyncadd.s32 $0xFFFFD800  }
0x74: {  	[spmem:s2] =	stream.indirect.scatter.add.f32 [tilespmem:s18], [sflag:$0x7], $0x80, s14, s17, $0xb8;
	[tilespmem:$0x1F280] =	vst v63  }
0x75: {  	_ =	swait.ge [sflag:s23], $0x2800  }
0x76: {  	[sflag:s23] =	ssyncset.done $0x0  }
0x77: {  	s30 =	rddreg [dreg:$0x9];
	[sflag:s23] =	ssyncadd.s32 $0xFFFFD800  }
0x78: {  	[spmem:s2] =	stream.indirect.scatter.add.f32 [tilespmem:s19], [sflag:$0x8], $0x80, s30, s17, $0xb8;
	[tilespmem:$0x1F280] =	vst v63  }
0x79: {  	_ =	swait.ge [sflag:s24], $0x2800  }
0x7a: {  	[sflag:s24] =	ssyncset.done $0x0  }
0x7b: {  	s13 =	rddreg [dreg:$0xa];
	[sflag:s24] =	ssyncadd.s32 $0xFFFFD800  }
0x7c: {  	[spmem:s2] =	stream.indirect.scatter.add.f32 [tilespmem:s20], [sflag:$0x9], $0x80, s13, s17, $0xb8;
	[tilespmem:$0x1F280] =	vst v63  }
0x7d: {  	_ =	swait.ge [sflag:s25], $0x2800  }
0x7e: {  	[sflag:s25] =	ssyncset.done $0x0  }
0x7f: {  	s14 =	rddreg [dreg:$0xb];
	[sflag:s25] =	ssyncadd.s32 $0xFFFFD800  }
0x80: {  	[tilespmem:s15], [sflag:$0x2] =	stream.indirect.gather [hbm4b:s4+s17], $0x80, s14, s17, $0xb8;
	[tilespmem:$0x1F280] =	vst v63  }
0x81: {  	_ =	swait.ge [sflag:s26], $0x2800  }
0x82: {  	[sflag:s26] =	ssyncset.done $0x0  }
0x83: {  	s30 =	rddreg [dreg:$0xc];
	[sflag:s26] =	ssyncadd.s32 $0xFFFFD800  }
0x84: {  	[tilespmem:s18], [sflag:$0x3] =	stream.indirect.gather [hbm4b:s4+s17], $0x80, s30, s17, $0xb8;
	[tilespmem:$0x1F280] =	vst v63  }
0x85: {  	_ =	swait.ge [sflag:s28], $0x2800  }
0x86: {  	[sflag:s28] =	ssyncset.done $0x0  }
0x87: {  	s13 =	rddreg [dreg:$0xd];
	[sflag:s28] =	ssyncadd.s32 $0xFFFFD800  }
0x88: {  	[tilespmem:s19], [sflag:$0x4] =	stream.indirect.gather [hbm4b:s4+s17], $0x80, s13, s17, $0xb8;
	[tilespmem:$0x1F280] =	vst v63  }
0x89: {  	_ =	swait.ge [sflag:s29], $0x2800  }
0x8a: {  	[sflag:s29] =	ssyncset.done $0x0  }
0x8b: {  	s14 =	rddreg [dreg:$0xe];
	[sflag:s29] =	ssyncadd.s32 $0xFFFFD800  }
0x8c: {  	[tilespmem:s20], [sflag:$0x5] =	stream.indirect.gather [hbm4b:s4+s17], $0x80, s14, s17, $0xb8;
	[tilespmem:$0x1F280] =	vst v63  }
0x8d: {  	_ =	swait.ge [sflag:s21], $0x2800  }
0x8e: {  	[sflag:s21] =	ssyncset.done $0x0  }
0x8f: {  	s30 =	rddreg [dreg:$0xf];
	[sflag:s21] =	ssyncadd.s32 $0xFFFFD800  }
0x90: {  	[spmem:s2] =	stream.indirect.scatter.add.f32 [tilespmem:s15], [sflag:$0x6], $0x80, s30, s17, $0xb8;
	[tilespmem:$0x1F280] =	vst v63  }
0x91: {  	_ =	swait.ge [sflag:s22], $0x2800  }
0x92: {  	[sflag:s22] =	ssyncset.done $0x0  }
0x93: {  	s13 =	rddreg [dreg:$0x10];
	[sflag:s22] =	ssyncadd.s32 $0xFFFFD800  }
0x94: {  	[spmem:s2] =	stream.indirect.scatter.add.f32 [tilespmem:s18], [sflag:$0x7], $0x80, s13, s17, $0xb8;
	[tilespmem:$0x1F280] =	vst v63  }
0x95: {  	_ =	swait.ge [sflag:s23], $0x2800  }
0x96: {  	[sflag:s23] =	ssyncset.done $0x0  }
0x97: {  	s14 =	rddreg [dreg:$0x11];
	[sflag:s23] =	ssyncadd.s32 $0xFFFFD800  }
0x98: {  	[spmem:s2] =	stream.indirect.scatter.add.f32 [tilespmem:s19], [sflag:$0x8], $0x80, s14, s17, $0xb8;
	[tilespmem:$0x1F280] =	vst v63  }
0x99: {  	_ =	swait.ge [sflag:s24], $0x2800  }
0x9a: {  	[sflag:s24] =	ssyncset.done $0x0  }
0x9b: {  	s30 =	rddreg [dreg:$0x12];
	[sflag:s24] =	ssyncadd.s32 $0xFFFFD800  }
0x9c: {  	[spmem:s2] =	stream.indirect.scatter.add.f32 [tilespmem:s20], [sflag:$0x9], $0x80, s30, s17, $0xb8;
	[tilespmem:$0x1F280] =	vst v63  }
0x9d: {  	_ =	swait.ge [sflag:s25], $0x2800  }
0x9e: {  	[sflag:s25] =	ssyncset.done $0x0  }
0x9f: {  	s13 =	rddreg [dreg:$0x13];
	[sflag:s25] =	ssyncadd.s32 $0xFFFFD800  }
0xa0: {  	[tilespmem:s15], [sflag:$0x2] =	stream.indirect.gather [hbm4b:s4+s17], $0x80, s13, s17, $0xb8;
	[tilespmem:$0x1F280] =	vst v63  }
0xa1: {  	_ =	swait.ge [sflag:s26], $0x2800  }
0xa2: {  	[sflag:s26] =	ssyncset.done $0x0  }
0xa3: {  	s14 =	rddreg [dreg:$0x14];
	[sflag:s26] =	ssyncadd.s32 $0xFFFFD800  }
0xa4: {  	[tilespmem:s18], [sflag:$0x3] =	stream.indirect.gather [hbm4b:s4+s17], $0x80, s14, s17, $0xb8;
	[tilespmem:$0x1F280] =	vst v63  }
0xa5: {  	_ =	swait.ge [sflag:s28], $0x2800  }
0xa6: {  	[sflag:s28] =	ssyncset.done $0x0  }
0xa7: {  	s30 =	rddreg [dreg:$0x15];
	[sflag:s28] =	ssyncadd.s32 $0xFFFFD800  }
0xa8: {  	[tilespmem:s19], [sflag:$0x4] =	stream.indirect.gather [hbm4b:s4+s17], $0x80, s30, s17, $0xb8;
	[tilespmem:$0x1F280] =	vst v63  }
0xa9: {  	_ =	swait.ge [sflag:s29], $0x2800  }
0xaa: {  	[sflag:s29] =	ssyncset.done $0x0  }
0xab: {  	s13 =	rddreg [dreg:$0x16];
	[sflag:s29] =	ssyncadd.s32 $0xFFFFD800  }
0xac: {  	[tilespmem:s20], [sflag:$0x5] =	stream.indirect.gather [hbm4b:s4+s17], $0x80, s13, s17, $0xb8;
	[tilespmem:$0x1F280] =	vst v63  }
0xad: {  	_ =	swait.ge [sflag:s21], $0x2800  }
0xae: {  	[sflag:s21] =	ssyncset.done $0x0  }
0xaf: {  	s14 =	rddreg [dreg:$0x17];
	[sflag:s21] =	ssyncadd.s32 $0xFFFFD800  }
0xb0: {  	[spmem:s2] =	stream.indirect.scatter.add.f32 [tilespmem:s15], [sflag:$0x6], $0x80, s14, s17, $0xb8;
	[tilespmem:$0x1F280] =	vst v63  }
0xb1: {  	_ =	swait.ge [sflag:s22], $0x2800  }
0xb2: {  	[sflag:s22] =	ssyncset.done $0x0  }
0xb3: {  	s30 =	simm.s32 $0xC80;
	[sflag:s22] =	ssyncadd.s32 $0xFFFFD800  }
0xb4: {  	[spmem:s2] =	stream.indirect.scatter.add.f32 [tilespmem:s18], [sflag:$0x7], $0x80, s30, s17, $0xb8;
	[tilespmem:$0x1F280] =	vst v63  }
0xb5: {  	_ =	swait.ge [sflag:s23], $0x2800  }
0xb6: {  	[sflag:s23] =	ssyncset.done $0x0  }
0xb7: {  	[sflag:s23] =	ssyncadd.s32 $0xFFFFD800  }
0xb8: {  	[spmem:s2] =	stream.indirect.scatter.add.f32 [tilespmem:s19], [sflag:$0x8], $0x80, s31, s17, $0xb8;
	[tilespmem:$0x1F280] =	vst v63  }
0xb9: {  	_ =	swait.ge [sflag:s24], $0x2800  }
0xba: {  	[sflag:s24] =	ssyncset.done $0x0  }
0xbb: {  	[sflag:s24] =	ssyncadd.s32 $0xFFFFD800  }
0xbc: {  	[spmem:s2] =	stream.indirect.scatter.add.f32 [tilespmem:s20], [sflag:$0x9], $0x80, s0, s17, $0xb8;
	[tilespmem:$0x1F280] =	vst v63  }
0xbd: {  	_ =	swait.ge [sflag:s25], $0x2800  }
0xbe: {  	[sflag:s25] =	ssyncset.done $0x0  }
0xbf: {  	[sflag:s25] =	ssyncadd.s32 $0xFFFFD800  }
0xc0: {  	[tilespmem:s15], [sflag:$0x2] =	stream.indirect.gather [hbm4b:s4+s17], $0x80, s1, s17, $0xb8;
	[tilespmem:$0x1F280] =	vst v63  }
0xc1: {  	_ =	swait.ge [sflag:s26], $0x2800  }
0xc2: {  	[sflag:s26] =	ssyncset.done $0x0  }
0xc3: {  	[sflag:s26] =	ssyncadd.s32 $0xFFFFD800  }
0xc4: {  	[tilespmem:s18], [sflag:$0x3] =	stream.indirect.gather [hbm4b:s4+s17], $0x80, s6, s17, $0xb8;
	[tilespmem:$0x1F280] =	vst v63  }
0xc5: {  	_ =	swait.ge [sflag:s28], $0x2800  }
0xc6: {  	[sflag:s28] =	ssyncset.done $0x0  }
0xc7: {  	[sflag:s28] =	ssyncadd.s32 $0xFFFFD800  }
0xc8: {  	[tilespmem:s19], [sflag:$0x4] =	stream.indirect.gather [hbm4b:s4+s17], $0x80, s7, s17, $0xb8;
	[tilespmem:$0x1F280] =	vst v63  }
0xc9: {  	_ =	swait.ge [sflag:s29], $0x2800  }
0xca: {  	[sflag:s29] =	ssyncset.done $0x0  }
0xcb: {  	[sflag:s29] =	ssyncadd.s32 $0xFFFFD800  }
0xcc: {  	[tilespmem:s20], [sflag:$0x5] =	stream.indirect.gather [hbm4b:s4+s17], $0x80, s8, s17, $0xb8;
	[tilespmem:$0x1F280] =	vst v63  }
0xcd: {  	_ =	swait.ge [sflag:s21], $0x2800  }
0xce: {  	[sflag:s21] =	ssyncset.done $0x0  }
0xcf: {  	[sflag:s21] =	ssyncadd.s32 $0xFFFFD800  }
0xd0: {  	[spmem:s2] =	stream.indirect.scatter.add.f32 [tilespmem:s15], [sflag:$0x6], $0x80, s9, s17, $0xb8;
	[tilespmem:$0x1F280] =	vst v63  }
0xd1: {  	_ =	swait.ge [sflag:s22], $0x2800  }
0xd2: {  	[sflag:s22] =	ssyncset.done $0x0  }
0xd3: {  	[sflag:s22] =	ssyncadd.s32 $0xFFFFD800  }
0xd4: {  	[spmem:s2] =	stream.indirect.scatter.add.f32 [tilespmem:s18], [sflag:$0x7], $0x80, s10, s17, $0xb8;
	[tilespmem:$0x1F280] =	vst v63  }
0xd5: {  	_ =	swait.ge [sflag:s23], $0x2800  }
0xd6: {  	[sflag:s23] =	ssyncset.done $0x0  }
0xd7: {  	[sflag:s23] =	ssyncadd.s32 $0xFFFFD800  }
0xd8: {  	[spmem:s2] =	stream.indirect.scatter.add.f32 [tilespmem:s19], [sflag:$0x8], $0x80, s11, s17, $0xb8;
	[tilespmem:$0x1F280] =	vst v63  }
0xd9: {  	_ =	swait.ge [sflag:s24], $0x2800  }
0xda: {  	[sflag:s24] =	ssyncset.done $0x0  }
0xdb: {  	[sflag:s24] =	ssyncadd.s32 $0xFFFFD800  }
0xdc: {  	[spmem:s2] =	stream.indirect.scatter.add.f32 [tilespmem:s20], [sflag:$0x9], $0x80, s12, s17, $0xb8;
	[tilespmem:$0x1F280] =	vst v63  }
0xdd: {  	_ =	swait.ge [sflag:s25], $0x2800  }
0xde: {  	[sflag:s25] =	ssyncset.done $0x0  }
0xdf: {  	[sflag:s25] =	ssyncadd.s32 $0xFFFFD800  }
0xe0: {  	_ =	swait.ge [sflag:s26], $0x2800  }
0xe1: {  	[sflag:s26] =	ssyncset.done $0x0  }
0xe2: {  	[sflag:s26] =	ssyncadd.s32 $0xFFFFD800  }
0xe3: {  	_ =	swait.ge [sflag:s28], $0x2800  }
0xe4: {  	[sflag:s28] =	ssyncset.done $0x0  }
0xe5: {  	[sflag:s28] =	ssyncadd.s32 $0xFFFFD800  }
0xe6: {  	s5 =	simm.s32 $0x400;
	_ =	swait.ge [sflag:s29], $0x2800  }
0xe7: {  	s13 =	simm.s32 $0x200;
	s14 =	rddreg [dreg:$0x3];
	[sflag:s29] =	ssyncset.done $0x0  }
.LBB2_4:
0xe8: {  	[sflag:s29] =	ssyncadd.s32 $0xFFFFD800;
	s14 =	sadd.s32 s13, s14  }
0xe9: {  	[tilespmem:s3], [sflag:$0x1] =	stream.linear.gather [hbm4b:s14+s3], $0x1000, $0x38;
	[tilespmem:$0x1F280] =	vst v63  }
0xea: {  	_ =	swait.ge [sflag:s16], $0x1000  }
0xeb: {  	[sflag:s16] =	ssyncset.done $0x0  }
0xec: {  	[sflag:s16] =	ssyncadd.s32 $0xFFFFF000  }
0xed: {  	[tilespmem:s15], [sflag:$0x2] =	stream.indirect.gather [hbm4b:s4+s17], $0x80, s3, s17, $0xb8;
	[tilespmem:$0x1F280] =	vst v63  }
0xee: {  	s30 =	smov.u32 s5;
	s14 =	rddreg [dreg:$0x4]  }
0xef: {  	[tilespmem:s18], [sflag:$0x3] =	stream.indirect.gather [hbm4b:s4+s17], $0x80, s14, s17, $0xb8;
	[tilespmem:$0x1F280] =	vst v63  }
0xf0: {  	s13 =	smov.u32 s30;
	s30 =	rddreg [dreg:$0x5]  }
0xf1: {  	[tilespmem:s19], [sflag:$0x4] =	stream.indirect.gather [hbm4b:s4+s17], $0x80, s30, s17, $0xb8;
	[tilespmem:$0x1F280] =	vst v63  }
0xf2: {  	s14 =	rddreg [dreg:$0x6]  }
0xf3: {  	[tilespmem:s20], [sflag:$0x5] =	stream.indirect.gather [hbm4b:s4+s17], $0x80, s14, s17, $0xb8;
	[tilespmem:$0x1F280] =	vst v63  }
0xf4: {  	_ =	swait.ge [sflag:s21], $0x2800  }
0xf5: {  	[sflag:s21] =	ssyncset.done $0x0  }
0xf6: {  	s14 =	rddreg [dreg:$0x7];
	[sflag:s21] =	ssyncadd.s32 $0xFFFFD800  }
0xf7: {  	[spmem:s2] =	stream.indirect.scatter.add.f32 [tilespmem:s15], [sflag:$0x6], $0x80, s14, s17, $0xb8;
	[tilespmem:$0x1F280] =	vst v63  }
0xf8: {  	_ =	swait.ge [sflag:s22], $0x2800  }
0xf9: {  	[sflag:s22] =	ssyncset.done $0x0  }
0xfa: {  	s14 =	rddreg [dreg:$0x8];
	[sflag:s22] =	ssyncadd.s32 $0xFFFFD800  }
0xfb: {  	[spmem:s2] =	stream.indirect.scatter.add.f32 [tilespmem:s18], [sflag:$0x7], $0x80, s14, s17, $0xb8;
	[tilespmem:$0x1F280] =	vst v63  }
0xfc: {  	_ =	swait.ge [sflag:s23], $0x2800  }
0xfd: {  	[sflag:s23] =	ssyncset.done $0x0  }
0xfe: {  	s14 =	rddreg [dreg:$0x9];
	[sflag:s23] =	ssyncadd.s32 $0xFFFFD800  }
0xff: {  	[spmem:s2] =	stream.indirect.scatter.add.f32 [tilespmem:s19], [sflag:$0x8], $0x80, s14, s17, $0xb8;
	[tilespmem:$0x1F280] =	vst v63  }
0x100: {  	_ =	swait.ge [sflag:s24], $0x2800  }
0x101: {  	[sflag:s24] =	ssyncset.done $0x0  }
0x102: {  	s14 =	rddreg [dreg:$0xa];
	[sflag:s24] =	ssyncadd.s32 $0xFFFFD800  }
0x103: {  	[spmem:s2] =	stream.indirect.scatter.add.f32 [tilespmem:s20], [sflag:$0x9], $0x80, s14, s17, $0xb8;
	[tilespmem:$0x1F280] =	vst v63  }
0x104: {  	_ =	swait.ge [sflag:s25], $0x2800  }
0x105: {  	[sflag:s25] =	ssyncset.done $0x0  }
0x106: {  	s14 =	rddreg [dreg:$0xb];
	[sflag:s25] =	ssyncadd.s32 $0xFFFFD800  }
0x107: {  	[tilespmem:s15], [sflag:$0x2] =	stream.indirect.gather [hbm4b:s4+s17], $0x80, s14, s17, $0xb8;
	[tilespmem:$0x1F280] =	vst v63  }
0x108: {  	_ =	swait.ge [sflag:s26], $0x2800  }
0x109: {  	[sflag:s26] =	ssyncset.done $0x0  }
0x10a: {  	s14 =	rddreg [dreg:$0xc];
	[sflag:s26] =	ssyncadd.s32 $0xFFFFD800  }
0x10b: {  	[tilespmem:s18], [sflag:$0x3] =	stream.indirect.gather [hbm4b:s4+s17], $0x80, s14, s17, $0xb8;
	[tilespmem:$0x1F280] =	vst v63  }
0x10c: {  	_ =	swait.ge [sflag:s28], $0x2800  }
0x10d: {  	[sflag:s28] =	ssyncset.done $0x0  }
0x10e: {  	s14 =	rddreg [dreg:$0xd];
	[sflag:s28] =	ssyncadd.s32 $0xFFFFD800  }
0x10f: {  	[tilespmem:s19], [sflag:$0x4] =	stream.indirect.gather [hbm4b:s4+s17], $0x80, s14, s17, $0xb8;
	[tilespmem:$0x1F280] =	vst v63  }
0x110: {  	_ =	swait.ge [sflag:s29], $0x2800  }
0x111: {  	[sflag:s29] =	ssyncset.done $0x0  }
0x112: {  	s14 =	rddreg [dreg:$0xe];
	[sflag:s29] =	ssyncadd.s32 $0xFFFFD800  }
0x113: {  	[tilespmem:s20], [sflag:$0x5] =	stream.indirect.gather [hbm4b:s4+s17], $0x80, s14, s17, $0xb8;
	[tilespmem:$0x1F280] =	vst v63  }
0x114: {  	_ =	swait.ge [sflag:s21], $0x2800  }
0x115: {  	[sflag:s21] =	ssyncset.done $0x0  }
0x116: {  	s14 =	rddreg [dreg:$0xf];
	[sflag:s21] =	ssyncadd.s32 $0xFFFFD800  }
0x117: {  	[spmem:s2] =	stream.indirect.scatter.add.f32 [tilespmem:s15], [sflag:$0x6], $0x80, s14, s17, $0xb8;
	[tilespmem:$0x1F280] =	vst v63  }
0x118: {  	_ =	swait.ge [sflag:s22], $0x2800  }
0x119: {  	[sflag:s22] =	ssyncset.done $0x0  }
0x11a: {  	s14 =	rddreg [dreg:$0x10];
	[sflag:s22] =	ssyncadd.s32 $0xFFFFD800  }
0x11b: {  	[spmem:s2] =	stream.indirect.scatter.add.f32 [tilespmem:s18], [sflag:$0x7], $0x80, s14, s17, $0xb8;
	[tilespmem:$0x1F280] =	vst v63  }
0x11c: {  	_ =	swait.ge [sflag:s23], $0x2800  }
0x11d: {  	[sflag:s23] =	ssyncset.done $0x0  }
0x11e: {  	s14 =	rddreg [dreg:$0x11];
	[sflag:s23] =	ssyncadd.s32 $0xFFFFD800  }
0x11f: {  	[spmem:s2] =	stream.indirect.scatter.add.f32 [tilespmem:s19], [sflag:$0x8], $0x80, s14, s17, $0xb8;
	[tilespmem:$0x1F280] =	vst v63  }
0x120: {  	_ =	swait.ge [sflag:s24], $0x2800  }
0x121: {  	[sflag:s24] =	ssyncset.done $0x0  }
0x122: {  	s14 =	rddreg [dreg:$0x12];
	[sflag:s24] =	ssyncadd.s32 $0xFFFFD800  }
0x123: {  	[spmem:s2] =	stream.indirect.scatter.add.f32 [tilespmem:s20], [sflag:$0x9], $0x80, s14, s17, $0xb8;
	[tilespmem:$0x1F280] =	vst v63  }
0x124: {  	_ =	swait.ge [sflag:s25], $0x2800  }
0x125: {  	[sflag:s25] =	ssyncset.done $0x0  }
0x126: {  	s14 =	rddreg [dreg:$0x13];
	[sflag:s25] =	ssyncadd.s32 $0xFFFFD800  }
0x127: {  	[tilespmem:s15], [sflag:$0x2] =	stream.indirect.gather [hbm4b:s4+s17], $0x80, s14, s17, $0xb8;
	[tilespmem:$0x1F280] =	vst v63  }
0x128: {  	_ =	swait.ge [sflag:s26], $0x2800  }
0x129: {  	[sflag:s26] =	ssyncset.done $0x0  }
0x12a: {  	s14 =	rddreg [dreg:$0x14];
	[sflag:s26] =	ssyncadd.s32 $0xFFFFD800  }
0x12b: {  	[tilespmem:s18], [sflag:$0x3] =	stream.indirect.gather [hbm4b:s4+s17], $0x80, s14, s17, $0xb8;
	[tilespmem:$0x1F280] =	vst v63  }
0x12c: {  	_ =	swait.ge [sflag:s28], $0x2800  }
0x12d: {  	[sflag:s28] =	ssyncset.done $0x0  }
0x12e: {  	s14 =	rddreg [dreg:$0x15];
	[sflag:s28] =	ssyncadd.s32 $0xFFFFD800  }
0x12f: {  	[tilespmem:s19], [sflag:$0x4] =	stream.indirect.gather [hbm4b:s4+s17], $0x80, s14, s17, $0xb8;
	[tilespmem:$0x1F280] =	vst v63  }
0x130: {  	_ =	swait.ge [sflag:s29], $0x2800  }
0x131: {  	[sflag:s29] =	ssyncset.done $0x0  }
0x132: {  	s14 =	rddreg [dreg:$0x16];
	[sflag:s29] =	ssyncadd.s32 $0xFFFFD800  }
0x133: {  	[tilespmem:s20], [sflag:$0x5] =	stream.indirect.gather [hbm4b:s4+s17], $0x80, s14, s17, $0xb8;
	[tilespmem:$0x1F280] =	vst v63  }
0x134: {  	_ =	swait.ge [sflag:s21], $0x2800  }
0x135: {  	[sflag:s21] =	ssyncset.done $0x0  }
0x136: {  	s14 =	rddreg [dreg:$0x17];
	[sflag:s21] =	ssyncadd.s32 $0xFFFFD800  }
0x137: {  	[spmem:s2] =	stream.indirect.scatter.add.f32 [tilespmem:s15], [sflag:$0x6], $0x80, s14, s17, $0xb8;
	[tilespmem:$0x1F280] =	vst v63  }
0x138: {  	_ =	swait.ge [sflag:s22], $0x2800  }
0x139: {  	[sflag:s22] =	ssyncset.done $0x0  }
0x13a: {  	s30 =	simm.s32 $0xC80;
	[sflag:s22] =	ssyncadd.s32 $0xFFFFD800  }
0x13b: {  	[spmem:s2] =	stream.indirect.scatter.add.f32 [tilespmem:s18], [sflag:$0x7], $0x80, s30, s17, $0xb8;
	[tilespmem:$0x1F280] =	vst v63  }
0x13c: {  	_ =	swait.ge [sflag:s23], $0x2800  }
0x13d: {  	[sflag:s23] =	ssyncset.done $0x0  }
0x13e: {  	[sflag:s23] =	ssyncadd.s32 $0xFFFFD800  }
0x13f: {  	[spmem:s2] =	stream.indirect.scatter.add.f32 [tilespmem:s19], [sflag:$0x8], $0x80, s31, s17, $0xb8;
	[tilespmem:$0x1F280] =	vst v63  }
0x140: {  	_ =	swait.ge [sflag:s24], $0x2800  }
0x141: {  	[sflag:s24] =	ssyncset.done $0x0  }
0x142: {  	[sflag:s24] =	ssyncadd.s32 $0xFFFFD800  }
0x143: {  	[spmem:s2] =	stream.indirect.scatter.add.f32 [tilespmem:s20], [sflag:$0x9], $0x80, s0, s17, $0xb8;
	[tilespmem:$0x1F280] =	vst v63  }
0x144: {  	_ =	swait.ge [sflag:s25], $0x2800  }
0x145: {  	[sflag:s25] =	ssyncset.done $0x0  }
0x146: {  	[sflag:s25] =	ssyncadd.s32 $0xFFFFD800  }
0x147: {  	[tilespmem:s15], [sflag:$0x2] =	stream.indirect.gather [hbm4b:s4+s17], $0x80, s1, s17, $0xb8;
	[tilespmem:$0x1F280] =	vst v63  }
0x148: {  	_ =	swait.ge [sflag:s26], $0x2800  }
0x149: {  	[sflag:s26] =	ssyncset.done $0x0  }
0x14a: {  	[sflag:s26] =	ssyncadd.s32 $0xFFFFD800  }
0x14b: {  	[tilespmem:s18], [sflag:$0x3] =	stream.indirect.gather [hbm4b:s4+s17], $0x80, s6, s17, $0xb8;
	[tilespmem:$0x1F280] =	vst v63  }
0x14c: {  	_ =	swait.ge [sflag:s28], $0x2800  }
0x14d: {  	[sflag:s28] =	ssyncset.done $0x0  }
0x14e: {  	[sflag:s28] =	ssyncadd.s32 $0xFFFFD800  }
0x14f: {  	[tilespmem:s19], [sflag:$0x4] =	stream.indirect.gather [hbm4b:s4+s17], $0x80, s7, s17, $0xb8;
	[tilespmem:$0x1F280] =	vst v63  }
0x150: {  	_ =	swait.ge [sflag:s29], $0x2800  }
0x151: {  	[sflag:s29] =	ssyncset.done $0x0  }
0x152: {  	[sflag:s29] =	ssyncadd.s32 $0xFFFFD800  }
0x153: {  	[tilespmem:s20], [sflag:$0x5] =	stream.indirect.gather [hbm4b:s4+s17], $0x80, s8, s17, $0xb8;
	[tilespmem:$0x1F280] =	vst v63  }
0x154: {  	_ =	swait.ge [sflag:s21], $0x2800  }
0x155: {  	[sflag:s21] =	ssyncset.done $0x0  }
0x156: {  	[sflag:s21] =	ssyncadd.s32 $0xFFFFD800  }
0x157: {  	[spmem:s2] =	stream.indirect.scatter.add.f32 [tilespmem:s15], [sflag:$0x6], $0x80, s9, s17, $0xb8;
	[tilespmem:$0x1F280] =	vst v63  }
0x158: {  	_ =	swait.ge [sflag:s22], $0x2800  }
0x159: {  	[sflag:s22] =	ssyncset.done $0x0  }
0x15a: {  	[sflag:s22] =	ssyncadd.s32 $0xFFFFD800  }
0x15b: {  	[spmem:s2] =	stream.indirect.scatter.add.f32 [tilespmem:s18], [sflag:$0x7], $0x80, s10, s17, $0xb8;
	[tilespmem:$0x1F280] =	vst v63  }
0x15c: {  	_ =	swait.ge [sflag:s23], $0x2800  }
0x15d: {  	[sflag:s23] =	ssyncset.done $0x0  }
0x15e: {  	[sflag:s23] =	ssyncadd.s32 $0xFFFFD800  }
0x15f: {  	[spmem:s2] =	stream.indirect.scatter.add.f32 [tilespmem:s19], [sflag:$0x8], $0x80, s11, s17, $0xb8;
	[tilespmem:$0x1F280] =	vst v63  }
0x160: {  	_ =	swait.ge [sflag:s24], $0x2800  }
0x161: {  	[sflag:s24] =	ssyncset.done $0x0  }
0x162: {  	[sflag:s24] =	ssyncadd.s32 $0xFFFFD800  }
0x163: {  	[spmem:s2] =	stream.indirect.scatter.add.f32 [tilespmem:s20], [sflag:$0x9], $0x80, s12, s17, $0xb8;
	[tilespmem:$0x1F280] =	vst v63  }
0x164: {  	_ =	swait.ge [sflag:s25], $0x2800  }
0x165: {  	[sflag:s25] =	ssyncset.done $0x0  }
0x166: {  	[sflag:s25] =	ssyncadd.s32 $0xFFFFD800  }
0x167: {  	_ =	swait.ge [sflag:s26], $0x2800  }
0x168: {  	[sflag:s26] =	ssyncset.done $0x0  }
0x169: {  	p0 =	sne.s32 s5, $0xE00;
	[sflag:s26] =	ssyncadd.s32 $0xFFFFD800  }
.Ltmp1:
0x16a: {  	_ =	swait.ge [sflag:s28], $0x2800;
	(pc) =	sbr.rel @p0 .LBB2_4-.Ltmp1, $4  }
0x16b: {  	[sflag:s28] =	ssyncset.done $0x0  }
0x16c: {  	[sflag:s28] =	ssyncadd.s32 $0xFFFFD800  }
0x16d: {  	_ =	swait.ge [sflag:s29], $0x2800  }
0x16e: {  	s5 =	sadd.s32 $0x200, s5;
	s14 =	rddreg [dreg:$0x3];
	[sflag:s29] =	ssyncset.done $0x0  }
0x16f: {  	[sflag:s29] =	ssyncadd.s32 $0xFFFFD800;
	s5 =	sadd.s32 s13, s14  }
0x170: {  	[tilespmem:s3], [sflag:$0x1] =	stream.linear.gather [hbm4b:s5+s3], $0x1000, $0x38;
	[tilespmem:$0x1F280] =	vst v63  }
0x171: {  	_ =	swait.ge [sflag:s16], $0x1000  }
0x172: {  	[sflag:s16] =	ssyncset.done $0x0  }
0x173: {  	[sflag:s16] =	ssyncadd.s32 $0xFFFFF000  }
0x174: {  	[tilespmem:s15], [sflag:$0x2] =	stream.indirect.gather [hbm4b:s4+s17], $0x80, s3, s17, $0xb8;
	[tilespmem:$0x1F280] =	vst v63  }
0x175: {  	s14 =	rddreg [dreg:$0x4]  }
0x176: {  	[tilespmem:s18], [sflag:$0x3] =	stream.indirect.gather [hbm4b:s4+s17], $0x80, s14, s17, $0xb8;
	[tilespmem:$0x1F280] =	vst v63  }
0x177: {  	s13 =	rddreg [dreg:$0x5]  }
0x178: {  	[tilespmem:s19], [sflag:$0x4] =	stream.indirect.gather [hbm4b:s4+s17], $0x80, s13, s17, $0xb8;
	[tilespmem:$0x1F280] =	vst v63  }
0x179: {  	s14 =	rddreg [dreg:$0x6]  }
0x17a: {  	[tilespmem:s20], [sflag:$0x5] =	stream.indirect.gather [hbm4b:s4+s17], $0x80, s14, s17, $0xb8;
	[tilespmem:$0x1F280] =	vst v63  }
0x17b: {  	_ =	swait.ge [sflag:s21], $0x2800  }
0x17c: {  	[sflag:s21] =	ssyncset.done $0x0  }
0x17d: {  	s13 =	rddreg [dreg:$0x7];
	[sflag:s21] =	ssyncadd.s32 $0xFFFFD800  }
0x17e: {  	[spmem:s2] =	stream.indirect.scatter.add.f32 [tilespmem:s15], [sflag:$0x6], $0x80, s13, s17, $0xb8;
	[tilespmem:$0x1F280] =	vst v63  }
0x17f: {  	_ =	swait.ge [sflag:s22], $0x2800  }
0x180: {  	[sflag:s22] =	ssyncset.done $0x0  }
0x181: {  	s14 =	rddreg [dreg:$0x8];
	[sflag:s22] =	ssyncadd.s32 $0xFFFFD800  }
0x182: {  	[spmem:s2] =	stream.indirect.scatter.add.f32 [tilespmem:s18], [sflag:$0x7], $0x80, s14, s17, $0xb8;
	[tilespmem:$0x1F280] =	vst v63  }
0x183: {  	_ =	swait.ge [sflag:s23], $0x2800  }
0x184: {  	[sflag:s23] =	ssyncset.done $0x0  }
0x185: {  	s13 =	rddreg [dreg:$0x9];
	[sflag:s23] =	ssyncadd.s32 $0xFFFFD800  }
0x186: {  	[spmem:s2] =	stream.indirect.scatter.add.f32 [tilespmem:s19], [sflag:$0x8], $0x80, s13, s17, $0xb8;
	[tilespmem:$0x1F280] =	vst v63  }
0x187: {  	_ =	swait.ge [sflag:s24], $0x2800  }
0x188: {  	[sflag:s24] =	ssyncset.done $0x0  }
0x189: {  	s14 =	rddreg [dreg:$0xa];
	[sflag:s24] =	ssyncadd.s32 $0xFFFFD800  }
0x18a: {  	[spmem:s2] =	stream.indirect.scatter.add.f32 [tilespmem:s20], [sflag:$0x9], $0x80, s14, s17, $0xb8;
	[tilespmem:$0x1F280] =	vst v63  }
0x18b: {  	_ =	swait.ge [sflag:s25], $0x2800  }
0x18c: {  	[sflag:s25] =	ssyncset.done $0x0  }
0x18d: {  	s13 =	rddreg [dreg:$0xb];
	[sflag:s25] =	ssyncadd.s32 $0xFFFFD800  }
0x18e: {  	[tilespmem:s15], [sflag:$0x2] =	stream.indirect.gather [hbm4b:s4+s17], $0x80, s13, s17, $0xb8;
	[tilespmem:$0x1F280] =	vst v63  }
0x18f: {  	_ =	swait.ge [sflag:s26], $0x2800  }
0x190: {  	[sflag:s26] =	ssyncset.done $0x0  }
0x191: {  	s14 =	rddreg [dreg:$0xc];
	[sflag:s26] =	ssyncadd.s32 $0xFFFFD800  }
0x192: {  	[tilespmem:s18], [sflag:$0x3] =	stream.indirect.gather [hbm4b:s4+s17], $0x80, s14, s17, $0xb8;
	[tilespmem:$0x1F280] =	vst v63  }
0x193: {  	_ =	swait.ge [sflag:s28], $0x2800  }
0x194: {  	[sflag:s28] =	ssyncset.done $0x0  }
0x195: {  	s13 =	rddreg [dreg:$0xd];
	[sflag:s28] =	ssyncadd.s32 $0xFFFFD800  }
0x196: {  	[tilespmem:s19], [sflag:$0x4] =	stream.indirect.gather [hbm4b:s4+s17], $0x80, s13, s17, $0xb8;
	[tilespmem:$0x1F280] =	vst v63  }
0x197: {  	_ =	swait.ge [sflag:s29], $0x2800  }
0x198: {  	[sflag:s29] =	ssyncset.done $0x0  }
0x199: {  	s14 =	rddreg [dreg:$0xe];
	[sflag:s29] =	ssyncadd.s32 $0xFFFFD800  }
0x19a: {  	[tilespmem:s20], [sflag:$0x5] =	stream.indirect.gather [hbm4b:s4+s17], $0x80, s14, s17, $0xb8;
	[tilespmem:$0x1F280] =	vst v63  }
0x19b: {  	_ =	swait.ge [sflag:s21], $0x2800  }
0x19c: {  	[sflag:s21] =	ssyncset.done $0x0  }
0x19d: {  	s13 =	rddreg [dreg:$0xf];
	[sflag:s21] =	ssyncadd.s32 $0xFFFFD800  }
0x19e: {  	[spmem:s2] =	stream.indirect.scatter.add.f32 [tilespmem:s15], [sflag:$0x6], $0x80, s13, s17, $0xb8;
	[tilespmem:$0x1F280] =	vst v63  }
0x19f: {  	_ =	swait.ge [sflag:s22], $0x2800  }
0x1a0: {  	[sflag:s22] =	ssyncset.done $0x0  }
0x1a1: {  	s14 =	rddreg [dreg:$0x10];
	[sflag:s22] =	ssyncadd.s32 $0xFFFFD800  }
0x1a2: {  	[spmem:s2] =	stream.indirect.scatter.add.f32 [tilespmem:s18], [sflag:$0x7], $0x80, s14, s17, $0xb8;
	[tilespmem:$0x1F280] =	vst v63  }
0x1a3: {  	_ =	swait.ge [sflag:s23], $0x2800  }
0x1a4: {  	[sflag:s23] =	ssyncset.done $0x0  }
0x1a5: {  	s13 =	rddreg [dreg:$0x11];
	[sflag:s23] =	ssyncadd.s32 $0xFFFFD800  }
0x1a6: {  	[spmem:s2] =	stream.indirect.scatter.add.f32 [tilespmem:s19], [sflag:$0x8], $0x80, s13, s17, $0xb8;
	[tilespmem:$0x1F280] =	vst v63  }
0x1a7: {  	_ =	swait.ge [sflag:s24], $0x2800  }
0x1a8: {  	[sflag:s24] =	ssyncset.done $0x0  }
0x1a9: {  	s14 =	rddreg [dreg:$0x12];
	[sflag:s24] =	ssyncadd.s32 $0xFFFFD800  }
0x1aa: {  	[spmem:s2] =	stream.indirect.scatter.add.f32 [tilespmem:s20], [sflag:$0x9], $0x80, s14, s17, $0xb8;
	[tilespmem:$0x1F280] =	vst v63  }
0x1ab: {  	_ =	swait.ge [sflag:s25], $0x2800  }
0x1ac: {  	[sflag:s25] =	ssyncset.done $0x0  }
0x1ad: {  	s13 =	rddreg [dreg:$0x13];
	[sflag:s25] =	ssyncadd.s32 $0xFFFFD800  }
0x1ae: {  	[tilespmem:s15], [sflag:$0x2] =	stream.indirect.gather [hbm4b:s4+s17], $0x80, s13, s17, $0xb8;
	[tilespmem:$0x1F280] =	vst v63  }
0x1af: {  	_ =	swait.ge [sflag:s26], $0x2800  }
0x1b0: {  	[sflag:s26] =	ssyncset.done $0x0  }
0x1b1: {  	s14 =	rddreg [dreg:$0x14];
	[sflag:s26] =	ssyncadd.s32 $0xFFFFD800  }
0x1b2: {  	[tilespmem:s18], [sflag:$0x3] =	stream.indirect.gather [hbm4b:s4+s17], $0x80, s14, s17, $0xb8;
	[tilespmem:$0x1F280] =	vst v63  }
0x1b3: {  	_ =	swait.ge [sflag:s28], $0x2800  }
0x1b4: {  	[sflag:s28] =	ssyncset.done $0x0  }
0x1b5: {  	s13 =	rddreg [dreg:$0x15];
	[sflag:s28] =	ssyncadd.s32 $0xFFFFD800  }
0x1b6: {  	[tilespmem:s19], [sflag:$0x4] =	stream.indirect.gather [hbm4b:s4+s17], $0x80, s13, s17, $0xb8;
	[tilespmem:$0x1F280] =	vst v63  }
0x1b7: {  	_ =	swait.ge [sflag:s29], $0x2800  }
0x1b8: {  	[sflag:s29] =	ssyncset.done $0x0  }
0x1b9: {  	s14 =	rddreg [dreg:$0x16];
	[sflag:s29] =	ssyncadd.s32 $0xFFFFD800  }
0x1ba: {  	[tilespmem:s20], [sflag:$0x5] =	stream.indirect.gather [hbm4b:s4+s17], $0x80, s14, s17, $0xb8;
	[tilespmem:$0x1F280] =	vst v63  }
0x1bb: {  	_ =	swait.ge [sflag:s21], $0x2800  }
0x1bc: {  	[sflag:s21] =	ssyncset.done $0x0  }
0x1bd: {  	s13 =	rddreg [dreg:$0x17];
	[sflag:s21] =	ssyncadd.s32 $0xFFFFD800  }
0x1be: {  	[spmem:s2] =	stream.indirect.scatter.add.f32 [tilespmem:s15], [sflag:$0x6], $0x80, s13, s17, $0xb8;
	[tilespmem:$0x1F280] =	vst v63  }
0x1bf: {  	_ =	swait.ge [sflag:s22], $0x2800  }
0x1c0: {  	[sflag:s22] =	ssyncset.done $0x0  }
0x1c1: {  	[sflag:s22] =	ssyncadd.s32 $0xFFFFD800  }
0x1c2: {  	[spmem:s2] =	stream.indirect.scatter.add.f32 [tilespmem:s18], [sflag:$0x7], $0x80, s30, s17, $0xb8;
	[tilespmem:$0x1F280] =	vst v63  }
0x1c3: {  	_ =	swait.ge [sflag:s23], $0x2800  }
0x1c4: {  	[sflag:s23] =	ssyncset.done $0x0  }
0x1c5: {  	[sflag:s23] =	ssyncadd.s32 $0xFFFFD800  }
0x1c6: {  	[spmem:s2] =	stream.indirect.scatter.add.f32 [tilespmem:s19], [sflag:$0x8], $0x80, s31, s17, $0xb8;
	[tilespmem:$0x1F280] =	vst v63  }
0x1c7: {  	_ =	swait.ge [sflag:s24], $0x2800  }
0x1c8: {  	[sflag:s24] =	ssyncset.done $0x0  }
0x1c9: {  	[sflag:s24] =	ssyncadd.s32 $0xFFFFD800  }
0x1ca: {  	[spmem:s2] =	stream.indirect.scatter.add.f32 [tilespmem:s20], [sflag:$0x9], $0x80, s0, s17, $0xb8;
	[tilespmem:$0x1F280] =	vst v63  }
0x1cb: {  	_ =	swait.ge [sflag:s25], $0x2800  }
0x1cc: {  	[sflag:s25] =	ssyncset.done $0x0  }
0x1cd: {  	[sflag:s25] =	ssyncadd.s32 $0xFFFFD800  }
0x1ce: {  	[tilespmem:s15], [sflag:$0x2] =	stream.indirect.gather [hbm4b:s4+s17], $0x80, s1, s17, $0xb8;
	[tilespmem:$0x1F280] =	vst v63  }
0x1cf: {  	_ =	swait.ge [sflag:s26], $0x2800  }
0x1d0: {  	[sflag:s26] =	ssyncset.done $0x0  }
0x1d1: {  	[sflag:s26] =	ssyncadd.s32 $0xFFFFD800  }
0x1d2: {  	[tilespmem:s18], [sflag:$0x3] =	stream.indirect.gather [hbm4b:s4+s17], $0x80, s6, s17, $0xb8;
	[tilespmem:$0x1F280] =	vst v63  }
0x1d3: {  	_ =	swait.ge [sflag:s28], $0x2800  }
0x1d4: {  	[sflag:s28] =	ssyncset.done $0x0  }
0x1d5: {  	[sflag:s28] =	ssyncadd.s32 $0xFFFFD800  }
0x1d6: {  	[tilespmem:s19], [sflag:$0x4] =	stream.indirect.gather [hbm4b:s4+s17], $0x80, s7, s17, $0xb8;
	[tilespmem:$0x1F280] =	vst v63  }
0x1d7: {  	_ =	swait.ge [sflag:s29], $0x2800  }
0x1d8: {  	[sflag:s29] =	ssyncset.done $0x0  }
0x1d9: {  	[sflag:s29] =	ssyncadd.s32 $0xFFFFD800  }
0x1da: {  	[tilespmem:s20], [sflag:$0x5] =	stream.indirect.gather [hbm4b:s4+s17], $0x80, s8, s17, $0xb8;
	[tilespmem:$0x1F280] =	vst v63  }
0x1db: {  	_ =	swait.ge [sflag:s21], $0x2800  }
0x1dc: {  	[sflag:s21] =	ssyncset.done $0x0  }
0x1dd: {  	[sflag:s21] =	ssyncadd.s32 $0xFFFFD800  }
0x1de: {  	[spmem:s2] =	stream.indirect.scatter.add.f32 [tilespmem:s15], [sflag:$0x6], $0x80, s9, s17, $0xb8;
	[tilespmem:$0x1F280] =	vst v63  }
0x1df: {  	_ =	swait.ge [sflag:s22], $0x2800  }
0x1e0: {  	[sflag:s22] =	ssyncset.done $0x0  }
0x1e1: {  	[sflag:s22] =	ssyncadd.s32 $0xFFFFD800  }
0x1e2: {  	[spmem:s2] =	stream.indirect.scatter.add.f32 [tilespmem:s18], [sflag:$0x7], $0x80, s10, s17, $0xb8;
	[tilespmem:$0x1F280] =	vst v63  }
0x1e3: {  	_ =	swait.ge [sflag:s23], $0x2800  }
0x1e4: {  	[sflag:s23] =	ssyncset.done $0x0  }
0x1e5: {  	[sflag:s23] =	ssyncadd.s32 $0xFFFFD800  }
0x1e6: {  	[spmem:s2] =	stream.indirect.scatter.add.f32 [tilespmem:s19], [sflag:$0x8], $0x80, s11, s17, $0xb8;
	[tilespmem:$0x1F280] =	vst v63  }
0x1e7: {  	_ =	swait.ge [sflag:s24], $0x2800  }
0x1e8: {  	[sflag:s24] =	ssyncset.done $0x0  }
0x1e9: {  	[sflag:s24] =	ssyncadd.s32 $0xFFFFD800  }
0x1ea: {  	[spmem:s2] =	stream.indirect.scatter.add.f32 [tilespmem:s20], [sflag:$0x9], $0x80, s12, s17, $0xb8;
	[tilespmem:$0x1F280] =	vst v63  }
0x1eb: {  	_ =	swait.ge [sflag:s25], $0x2800  }
0x1ec: {  	[sflag:s25] =	ssyncset.done $0x0  }
0x1ed: {  	[sflag:s25] =	ssyncadd.s32 $0xFFFFD800  }
0x1ee: {  	_ =	swait.ge [sflag:s26], $0x2800  }
0x1ef: {  	[sflag:s26] =	ssyncset.done $0x0  }
0x1f0: {  	[sflag:s26] =	ssyncadd.s32 $0xFFFFD800  }
0x1f1: {  	_ =	swait.ge [sflag:s28], $0x2800  }
0x1f2: {  	[sflag:s28] =	ssyncset.done $0x0  }
0x1f3: {  	[sflag:s28] =	ssyncadd.s32 $0xFFFFD800  }
0x1f4: {  	_ =	swait.ge [sflag:s29], $0x2800  }
0x1f5: {  	[sflag:s29] =	ssyncset.done $0x0  }
0x1f6: {  	[sflag:s29] =	ssyncadd.s32 $0xFFFFD800  }
0x1f7: {  	[bflag:$0x0] =	sbarrier.arrive $0xFFFF  }
0x1f8: {  	s14 =	stileid.u32;
	s30 =	sld [smem:$0x7FC]  }
0x1f9: {  	s5 =	sshll.u32 s14, $0x6;
	s14 =	rddreg [dreg:$0x18]  }
0x1fa: {  	s5 =	sor.u32 $0x1C0A, s5;
	s13 =	sshrl.u32 s14, $0x3  }
0x1fb: {  	[hbm:s30], [sflag:s5] =	dma.local [spmem:s13], $0x2800  }
0x1fc: {  	s13 =	simm.s32 $0xA  }
0x1fd: {  	_ =	swait.ge [sflag:s13], $0x2800  }
0x1fe: {  	s30 =	sld [smem:$0x7FB]  }
0x1ff: {  	s5 =	sld [smem:$0x7FD];
	_ =	sdelay $0x1  }
0x200: {  	s30 =	sadd.s32 $0x1, s30  }
0x201: {  	p0 =	sne.s32 s30, s5  }
.Ltmp2:
0x202: {  	_ = 	snop;
	(pc) =	sbr.rel @p0 .LBB2_1-.Ltmp2, $3  }
0x203: {  	_ =	sdelay $0x1  }
0x204: {  	[sflag:s13] =	ssyncset.done $0x0  }
0x205: {  	[sflag:s13] =	ssyncadd.s32 $0xFFFFD800  }
0x206: {  	_ =	sfence.sel $0x180000  }
0x207: {  	[bflag:$0x0] =	sbarrier.arrive $0xFFFF  }
0x208: {  	_ =	strace $0x9000004D  }
0x209: {  	s0 =	stileid.u32;
	[bflag:$0x2] =	sbarrier.arrive $0xFFFF  }
0x20a: {  	p0 =	sne.s32 s0, $0x0;
	s0 =	rddreg [dreg:$0x2]  }
0x20b: {  	s0 =	sadd.s32 @!p0 $0x100000, s0  }
0x20c: {  	[sflag:s0] =	ssyncadd.tile.s32 @!p0 $0x1;
	_ =	shalt  }
.Lfunc_end2:
_tile_overlayer_lowered:
.L_overlay_start_2:
0x20d: {  	(tag) =	ssettag $0x2  }
0x20e: {  	s0 =	rddreg [dreg:$0x0];
	s2 =	stileid.u32  }
0x20f: {  	s1 =	rddreg [dreg:$0x1];
	p0 =	sne.s32 s2, $0x0  }
0x210: {  	s3 =	rddreg [dreg:$0x2];
	[bflag:$0x3] =	sbarrier.arrive $0xFFFF;
	s2 =	simm.s32 @!p0 $0x1C0A  }
0x211: {  	[timem:s3], [sflag:s2] =	dma.local @!p0 [hbm:s0], s1  }
0x212: {  	s0 =	simm.s32 @!p0 $0xA  }
0x213: {  	_ =	swait.ge @!p0 [sflag:s0], s1  }
0x214: {  	s1 =	ssub.s32 @!p0 $0x0, s1;
	[sflag:s0] =	ssyncset.done @!p0 $0x0  }
0x215: {  	[sflag:s0] =	ssyncadd.s32 @!p0 s1  }
0x216: {  	[bflag:$0x3] =	sbarrier.arrive $0xFFFF  }
0x217: {  	_ =	shalt  }

// kernel: kernel.8.cloned.1.call-start
scs
__scs_entry_jumppad:
0x0: {  	(pc) =	sbr.rel $0x88, $3  }
0x1: {  	(tag) =	ssettag $0x0;
	lr =	simm.s32 $0x1  }
0x2: {  	[smem:$0x3F99] =	sst lr;
	_ =	strace $0xD0000000  }
0x3: {  	_ = 	snop  }
0x4: {  	_ = 	snop  }
0x5: {  	_ = 	snop  }
0x6: {  	_ = 	snop  }
0x7: {  	_ = 	snop  }
__scs_overlays_trampoline_lowered:
0x8: {  	[smem:$0x3FA8] =	sst s0  }
0x9: {  	[smem:$0x3FA9] =	sst s1  }
0xa: {  	[smem:$0x3FAA] =	sst s2  }
0xb: {  	[smem:$0x3FAB] =	sst s3  }
0xc: {  	[smem:$0x3FAC] =	sst s4  }
0xd: {  	[smem:$0x3FAD] =	sst s5  }
0xe: {  	[smem:$0x3FAE] =	sst s6  }
0xf: {  	[smem:$0x3FAF] =	sst s7  }
0x10: {  	[smem:$0x3FB0] =	sst s8  }
0x11: {  	[smem:$0x3FB1] =	sst s9;
	s0 =	simm.s32 @!p0 $0x0  }
0x12: {  	s1 =	sld [smem:$0x3F97];
	s0 =	simm.s32 @p0 $0x1  }
0x13: {  	[smem:$0x3FB2] =	sst s0;
	s0 =	simm.s32 @!p1 $0x0  }
0x14: {  	s2 =	sld [smem:$0x3F96];
	s0 =	simm.s32 @p1 $0x1  }
0x15: {  	[smem:$0x3FB3] =	sst s0;
	s0 =	simm.s32 @!p2 $0x0  }
0x16: {  	s3 =	sld [smem:$0x3FDB];
	s0 =	simm.s32 @p2 $0x1  }
0x17: {  	s4 =	simm.s32 $0x1BF5;
	[smem:$0x3FB5] =	sst s0  }
0x18: {  	s0 =	sld [smem:$0x3F98];
	_ =	swait.ge [sflag:s4], $0x0  }
0x19: {  	s7 =	sld [smem:$0x3F99]  }
0x1a: {  	s8 =	sadd.s32 $0xFFFFE003, lr  }
0x1b: {  	s9 =	sadd.s32 $0xFFFFFEF7, lr;
	s5 =	simm.s32 $0xFFFFFFFF;
	p2 =	slt.u32 s8, $0xFFFFF086  }
0x1c: {  	p1 =	slt.u32 s9, $0xF7A;
	s5 =	simm.s32 @!p2 $0x0  }
0x1d: {  	s5 =	simm.s32 @p1 $0x1;
	p0 =	seq.s32 s7, s2  }
0x1e: {  	s7 =	smul.u32 @!p0 $0xF7A, s2;
	p2 =	seq.s32 @!p0 s5, $0x0  }
0x1f: {  	s9 =	smul.u32 $0xF7A, s1;
	s8 =	simm.s32 @!p0 $0x1BF5;
	p2 =	por !p2, p0  }
0x20: {  	[sflag:s8] =	ssyncset.s32 @!p0 $0xFFFFF086;
	s6 =	sadd.s32 @!p0 s3, s7;
	s7 =	simm.s32 @!p0 $0x108  }
0x21: {  	s3 =	sadd.s32 s3, s9;
	s6 =	sadd.s32 @!p0 $0x88, s6;
	s7 =	simm.s32 @p2 $0x1082  }
0x22: {  	[simem:s7], [sflag:s8] =	dma.local @!p0 [hbm:s6], $0xF7A  }
0x23: {  	s9 =	sor.u32 $0xD0000000, s2;
	s6 =	simm.s32 $0x108;
	_ =	swait.ge @!p0 [sflag:s8], $0x0  }
0x24: {  	s3 =	sadd.s32 $0x88, s3;
	s6 =	simm.s32 @!p1 $0x1082;
	[sflag:s4] =	ssyncset.s32 $0xFFFFF086  }
0x25: {  	[simem:s6], [sflag:s4] =	dma.local [hbm:s3], $0xF7A  }
0x26: {  	[smem:$0x3F99] =	sst s1;
	(tag) =	ssettag s2;
	_ =	strace s9  }
0x27: {  	s1 =	sld [smem:$0x3FA9]  }
0x28: {  	s2 =	sld [smem:$0x3FAA]  }
0x29: {  	s4 =	sld [smem:$0x3FAC]  }
0x2a: {  	p0 =	seq.s32 s5, $0x0;
	s5 =	sld [smem:$0x3FAD]  }
0x2b: {  	s6 =	sld [smem:$0x3FAE]  }
0x2c: {  	s7 =	sld [smem:$0x3FAF]  }
0x2d: {  	s3 =	simm.s32 $0x108;
	s8 =	sld [smem:$0x3FB0]  }
0x2e: {  	s3 =	simm.s32 @!p0 $0x1082;
	s9 =	sld [smem:$0x3FB1]  }
0x2f: {  	lr =	sadd.s32 s0, s3;
	s0 =	sld [smem:$0x3FA8]  }
0x30: {  	s3 =	sld [smem:$0x3FAB]  }
0x31: {  	[smem:$0x3FB4] =	sst s10  }
0x32: {  	s10 =	sld [smem:$0x3FB2];
	_ =	sdelay $0x3  }
0x33: {  	p0 =	seq.s32 s10, $0x1;
	s10 =	sld [smem:$0x3FB4];
	_ =	sdelay $0x3  }
0x34: {  	[smem:$0x3FB4] =	sst s10  }
0x35: {  	s10 =	sld [smem:$0x3FB3];
	_ =	sdelay $0x3  }
0x36: {  	p1 =	seq.s32 s10, $0x1;
	s10 =	sld [smem:$0x3FB4];
	_ =	sdelay $0x3  }
0x37: {  	[smem:$0x3FB4] =	sst s10  }
0x38: {  	s10 =	sld [smem:$0x3FB5]  }
0x39: {  	_ = 	snop;
	(pc) =	sbr.ind lr, $3  }
0x3a: {  	_ = 	snop  }
0x3b: {  	_ = 	snop  }
0x3c: {  	p2 =	seq.s32 s10, $0x1;
	s10 =	sld [smem:$0x3FB4]  }
0x3d: {  	_ =	shalt  }
0x3e: {  	_ =	shalt  }
0x3f: {  	_ =	shalt  }
0x40: {  	_ =	shalt  }
0x41: {  	_ =	shalt  }
0x42: {  	_ =	shalt  }
0x43: {  	_ =	shalt  }
0x44: {  	_ =	shalt  }
0x45: {  	_ =	shalt  }
0x46: {  	_ =	shalt  }
0x47: {  	_ =	shalt  }
0x48: {  	_ =	shalt  }
0x49: {  	_ =	shalt  }
0x4a: {  	_ =	shalt  }
0x4b: {  	_ =	shalt  }
0x4c: {  	_ =	shalt  }
0x4d: {  	_ =	shalt  }
0x4e: {  	_ =	shalt  }
0x4f: {  	_ =	shalt  }
0x50: {  	_ =	shalt  }
0x51: {  	_ =	shalt  }
0x52: {  	_ =	shalt  }
0x53: {  	_ =	shalt  }
0x54: {  	_ =	shalt  }
0x55: {  	_ =	shalt  }
0x56: {  	_ =	shalt  }
0x57: {  	_ =	shalt  }
0x58: {  	_ =	shalt  }
0x59: {  	_ =	shalt  }
0x5a: {  	_ =	shalt  }
0x5b: {  	_ =	shalt  }
0x5c: {  	_ =	shalt  }
0x5d: {  	_ =	shalt  }
0x5e: {  	_ =	shalt  }
0x5f: {  	_ =	shalt  }
0x60: {  	_ =	shalt  }
0x61: {  	_ =	shalt  }
0x62: {  	_ =	shalt  }
0x63: {  	_ =	shalt  }
0x64: {  	_ =	shalt  }
0x65: {  	_ =	shalt  }
0x66: {  	_ =	shalt  }
0x67: {  	_ =	shalt  }
0x68: {  	_ =	shalt  }
0x69: {  	_ =	shalt  }
0x6a: {  	_ =	shalt  }
0x6b: {  	_ =	shalt  }
0x6c: {  	_ =	shalt  }
0x6d: {  	_ =	shalt  }
0x6e: {  	_ =	shalt  }
0x6f: {  	_ =	shalt  }
0x70: {  	_ =	shalt  }
0x71: {  	_ =	shalt  }
0x72: {  	_ =	shalt  }
0x73: {  	_ =	shalt  }
0x74: {  	_ =	shalt  }
0x75: {  	_ =	shalt  }
0x76: {  	_ =	shalt  }
0x77: {  	_ =	shalt  }
0x78: {  	_ =	shalt  }
0x79: {  	_ =	shalt  }
0x7a: {  	_ =	shalt  }
0x7b: {  	_ =	shalt  }
0x7c: {  	_ =	shalt  }
0x7d: {  	_ =	shalt  }
0x7e: {  	_ =	shalt  }
0x7f: {  	_ =	shalt  }
0x80: {  	_ =	shalt  }
0x81: {  	_ =	shalt  }
0x82: {  	_ =	shalt  }
0x83: {  	_ =	shalt  }
0x84: {  	_ =	shalt  }
0x85: {  	_ =	shalt  }
0x86: {  	_ =	shalt  }
0x87: {  	_ =	shalt  }
.Lfunc_end0:
.L_simem_size_0:
called_computation_lowered:
.L_overlay_start_0:
0x88: {  	s2 =	sld [smem:$0x3FD9]  }
0x89: {  	s3 =	sld [smem:$0x3FFE];
	_ =	sdelay $0x1  }
0x8a: {  	s1 =	srdreg.scid  }
0x8b: {  	s0 =	sand.u32 $0x1, s1  }
0x8c: {  	s16 =	sshll.u32 s0, $0xA;
	s2 =	sadd.s32 s3, s2  }
0x8d: {  	s2 =	sadd.s32 s2, s16  }
0x8e: {  	[smem:$0x3FC0] =	sst s2  }
0x8f: {  	_ = 	snop  }
0x90: {  	(tm) =	ssettm $0x1  }
0x91: {  	s17 =	sld [smem:$0x3FFB];
	_ =	sdelay $0x3  }
0x92: {  	_ =	strace s17  }
0x93: {  	s2 =	sld [smem:$0x3FFC];
	_ =	sdelay $0x3  }
0x94: {  	_ =	strace s2  }
0x95: {  	s2 =	sld [smem:$0x3FFD];
	_ =	sdelay $0x3  }
0x96: {  	_ =	strace s2  }
0x97: {  	_ =	strace $0x8FFFFFFF  }
0x98: {  	s18 =	sld [smem:$0x3FDB];
	_ =	sdelay $0x1  }
0x99: {  	s19 =	simm.s32 $_scs_section_size  }
0x9a: {  	s4 =	simm.s32 $_size__tile_overlayer_lowered;
	s5 =	simm.s32 $_tile_overlayer_lowered  }
0x9b: {  	s22 =	simm.s32 $0x1BFF;
	s21 =	sshll.u32 s5, $0x1;
	s2 =	sadd.s32 s19, s18  }
0x9c: {  	s6 =	simm.s32 $0x0;
	s20 =	sshll.u32 s4, $0x1;
	s4 =	sadd.s32 s21, s2  }
0x9d: {  	[timem:s6], [sflag:s22] =	dma.local [hbm:s4], s20  }
0x9e: {  	_ =	swait.ge [sflag:s22], s20  }
0x9f: {  	s3 =	ssub.s32 $0x0, s20;
	[sflag:s22] =	ssyncset.done $0x0  }
0xa0: {  	[sflag:s22] =	ssyncadd.s32 s3;
	_ =	sdelay $0x1  }
0xa1: {  	s23 =	simm.s32 $0x1B8B  }
0xa2: {  	_ =	swait.ge [sflag:s23], $0x1  }
0xa3: {  	[sflag:s23] =	ssyncset.done $0x0  }
0xa4: {  	s25 =	simm.s32 $0x1B8E;
	s24 =	sld [smem:$0x3FFE];
	[sflag:s23] =	ssyncadd.s32 $0xFFFFFFFF  }
0xa5: {  	s26 =	simm.s32 $execute0_lowered;
	[smem:$0x3FD2] =	sst s25  }
0xa6: {  	s4 =	sshll.u32 s26, $0x1;
	_ =	strace $0x80000046;
	[dreg:$0x1] =	wrdreg $0xFFFFFFFF  }
0xa7: {  	s28 =	simm.s32 $_size_execute0_lowered;
	s2 =	sadd.s32 s2, s4;
	[dreg:$0x0] =	wrdreg $0x0  }
0xa8: {  	s4 =	sshll.u32 s28, $0x1;
	[dreg:$0x2] =	wrdreg s2  }
0xa9: {  	[dreg:$0x3] =	wrdreg s4  }
0xaa: {  	[dreg:$0x4] =	wrdreg $0xC0  }
0xab: {  	_ =	task [dreg:s6], $0x5FFFF  }
0xac: {  	[dreg:$0x1] =	wrdreg $0xFFFFFFFF  }
0xad: {  	[dreg:$0x0] =	wrdreg $0x60  }
0xae: {  	[dreg:$0x2] =	wrdreg s24  }
0xaf: {  	[dreg:$0x3] =	wrdreg $0xA8000  }
0xb0: {  	[dreg:$0x4] =	wrdreg $0x9  }
0xb1: {  	_ =	task.clear_ibuf [dreg:s6], $0x5FFFF;
	_ =	strace $0x90000046  }
0xb2: {  	s29 =	simm.s32 $0x9;
	_ =	strace $0x80000048  }
0xb3: {  	_ =	swait.ge [sflag:s29], $0x1  }
0xb4: {  	[sflag:s29] =	ssyncadd.s32 $0xFFFFFFFF  }
0xb5: {  	_ =	strace $0x90000048  }
0xb6: {  	_ =	sfence  }
0xb7: {  	s30 =	sld [smem:$0x0];
	_ =	sdelay $0x2  }
0xb8: {  	s31 =	sshll.u32 s1, $0xD;
	s1 =	sshrl.u32 s1, $0x2  }
0xb9: {  	s3 =	sand.u32 $0x4000, s31;
	s1 =	sadd.s32 s1, s30  }
0xba: {  	s0 =	sor.u32 s3, s0;
	s1 =	sshll.u32 s1, $0x11  }
0xbb: {  	s0 =	sor.u32 s1, s0  }
0xbc: {  	s0 =	sadd.s32 $0x8F2B, s0  }
0xbd: {  	[sflag:s0] =	ssyncadd.remote.s32 $0x1  }
0xbe: {  	_ =	sfence.sel $0xFFFF  }
0xbf: {  	[dreg:$0x0] =	wrdreg $0xFFFFFFFF;
	(pc) =	sbr.abs _section_cstart, $3  }
0xc0: {  	[dreg:$0x1] =	wrdreg $0xFFFFFFFF  }
0xc1: {  	_ =	task.clear_ibuf [dreg:s6], $0x2FFFF;
	_ =	strace $0x9FFFFFFF  }
0xc2: {  	(tm) =	ssettm $0x7FFFFFFF  }
0xc3: {  	_ =	shalt  }
tec
execute0_lowered:
.L_overlay_start_1:
0x0: {  	(tag) =	ssettag $0x1  }
0x1: {  	s4 =	rddreg [dreg:$0x0]  }
0x2: {  	s1 =	rddreg [dreg:$0x1];
	s2 =	srdreg.scid  }
0x3: {  	s0 =	rddreg [dreg:$0x2];
	s3 =	simm.s32 $0x0;
	s12 =	simm.s32 $0x2  }
0x4: {  	s13 =	simm.s32 $0x6800;
	s14 =	simm.s32 $0x50;
	s15 =	simm.s32 $0x4000  }
0x5: {  	s16 =	simm.s32 $0x1;
	s5 =	sand.u32 $0x1, s2;
	s2 =	stileid.u32  }
0x6: {  	s19 =	simm.s32 $0x0;
	[smem:$0x7FF] =	sst s3;
	s6 =	smul.u32 $0x28000, s5  }
0x7: {  	s7 =	smul.u32 $0x2800, s2;
	_ =	strace $0x80000047;
	s8 =	sshll.u32 s2, $0xB  }
0x8: {  	s29 =	smul.u32 $0x50000, s2;
	s30 =	ssub.s32 $0x2, s5;
	s5 =	sshll.u32 s5, $0xF  }
0x9: {  	s17 =	sshll.u32 s2, $0x6;
	s8 =	sadd.s32 s8, s4;
	s9 =	sshrl.u32 s30, $0x1  }
0xa: {  	s17 =	sor.u32 $0x1C02, s17;
	s6 =	sadd.s32 s7, s6;
	s5 =	sadd.s32 s5, s8  }
0xb: {  	s7 =	sshrl.u32 s29, $0x2;
	s31 =	ssub.s32 s30, s9;
	s6 =	sadd.s32 s6, s4  }
0xc: {  	s4 =	sadd.s32 $0x3000, s5;
	s5 =	sadd.s32 s7, s1;
	s7 =	smax.u32 s31, $0x1  }
0xd: {  	s6 =	sadd.s32 $0x13000, s6;
	s8 =	sadd.s32 $0x4000, s5;
	s9 =	sadd.s32 $0x8000, s5  }
0xe: {  	v0 =	vimm.f32 $1.000000000e+00;
	v1 =	vimm.f32 $0.0e+00;
	s10 =	sadd.s32 $0xC000, s5;
	s11 =	sadd.s32 $0x10000, s5;
	s18 =	sshrl.u32 s5, $0x3  }
.LBB2_1:
0xf: {  	[tilespmem:s3], [sflag:$0x2] =	stream.linear.gather [hbm4b:s4+s3], $0x4000, $0x38;
	[tilespmem:$0x1EA80] =	vst v63  }
0x10: {  	_ =	swait.ge [sflag:s12], $0x4000  }
0x11: {  	[sflag:s12] =	ssyncset.done $0x0  }
0x12: {  	s20 =	simm.s32 $0x70;
	s21 =	simm.s32 $0x3C0;
	[sflag:s12] =	ssyncadd.s32 $0xFFFFC000  }
.LBB2_2:
0x13: {  	p0 =	sne.s32 s21, $0x9FC0;
	[tilespmem:s20+$0x4000] =	vst v0  }
0x14: {  	[tilespmem:s20+$0x3F90] =	vst v0  }
0x15: {  	[tilespmem:s20+$0x3FA0] =	vst v0  }
.Ltmp0:
0x16: {  	[tilespmem:s20+$0x3FB0] =	vst v0;
	(pc) =	sbr.rel @p0 .LBB2_2-.Ltmp0, $4  }
0x17: {  	[tilespmem:s20+$0x3FC0] =	vst v0  }
0x18: {  	[tilespmem:s20+$0x3FD0] =	vst v0  }
0x19: {  	[tilespmem:s20+$0x3FE0] =	vst v0  }
0x1a: {  	[tilespmem:s20+$0x3FF0] =	vst v0;
	s20 =	sshra.s32 s21, $0x2;
	s21 =	sadd.s32 $0x200, s21  }
0x1b: {  	[tilespmem:s20+$0x4000] =	vst v0  }
0x1c: {  	[tilespmem:s20+$0x3F90] =	vst v0  }
0x1d: {  	[tilespmem:s20+$0x3FA0] =	vst v0  }
0x1e: {  	[tilespmem:s20+$0x3FB0] =	vst v0  }
0x1f: {  	[tilespmem:s20+$0x3FC0] =	vst v0  }
0x20: {  	[tilespmem:s20+$0x3FD0] =	vst v0  }
0x21: {  	[tilespmem:s20+$0x3FE0] =	vst v0  }
0x22: {  	[tilespmem:s20+$0x3FF0] =	vst v0;
	s20 =	simm.s32 $0x0;
	s21 =	simm.s32 $0x200  }
.LBB2_4:
0x23: {  	p0 =	sne.s32 s21, $0xFE00;
	[tilespmem:s20+$0x6870] =	vst v1  }
0x24: {  	[tilespmem:s20+$0x6800] =	vst v1  }
0x25: {  	[tilespmem:s20+$0x6810] =	vst v1  }
.Ltmp1:
0x26: {  	[tilespmem:s20+$0x6820] =	vst v1;
	(pc) =	sbr.rel @p0 .LBB2_4-.Ltmp1, $4  }
0x27: {  	[tilespmem:s20+$0x6830] =	vst v1  }
0x28: {  	[tilespmem:s20+$0x6840] =	vst v1  }
0x29: {  	[tilespmem:s20+$0x6850] =	vst v1  }
0x2a: {  	[tilespmem:s20+$0x6860] =	vst v1;
	s20 =	sshra.s32 s21, $0x2;
	s21 =	sadd.s32 $0x200, s21  }
0x2b: {  	[tilespmem:s20+$0x6870] =	vst v1  }
0x2c: {  	[tilespmem:s20+$0x6800] =	vst v1  }
0x2d: {  	[tilespmem:s20+$0x6810] =	vst v1  }
0x2e: {  	[tilespmem:s20+$0x6820] =	vst v1  }
0x2f: {  	[tilespmem:s20+$0x6830] =	vst v1  }
0x30: {  	[tilespmem:s20+$0x6840] =	vst v1  }
0x31: {  	[tilespmem:s20+$0x6850] =	vst v1  }
0x32: {  	[tilespmem:s20+$0x6860] =	vst v1  }
0x33: {  	[spmem:s5] =	stream.linear.scatter [tilespmem:s13], [sflag:$0x2], $0x4000, $0x38;
	[tilespmem:$0x1EA80] =	vst v63  }
0x34: {  	_ =	swait.ge [sflag:s12], $0x4000  }
0x35: {  	[sflag:s12] =	ssyncset.done $0x0  }
0x36: {  	[sflag:s12] =	ssyncadd.s32 $0xFFFFC000  }
0x37: {  	[spmem:s8] =	stream.linear.scatter [tilespmem:s13], [sflag:$0x2], $0x4000, $0x38;
	[tilespmem:$0x1EA80] =	vst v63  }
0x38: {  	_ =	swait.ge [sflag:s12], $0x4000  }
0x39: {  	[sflag:s12] =	ssyncset.done $0x0  }
0x3a: {  	[sflag:s12] =	ssyncadd.s32 $0xFFFFC000  }
0x3b: {  	[spmem:s9] =	stream.linear.scatter [tilespmem:s13], [sflag:$0x2], $0x4000, $0x38;
	[tilespmem:$0x1EA80] =	vst v63  }
0x3c: {  	_ =	swait.ge [sflag:s12], $0x4000  }
0x3d: {  	[sflag:s12] =	ssyncset.done $0x0  }
0x3e: {  	[sflag:s12] =	ssyncadd.s32 $0xFFFFC000  }
0x3f: {  	[spmem:s10] =	stream.linear.scatter [tilespmem:s13], [sflag:$0x2], $0x4000, $0x38;
	[tilespmem:$0x1EA80] =	vst v63  }
0x40: {  	_ =	swait.ge [sflag:s12], $0x4000  }
0x41: {  	[sflag:s12] =	ssyncset.done $0x0  }
0x42: {  	[sflag:s12] =	ssyncadd.s32 $0xFFFFC000  }
0x43: {  	[spmem:s11] =	stream.linear.scatter [tilespmem:s13], [sflag:$0x2], $0x4000, $0x38;
	[tilespmem:$0x1EA80] =	vst v63  }
0x44: {  	_ =	swait.ge [sflag:s12], $0x4000  }
0x45: {  	[sflag:s12] =	ssyncset.done $0x0  }
0x46: {  	[sflag:s12] =	ssyncadd.s32 $0xFFFFC000  }
0x47: {  	s23 =	simm.s32 $0x0;
	[bflag:$0x0] =	sbarrier.arrive $0xFFFF  }
0x48: {  	[spmem:s1] =	stream.indirect.scatter.add.f32 [tilespmem:s15], [sflag:$0x1], $0x80, s23, s14, $0xb8;
	[tilespmem:$0x1EA80] =	vst v63  }
0x49: {  	s24 =	simm.s32 $0x80  }
0x4a: {  	[spmem:s1] =	stream.indirect.scatter.add.f32 [tilespmem:s15], [sflag:$0x1], $0x80, s24, s14, $0xb8;
	[tilespmem:$0x1EA80] =	vst v63  }
0x4b: {  	s25 =	simm.s32 $0x100  }
0x4c: {  	[spmem:s1] =	stream.indirect.scatter.add.f32 [tilespmem:s15], [sflag:$0x1], $0x80, s25, s14, $0xb8;
	[tilespmem:$0x1EA80] =	vst v63  }
0x4d: {  	s26 =	simm.s32 $0x180  }
0x4e: {  	[spmem:s1] =	stream.indirect.scatter.add.f32 [tilespmem:s15], [sflag:$0x1], $0x80, s26, s14, $0xb8;
	[tilespmem:$0x1EA80] =	vst v63  }
0x4f: {  	s28 =	simm.s32 $0x200  }
0x50: {  	[spmem:s1] =	stream.indirect.scatter.add.f32 [tilespmem:s15], [sflag:$0x1], $0x80, s28, s14, $0xb8;
	[tilespmem:$0x1EA80] =	vst v63  }
0x51: {  	s29 =	simm.s32 $0x280  }
0x52: {  	[spmem:s1] =	stream.indirect.scatter.add.f32 [tilespmem:s15], [sflag:$0x1], $0x80, s29, s14, $0xb8;
	[tilespmem:$0x1EA80] =	vst v63  }
0x53: {  	s30 =	simm.s32 $0x300  }
0x54: {  	[spmem:s1] =	stream.indirect.scatter.add.f32 [tilespmem:s15], [sflag:$0x1], $0x80, s30, s14, $0xb8;
	[tilespmem:$0x1EA80] =	vst v63  }
0x55: {  	s31 =	simm.s32 $0x380  }
0x56: {  	[spmem:s1] =	stream.indirect.scatter.add.f32 [tilespmem:s15], [sflag:$0x1], $0x80, s31, s14, $0xb8;
	[tilespmem:$0x1EA80] =	vst v63  }
0x57: {  	_ =	swait.ge [sflag:s16], $0x2800  }
0x58: {  	[sflag:s16] =	ssyncset.done $0x0  }
0x59: {  	[sflag:s16] =	ssyncadd.s32 $0xFFFFD800  }
0x5a: {  	_ =	swait.ge [sflag:s16], $0x2800  }
0x5b: {  	[sflag:s16] =	ssyncset.done $0x0  }
0x5c: {  	[sflag:s16] =	ssyncadd.s32 $0xFFFFD800  }
0x5d: {  	_ =	swait.ge [sflag:s16], $0x2800  }
0x5e: {  	[sflag:s16] =	ssyncset.done $0x0  }
0x5f: {  	[sflag:s16] =	ssyncadd.s32 $0xFFFFD800  }
0x60: {  	_ =	swait.ge [sflag:s16], $0x2800  }
0x61: {  	[sflag:s16] =	ssyncset.done $0x0  }
0x62: {  	[sflag:s16] =	ssyncadd.s32 $0xFFFFD800  }
0x63: {  	_ =	swait.ge [sflag:s16], $0x2800  }
0x64: {  	[sflag:s16] =	ssyncset.done $0x0  }
0x65: {  	[sflag:s16] =	ssyncadd.s32 $0xFFFFD800  }
0x66: {  	_ =	swait.ge [sflag:s16], $0x2800  }
0x67: {  	[sflag:s16] =	ssyncset.done $0x0  }
0x68: {  	[sflag:s16] =	ssyncadd.s32 $0xFFFFD800  }
0x69: {  	_ =	swait.ge [sflag:s16], $0x2800  }
0x6a: {  	[sflag:s16] =	ssyncset.done $0x0  }
0x6b: {  	[sflag:s16] =	ssyncadd.s32 $0xFFFFD800  }
0x6c: {  	_ =	swait.ge [sflag:s16], $0x2800  }
0x6d: {  	s20 =	simm.s32 $0x1000;
	s22 =	simm.s32 $0x2000;
	[sflag:s16] =	ssyncset.done $0x0  }
.LBB2_6:
0x6e: {  	s23 =	sshra.s32 s20, $0x2  }
0x6f: {  	[sflag:s16] =	ssyncadd.s32 $0xFFFFD800;
	s20 =	smov.u32 s22;
	s21 =	sadd.s32 $0x1000, s22  }
0x70: {  	[spmem:s1] =	stream.indirect.scatter.add.f32 [tilespmem:s15], [sflag:$0x1], $0x80, s23, s14, $0xb8;
	[tilespmem:$0x1EA80] =	vst v63  }
0x71: {  	p0 =	sne.s32 s22, $0xF000;
	s22 =	sadd.s32 $0x80, s23  }
0x72: {  	[spmem:s1] =	stream.indirect.scatter.add.f32 [tilespmem:s15], [sflag:$0x1], $0x80, s22, s14, $0xb8;
	[tilespmem:$0x1EA80] =	vst v63  }
0x73: {  	s22 =	sadd.s32 $0x100, s23  }
0x74: {  	[spmem:s1] =	stream.indirect.scatter.add.f32 [tilespmem:s15], [sflag:$0x1], $0x80, s22, s14, $0xb8;
	[tilespmem:$0x1EA80] =	vst v63  }
0x75: {  	s22 =	sadd.s32 $0x180, s23  }
0x76: {  	[spmem:s1] =	stream.indirect.scatter.add.f32 [tilespmem:s15], [sflag:$0x1], $0x80, s22, s14, $0xb8;
	[tilespmem:$0x1EA80] =	vst v63  }
0x77: {  	s22 =	sadd.s32 $0x200, s23  }
0x78: {  	[spmem:s1] =	stream.indirect.scatter.add.f32 [tilespmem:s15], [sflag:$0x1], $0x80, s22, s14, $0xb8;
	[tilespmem:$0x1EA80] =	vst v63  }
0x79: {  	s22 =	sadd.s32 $0x280, s23  }
0x7a: {  	[spmem:s1] =	stream.indirect.scatter.add.f32 [tilespmem:s15], [sflag:$0x1], $0x80, s22, s14, $0xb8;
	[tilespmem:$0x1EA80] =	vst v63  }
0x7b: {  	s22 =	sadd.s32 $0x300, s23  }
0x7c: {  	[spmem:s1] =	stream.indirect.scatter.add.f32 [tilespmem:s15], [sflag:$0x1], $0x80, s22, s14, $0xb8;
	[tilespmem:$0x1EA80] =	vst v63  }
0x7d: {  	s22 =	sadd.s32 $0x380, s23  }
0x7e: {  	[spmem:s1] =	stream.indirect.scatter.add.f32 [tilespmem:s15], [sflag:$0x1], $0x80, s22, s14, $0xb8;
	[tilespmem:$0x1EA80] =	vst v63  }
0x7f: {  	_ =	swait.ge [sflag:s16], $0x2800  }
0x80: {  	[sflag:s16] =	ssyncset.done $0x0  }
0x81: {  	[sflag:s16] =	ssyncadd.s32 $0xFFFFD800  }
0x82: {  	_ =	swait.ge [sflag:s16], $0x2800  }
0x83: {  	[sflag:s16] =	ssyncset.done $0x0  }
0x84: {  	[sflag:s16] =	ssyncadd.s32 $0xFFFFD800  }
0x85: {  	_ =	swait.ge [sflag:s16], $0x2800  }
0x86: {  	[sflag:s16] =	ssyncset.done $0x0  }
0x87: {  	[sflag:s16] =	ssyncadd.s32 $0xFFFFD800  }
0x88: {  	_ =	swait.ge [sflag:s16], $0x2800  }
0x89: {  	[sflag:s16] =	ssyncset.done $0x0  }
0x8a: {  	[sflag:s16] =	ssyncadd.s32 $0xFFFFD800  }
0x8b: {  	_ =	swait.ge [sflag:s16], $0x2800  }
0x8c: {  	[sflag:s16] =	ssyncset.done $0x0  }
0x8d: {  	[sflag:s16] =	ssyncadd.s32 $0xFFFFD800  }
0x8e: {  	_ =	swait.ge [sflag:s16], $0x2800  }
0x8f: {  	[sflag:s16] =	ssyncset.done $0x0  }
0x90: {  	[sflag:s16] =	ssyncadd.s32 $0xFFFFD800  }
.Ltmp2:
0x91: {  	_ =	swait.ge [sflag:s16], $0x2800;
	(pc) =	sbr.rel @p0 .LBB2_6-.Ltmp2, $4  }
0x92: {  	[sflag:s16] =	ssyncset.done $0x0  }
0x93: {  	[sflag:s16] =	ssyncadd.s32 $0xFFFFD800  }
0x94: {  	_ =	swait.ge [sflag:s16], $0x2800  }
0x95: {  	s22 =	smov.u32 s21;
	[sflag:s16] =	ssyncset.done $0x0  }
0x96: {  	s20 =	sshra.s32 s20, $0x2;
	[sflag:s16] =	ssyncadd.s32 $0xFFFFD800  }
0x97: {  	[spmem:s1] =	stream.indirect.scatter.add.f32 [tilespmem:s15], [sflag:$0x1], $0x80, s20, s14, $0xb8;
	[tilespmem:$0x1EA80] =	vst v63  }
0x98: {  	s21 =	sadd.s32 $0x80, s20  }
0x99: {  	[spmem:s1] =	stream.indirect.scatter.add.f32 [tilespmem:s15], [sflag:$0x1], $0x80, s21, s14, $0xb8;
	[tilespmem:$0x1EA80] =	vst v63  }
0x9a: {  	s26 =	sadd.s32 $0x100, s20  }
0x9b: {  	[spmem:s1] =	stream.indirect.scatter.add.f32 [tilespmem:s15], [sflag:$0x1], $0x80, s26, s14, $0xb8;
	[tilespmem:$0x1EA80] =	vst v63  }
0x9c: {  	s28 =	sadd.s32 $0x180, s20  }
0x9d: {  	[spmem:s1] =	stream.indirect.scatter.add.f32 [tilespmem:s15], [sflag:$0x1], $0x80, s28, s14, $0xb8;
	[tilespmem:$0x1EA80] =	vst v63  }
0x9e: {  	s29 =	sadd.s32 $0x200, s20  }
0x9f: {  	[spmem:s1] =	stream.indirect.scatter.add.f32 [tilespmem:s15], [sflag:$0x1], $0x80, s29, s14, $0xb8;
	[tilespmem:$0x1EA80] =	vst v63  }
0xa0: {  	s30 =	sadd.s32 $0x280, s20  }
0xa1: {  	[spmem:s1] =	stream.indirect.scatter.add.f32 [tilespmem:s15], [sflag:$0x1], $0x80, s30, s14, $0xb8;
	[tilespmem:$0x1EA80] =	vst v63  }
0xa2: {  	s31 =	sadd.s32 $0x300, s20  }
0xa3: {  	[spmem:s1] =	stream.indirect.scatter.add.f32 [tilespmem:s15], [sflag:$0x1], $0x80, s31, s14, $0xb8;
	[tilespmem:$0x1EA80] =	vst v63  }
0xa4: {  	s20 =	sadd.s32 $0x380, s20  }
0xa5: {  	[spmem:s1] =	stream.indirect.scatter.add.f32 [tilespmem:s15], [sflag:$0x1], $0x80, s20, s14, $0xb8;
	[tilespmem:$0x1EA80] =	vst v63  }
0xa6: {  	_ =	swait.ge [sflag:s16], $0x2800  }
0xa7: {  	[sflag:s16] =	ssyncset.done $0x0  }
0xa8: {  	[sflag:s16] =	ssyncadd.s32 $0xFFFFD800  }
0xa9: {  	_ =	swait.ge [sflag:s16], $0x2800  }
0xaa: {  	[sflag:s16] =	ssyncset.done $0x0  }
0xab: {  	[sflag:s16] =	ssyncadd.s32 $0xFFFFD800  }
0xac: {  	_ =	swait.ge [sflag:s16], $0x2800  }
0xad: {  	[sflag:s16] =	ssyncset.done $0x0  }
0xae: {  	[sflag:s16] =	ssyncadd.s32 $0xFFFFD800  }
0xaf: {  	_ =	swait.ge [sflag:s16], $0x2800  }
0xb0: {  	[sflag:s16] =	ssyncset.done $0x0  }
0xb1: {  	[sflag:s16] =	ssyncadd.s32 $0xFFFFD800  }
0xb2: {  	_ =	swait.ge [sflag:s16], $0x2800  }
0xb3: {  	[sflag:s16] =	ssyncset.done $0x0  }
0xb4: {  	[sflag:s16] =	ssyncadd.s32 $0xFFFFD800  }
0xb5: {  	_ =	swait.ge [sflag:s16], $0x2800  }
0xb6: {  	[sflag:s16] =	ssyncset.done $0x0  }
0xb7: {  	[sflag:s16] =	ssyncadd.s32 $0xFFFFD800  }
0xb8: {  	_ =	swait.ge [sflag:s16], $0x2800  }
0xb9: {  	[sflag:s16] =	ssyncset.done $0x0  }
0xba: {  	[sflag:s16] =	ssyncadd.s32 $0xFFFFD800  }
0xbb: {  	_ =	swait.ge [sflag:s16], $0x2800  }
0xbc: {  	s19 =	sadd.s32 $0x1, s19;
	[sflag:s16] =	ssyncset.done $0x0  }
0xbd: {  	p0 =	sne.s32 s19, s7;
	[sflag:s16] =	ssyncadd.s32 $0xFFFFD800  }
.Ltmp3:
0xbe: {  	[bflag:$0x0] =	sbarrier.arrive $0xFFFF;
	(pc) =	sbr.rel @p0 .LBB2_1-.Ltmp3, $4  }
0xbf: {  	[hbm:s6], [sflag:s17] =	dma.local [spmem:s18], $0x2800  }
0xc0: {  	_ =	swait.ge [sflag:s12], $0x2800  }
0xc1: {  	[sflag:s12] =	ssyncset.done $0x0  }
0xc2: {  	[sflag:s12] =	ssyncadd.s32 $0xFFFFD800  }
0xc3: {  	_ =	sfence.sel $0x180000  }
0xc4: {  	[bflag:$0x0] =	sbarrier.arrive $0xFFFF  }
0xc5: {  	p0 =	sne.s32 s2, $0x0;
	_ =	strace $0x90000047  }
0xc6: {  	s0 =	sadd.s32 @!p0 $0x100000, s0;
	[bflag:$0x2] =	sbarrier.arrive $0xFFFF  }
0xc7: {  	[sflag:s0] =	ssyncadd.tile.s32 @!p0 $0x1;
	_ =	shalt  }
.Lfunc_end2:
_tile_overlayer_lowered:
.L_overlay_start_2:
0xc8: {  	(tag) =	ssettag $0x2  }
0xc9: {  	s0 =	rddreg [dreg:$0x0];
	s2 =	stileid.u32  }
0xca: {  	s1 =	rddreg [dreg:$0x1];
	p0 =	sne.s32 s2, $0x0  }
0xcb: {  	s3 =	rddreg [dreg:$0x2];
	[bflag:$0x3] =	sbarrier.arrive $0xFFFF;
	s2 =	simm.s32 @!p0 $0x1C02  }
0xcc: {  	[timem:s3], [sflag:s2] =	dma.local @!p0 [hbm:s0], s1  }
0xcd: {  	s0 =	simm.s32 @!p0 $0x2  }
0xce: {  	_ =	swait.ge @!p0 [sflag:s0], s1  }
0xcf: {  	s1 =	ssub.s32 @!p0 $0x0, s1;
	[sflag:s0] =	ssyncset.done @!p0 $0x0  }
0xd0: {  	[sflag:s0] =	ssyncadd.s32 @!p0 s1  }
0xd1: {  	[bflag:$0x3] =	sbarrier.arrive $0xFFFF  }
0xd2: {  	_ =	shalt  }

</sc_bundles>
